<compile_context>
chip_gen: v7x
topology: tpu7x:2x2x1
jax: 0.10.2.dev20260603
libtpu: 0.0.44.dev20260713+nightly
codegen_flags: <defaults>
</compile_context>

<pallas_src>
import functools
import math

import jax
import jax.numpy as jnp
import numpy as np
from jax import lax
from jax.experimental import pallas as pl
from jax.experimental.pallas import tpu as pltpu
from jax.experimental.pallas import tpu_sc as plsc

N_PIX = 256
PIXSCALE = 0.025
NV = 64
VEL0 = -3.15
DV = 0.1
SIGMA = 0.8
TRUNCATE = 3.0
FOV_HALF = 0.5 * (N_PIX - 1) * PIXSCALE
HALF = int(math.ceil(TRUNCATE * SIGMA))

M = 2000000
MP = 2097152
ACC = 32 * 128 * 256

_x = np.arange(-HALF, HALF + 1, dtype=np.float32)
_g1 = np.exp(-0.5 * (_x / SIGMA) ** 2)
_g1 = (_g1 / _g1.sum()).astype(np.float32)


def _reflect(j: int) -> int:
    if j < 0:
        return -j
    if j > N_PIX - 1:
        return 2 * (N_PIX - 1) - j
    return j


_B = np.zeros((N_PIX, N_PIX), np.float32)
for _r in range(N_PIX):
    for _d in range(-HALF, HALF + 1):
        _B[_r, _reflect(_r + _d)] += _g1[_d + HALF]
_BE = np.ascontiguousarray(_B[:, 0::2])
_BO = np.ascontiguousarray(_B[:, 1::2])
_BT = np.ascontiguousarray(_B.T)



_PREP_R = 1024
_PREP_GRID = MP // 128 // _PREP_R


def _prep_body(ra_ref, dec_ref, vel_ref, flux_ref, *out_refs):
    pid = pl.program_id(0)
    ra = ra_ref[...]
    dec = dec_ref[...]
    vel = vel_ref[...]
    flux = flux_ref[...]

    x = (ra + FOV_HALF) / PIXSCALE
    y = (dec + FOV_HALF) / PIXSCALE
    v = (vel - VEL0) / DV

    ix0 = jnp.floor(x)
    iy0 = jnp.floor(y)
    iv0 = jnp.floor(v)
    fx = x - ix0
    fy = y - iy0
    fv = v - iv0
    ix0i = ix0.astype(jnp.int32)
    iy0i = iy0.astype(jnp.int32)
    iv0i = iv0.astype(jnp.int32)

    shp = ra.shape
    slot = (pid * (_PREP_R * 128)
            + lax.broadcasted_iota(jnp.int32, shp, 0) * 128
            + lax.broadcasted_iota(jnp.int32, shp, 1))

    mask = ((ix0i >= 0) & (ix0i < N_PIX - 1)
            & (iy0i >= 0) & (iy0i < N_PIX - 1)
            & (iv0i >= 0) & (iv0i < NV - 1)
            & (slot < M))

    ix0c = jnp.clip(ix0i, 0, N_PIX - 2)
    iy0c = jnp.clip(iy0i, 0, N_PIX - 2)
    iv0c = jnp.clip(iv0i, 0, NV - 2)
    iy1c = iy0c + 1
    iv1c = iv0c + 1

    wx0 = 1.0 - fx
    wx1 = fx
    wy0 = 1.0 - fy
    wy1 = fy
    wv0 = 1.0 - fv
    wv1 = fv

    spread = slot & (ACC - 1)

    iv0_even = (iv0c & 1) == 0
    iy0_even = (iy0c & 1) == 0

    o = iter(out_refs)
    for cp in (0, 1):
        want_iv0 = iv0_even if cp == 0 else jnp.logical_not(iv0_even)
        ch = jnp.where(want_iv0, iv0c, iv1c)
        wv = jnp.where(want_iv0, wv0, wv1)
        for rp in (0, 1):
            want_iy0 = iy0_even if rp == 0 else jnp.logical_not(iy0_even)
            row = jnp.where(want_iy0, iy0c, iy1c)
            wy = jnp.where(want_iy0, wy0, wy1)
            base = ((ch >> 1) * 128 + (row >> 1)) * 256 + ix0c
            v0 = jnp.where(mask, flux * ((wx0 * wy) * wv), 0.0)
            v1 = jnp.where(mask, flux * ((wx1 * wy) * wv), 0.0)
            idx0 = jnp.where(mask, base, spread & ~1)
            next(o)[...] = idx0
            next(o)[...] = idx0 + 1
            next(o)[...] = v0
            next(o)[...] = v1


def _run_prep(ra, dec, vel, flux):
    blk = pl.BlockSpec((_PREP_R, 128), lambda i: (i, 0))
    outs = []
    for _ in range(4):
        outs += [jax.ShapeDtypeStruct((_MPH // 128, 128), jnp.int32)] * 2
        outs += [jax.ShapeDtypeStruct((_MPH // 128, 128), jnp.float32)] * 2
    return pl.pallas_call(
        _prep_body,
        grid=(_PREP_GRID,),
        in_specs=[blk] * 4,
        out_specs=[blk] * 16,
        out_shape=outs,
    )(ra, dec, vel, flux)



_CHUNK = 4096
_MPH = MP
_PER_TILE = _MPH // 16
_NCHUNK = _PER_TILE // _CHUNK
_NZERO = (ACC // 16) // _CHUNK


def _sc_body(*refs):
    ins = refs[:16]
    out = refs[16]
    (acc, i0_0, i0_1, i0_2, i1_0, i1_1, i1_2, v0_0, v0_1, v0_2,
     v1_0, v1_1, v1_2, zbuf, ls0, ls1, ls2, ss0, ss1, ss2) = refs[17:]
    i0 = (i0_0, i0_1, i0_2)
    i1 = (i1_0, i1_1, i1_2)
    v0 = (v0_0, v0_1, v0_2)
    v1 = (v1_0, v1_1, v1_2)
    lsem = (ls0, ls1, ls2)
    ssem = (ss0, ss1, ss2)

    c = lax.axis_index("c")
    s = lax.axis_index("s")

    def _zero_zbuf(i, _):
        zbuf[pl.ds(i * 16, 16)] = jnp.zeros((16,), jnp.float32)
        return _

    lax.fori_loop(0, _CHUNK // 16, _zero_zbuf, 0)

    def _zero_acc_slice():
        def body(j, _):
            pltpu.sync_copy(zbuf, acc.at[pl.ds((s * _NZERO + j) * _CHUNK, _CHUNK)])
            return _
        lax.fori_loop(0, _NZERO, body, 0)

    _zero_acc_slice()
    plsc.subcore_barrier()

    for cp in (0, 1):
        @pl.when(c == cp)
        def _process():
            for rp in (0, 1):
                idx0, idx1, val0, val1 = ins[4 * (2 * cp + rp): 4 * (2 * cp + rp) + 4]
                base0 = s * _PER_TILE

                def _loads(b, base, go):
                    srcs = (idx0, idx1, val0, val1)
                    dsts = (i0[b], i1[b], v0[b], v1[b])
                    for src, dst in zip(srcs, dsts):
                        d = pltpu.make_async_copy(src.at[pl.ds(base, _CHUNK)],
                                                  dst, lsem[b])
                        if go:
                            d.start()
                        else:
                            d.wait()

                def _drain_scatter(b):
                    pltpu.make_async_copy(v0[b], acc.at[i0[b]], ssem[b]).wait()
                    pltpu.make_async_copy(v1[b], acc.at[i1[b]], ssem[b]).wait()

                def _chunk_step(b, k):
                    bn = (b + 1) % 3

                    @pl.when(k >= 2)
                    def _settle():
                        _drain_scatter(bn)

                    @pl.when(k + 1 < _NCHUNK)
                    def _prefetch():
                        _loads(bn, base0 + (k + 1) * _CHUNK, True)

                    _loads(b, base0 + k * _CHUNK, False)
                    pltpu.async_copy(v0[b], acc.at[i0[b]], ssem[b], add=True)
                    pltpu.async_copy(v1[b], acc.at[i1[b]], ssem[b], add=True)

                _loads(0, base0, True)

                def jbody(j, carry):
                    for b in (0, 1, 2):
                        _chunk_step(b, 3 * j + b)
                    return carry

                _ntrip = _NCHUNK // 3
                lax.fori_loop(0, _ntrip, jbody, 0)
                for t in range(_NCHUNK - 3 * _ntrip):
                    _chunk_step(t, 3 * _ntrip + t)
                _drain_scatter((_NCHUNK - 2) % 3)
                _drain_scatter((_NCHUNK - 1) % 3)
                plsc.subcore_barrier()
                pltpu.sync_copy(acc.at[pl.ds(s * (ACC // 16), ACC // 16)],
                                out.at[cp, rp, pl.ds(s * (ACC // 16), ACC // 16)])
                if rp == 0:
                    _zero_acc_slice()
                    plsc.subcore_barrier()


def _run_scatter(streams):
    mesh = plsc.VectorSubcoreMesh(core_axis_name="c", subcore_axis_name="s")
    kern = pl.kernel(
        _sc_body,
        mesh=mesh,
        out_type=jax.ShapeDtypeStruct((2, 2, ACC), jnp.float32),
        scratch_types=(
            [pltpu.VMEM_SHARED((ACC,), jnp.float32)]
            + [pltpu.VMEM((_CHUNK,), jnp.int32)] * 6
            + [pltpu.VMEM((_CHUNK,), jnp.float32)] * 7
            + [pltpu.SemaphoreType.DMA] * 6
        ),
    )
    return kern(*streams)



def _blur_body(xe_ref, xo_ref, be_ref, bo_ref, bt_ref, out_ref):
    xe = xe_ref[...].reshape(128, 256)
    xo = xo_ref[...].reshape(128, 256)
    y = (jnp.dot(be_ref[...], xe, preferred_element_type=jnp.float32)
         + jnp.dot(bo_ref[...], xo, preferred_element_type=jnp.float32))
    out_ref[...] = jnp.dot(y, bt_ref[...],
                           preferred_element_type=jnp.float32)[None]


def _run_blur(scr):
    xspec = lambda rp: pl.BlockSpec((1, 1, 1, 128, 256),
                                    lambda c, rp=rp: (c % 2, rp, c // 2, 0, 0))
    full = lambda shape: pl.BlockSpec(shape, lambda c: (0,) * len(shape))
    return pl.pallas_call(
        _blur_body,
        grid=(NV,),
        in_specs=[xspec(0), xspec(1),
                  full((N_PIX, 128)), full((N_PIX, 128)), full((N_PIX, N_PIX))],
        out_specs=pl.BlockSpec((1, N_PIX, N_PIX), lambda c: (c, 0, 0)),
        out_shape=jax.ShapeDtypeStruct((NV, N_PIX, N_PIX), jnp.float32),
    )(scr, scr, _BE, _BO, _BT)



def kernel(pos_img, vel_chan, flux):
    shape2 = (M // 128, 128)
    streams = _run_prep(pos_img[:, 0].reshape(shape2),
                        pos_img[:, 1].reshape(shape2),
                        vel_chan.reshape(shape2), flux.reshape(shape2))
    flat = [jnp.reshape(a, (MP,)) for a in streams]
    scr = _run_scatter(flat).reshape(2, 2, 32, 128, 256)
    return _run_blur(scr)

# --- scband reference (transcript-rebuilt; emitter-appended) ---
"""Pipeline reference for scband-gaussian-splat-rasterizer-antialiased-49675591745760 (READ-ONLY COPY).

The authoritative reference and input builder live on the scoring server;
editing this copy changes nothing except your own understanding.
"""

import jax, jax.numpy as jnp
import numpy as np
import math

N_PIX = 256
PIXSCALE = 0.025
NV = 64
VEL0 = -3.15
DV = 0.1
SIGMA = 0.8
TRUNCATE = 3.0
FOV_HALF = 0.5 * (N_PIX - 1) * PIXSCALE
HALF = int(math.ceil(TRUNCATE * SIGMA))
_x = np.arange(-HALF, HALF + 1, dtype=np.float32)
_g1 = np.exp(-0.5 * (_x / SIGMA) ** 2)
_g1 = _g1 / _g1.sum()
KERNEL2D = jnp.asarray(_g1[:, None] * _g1[None, :], dtype=jnp.float32)

M = 2000000

def setup_inputs(seed: int = 0) -> dict:
    key = jax.random.key(seed)
    k1, k2, k3 = jax.random.split(key, 3)
    pos_img = jax.random.normal(k1, (M, 2), dtype=jnp.float32)
    vel_chan = jax.random.normal(k2, (M,), dtype=jnp.float32)
    flux = jax.random.uniform(k3, (M,), dtype=jnp.float32)
    return {"pos_img": pos_img, "vel_chan": vel_chan, "flux": flux}

def _index_and_frac(x):
    i0 = jnp.floor(x).astype(jnp.int32)
    return i0, x - i0.astype(x.dtype)

def _forward(pos_img, vel_chan, flux):
    ra = pos_img[:, 0]
    dec = pos_img[:, 1]
    ix0, fx = _index_and_frac((ra + FOV_HALF) / PIXSCALE)
    iy0, fy = _index_and_frac((dec + FOV_HALF) / PIXSCALE)
    iv0, fv = _index_and_frac((vel_chan - VEL0) / DV)
    mask = ((ix0 >= 0) & (ix0 < N_PIX - 1) &
            (iy0 >= 0) & (iy0 < N_PIX - 1) &
            (iv0 >= 0) & (iv0 < NV - 1))
    ix0c = jnp.clip(ix0, 0, N_PIX - 2)
    iy0c = jnp.clip(iy0, 0, N_PIX - 2)
    iv0c = jnp.clip(iv0, 0, NV - 2)
    ix1, iy1, iv1 = ix0c + 1, iy0c + 1, iv0c + 1
    wx0, wy0, wv0 = 1 - fx, 1 - fy, 1 - fv
    wx1, wy1, wv1 = fx, fy, fv
    ix = jnp.stack([ix0c, ix0c, ix1, ix1, ix0c, ix0c, ix1, ix1], axis=1)
    iy = jnp.stack([iy0c, iy1, iy0c, iy1, iy0c, iy1, iy0c, iy1], axis=1)
    iv = jnp.stack([iv0c, iv0c, iv0c, iv0c, iv1, iv1, iv1, iv1], axis=1)
    w = jnp.stack([wx0 * wy0 * wv0, wx0 * wy1 * wv0, wx1 * wy0 * wv0, wx1 * wy1 * wv0,
                   wx0 * wy0 * wv1, wx0 * wy1 * wv1, wx1 * wy0 * wv1, wx1 * wy1 * wv1], axis=1)
    w = w * mask[:, None].astype(w.dtype)
    vals = (flux[:, None] * w).reshape(-1)
    idx_flat = ((iv * N_PIX + iy) * N_PIX + ix).reshape(-1)
    cube = jnp.zeros(NV * N_PIX * N_PIX, dtype=flux.dtype)
    cube = cube.at[idx_flat].add(vals)
    cube = cube.reshape(NV, N_PIX, N_PIX)
    pad = KERNEL2D.shape[-1] // 2
    cube_p = jnp.pad(cube, ((0, 0), (pad, pad), (pad, pad)), mode='reflect')
    lhs = cube_p[:, None, :, :]
    rhs = KERNEL2D[None, None, :, :]
    out = jax.lax.conv_general_dilated(lhs, rhs, window_strides=(1, 1), padding='VALID')
    return out[:, 0, :, :]

def reference(pos_img, vel_chan, flux):
    return _forward(pos_img, vel_chan, flux)

if __name__ == "__main__":
    import jax
    _d = setup_inputs()
    print(jax.jit(kernel)(*tuple(_d.values())))

</pallas_src>

<mosaic_0001>
#map = affine_map<(d0, d1) -> (0)>
#map1 = affine_map<(d0, d1) -> (0, 0, 0)>
module attributes {stable_mosaic.version = 14 : i64} {
  func.func @_sc_body(%arg0: i32, %arg1: i32, %arg2: memref<2097152xi32, #tpu.memory_space<hbm>>, %arg3: memref<2097152xi32, #tpu.memory_space<hbm>>, %arg4: memref<2097152xf32, #tpu.memory_space<hbm>>, %arg5: memref<2097152xf32, #tpu.memory_space<hbm>>, %arg6: memref<2097152xi32, #tpu.memory_space<hbm>>, %arg7: memref<2097152xi32, #tpu.memory_space<hbm>>, %arg8: memref<2097152xf32, #tpu.memory_space<hbm>>, %arg9: memref<2097152xf32, #tpu.memory_space<hbm>>, %arg10: memref<2097152xi32, #tpu.memory_space<hbm>>, %arg11: memref<2097152xi32, #tpu.memory_space<hbm>>, %arg12: memref<2097152xf32, #tpu.memory_space<hbm>>, %arg13: memref<2097152xf32, #tpu.memory_space<hbm>>, %arg14: memref<2097152xi32, #tpu.memory_space<hbm>>, %arg15: memref<2097152xi32, #tpu.memory_space<hbm>>, %arg16: memref<2097152xf32, #tpu.memory_space<hbm>>, %arg17: memref<2097152xf32, #tpu.memory_space<hbm>>, %arg18: memref<2x2x1048576xf32, #tpu.memory_space<hbm>>, %arg19: memref<1048576xf32, #tpu.memory_space<vmem_shared>>, %arg20: memref<4096xi32, #tpu.memory_space<vmem>>, %arg21: memref<4096xi32, #tpu.memory_space<vmem>>, %arg22: memref<4096xi32, #tpu.memory_space<vmem>>, %arg23: memref<4096xi32, #tpu.memory_space<vmem>>, %arg24: memref<4096xi32, #tpu.memory_space<vmem>>, %arg25: memref<4096xi32, #tpu.memory_space<vmem>>, %arg26: memref<4096xf32, #tpu.memory_space<vmem>>, %arg27: memref<4096xf32, #tpu.memory_space<vmem>>, %arg28: memref<4096xf32, #tpu.memory_space<vmem>>, %arg29: memref<4096xf32, #tpu.memory_space<vmem>>, %arg30: memref<4096xf32, #tpu.memory_space<vmem>>, %arg31: memref<4096xf32, #tpu.memory_space<vmem>>, %arg32: memref<4096xf32, #tpu.memory_space<vmem>>, %arg33: memref<!tpu.dma_semaphore, #tpu.memory_space<semaphore_mem>>, %arg34: memref<!tpu.dma_semaphore, #tpu.memory_space<semaphore_mem>>, %arg35: memref<!tpu.dma_semaphore, #tpu.memory_space<semaphore_mem>>, %arg36: memref<!tpu.dma_semaphore, #tpu.memory_space<semaphore_mem>>, %arg37: memref<!tpu.dma_semaphore, #tpu.memory_space<semaphore_mem>>, %arg38: memref<!tpu.dma_semaphore, #tpu.memory_space<semaphore_mem>>) attributes {dimension_semantics = [#tpu.dimension_semantics<core_parallel>, #tpu.dimension_semantics<subcore_parallel>], iteration_bounds = array<i64: 2, 16>, scalar_prefetch = 0 : i64, scratch_operands = 20 : i64, tpu.core_type = #tpu.core_type<sc_vector_subcore>, window_params = [{transform_indices = #map}, {transform_indices = #map}, {transform_indices = #map}, {transform_indices = #map}, {transform_indices = #map}, {transform_indices = #map}, {transform_indices = #map}, {transform_indices = #map}, {transform_indices = #map}, {transform_indices = #map}, {transform_indices = #map}, {transform_indices = #map}, {transform_indices = #map}, {transform_indices = #map}, {transform_indices = #map}, {transform_indices = #map}, {transform_indices = #map1}]} {
    %scan3A = arith.constant 0 : i32
    %scan3A_0 = arith.constant 0 : i32
    %scan3A_1 = arith.constant 256 : i32
    %scan3A_2 = arith.addi %scan3A_0, %scan3A_1 : i32
    %scan3A_3 = arith.constant 1 : i32
    scf.for %scan3A_18 = %scan3A_0 to %scan3A_2 step %scan3A_3  : i32 {
      %broadcast_in_dim3A = arith.constant 0.000000e+00 : f32
      %broadcast_in_dim3A_19 = vector.broadcast %broadcast_in_dim3A : f32 to vector<16xf32>
      %mul3A = arith.constant 16 : i32
      %mul3A_20 = arith.muli %scan3A_18, %mul3A : i32
      %swap3A = arith.index_cast %mul3A_20 : i32 to index
      %swap3A_21 = tpu.vector_load %arg32[%swap3A] {strides = array<i32>} : memref<4096xf32, #tpu.memory_space<vmem>>, vector<16xf32>,
      %swap3A_22 = vector.shape_cast %swap3A_21 : vector<16xf32> to vector<16xf32>
      %swap3A_23 = vector.shape_cast %broadcast_in_dim3A_19 : vector<16xf32> to vector<16xf32>
      tpu.vector_store %arg32[%swap3A], %swap3A_23 {strides = array<i32>} : memref<4096xf32, #tpu.memory_space<vmem>>, vector<16xf32>,
    }
    %scan3A_4 = arith.constant 256 : i32
    %scan3A_5 = arith.constant 0 : i32
    %scan3A_6 = arith.constant 0 : i32
    %scan3A_7 = arith.constant 16 : i32
    %scan3A_8 = arith.addi %scan3A_6, %scan3A_7 : i32
    %scan3A_9 = arith.constant 1 : i32
    scf.for %scan3A_18 = %scan3A_6 to %scan3A_8 step %scan3A_9  : i32 {
      %mul3A = arith.constant 16 : i32
      %mul3A_19 = arith.muli %arg1, %mul3A : i32
      %add3A = arith.addi %mul3A_19, %scan3A_18 : i32
      %mul3A_20 = arith.constant 4096 : i32
      %mul3A_21 = arith.muli %add3A, %mul3A_20 : i32
      "tpu.region"() ({
        %run_scoped3A = tpu.sem_alloc : memref<!tpu.dma_semaphore, #tpu.memory_space<semaphore_mem>>
        %dma_start3A = tpu.memref_slice %arg19[%mul3A_21] : memref<1048576xf32, #tpu.memory_space<vmem_shared>> -> memref<4096xf32, #tpu.memory_space<vmem_shared>>
        %dma_start3A_22 = tpu.memref_slice %arg19[%mul3A_21] : memref<1048576xf32, #tpu.memory_space<vmem_shared>> -> memref<4096xf32, #tpu.memory_space<vmem_shared>>
        tpu.enqueue_dma source(%arg32 : memref<4096xf32, #tpu.memory_space<vmem>>) target(%dma_start3A_22 : memref<4096xf32, #tpu.memory_space<vmem_shared>>) target_semaphore(%run_scoped3A : memref<!tpu.dma_semaphore, #tpu.memory_space<semaphore_mem>>)
        %dma_wait3A = tpu.memref_slice %arg19[%mul3A_21] : memref<1048576xf32, #tpu.memory_space<vmem_shared>> -> memref<4096xf32, #tpu.memory_space<vmem_shared>>
        %dma_wait3A_23 = tpu.memref_slice %arg19[%mul3A_21] : memref<1048576xf32, #tpu.memory_space<vmem_shared>> -> memref<4096xf32, #tpu.memory_space<vmem_shared>>
        tpu.wait_dma2 semaphore(%run_scoped3A : memref<!tpu.dma_semaphore, #tpu.memory_space<semaphore_mem>>) src(%arg32 : memref<4096xf32, #tpu.memory_space<vmem>>) dst(%dma_wait3A_23 : memref<4096xf32, #tpu.memory_space<vmem_shared>>)
        tpu.yield
      }) : () -> ()
    }
    %scan3A_10 = arith.constant 16 : i32
    %barrier3A = arith.constant 0 : index
    tpu.barrier barrier_id(%barrier3A)
    %eq3A = arith.constant 0 : i32
    %eq3A_11 = arith.cmpi eq, %arg0, %eq3A : i32
    %convert_element_type3A = arith.extui %eq3A_11 : i1 to i32
    %cond3A = arith.constant 0 : i32
    %cond3A_12 = arith.cmpi ne, %convert_element_type3A, %cond3A : i32
    scf.if %cond3A_12 {
      %mul3A = arith.constant 131072 : i32
      %mul3A_18 = arith.muli %arg1, %mul3A : i32
      %dma_start3A = tpu.memref_slice %arg2[%mul3A_18] : memref<2097152xi32, #tpu.memory_space<hbm>> -> memref<4096xi32, #tpu.memory_space<hbm>>
      %dma_start3A_19 = tpu.memref_slice %arg2[%mul3A_18] : memref<2097152xi32, #tpu.memory_space<hbm>> -> memref<4096xi32, #tpu.memory_space<hbm>>
      tpu.enqueue_dma source(%dma_start3A_19 : memref<4096xi32, #tpu.memory_space<hbm>>) target(%arg20 : memref<4096xi32, #tpu.memory_space<vmem>>) target_semaphore(%arg33 : memref<!tpu.dma_semaphore, #tpu.memory_space<semaphore_mem>>)
      %dma_start3A_20 = tpu.memref_slice %arg3[%mul3A_18] : memref<2097152xi32, #tpu.memory_space<hbm>> -> memref<4096xi32, #tpu.memory_space<hbm>>
      %dma_start3A_21 = tpu.memref_slice %arg3[%mul3A_18] : memref<2097152xi32, #tpu.memory_space<hbm>> -> memref<4096xi32, #tpu.memory_space<hbm>>
      tpu.enqueue_dma source(%dma_start3A_21 : memref<4096xi32, #tpu.memory_space<hbm>>) target(%arg23 : memref<4096xi32, #tpu.memory_space<vmem>>) target_semaphore(%arg33 : memref<!tpu.dma_semaphore, #tpu.memory_space<semaphore_mem>>)
      %dma_start3A_22 = tpu.memref_slice %arg4[%mul3A_18] : memref<2097152xf32, #tpu.memory_space<hbm>> -> memref<4096xf32, #tpu.memory_space<hbm>>
      %dma_start3A_23 = tpu.memref_slice %arg4[%mul3A_18] : memref<2097152xf32, #tpu.memory_space<hbm>> -> memref<4096xf32, #tpu.memory_space<hbm>>
      tpu.enqueue_dma source(%dma_start3A_23 : memref<4096xf32, #tpu.memory_space<hbm>>) target(%arg26 : memref<4096xf32, #tpu.memory_space<vmem>>) target_semaphore(%arg33 : memref<!tpu.dma_semaphore, #tpu.memory_space<semaphore_mem>>)
      %dma_start3A_24 = tpu.memref_slice %arg5[%mul3A_18] : memref<2097152xf32, #tpu.memory_space<hbm>> -> memref<4096xf32, #tpu.memory_space<hbm>>
      %dma_start3A_25 = tpu.memref_slice %arg5[%mul3A_18] : memref<2097152xf32, #tpu.memory_space<hbm>> -> memref<4096xf32, #tpu.memory_space<hbm>>
      tpu.enqueue_dma source(%dma_start3A_25 : memref<4096xf32, #tpu.memory_space<hbm>>) target(%arg29 : memref<4096xf32, #tpu.memory_space<vmem>>) target_semaphore(%arg33 : memref<!tpu.dma_semaphore, #tpu.memory_space<semaphore_mem>>)
      %scan3A_26 = arith.constant 0 : i32
      %scan3A_27 = arith.constant 0 : i32
      %scan3A_28 = arith.constant 10 : i32
      %scan3A_29 = arith.addi %scan3A_27, %scan3A_28 : i32
      %scan3A_30 = arith.constant 1 : i32
      scf.for %scan3A_174 = %scan3A_27 to %scan3A_29 step %scan3A_30  : i32 {
        %mul3A_175 = arith.constant 3 : i32
        %mul3A_176 = arith.muli %mul3A_175, %scan3A_174 : i32
        %add3A_177 = arith.constant 0 : i32
        %add3A_178 = arith.addi %mul3A_176, %add3A_177 : i32
        %ge3A = arith.constant 2 : i32
        %ge3A_179 = arith.cmpi sge, %add3A_178, %ge3A : i32
        %convert_element_type3A_180 = arith.extui %ge3A_179 : i1 to i32
        %cond3A_181 = arith.constant 0 : i32
        %cond3A_182 = arith.cmpi ne, %convert_element_type3A_180, %cond3A_181 : i32
        scf.if %cond3A_182 {
          %dma_wait3A_266 = arith.constant 0 : i32
          %dma_wait3A_267 = tpu.memref_slice %arg19[%dma_wait3A_266] : memref<1048576xf32, #tpu.memory_space<vmem_shared>> -> memref<1048576xf32, #tpu.memory_space<vmem_shared>>
          tpu.wait_indirect_dma semaphore(%arg37 : memref<!tpu.dma_semaphore, #tpu.memory_space<semaphore_mem>>) src(%arg27 : memref<4096xf32, #tpu.memory_space<vmem>>) dst(%dma_wait3A_267 : memref<1048576xf32, #tpu.memory_space<vmem_shared>>)
          %dma_wait3A_268 = arith.constant 0 : i32
          %dma_wait3A_269 = tpu.memref_slice %arg19[%dma_wait3A_268] : memref<1048576xf32, #tpu.memory_space<vmem_shared>> -> memref<1048576xf32, #tpu.memory_space<vmem_shared>>
          tpu.wait_indirect_dma semaphore(%arg37 : memref<!tpu.dma_semaphore, #tpu.memory_space<semaphore_mem>>) src(%arg30 : memref<4096xf32, #tpu.memory_space<vmem>>) dst(%dma_wait3A_269 : memref<1048576xf32, #tpu.memory_space<vmem_shared>>)
        } else {
        }
        %add3A_183 = arith.constant 1 : i32
        %add3A_184 = arith.addi %add3A_178, %add3A_183 : i32
        %lt3A = arith.constant 32 : i32
        %lt3A_185 = arith.cmpi slt, %add3A_184, %lt3A : i32
        %convert_element_type3A_186 = arith.extui %lt3A_185 : i1 to i32
        %cond3A_187 = arith.constant 0 : i32
        %cond3A_188 = arith.cmpi ne, %convert_element_type3A_186, %cond3A_187 : i32
        scf.if %cond3A_188 {
          %add3A_266 = arith.constant 1 : i32
          %add3A_267 = arith.addi %add3A_178, %add3A_266 : i32
          %mul3A_268 = arith.constant 4096 : i32
          %mul3A_269 = arith.muli %add3A_267, %mul3A_268 : i32
          %add3A_270 = arith.addi %mul3A_18, %mul3A_269 : i32
          %dma_start3A_271 = tpu.memref_slice %arg2[%add3A_270] : memref<2097152xi32, #tpu.memory_space<hbm>> -> memref<4096xi32, #tpu.memory_space<hbm>>
          %dma_start3A_272 = tpu.memref_slice %arg2[%add3A_270] : memref<2097152xi32, #tpu.memory_space<hbm>> -> memref<4096xi32, #tpu.memory_space<hbm>>
          tpu.enqueue_dma source(%dma_start3A_272 : memref<4096xi32, #tpu.memory_space<hbm>>) target(%arg21 : memref<4096xi32, #tpu.memory_space<vmem>>) target_semaphore(%arg34 : memref<!tpu.dma_semaphore, #tpu.memory_space<semaphore_mem>>)
          %dma_start3A_273 = tpu.memref_slice %arg3[%add3A_270] : memref<2097152xi32, #tpu.memory_space<hbm>> -> memref<4096xi32, #tpu.memory_space<hbm>>
          %dma_start3A_274 = tpu.memref_slice %arg3[%add3A_270] : memref<2097152xi32, #tpu.memory_space<hbm>> -> memref<4096xi32, #tpu.memory_space<hbm>>
          tpu.enqueue_dma source(%dma_start3A_274 : memref<4096xi32, #tpu.memory_space<hbm>>) target(%arg24 : memref<4096xi32, #tpu.memory_space<vmem>>) target_semaphore(%arg34 : memref<!tpu.dma_semaphore, #tpu.memory_space<semaphore_mem>>)
          %dma_start3A_275 = tpu.memref_slice %arg4[%add3A_270] : memref<2097152xf32, #tpu.memory_space<hbm>> -> memref<4096xf32, #tpu.memory_space<hbm>>
          %dma_start3A_276 = tpu.memref_slice %arg4[%add3A_270] : memref<2097152xf32, #tpu.memory_space<hbm>> -> memref<4096xf32, #tpu.memory_space<hbm>>
          tpu.enqueue_dma source(%dma_start3A_276 : memref<4096xf32, #tpu.memory_space<hbm>>) target(%arg27 : memref<4096xf32, #tpu.memory_space<vmem>>) target_semaphore(%arg34 : memref<!tpu.dma_semaphore, #tpu.memory_space<semaphore_mem>>)
          %dma_start3A_277 = tpu.memref_slice %arg5[%add3A_270] : memref<2097152xf32, #tpu.memory_space<hbm>> -> memref<4096xf32, #tpu.memory_space<hbm>>
          %dma_start3A_278 = tpu.memref_slice %arg5[%add3A_270] : memref<2097152xf32, #tpu.memory_space<hbm>> -> memref<4096xf32, #tpu.memory_space<hbm>>
          tpu.enqueue_dma source(%dma_start3A_278 : memref<4096xf32, #tpu.memory_space<hbm>>) target(%arg30 : memref<4096xf32, #tpu.memory_space<vmem>>) target_semaphore(%arg34 : memref<!tpu.dma_semaphore, #tpu.memory_space<semaphore_mem>>)
        } else {
        }
        %mul3A_189 = arith.constant 4096 : i32
        %mul3A_190 = arith.muli %add3A_178, %mul3A_189 : i32
        %add3A_191 = arith.addi %mul3A_18, %mul3A_190 : i32
        %dma_wait3A_192 = tpu.memref_slice %arg2[%add3A_191] : memref<2097152xi32, #tpu.memory_space<hbm>> -> memref<4096xi32, #tpu.memory_space<hbm>>
        %dma_wait3A_193 = tpu.memref_slice %arg2[%add3A_191] : memref<2097152xi32, #tpu.memory_space<hbm>> -> memref<4096xi32, #tpu.memory_space<hbm>>
        tpu.wait_dma2 semaphore(%arg33 : memref<!tpu.dma_semaphore, #tpu.memory_space<semaphore_mem>>) src(%dma_wait3A_193 : memref<4096xi32, #tpu.memory_space<hbm>>) dst(%arg20 : memref<4096xi32, #tpu.memory_space<vmem>>)
        %dma_wait3A_194 = tpu.memref_slice %arg3[%add3A_191] : memref<2097152xi32, #tpu.memory_space<hbm>> -> memref<4096xi32, #tpu.memory_space<hbm>>
        %dma_wait3A_195 = tpu.memref_slice %arg3[%add3A_191] : memref<2097152xi32, #tpu.memory_space<hbm>> -> memref<4096xi32, #tpu.memory_space<hbm>>
        tpu.wait_dma2 semaphore(%arg33 : memref<!tpu.dma_semaphore, #tpu.memory_space<semaphore_mem>>) src(%dma_wait3A_195 : memref<4096xi32, #tpu.memory_space<hbm>>) dst(%arg23 : memref<4096xi32, #tpu.memory_space<vmem>>)
        %dma_wait3A_196 = tpu.memref_slice %arg4[%add3A_191] : memref<2097152xf32, #tpu.memory_space<hbm>> -> memref<4096xf32, #tpu.memory_space<hbm>>
        %dma_wait3A_197 = tpu.memref_slice %arg4[%add3A_191] : memref<2097152xf32, #tpu.memory_space<hbm>> -> memref<4096xf32, #tpu.memory_space<hbm>>
        tpu.wait_dma2 semaphore(%arg33 : memref<!tpu.dma_semaphore, #tpu.memory_space<semaphore_mem>>) src(%dma_wait3A_197 : memref<4096xf32, #tpu.memory_space<hbm>>) dst(%arg26 : memref<4096xf32, #tpu.memory_space<vmem>>)
        %dma_wait3A_198 = tpu.memref_slice %arg5[%add3A_191] : memref<2097152xf32, #tpu.memory_space<hbm>> -> memref<4096xf32, #tpu.memory_space<hbm>>
        %dma_wait3A_199 = tpu.memref_slice %arg5[%add3A_191] : memref<2097152xf32, #tpu.memory_space<hbm>> -> memref<4096xf32, #tpu.memory_space<hbm>>
        tpu.wait_dma2 semaphore(%arg33 : memref<!tpu.dma_semaphore, #tpu.memory_space<semaphore_mem>>) src(%dma_wait3A_199 : memref<4096xf32, #tpu.memory_space<hbm>>) dst(%arg29 : memref<4096xf32, #tpu.memory_space<vmem>>)
        %dma_start3A_200 = arith.constant 0 : i32
        %dma_start3A_201 = tpu.memref_slice %arg19[%dma_start3A_200] : memref<1048576xf32, #tpu.memory_space<vmem_shared>> -> memref<1048576xf32, #tpu.memory_space<vmem_shared>>
        tpu.enqueue_indirect_dma source(%arg26 : memref<4096xf32, #tpu.memory_space<vmem>>) target(%dma_start3A_201 : memref<1048576xf32, #tpu.memory_space<vmem_shared>>) offsets(%arg20 : memref<4096xi32, #tpu.memory_space<vmem>>) semaphore(%arg36 : memref<!tpu.dma_semaphore, #tpu.memory_space<semaphore_mem>>) {add = true}
        %dma_start3A_202 = arith.constant 0 : i32
        %dma_start3A_203 = tpu.memref_slice %arg19[%dma_start3A_202] : memref<1048576xf32, #tpu.memory_space<vmem_shared>> -> memref<1048576xf32, #tpu.memory_space<vmem_shared>>
        tpu.enqueue_indirect_dma source(%arg29 : memref<4096xf32, #tpu.memory_space<vmem>>) target(%dma_start3A_203 : memref<1048576xf32, #tpu.memory_space<vmem_shared>>) offsets(%arg23 : memref<4096xi32, #tpu.memory_space<vmem>>) semaphore(%arg36 : memref<!tpu.dma_semaphore, #tpu.memory_space<semaphore_mem>>) {add = true}
        %mul3A_204 = arith.constant 3 : i32
        %mul3A_205 = arith.muli %mul3A_204, %scan3A_174 : i32
        %add3A_206 = arith.constant 1 : i32
        %add3A_207 = arith.addi %mul3A_205, %add3A_206 : i32
        %ge3A_208 = arith.constant 2 : i32
        %ge3A_209 = arith.cmpi sge, %add3A_207, %ge3A_208 : i32
        %convert_element_type3A_210 = arith.extui %ge3A_209 : i1 to i32
        %cond3A_211 = arith.constant 0 : i32
        %cond3A_212 = arith.cmpi ne, %convert_element_type3A_210, %cond3A_211 : i32
        scf.if %cond3A_212 {
          %dma_wait3A_266 = arith.constant 0 : i32
          %dma_wait3A_267 = tpu.memref_slice %arg19[%dma_wait3A_266] : memref<1048576xf32, #tpu.memory_space<vmem_shared>> -> memref<1048576xf32, #tpu.memory_space<vmem_shared>>
          tpu.wait_indirect_dma semaphore(%arg38 : memref<!tpu.dma_semaphore, #tpu.memory_space<semaphore_mem>>) src(%arg28 : memref<4096xf32, #tpu.memory_space<vmem>>) dst(%dma_wait3A_267 : memref<1048576xf32, #tpu.memory_space<vmem_shared>>)
          %dma_wait3A_268 = arith.constant 0 : i32
          %dma_wait3A_269 = tpu.memref_slice %arg19[%dma_wait3A_268] : memref<1048576xf32, #tpu.memory_space<vmem_shared>> -> memref<1048576xf32, #tpu.memory_space<vmem_shared>>
          tpu.wait_indirect_dma semaphore(%arg38 : memref<!tpu.dma_semaphore, #tpu.memory_space<semaphore_mem>>) src(%arg31 : memref<4096xf32, #tpu.memory_space<vmem>>) dst(%dma_wait3A_269 : memref<1048576xf32, #tpu.memory_space<vmem_shared>>)
        } else {
        }
        %add3A_213 = arith.constant 1 : i32
        %add3A_214 = arith.addi %add3A_207, %add3A_213 : i32
        %lt3A_215 = arith.constant 32 : i32
        %lt3A_216 = arith.cmpi slt, %add3A_214, %lt3A_215 : i32
        %convert_element_type3A_217 = arith.extui %lt3A_216 : i1 to i32
        %cond3A_218 = arith.constant 0 : i32
        %cond3A_219 = arith.cmpi ne, %convert_element_type3A_217, %cond3A_218 : i32
        scf.if %cond3A_219 {
          %add3A_266 = arith.constant 1 : i32
          %add3A_267 = arith.addi %add3A_207, %add3A_266 : i32
          %mul3A_268 = arith.constant 4096 : i32
          %mul3A_269 = arith.muli %add3A_267, %mul3A_268 : i32
          %add3A_270 = arith.addi %mul3A_18, %mul3A_269 : i32
          %dma_start3A_271 = tpu.memref_slice %arg2[%add3A_270] : memref<2097152xi32, #tpu.memory_space<hbm>> -> memref<4096xi32, #tpu.memory_space<hbm>>
          %dma_start3A_272 = tpu.memref_slice %arg2[%add3A_270] : memref<2097152xi32, #tpu.memory_space<hbm>> -> memref<4096xi32, #tpu.memory_space<hbm>>
          tpu.enqueue_dma source(%dma_start3A_272 : memref<4096xi32, #tpu.memory_space<hbm>>) target(%arg22 : memref<4096xi32, #tpu.memory_space<vmem>>) target_semaphore(%arg35 : memref<!tpu.dma_semaphore, #tpu.memory_space<semaphore_mem>>)
          %dma_start3A_273 = tpu.memref_slice %arg3[%add3A_270] : memref<2097152xi32, #tpu.memory_space<hbm>> -> memref<4096xi32, #tpu.memory_space<hbm>>
          %dma_start3A_274 = tpu.memref_slice %arg3[%add3A_270] : memref<2097152xi32, #tpu.memory_space<hbm>> -> memref<4096xi32, #tpu.memory_space<hbm>>
          tpu.enqueue_dma source(%dma_start3A_274 : memref<4096xi32, #tpu.memory_space<hbm>>) target(%arg25 : memref<4096xi32, #tpu.memory_space<vmem>>) target_semaphore(%arg35 : memref<!tpu.dma_semaphore, #tpu.memory_space<semaphore_mem>>)
          %dma_start3A_275 = tpu.memref_slice %arg4[%add3A_270] : memref<2097152xf32, #tpu.memory_space<hbm>> -> memref<4096xf32, #tpu.memory_space<hbm>>
          %dma_start3A_276 = tpu.memref_slice %arg4[%add3A_270] : memref<2097152xf32, #tpu.memory_space<hbm>> -> memref<4096xf32, #tpu.memory_space<hbm>>
          tpu.enqueue_dma source(%dma_start3A_276 : memref<4096xf32, #tpu.memory_space<hbm>>) target(%arg28 : memref<4096xf32, #tpu.memory_space<vmem>>) target_semaphore(%arg35 : memref<!tpu.dma_semaphore, #tpu.memory_space<semaphore_mem>>)
          %dma_start3A_277 = tpu.memref_slice %arg5[%add3A_270] : memref<2097152xf32, #tpu.memory_space<hbm>> -> memref<4096xf32, #tpu.memory_space<hbm>>
          %dma_start3A_278 = tpu.memref_slice %arg5[%add3A_270] : memref<2097152xf32, #tpu.memory_space<hbm>> -> memref<4096xf32, #tpu.memory_space<hbm>>
          tpu.enqueue_dma source(%dma_start3A_278 : memref<4096xf32, #tpu.memory_space<hbm>>) target(%arg31 : memref<4096xf32, #tpu.memory_space<vmem>>) target_semaphore(%arg35 : memref<!tpu.dma_semaphore, #tpu.memory_space<semaphore_mem>>)
        } else {
        }
        %mul3A_220 = arith.constant 4096 : i32
        %mul3A_221 = arith.muli %add3A_207, %mul3A_220 : i32
        %add3A_222 = arith.addi %mul3A_18, %mul3A_221 : i32
        %dma_wait3A_223 = tpu.memref_slice %arg2[%add3A_222] : memref<2097152xi32, #tpu.memory_space<hbm>> -> memref<4096xi32, #tpu.memory_space<hbm>>
        %dma_wait3A_224 = tpu.memref_slice %arg2[%add3A_222] : memref<2097152xi32, #tpu.memory_space<hbm>> -> memref<4096xi32, #tpu.memory_space<hbm>>
        tpu.wait_dma2 semaphore(%arg34 : memref<!tpu.dma_semaphore, #tpu.memory_space<semaphore_mem>>) src(%dma_wait3A_224 : memref<4096xi32, #tpu.memory_space<hbm>>) dst(%arg21 : memref<4096xi32, #tpu.memory_space<vmem>>)
        %dma_wait3A_225 = tpu.memref_slice %arg3[%add3A_222] : memref<2097152xi32, #tpu.memory_space<hbm>> -> memref<4096xi32, #tpu.memory_space<hbm>>
        %dma_wait3A_226 = tpu.memref_slice %arg3[%add3A_222] : memref<2097152xi32, #tpu.memory_space<hbm>> -> memref<4096xi32, #tpu.memory_space<hbm>>
        tpu.wait_dma2 semaphore(%arg34 : memref<!tpu.dma_semaphore, #tpu.memory_space<semaphore_mem>>) src(%dma_wait3A_226 : memref<4096xi32, #tpu.memory_space<hbm>>) dst(%arg24 : memref<4096xi32, #tpu.memory_space<vmem>>)
        %dma_wait3A_227 = tpu.memref_slice %arg4[%add3A_222] : memref<2097152xf32, #tpu.memory_space<hbm>> -> memref<4096xf32, #tpu.memory_space<hbm>>
        %dma_wait3A_228 = tpu.memref_slice %arg4[%add3A_222] : memref<2097152xf32, #tpu.memory_space<hbm>> -> memref<4096xf32, #tpu.memory_space<hbm>>
        tpu.wait_dma2 semaphore(%arg34 : memref<!tpu.dma_semaphore, #tpu.memory_space<semaphore_mem>>) src(%dma_wait3A_228 : memref<4096xf32, #tpu.memory_space<hbm>>) dst(%arg27 : memref<4096xf32, #tpu.memory_space<vmem>>)
        %dma_wait3A_229 = tpu.memref_slice %arg5[%add3A_222] : memref<2097152xf32, #tpu.memory_space<hbm>> -> memref<4096xf32, #tpu.memory_space<hbm>>
        %dma_wait3A_230 = tpu.memref_slice %arg5[%add3A_222] : memref<2097152xf32, #tpu.memory_space<hbm>> -> memref<4096xf32, #tpu.memory_space<hbm>>
        tpu.wait_dma2 semaphore(%arg34 : memref<!tpu.dma_semaphore, #tpu.memory_space<semaphore_mem>>) src(%dma_wait3A_230 : memref<4096xf32, #tpu.memory_space<hbm>>) dst(%arg30 : memref<4096xf32, #tpu.memory_space<vmem>>)
        %dma_start3A_231 = arith.constant 0 : i32
        %dma_start3A_232 = tpu.memref_slice %arg19[%dma_start3A_231] : memref<1048576xf32, #tpu.memory_space<vmem_shared>> -> memref<1048576xf32, #tpu.memory_space<vmem_shared>>
        tpu.enqueue_indirect_dma source(%arg27 : memref<4096xf32, #tpu.memory_space<vmem>>) target(%dma_start3A_232 : memref<1048576xf32, #tpu.memory_space<vmem_shared>>) offsets(%arg21 : memref<4096xi32, #tpu.memory_space<vmem>>) semaphore(%arg37 : memref<!tpu.dma_semaphore, #tpu.memory_space<semaphore_mem>>) {add = true}
        %dma_start3A_233 = arith.constant 0 : i32
        %dma_start3A_234 = tpu.memref_slice %arg19[%dma_start3A_233] : memref<1048576xf32, #tpu.memory_space<vmem_shared>> -> memref<1048576xf32, #tpu.memory_space<vmem_shared>>
        tpu.enqueue_indirect_dma source(%arg30 : memref<4096xf32, #tpu.memory_space<vmem>>) target(%dma_start3A_234 : memref<1048576xf32, #tpu.memory_space<vmem_shared>>) offsets(%arg24 : memref<4096xi32, #tpu.memory_space<vmem>>) semaphore(%arg37 : memref<!tpu.dma_semaphore, #tpu.memory_space<semaphore_mem>>) {add = true}
        %mul3A_235 = arith.constant 3 : i32
        %mul3A_236 = arith.muli %mul3A_235, %scan3A_174 : i32
        %add3A_237 = arith.constant 2 : i32
        %add3A_238 = arith.addi %mul3A_236, %add3A_237 : i32
        %ge3A_239 = arith.constant 2 : i32
        %ge3A_240 = arith.cmpi sge, %add3A_238, %ge3A_239 : i32
        %convert_element_type3A_241 = arith.extui %ge3A_240 : i1 to i32
        %cond3A_242 = arith.constant 0 : i32
        %cond3A_243 = arith.cmpi ne, %convert_element_type3A_241, %cond3A_242 : i32
        scf.if %cond3A_243 {
          %dma_wait3A_266 = arith.constant 0 : i32
          %dma_wait3A_267 = tpu.memref_slice %arg19[%dma_wait3A_266] : memref<1048576xf32, #tpu.memory_space<vmem_shared>> -> memref<1048576xf32, #tpu.memory_space<vmem_shared>>
          tpu.wait_indirect_dma semaphore(%arg36 : memref<!tpu.dma_semaphore, #tpu.memory_space<semaphore_mem>>) src(%arg26 : memref<4096xf32, #tpu.memory_space<vmem>>) dst(%dma_wait3A_267 : memref<1048576xf32, #tpu.memory_space<vmem_shared>>)
          %dma_wait3A_268 = arith.constant 0 : i32
          %dma_wait3A_269 = tpu.memref_slice %arg19[%dma_wait3A_268] : memref<1048576xf32, #tpu.memory_space<vmem_shared>> -> memref<1048576xf32, #tpu.memory_space<vmem_shared>>
          tpu.wait_indirect_dma semaphore(%arg36 : memref<!tpu.dma_semaphore, #tpu.memory_space<semaphore_mem>>) src(%arg29 : memref<4096xf32, #tpu.memory_space<vmem>>) dst(%dma_wait3A_269 : memref<1048576xf32, #tpu.memory_space<vmem_shared>>)
        } else {
        }
        %add3A_244 = arith.constant 1 : i32
        %add3A_245 = arith.addi %add3A_238, %add3A_244 : i32
        %lt3A_246 = arith.constant 32 : i32
        %lt3A_247 = arith.cmpi slt, %add3A_245, %lt3A_246 : i32
        %convert_element_type3A_248 = arith.extui %lt3A_247 : i1 to i32
        %cond3A_249 = arith.constant 0 : i32
        %cond3A_250 = arith.cmpi ne, %convert_element_type3A_248, %cond3A_249 : i32
        scf.if %cond3A_250 {
          %add3A_266 = arith.constant 1 : i32
          %add3A_267 = arith.addi %add3A_238, %add3A_266 : i32
          %mul3A_268 = arith.constant 4096 : i32
          %mul3A_269 = arith.muli %add3A_267, %mul3A_268 : i32
          %add3A_270 = arith.addi %mul3A_18, %mul3A_269 : i32
          %dma_start3A_271 = tpu.memref_slice %arg2[%add3A_270] : memref<2097152xi32, #tpu.memory_space<hbm>> -> memref<4096xi32, #tpu.memory_space<hbm>>
          %dma_start3A_272 = tpu.memref_slice %arg2[%add3A_270] : memref<2097152xi32, #tpu.memory_space<hbm>> -> memref<4096xi32, #tpu.memory_space<hbm>>
          tpu.enqueue_dma source(%dma_start3A_272 : memref<4096xi32, #tpu.memory_space<hbm>>) target(%arg20 : memref<4096xi32, #tpu.memory_space<vmem>>) target_semaphore(%arg33 : memref<!tpu.dma_semaphore, #tpu.memory_space<semaphore_mem>>)
          %dma_start3A_273 = tpu.memref_slice %arg3[%add3A_270] : memref<2097152xi32, #tpu.memory_space<hbm>> -> memref<4096xi32, #tpu.memory_space<hbm>>
          %dma_start3A_274 = tpu.memref_slice %arg3[%add3A_270] : memref<2097152xi32, #tpu.memory_space<hbm>> -> memref<4096xi32, #tpu.memory_space<hbm>>
          tpu.enqueue_dma source(%dma_start3A_274 : memref<4096xi32, #tpu.memory_space<hbm>>) target(%arg23 : memref<4096xi32, #tpu.memory_space<vmem>>) target_semaphore(%arg33 : memref<!tpu.dma_semaphore, #tpu.memory_space<semaphore_mem>>)
          %dma_start3A_275 = tpu.memref_slice %arg4[%add3A_270] : memref<2097152xf32, #tpu.memory_space<hbm>> -> memref<4096xf32, #tpu.memory_space<hbm>>
          %dma_start3A_276 = tpu.memref_slice %arg4[%add3A_270] : memref<2097152xf32, #tpu.memory_space<hbm>> -> memref<4096xf32, #tpu.memory_space<hbm>>
          tpu.enqueue_dma source(%dma_start3A_276 : memref<4096xf32, #tpu.memory_space<hbm>>) target(%arg26 : memref<4096xf32, #tpu.memory_space<vmem>>) target_semaphore(%arg33 : memref<!tpu.dma_semaphore, #tpu.memory_space<semaphore_mem>>)
          %dma_start3A_277 = tpu.memref_slice %arg5[%add3A_270] : memref<2097152xf32, #tpu.memory_space<hbm>> -> memref<4096xf32, #tpu.memory_space<hbm>>
          %dma_start3A_278 = tpu.memref_slice %arg5[%add3A_270] : memref<2097152xf32, #tpu.memory_space<hbm>> -> memref<4096xf32, #tpu.memory_space<hbm>>
          tpu.enqueue_dma source(%dma_start3A_278 : memref<4096xf32, #tpu.memory_space<hbm>>) target(%arg29 : memref<4096xf32, #tpu.memory_space<vmem>>) target_semaphore(%arg33 : memref<!tpu.dma_semaphore, #tpu.memory_space<semaphore_mem>>)
        } else {
        }
        %mul3A_251 = arith.constant 4096 : i32
        %mul3A_252 = arith.muli %add3A_238, %mul3A_251 : i32
        %add3A_253 = arith.addi %mul3A_18, %mul3A_252 : i32
        %dma_wait3A_254 = tpu.memref_slice %arg2[%add3A_253] : memref<2097152xi32, #tpu.memory_space<hbm>> -> memref<4096xi32, #tpu.memory_space<hbm>>
        %dma_wait3A_255 = tpu.memref_slice %arg2[%add3A_253] : memref<2097152xi32, #tpu.memory_space<hbm>> -> memref<4096xi32, #tpu.memory_space<hbm>>
        tpu.wait_dma2 semaphore(%arg35 : memref<!tpu.dma_semaphore, #tpu.memory_space<semaphore_mem>>) src(%dma_wait3A_255 : memref<4096xi32, #tpu.memory_space<hbm>>) dst(%arg22 : memref<4096xi32, #tpu.memory_space<vmem>>)
        %dma_wait3A_256 = tpu.memref_slice %arg3[%add3A_253] : memref<2097152xi32, #tpu.memory_space<hbm>> -> memref<4096xi32, #tpu.memory_space<hbm>>
        %dma_wait3A_257 = tpu.memref_slice %arg3[%add3A_253] : memref<2097152xi32, #tpu.memory_space<hbm>> -> memref<4096xi32, #tpu.memory_space<hbm>>
        tpu.wait_dma2 semaphore(%arg35 : memref<!tpu.dma_semaphore, #tpu.memory_space<semaphore_mem>>) src(%dma_wait3A_257 : memref<4096xi32, #tpu.memory_space<hbm>>) dst(%arg25 : memref<4096xi32, #tpu.memory_space<vmem>>)
        %dma_wait3A_258 = tpu.memref_slice %arg4[%add3A_253] : memref<2097152xf32, #tpu.memory_space<hbm>> -> memref<4096xf32, #tpu.memory_space<hbm>>
        %dma_wait3A_259 = tpu.memref_slice %arg4[%add3A_253] : memref<2097152xf32, #tpu.memory_space<hbm>> -> memref<4096xf32, #tpu.memory_space<hbm>>
        tpu.wait_dma2 semaphore(%arg35 : memref<!tpu.dma_semaphore, #tpu.memory_space<semaphore_mem>>) src(%dma_wait3A_259 : memref<4096xf32, #tpu.memory_space<hbm>>) dst(%arg28 : memref<4096xf32, #tpu.memory_space<vmem>>)
        %dma_wait3A_260 = tpu.memref_slice %arg5[%add3A_253] : memref<2097152xf32, #tpu.memory_space<hbm>> -> memref<4096xf32, #tpu.memory_space<hbm>>
        %dma_wait3A_261 = tpu.memref_slice %arg5[%add3A_253] : memref<2097152xf32, #tpu.memory_space<hbm>> -> memref<4096xf32, #tpu.memory_space<hbm>>
        tpu.wait_dma2 semaphore(%arg35 : memref<!tpu.dma_semaphore, #tpu.memory_space<semaphore_mem>>) src(%dma_wait3A_261 : memref<4096xf32, #tpu.memory_space<hbm>>) dst(%arg31 : memref<4096xf32, #tpu.memory_space<vmem>>)
        %dma_start3A_262 = arith.constant 0 : i32
        %dma_start3A_263 = tpu.memref_slice %arg19[%dma_start3A_262] : memref<1048576xf32, #tpu.memory_space<vmem_shared>> -> memref<1048576xf32, #tpu.memory_space<vmem_shared>>
        tpu.enqueue_indirect_dma source(%arg28 : memref<4096xf32, #tpu.memory_space<vmem>>) target(%dma_start3A_263 : memref<1048576xf32, #tpu.memory_space<vmem_shared>>) offsets(%arg22 : memref<4096xi32, #tpu.memory_space<vmem>>) semaphore(%arg38 : memref<!tpu.dma_semaphore, #tpu.memory_space<semaphore_mem>>) {add = true}
        %dma_start3A_264 = arith.constant 0 : i32
        %dma_start3A_265 = tpu.memref_slice %arg19[%dma_start3A_264] : memref<1048576xf32, #tpu.memory_space<vmem_shared>> -> memref<1048576xf32, #tpu.memory_space<vmem_shared>>
        tpu.enqueue_indirect_dma source(%arg31 : memref<4096xf32, #tpu.memory_space<vmem>>) target(%dma_start3A_265 : memref<1048576xf32, #tpu.memory_space<vmem_shared>>) offsets(%arg25 : memref<4096xi32, #tpu.memory_space<vmem>>) semaphore(%arg38 : memref<!tpu.dma_semaphore, #tpu.memory_space<semaphore_mem>>) {add = true}
      }
      %scan3A_31 = arith.constant 10 : i32
      %dma_wait3A = arith.constant 0 : i32
      %dma_wait3A_32 = tpu.memref_slice %arg19[%dma_wait3A] : memref<1048576xf32, #tpu.memory_space<vmem_shared>> -> memref<1048576xf32, #tpu.memory_space<vmem_shared>>
      tpu.wait_indirect_dma semaphore(%arg37 : memref<!tpu.dma_semaphore, #tpu.memory_space<semaphore_mem>>) src(%arg27 : memref<4096xf32, #tpu.memory_space<vmem>>) dst(%dma_wait3A_32 : memref<1048576xf32, #tpu.memory_space<vmem_shared>>)
      %dma_wait3A_33 = arith.constant 0 : i32
      %dma_wait3A_34 = tpu.memref_slice %arg19[%dma_wait3A_33] : memref<1048576xf32, #tpu.memory_space<vmem_shared>> -> memref<1048576xf32, #tpu.memory_space<vmem_shared>>
      tpu.wait_indirect_dma semaphore(%arg37 : memref<!tpu.dma_semaphore, #tpu.memory_space<semaphore_mem>>) src(%arg30 : memref<4096xf32, #tpu.memory_space<vmem>>) dst(%dma_wait3A_34 : memref<1048576xf32, #tpu.memory_space<vmem_shared>>)
      %add3A = arith.constant 126976 : i32
      %add3A_35 = arith.addi %mul3A_18, %add3A : i32
      %dma_start3A_36 = tpu.memref_slice %arg2[%add3A_35] : memref<2097152xi32, #tpu.memory_space<hbm>> -> memref<4096xi32, #tpu.memory_space<hbm>>
      %dma_start3A_37 = tpu.memref_slice %arg2[%add3A_35] : memref<2097152xi32, #tpu.memory_space<hbm>> -> memref<4096xi32, #tpu.memory_space<hbm>>
      tpu.enqueue_dma source(%dma_start3A_37 : memref<4096xi32, #tpu.memory_space<hbm>>) target(%arg21 : memref<4096xi32, #tpu.memory_space<vmem>>) target_semaphore(%arg34 : memref<!tpu.dma_semaphore, #tpu.memory_space<semaphore_mem>>)
      %dma_start3A_38 = tpu.memref_slice %arg3[%add3A_35] : memref<2097152xi32, #tpu.memory_space<hbm>> -> memref<4096xi32, #tpu.memory_space<hbm>>
      %dma_start3A_39 = tpu.memref_slice %arg3[%add3A_35] : memref<2097152xi32, #tpu.memory_space<hbm>> -> memref<4096xi32, #tpu.memory_space<hbm>>
      tpu.enqueue_dma source(%dma_start3A_39 : memref<4096xi32, #tpu.memory_space<hbm>>) target(%arg24 : memref<4096xi32, #tpu.memory_space<vmem>>) target_semaphore(%arg34 : memref<!tpu.dma_semaphore, #tpu.memory_space<semaphore_mem>>)
      %dma_start3A_40 = tpu.memref_slice %arg4[%add3A_35] : memref<2097152xf32, #tpu.memory_space<hbm>> -> memref<4096xf32, #tpu.memory_space<hbm>>
      %dma_start3A_41 = tpu.memref_slice %arg4[%add3A_35] : memref<2097152xf32, #tpu.memory_space<hbm>> -> memref<4096xf32, #tpu.memory_space<hbm>>
      tpu.enqueue_dma source(%dma_start3A_41 : memref<4096xf32, #tpu.memory_space<hbm>>) target(%arg27 : memref<4096xf32, #tpu.memory_space<vmem>>) target_semaphore(%arg34 : memref<!tpu.dma_semaphore, #tpu.memory_space<semaphore_mem>>)
      %dma_start3A_42 = tpu.memref_slice %arg5[%add3A_35] : memref<2097152xf32, #tpu.memory_space<hbm>> -> memref<4096xf32, #tpu.memory_space<hbm>>
      %dma_start3A_43 = tpu.memref_slice %arg5[%add3A_35] : memref<2097152xf32, #tpu.memory_space<hbm>> -> memref<4096xf32, #tpu.memory_space<hbm>>
      tpu.enqueue_dma source(%dma_start3A_43 : memref<4096xf32, #tpu.memory_space<hbm>>) target(%arg30 : memref<4096xf32, #tpu.memory_space<vmem>>) target_semaphore(%arg34 : memref<!tpu.dma_semaphore, #tpu.memory_space<semaphore_mem>>)
      %add3A_44 = arith.constant 122880 : i32
      %add3A_45 = arith.addi %mul3A_18, %add3A_44 : i32
      %dma_wait3A_46 = tpu.memref_slice %arg2[%add3A_45] : memref<2097152xi32, #tpu.memory_space<hbm>> -> memref<4096xi32, #tpu.memory_space<hbm>>
      %dma_wait3A_47 = tpu.memref_slice %arg2[%add3A_45] : memref<2097152xi32, #tpu.memory_space<hbm>> -> memref<4096xi32, #tpu.memory_space<hbm>>
      tpu.wait_dma2 semaphore(%arg33 : memref<!tpu.dma_semaphore, #tpu.memory_space<semaphore_mem>>) src(%dma_wait3A_47 : memref<4096xi32, #tpu.memory_space<hbm>>) dst(%arg20 : memref<4096xi32, #tpu.memory_space<vmem>>)
      %dma_wait3A_48 = tpu.memref_slice %arg3[%add3A_45] : memref<2097152xi32, #tpu.memory_space<hbm>> -> memref<4096xi32, #tpu.memory_space<hbm>>
      %dma_wait3A_49 = tpu.memref_slice %arg3[%add3A_45] : memref<2097152xi32, #tpu.memory_space<hbm>> -> memref<4096xi32, #tpu.memory_space<hbm>>
      tpu.wait_dma2 semaphore(%arg33 : memref<!tpu.dma_semaphore, #tpu.memory_space<semaphore_mem>>) src(%dma_wait3A_49 : memref<4096xi32, #tpu.memory_space<hbm>>) dst(%arg23 : memref<4096xi32, #tpu.memory_space<vmem>>)
      %dma_wait3A_50 = tpu.memref_slice %arg4[%add3A_45] : memref<2097152xf32, #tpu.memory_space<hbm>> -> memref<4096xf32, #tpu.memory_space<hbm>>
      %dma_wait3A_51 = tpu.memref_slice %arg4[%add3A_45] : memref<2097152xf32, #tpu.memory_space<hbm>> -> memref<4096xf32, #tpu.memory_space<hbm>>
      tpu.wait_dma2 semaphore(%arg33 : memref<!tpu.dma_semaphore, #tpu.memory_space<semaphore_mem>>) src(%dma_wait3A_51 : memref<4096xf32, #tpu.memory_space<hbm>>) dst(%arg26 : memref<4096xf32, #tpu.memory_space<vmem>>)
      %dma_wait3A_52 = tpu.memref_slice %arg5[%add3A_45] : memref<2097152xf32, #tpu.memory_space<hbm>> -> memref<4096xf32, #tpu.memory_space<hbm>>
      %dma_wait3A_53 = tpu.memref_slice %arg5[%add3A_45] : memref<2097152xf32, #tpu.memory_space<hbm>> -> memref<4096xf32, #tpu.memory_space<hbm>>
      tpu.wait_dma2 semaphore(%arg33 : memref<!tpu.dma_semaphore, #tpu.memory_space<semaphore_mem>>) src(%dma_wait3A_53 : memref<4096xf32, #tpu.memory_space<hbm>>) dst(%arg29 : memref<4096xf32, #tpu.memory_space<vmem>>)
      %dma_start3A_54 = arith.constant 0 : i32
      %dma_start3A_55 = tpu.memref_slice %arg19[%dma_start3A_54] : memref<1048576xf32, #tpu.memory_space<vmem_shared>> -> memref<1048576xf32, #tpu.memory_space<vmem_shared>>
      tpu.enqueue_indirect_dma source(%arg26 : memref<4096xf32, #tpu.memory_space<vmem>>) target(%dma_start3A_55 : memref<1048576xf32, #tpu.memory_space<vmem_shared>>) offsets(%arg20 : memref<4096xi32, #tpu.memory_space<vmem>>) semaphore(%arg36 : memref<!tpu.dma_semaphore, #tpu.memory_space<semaphore_mem>>) {add = true}
      %dma_start3A_56 = arith.constant 0 : i32
      %dma_start3A_57 = tpu.memref_slice %arg19[%dma_start3A_56] : memref<1048576xf32, #tpu.memory_space<vmem_shared>> -> memref<1048576xf32, #tpu.memory_space<vmem_shared>>
      tpu.enqueue_indirect_dma source(%arg29 : memref<4096xf32, #tpu.memory_space<vmem>>) target(%dma_start3A_57 : memref<1048576xf32, #tpu.memory_space<vmem_shared>>) offsets(%arg23 : memref<4096xi32, #tpu.memory_space<vmem>>) semaphore(%arg36 : memref<!tpu.dma_semaphore, #tpu.memory_space<semaphore_mem>>) {add = true}
      %dma_wait3A_58 = arith.constant 0 : i32
      %dma_wait3A_59 = tpu.memref_slice %arg19[%dma_wait3A_58] : memref<1048576xf32, #tpu.memory_space<vmem_shared>> -> memref<1048576xf32, #tpu.memory_space<vmem_shared>>
      tpu.wait_indirect_dma semaphore(%arg38 : memref<!tpu.dma_semaphore, #tpu.memory_space<semaphore_mem>>) src(%arg28 : memref<4096xf32, #tpu.memory_space<vmem>>) dst(%dma_wait3A_59 : memref<1048576xf32, #tpu.memory_space<vmem_shared>>)
      %dma_wait3A_60 = arith.constant 0 : i32
      %dma_wait3A_61 = tpu.memref_slice %arg19[%dma_wait3A_60] : memref<1048576xf32, #tpu.memory_space<vmem_shared>> -> memref<1048576xf32, #tpu.memory_space<vmem_shared>>
      tpu.wait_indirect_dma semaphore(%arg38 : memref<!tpu.dma_semaphore, #tpu.memory_space<semaphore_mem>>) src(%arg31 : memref<4096xf32, #tpu.memory_space<vmem>>) dst(%dma_wait3A_61 : memref<1048576xf32, #tpu.memory_space<vmem_shared>>)
      %add3A_62 = arith.constant 126976 : i32
      %add3A_63 = arith.addi %mul3A_18, %add3A_62 : i32
      %dma_wait3A_64 = tpu.memref_slice %arg2[%add3A_63] : memref<2097152xi32, #tpu.memory_space<hbm>> -> memref<4096xi32, #tpu.memory_space<hbm>>
      %dma_wait3A_65 = tpu.memref_slice %arg2[%add3A_63] : memref<2097152xi32, #tpu.memory_space<hbm>> -> memref<4096xi32, #tpu.memory_space<hbm>>
      tpu.wait_dma2 semaphore(%arg34 : memref<!tpu.dma_semaphore, #tpu.memory_space<semaphore_mem>>) src(%dma_wait3A_65 : memref<4096xi32, #tpu.memory_space<hbm>>) dst(%arg21 : memref<4096xi32, #tpu.memory_space<vmem>>)
      %dma_wait3A_66 = tpu.memref_slice %arg3[%add3A_63] : memref<2097152xi32, #tpu.memory_space<hbm>> -> memref<4096xi32, #tpu.memory_space<hbm>>
      %dma_wait3A_67 = tpu.memref_slice %arg3[%add3A_63] : memref<2097152xi32, #tpu.memory_space<hbm>> -> memref<4096xi32, #tpu.memory_space<hbm>>
      tpu.wait_dma2 semaphore(%arg34 : memref<!tpu.dma_semaphore, #tpu.memory_space<semaphore_mem>>) src(%dma_wait3A_67 : memref<4096xi32, #tpu.memory_space<hbm>>) dst(%arg24 : memref<4096xi32, #tpu.memory_space<vmem>>)
      %dma_wait3A_68 = tpu.memref_slice %arg4[%add3A_63] : memref<2097152xf32, #tpu.memory_space<hbm>> -> memref<4096xf32, #tpu.memory_space<hbm>>
      %dma_wait3A_69 = tpu.memref_slice %arg4[%add3A_63] : memref<2097152xf32, #tpu.memory_space<hbm>> -> memref<4096xf32, #tpu.memory_space<hbm>>
      tpu.wait_dma2 semaphore(%arg34 : memref<!tpu.dma_semaphore, #tpu.memory_space<semaphore_mem>>) src(%dma_wait3A_69 : memref<4096xf32, #tpu.memory_space<hbm>>) dst(%arg27 : memref<4096xf32, #tpu.memory_space<vmem>>)
      %dma_wait3A_70 = tpu.memref_slice %arg5[%add3A_63] : memref<2097152xf32, #tpu.memory_space<hbm>> -> memref<4096xf32, #tpu.memory_space<hbm>>
      %dma_wait3A_71 = tpu.memref_slice %arg5[%add3A_63] : memref<2097152xf32, #tpu.memory_space<hbm>> -> memref<4096xf32, #tpu.memory_space<hbm>>
      tpu.wait_dma2 semaphore(%arg34 : memref<!tpu.dma_semaphore, #tpu.memory_space<semaphore_mem>>) src(%dma_wait3A_71 : memref<4096xf32, #tpu.memory_space<hbm>>) dst(%arg30 : memref<4096xf32, #tpu.memory_space<vmem>>)
      %dma_start3A_72 = arith.constant 0 : i32
      %dma_start3A_73 = tpu.memref_slice %arg19[%dma_start3A_72] : memref<1048576xf32, #tpu.memory_space<vmem_shared>> -> memref<1048576xf32, #tpu.memory_space<vmem_shared>>
      tpu.enqueue_indirect_dma source(%arg27 : memref<4096xf32, #tpu.memory_space<vmem>>) target(%dma_start3A_73 : memref<1048576xf32, #tpu.memory_space<vmem_shared>>) offsets(%arg21 : memref<4096xi32, #tpu.memory_space<vmem>>) semaphore(%arg37 : memref<!tpu.dma_semaphore, #tpu.memory_space<semaphore_mem>>) {add = true}
      %dma_start3A_74 = arith.constant 0 : i32
      %dma_start3A_75 = tpu.memref_slice %arg19[%dma_start3A_74] : memref<1048576xf32, #tpu.memory_space<vmem_shared>> -> memref<1048576xf32, #tpu.memory_space<vmem_shared>>
      tpu.enqueue_indirect_dma source(%arg30 : memref<4096xf32, #tpu.memory_space<vmem>>) target(%dma_start3A_75 : memref<1048576xf32, #tpu.memory_space<vmem_shared>>) offsets(%arg24 : memref<4096xi32, #tpu.memory_space<vmem>>) semaphore(%arg37 : memref<!tpu.dma_semaphore, #tpu.memory_space<semaphore_mem>>) {add = true}
      %dma_wait3A_76 = arith.constant 0 : i32
      %dma_wait3A_77 = tpu.memref_slice %arg19[%dma_wait3A_76] : memref<1048576xf32, #tpu.memory_space<vmem_shared>> -> memref<1048576xf32, #tpu.memory_space<vmem_shared>>
      tpu.wait_indirect_dma semaphore(%arg36 : memref<!tpu.dma_semaphore, #tpu.memory_space<semaphore_mem>>) src(%arg26 : memref<4096xf32, #tpu.memory_space<vmem>>) dst(%dma_wait3A_77 : memref<1048576xf32, #tpu.memory_space<vmem_shared>>)
      %dma_wait3A_78 = arith.constant 0 : i32
      %dma_wait3A_79 = tpu.memref_slice %arg19[%dma_wait3A_78] : memref<1048576xf32, #tpu.memory_space<vmem_shared>> -> memref<1048576xf32, #tpu.memory_space<vmem_shared>>
      tpu.wait_indirect_dma semaphore(%arg36 : memref<!tpu.dma_semaphore, #tpu.memory_space<semaphore_mem>>) src(%arg29 : memref<4096xf32, #tpu.memory_space<vmem>>) dst(%dma_wait3A_79 : memref<1048576xf32, #tpu.memory_space<vmem_shared>>)
      %dma_wait3A_80 = arith.constant 0 : i32
      %dma_wait3A_81 = tpu.memref_slice %arg19[%dma_wait3A_80] : memref<1048576xf32, #tpu.memory_space<vmem_shared>> -> memref<1048576xf32, #tpu.memory_space<vmem_shared>>
      tpu.wait_indirect_dma semaphore(%arg37 : memref<!tpu.dma_semaphore, #tpu.memory_space<semaphore_mem>>) src(%arg27 : memref<4096xf32, #tpu.memory_space<vmem>>) dst(%dma_wait3A_81 : memref<1048576xf32, #tpu.memory_space<vmem_shared>>)
      %dma_wait3A_82 = arith.constant 0 : i32
      %dma_wait3A_83 = tpu.memref_slice %arg19[%dma_wait3A_82] : memref<1048576xf32, #tpu.memory_space<vmem_shared>> -> memref<1048576xf32, #tpu.memory_space<vmem_shared>>
      tpu.wait_indirect_dma semaphore(%arg37 : memref<!tpu.dma_semaphore, #tpu.memory_space<semaphore_mem>>) src(%arg30 : memref<4096xf32, #tpu.memory_space<vmem>>) dst(%dma_wait3A_83 : memref<1048576xf32, #tpu.memory_space<vmem_shared>>)
      %barrier3A_84 = arith.constant 0 : index
      tpu.barrier barrier_id(%barrier3A_84)
      %mul3A_85 = arith.constant 65536 : i32
      %mul3A_86 = arith.muli %arg1, %mul3A_85 : i32
      %mul3A_87 = arith.constant 65536 : i32
      %mul3A_88 = arith.muli %arg1, %mul3A_87 : i32
      %run_scoped3A = arith.constant 0 : i32
      %run_scoped3A_89 = arith.constant 0 : i32
      "tpu.region"() ({
        %run_scoped3A_174 = tpu.sem_alloc : memref<!tpu.dma_semaphore, #tpu.memory_space<semaphore_mem>>
        %dma_start3A_175 = tpu.memref_slice %arg18[%run_scoped3A, %run_scoped3A_89, %mul3A_88] : memref<2x2x1048576xf32, #tpu.memory_space<hbm>> -> memref<1x1x65536xf32, #tpu.memory_space<hbm>>
        %dma_start3A_176 = tpu.memref_squeeze %dma_start3A_175 : memref<1x1x65536xf32, #tpu.memory_space<hbm>> -> memref<65536xf32, #tpu.memory_space<hbm>>
        %dma_start3A_177 = tpu.memref_slice %arg19[%mul3A_86] : memref<1048576xf32, #tpu.memory_space<vmem_shared>> -> memref<65536xf32, #tpu.memory_space<vmem_shared>>
        tpu.enqueue_dma source(%dma_start3A_177 : memref<65536xf32, #tpu.memory_space<vmem_shared>>) target(%dma_start3A_176 : memref<65536xf32, #tpu.memory_space<hbm>>) target_semaphore(%run_scoped3A_174 : memref<!tpu.dma_semaphore, #tpu.memory_space<semaphore_mem>>)
        %dma_wait3A_178 = tpu.memref_slice %arg18[%run_scoped3A, %run_scoped3A_89, %mul3A_88] : memref<2x2x1048576xf32, #tpu.memory_space<hbm>> -> memref<1x1x65536xf32, #tpu.memory_space<hbm>>
        %dma_wait3A_179 = tpu.memref_squeeze %dma_wait3A_178 : memref<1x1x65536xf32, #tpu.memory_space<hbm>> -> memref<65536xf32, #tpu.memory_space<hbm>>
        %dma_wait3A_180 = tpu.memref_slice %arg19[%mul3A_86] : memref<1048576xf32, #tpu.memory_space<vmem_shared>> -> memref<65536xf32, #tpu.memory_space<vmem_shared>>
        tpu.wait_dma2 semaphore(%run_scoped3A_174 : memref<!tpu.dma_semaphore, #tpu.memory_space<semaphore_mem>>) src(%dma_wait3A_180 : memref<65536xf32, #tpu.memory_space<vmem_shared>>) dst(%dma_wait3A_179 : memref<65536xf32, #tpu.memory_space<hbm>>)
        tpu.yield
      }) : () -> ()
      %scan3A_90 = arith.constant 0 : i32
      %scan3A_91 = arith.constant 0 : i32
      %scan3A_92 = arith.constant 16 : i32
      %scan3A_93 = arith.addi %scan3A_91, %scan3A_92 : i32
      %scan3A_94 = arith.constant 1 : i32
      scf.for %scan3A_174 = %scan3A_91 to %scan3A_93 step %scan3A_94  : i32 {
        %mul3A_175 = arith.constant 16 : i32
        %mul3A_176 = arith.muli %arg1, %mul3A_175 : i32
        %add3A_177 = arith.addi %mul3A_176, %scan3A_174 : i32
        %mul3A_178 = arith.constant 4096 : i32
        %mul3A_179 = arith.muli %add3A_177, %mul3A_178 : i32
        "tpu.region"() ({
          %run_scoped3A_180 = tpu.sem_alloc : memref<!tpu.dma_semaphore, #tpu.memory_space<semaphore_mem>>
          %dma_start3A_181 = tpu.memref_slice %arg19[%mul3A_179] : memref<1048576xf32, #tpu.memory_space<vmem_shared>> -> memref<4096xf32, #tpu.memory_space<vmem_shared>>
          %dma_start3A_182 = tpu.memref_slice %arg19[%mul3A_179] : memref<1048576xf32, #tpu.memory_space<vmem_shared>> -> memref<4096xf32, #tpu.memory_space<vmem_shared>>
          tpu.enqueue_dma source(%arg32 : memref<4096xf32, #tpu.memory_space<vmem>>) target(%dma_start3A_182 : memref<4096xf32, #tpu.memory_space<vmem_shared>>) target_semaphore(%run_scoped3A_180 : memref<!tpu.dma_semaphore, #tpu.memory_space<semaphore_mem>>)
          %dma_wait3A_183 = tpu.memref_slice %arg19[%mul3A_179] : memref<1048576xf32, #tpu.memory_space<vmem_shared>> -> memref<4096xf32, #tpu.memory_space<vmem_shared>>
          %dma_wait3A_184 = tpu.memref_slice %arg19[%mul3A_179] : memref<1048576xf32, #tpu.memory_space<vmem_shared>> -> memref<4096xf32, #tpu.memory_space<vmem_shared>>
          tpu.wait_dma2 semaphore(%run_scoped3A_180 : memref<!tpu.dma_semaphore, #tpu.memory_space<semaphore_mem>>) src(%arg32 : memref<4096xf32, #tpu.memory_space<vmem>>) dst(%dma_wait3A_184 : memref<4096xf32, #tpu.memory_space<vmem_shared>>)
          tpu.yield
        }) : () -> ()
      }
      %scan3A_95 = arith.constant 16 : i32
      %barrier3A_96 = arith.constant 0 : index
      tpu.barrier barrier_id(%barrier3A_96)
      %mul3A_97 = arith.constant 131072 : i32
      %mul3A_98 = arith.muli %arg1, %mul3A_97 : i32
      %dma_start3A_99 = tpu.memref_slice %arg6[%mul3A_98] : memref<2097152xi32, #tpu.memory_space<hbm>> -> memref<4096xi32, #tpu.memory_space<hbm>>
      %dma_start3A_100 = tpu.memref_slice %arg6[%mul3A_98] : memref<2097152xi32, #tpu.memory_space<hbm>> -> memref<4096xi32, #tpu.memory_space<hbm>>
      tpu.enqueue_dma source(%dma_start3A_100 : memref<4096xi32, #tpu.memory_space<hbm>>) target(%arg20 : memref<4096xi32, #tpu.memory_space<vmem>>) target_semaphore(%arg33 : memref<!tpu.dma_semaphore, #tpu.memory_space<semaphore_mem>>)
      %dma_start3A_101 = tpu.memref_slice %arg7[%mul3A_98] : memref<2097152xi32, #tpu.memory_space<hbm>> -> memref<4096xi32, #tpu.memory_space<hbm>>
      %dma_start3A_102 = tpu.memref_slice %arg7[%mul3A_98] : memref<2097152xi32, #tpu.memory_space<hbm>> -> memref<4096xi32, #tpu.memory_space<hbm>>
      tpu.enqueue_dma source(%dma_start3A_102 : memref<4096xi32, #tpu.memory_space<hbm>>) target(%arg23 : memref<4096xi32, #tpu.memory_space<vmem>>) target_semaphore(%arg33 : memref<!tpu.dma_semaphore, #tpu.memory_space<semaphore_mem>>)
      %dma_start3A_103 = tpu.memref_slice %arg8[%mul3A_98] : memref<2097152xf32, #tpu.memory_space<hbm>> -> memref<4096xf32, #tpu.memory_space<hbm>>
      %dma_start3A_104 = tpu.memref_slice %arg8[%mul3A_98] : memref<2097152xf32, #tpu.memory_space<hbm>> -> memref<4096xf32, #tpu.memory_space<hbm>>
      tpu.enqueue_dma source(%dma_start3A_104 : memref<4096xf32, #tpu.memory_space<hbm>>) target(%arg26 : memref<4096xf32, #tpu.memory_space<vmem>>) target_semaphore(%arg33 : memref<!tpu.dma_semaphore, #tpu.memory_space<semaphore_mem>>)
      %dma_start3A_105 = tpu.memref_slice %arg9[%mul3A_98] : memref<2097152xf32, #tpu.memory_space<hbm>> -> memref<4096xf32, #tpu.memory_space<hbm>>
      %dma_start3A_106 = tpu.memref_slice %arg9[%mul3A_98] : memref<2097152xf32, #tpu.memory_space<hbm>> -> memref<4096xf32, #tpu.memory_space<hbm>>
      tpu.enqueue_dma source(%dma_start3A_106 : memref<4096xf32, #tpu.memory_space<hbm>>) target(%arg29 : memref<4096xf32, #tpu.memory_space<vmem>>) target_semaphore(%arg33 : memref<!tpu.dma_semaphore, #tpu.memory_space<semaphore_mem>>)
      %scan3A_107 = arith.constant 0 : i32
      %scan3A_108 = arith.constant 0 : i32
      %scan3A_109 = arith.constant 10 : i32
      %scan3A_110 = arith.addi %scan3A_108, %scan3A_109 : i32
      %scan3A_111 = arith.constant 1 : i32
      scf.for %scan3A_174 = %scan3A_108 to %scan3A_110 step %scan3A_111  : i32 {
        %mul3A_175 = arith.constant 3 : i32
        %mul3A_176 = arith.muli %mul3A_175, %scan3A_174 : i32
        %add3A_177 = arith.constant 0 : i32
        %add3A_178 = arith.addi %mul3A_176, %add3A_177 : i32
        %ge3A = arith.constant 2 : i32
        %ge3A_179 = arith.cmpi sge, %add3A_178, %ge3A : i32
        %convert_element_type3A_180 = arith.extui %ge3A_179 : i1 to i32
        %cond3A_181 = arith.constant 0 : i32
        %cond3A_182 = arith.cmpi ne, %convert_element_type3A_180, %cond3A_181 : i32
        scf.if %cond3A_182 {
          %dma_wait3A_266 = arith.constant 0 : i32
          %dma_wait3A_267 = tpu.memref_slice %arg19[%dma_wait3A_266] : memref<1048576xf32, #tpu.memory_space<vmem_shared>> -> memref<1048576xf32, #tpu.memory_space<vmem_shared>>
          tpu.wait_indirect_dma semaphore(%arg37 : memref<!tpu.dma_semaphore, #tpu.memory_space<semaphore_mem>>) src(%arg27 : memref<4096xf32, #tpu.memory_space<vmem>>) dst(%dma_wait3A_267 : memref<1048576xf32, #tpu.memory_space<vmem_shared>>)
          %dma_wait3A_268 = arith.constant 0 : i32
          %dma_wait3A_269 = tpu.memref_slice %arg19[%dma_wait3A_268] : memref<1048576xf32, #tpu.memory_space<vmem_shared>> -> memref<1048576xf32, #tpu.memory_space<vmem_shared>>
          tpu.wait_indirect_dma semaphore(%arg37 : memref<!tpu.dma_semaphore, #tpu.memory_space<semaphore_mem>>) src(%arg30 : memref<4096xf32, #tpu.memory_space<vmem>>) dst(%dma_wait3A_269 : memref<1048576xf32, #tpu.memory_space<vmem_shared>>)
        } else {
        }
        %add3A_183 = arith.constant 1 : i32
        %add3A_184 = arith.addi %add3A_178, %add3A_183 : i32
        %lt3A = arith.constant 32 : i32
        %lt3A_185 = arith.cmpi slt, %add3A_184, %lt3A : i32
        %convert_element_type3A_186 = arith.extui %lt3A_185 : i1 to i32
        %cond3A_187 = arith.constant 0 : i32
        %cond3A_188 = arith.cmpi ne, %convert_element_type3A_186, %cond3A_187 : i32
        scf.if %cond3A_188 {
          %add3A_266 = arith.constant 1 : i32
          %add3A_267 = arith.addi %add3A_178, %add3A_266 : i32
          %mul3A_268 = arith.constant 4096 : i32
          %mul3A_269 = arith.muli %add3A_267, %mul3A_268 : i32
          %add3A_270 = arith.addi %mul3A_98, %mul3A_269 : i32
          %dma_start3A_271 = tpu.memref_slice %arg6[%add3A_270] : memref<2097152xi32, #tpu.memory_space<hbm>> -> memref<4096xi32, #tpu.memory_space<hbm>>
          %dma_start3A_272 = tpu.memref_slice %arg6[%add3A_270] : memref<2097152xi32, #tpu.memory_space<hbm>> -> memref<4096xi32, #tpu.memory_space<hbm>>
          tpu.enqueue_dma source(%dma_start3A_272 : memref<4096xi32, #tpu.memory_space<hbm>>) target(%arg21 : memref<4096xi32, #tpu.memory_space<vmem>>) target_semaphore(%arg34 : memref<!tpu.dma_semaphore, #tpu.memory_space<semaphore_mem>>)
          %dma_start3A_273 = tpu.memref_slice %arg7[%add3A_270] : memref<2097152xi32, #tpu.memory_space<hbm>> -> memref<4096xi32, #tpu.memory_space<hbm>>
          %dma_start3A_274 = tpu.memref_slice %arg7[%add3A_270] : memref<2097152xi32, #tpu.memory_space<hbm>> -> memref<4096xi32, #tpu.memory_space<hbm>>
          tpu.enqueue_dma source(%dma_start3A_274 : memref<4096xi32, #tpu.memory_space<hbm>>) target(%arg24 : memref<4096xi32, #tpu.memory_space<vmem>>) target_semaphore(%arg34 : memref<!tpu.dma_semaphore, #tpu.memory_space<semaphore_mem>>)
          %dma_start3A_275 = tpu.memref_slice %arg8[%add3A_270] : memref<2097152xf32, #tpu.memory_space<hbm>> -> memref<4096xf32, #tpu.memory_space<hbm>>
          %dma_start3A_276 = tpu.memref_slice %arg8[%add3A_270] : memref<2097152xf32, #tpu.memory_space<hbm>> -> memref<4096xf32, #tpu.memory_space<hbm>>
          tpu.enqueue_dma source(%dma_start3A_276 : memref<4096xf32, #tpu.memory_space<hbm>>) target(%arg27 : memref<4096xf32, #tpu.memory_space<vmem>>) target_semaphore(%arg34 : memref<!tpu.dma_semaphore, #tpu.memory_space<semaphore_mem>>)
          %dma_start3A_277 = tpu.memref_slice %arg9[%add3A_270] : memref<2097152xf32, #tpu.memory_space<hbm>> -> memref<4096xf32, #tpu.memory_space<hbm>>
          %dma_start3A_278 = tpu.memref_slice %arg9[%add3A_270] : memref<2097152xf32, #tpu.memory_space<hbm>> -> memref<4096xf32, #tpu.memory_space<hbm>>
          tpu.enqueue_dma source(%dma_start3A_278 : memref<4096xf32, #tpu.memory_space<hbm>>) target(%arg30 : memref<4096xf32, #tpu.memory_space<vmem>>) target_semaphore(%arg34 : memref<!tpu.dma_semaphore, #tpu.memory_space<semaphore_mem>>)
        } else {
        }
        %mul3A_189 = arith.constant 4096 : i32
        %mul3A_190 = arith.muli %add3A_178, %mul3A_189 : i32
        %add3A_191 = arith.addi %mul3A_98, %mul3A_190 : i32
        %dma_wait3A_192 = tpu.memref_slice %arg6[%add3A_191] : memref<2097152xi32, #tpu.memory_space<hbm>> -> memref<4096xi32, #tpu.memory_space<hbm>>
        %dma_wait3A_193 = tpu.memref_slice %arg6[%add3A_191] : memref<2097152xi32, #tpu.memory_space<hbm>> -> memref<4096xi32, #tpu.memory_space<hbm>>
        tpu.wait_dma2 semaphore(%arg33 : memref<!tpu.dma_semaphore, #tpu.memory_space<semaphore_mem>>) src(%dma_wait3A_193 : memref<4096xi32, #tpu.memory_space<hbm>>) dst(%arg20 : memref<4096xi32, #tpu.memory_space<vmem>>)
        %dma_wait3A_194 = tpu.memref_slice %arg7[%add3A_191] : memref<2097152xi32, #tpu.memory_space<hbm>> -> memref<4096xi32, #tpu.memory_space<hbm>>
        %dma_wait3A_195 = tpu.memref_slice %arg7[%add3A_191] : memref<2097152xi32, #tpu.memory_space<hbm>> -> memref<4096xi32, #tpu.memory_space<hbm>>
        tpu.wait_dma2 semaphore(%arg33 : memref<!tpu.dma_semaphore, #tpu.memory_space<semaphore_mem>>) src(%dma_wait3A_195 : memref<4096xi32, #tpu.memory_space<hbm>>) dst(%arg23 : memref<4096xi32, #tpu.memory_space<vmem>>)
        %dma_wait3A_196 = tpu.memref_slice %arg8[%add3A_191] : memref<2097152xf32, #tpu.memory_space<hbm>> -> memref<4096xf32, #tpu.memory_space<hbm>>
        %dma_wait3A_197 = tpu.memref_slice %arg8[%add3A_191] : memref<2097152xf32, #tpu.memory_space<hbm>> -> memref<4096xf32, #tpu.memory_space<hbm>>
        tpu.wait_dma2 semaphore(%arg33 : memref<!tpu.dma_semaphore, #tpu.memory_space<semaphore_mem>>) src(%dma_wait3A_197 : memref<4096xf32, #tpu.memory_space<hbm>>) dst(%arg26 : memref<4096xf32, #tpu.memory_space<vmem>>)
        %dma_wait3A_198 = tpu.memref_slice %arg9[%add3A_191] : memref<2097152xf32, #tpu.memory_space<hbm>> -> memref<4096xf32, #tpu.memory_space<hbm>>
        %dma_wait3A_199 = tpu.memref_slice %arg9[%add3A_191] : memref<2097152xf32, #tpu.memory_space<hbm>> -> memref<4096xf32, #tpu.memory_space<hbm>>
        tpu.wait_dma2 semaphore(%arg33 : memref<!tpu.dma_semaphore, #tpu.memory_space<semaphore_mem>>) src(%dma_wait3A_199 : memref<4096xf32, #tpu.memory_space<hbm>>) dst(%arg29 : memref<4096xf32, #tpu.memory_space<vmem>>)
        %dma_start3A_200 = arith.constant 0 : i32
        %dma_start3A_201 = tpu.memref_slice %arg19[%dma_start3A_200] : memref<1048576xf32, #tpu.memory_space<vmem_shared>> -> memref<1048576xf32, #tpu.memory_space<vmem_shared>>
        tpu.enqueue_indirect_dma source(%arg26 : memref<4096xf32, #tpu.memory_space<vmem>>) target(%dma_start3A_201 : memref<1048576xf32, #tpu.memory_space<vmem_shared>>) offsets(%arg20 : memref<4096xi32, #tpu.memory_space<vmem>>) semaphore(%arg36 : memref<!tpu.dma_semaphore, #tpu.memory_space<semaphore_mem>>) {add = true}
        %dma_start3A_202 = arith.constant 0 : i32
        %dma_start3A_203 = tpu.memref_slice %arg19[%dma_start3A_202] : memref<1048576xf32, #tpu.memory_space<vmem_shared>> -> memref<1048576xf32, #tpu.memory_space<vmem_shared>>
        tpu.enqueue_indirect_dma source(%arg29 : memref<4096xf32, #tpu.memory_space<vmem>>) target(%dma_start3A_203 : memref<1048576xf32, #tpu.memory_space<vmem_shared>>) offsets(%arg23 : memref<4096xi32, #tpu.memory_space<vmem>>) semaphore(%arg36 : memref<!tpu.dma_semaphore, #tpu.memory_space<semaphore_mem>>) {add = true}
        %mul3A_204 = arith.constant 3 : i32
        %mul3A_205 = arith.muli %mul3A_204, %scan3A_174 : i32
        %add3A_206 = arith.constant 1 : i32
        %add3A_207 = arith.addi %mul3A_205, %add3A_206 : i32
        %ge3A_208 = arith.constant 2 : i32
        %ge3A_209 = arith.cmpi sge, %add3A_207, %ge3A_208 : i32
        %convert_element_type3A_210 = arith.extui %ge3A_209 : i1 to i32
        %cond3A_211 = arith.constant 0 : i32
        %cond3A_212 = arith.cmpi ne, %convert_element_type3A_210, %cond3A_211 : i32
        scf.if %cond3A_212 {
          %dma_wait3A_266 = arith.constant 0 : i32
          %dma_wait3A_267 = tpu.memref_slice %arg19[%dma_wait3A_266] : memref<1048576xf32, #tpu.memory_space<vmem_shared>> -> memref<1048576xf32, #tpu.memory_space<vmem_shared>>
          tpu.wait_indirect_dma semaphore(%arg38 : memref<!tpu.dma_semaphore, #tpu.memory_space<semaphore_mem>>) src(%arg28 : memref<4096xf32, #tpu.memory_space<vmem>>) dst(%dma_wait3A_267 : memref<1048576xf32, #tpu.memory_space<vmem_shared>>)
          %dma_wait3A_268 = arith.constant 0 : i32
          %dma_wait3A_269 = tpu.memref_slice %arg19[%dma_wait3A_268] : memref<1048576xf32, #tpu.memory_space<vmem_shared>> -> memref<1048576xf32, #tpu.memory_space<vmem_shared>>
          tpu.wait_indirect_dma semaphore(%arg38 : memref<!tpu.dma_semaphore, #tpu.memory_space<semaphore_mem>>) src(%arg31 : memref<4096xf32, #tpu.memory_space<vmem>>) dst(%dma_wait3A_269 : memref<1048576xf32, #tpu.memory_space<vmem_shared>>)
        } else {
        }
        %add3A_213 = arith.constant 1 : i32
        %add3A_214 = arith.addi %add3A_207, %add3A_213 : i32
        %lt3A_215 = arith.constant 32 : i32
        %lt3A_216 = arith.cmpi slt, %add3A_214, %lt3A_215 : i32
        %convert_element_type3A_217 = arith.extui %lt3A_216 : i1 to i32
        %cond3A_218 = arith.constant 0 : i32
        %cond3A_219 = arith.cmpi ne, %convert_element_type3A_217, %cond3A_218 : i32
        scf.if %cond3A_219 {
          %add3A_266 = arith.constant 1 : i32
          %add3A_267 = arith.addi %add3A_207, %add3A_266 : i32
          %mul3A_268 = arith.constant 4096 : i32
          %mul3A_269 = arith.muli %add3A_267, %mul3A_268 : i32
          %add3A_270 = arith.addi %mul3A_98, %mul3A_269 : i32
          %dma_start3A_271 = tpu.memref_slice %arg6[%add3A_270] : memref<2097152xi32, #tpu.memory_space<hbm>> -> memref<4096xi32, #tpu.memory_space<hbm>>
          %dma_start3A_272 = tpu.memref_slice %arg6[%add3A_270] : memref<2097152xi32, #tpu.memory_space<hbm>> -> memref<4096xi32, #tpu.memory_space<hbm>>
          tpu.enqueue_dma source(%dma_start3A_272 : memref<4096xi32, #tpu.memory_space<hbm>>) target(%arg22 : memref<4096xi32, #tpu.memory_space<vmem>>) target_semaphore(%arg35 : memref<!tpu.dma_semaphore, #tpu.memory_space<semaphore_mem>>)
          %dma_start3A_273 = tpu.memref_slice %arg7[%add3A_270] : memref<2097152xi32, #tpu.memory_space<hbm>> -> memref<4096xi32, #tpu.memory_space<hbm>>
          %dma_start3A_274 = tpu.memref_slice %arg7[%add3A_270] : memref<2097152xi32, #tpu.memory_space<hbm>> -> memref<4096xi32, #tpu.memory_space<hbm>>
          tpu.enqueue_dma source(%dma_start3A_274 : memref<4096xi32, #tpu.memory_space<hbm>>) target(%arg25 : memref<4096xi32, #tpu.memory_space<vmem>>) target_semaphore(%arg35 : memref<!tpu.dma_semaphore, #tpu.memory_space<semaphore_mem>>)
          %dma_start3A_275 = tpu.memref_slice %arg8[%add3A_270] : memref<2097152xf32, #tpu.memory_space<hbm>> -> memref<4096xf32, #tpu.memory_space<hbm>>
          %dma_start3A_276 = tpu.memref_slice %arg8[%add3A_270] : memref<2097152xf32, #tpu.memory_space<hbm>> -> memref<4096xf32, #tpu.memory_space<hbm>>
          tpu.enqueue_dma source(%dma_start3A_276 : memref<4096xf32, #tpu.memory_space<hbm>>) target(%arg28 : memref<4096xf32, #tpu.memory_space<vmem>>) target_semaphore(%arg35 : memref<!tpu.dma_semaphore, #tpu.memory_space<semaphore_mem>>)
          %dma_start3A_277 = tpu.memref_slice %arg9[%add3A_270] : memref<2097152xf32, #tpu.memory_space<hbm>> -> memref<4096xf32, #tpu.memory_space<hbm>>
          %dma_start3A_278 = tpu.memref_slice %arg9[%add3A_270] : memref<2097152xf32, #tpu.memory_space<hbm>> -> memref<4096xf32, #tpu.memory_space<hbm>>
          tpu.enqueue_dma source(%dma_start3A_278 : memref<4096xf32, #tpu.memory_space<hbm>>) target(%arg31 : memref<4096xf32, #tpu.memory_space<vmem>>) target_semaphore(%arg35 : memref<!tpu.dma_semaphore, #tpu.memory_space<semaphore_mem>>)
        } else {
        }
        %mul3A_220 = arith.constant 4096 : i32
        %mul3A_221 = arith.muli %add3A_207, %mul3A_220 : i32
        %add3A_222 = arith.addi %mul3A_98, %mul3A_221 : i32
        %dma_wait3A_223 = tpu.memref_slice %arg6[%add3A_222] : memref<2097152xi32, #tpu.memory_space<hbm>> -> memref<4096xi32, #tpu.memory_space<hbm>>
        %dma_wait3A_224 = tpu.memref_slice %arg6[%add3A_222] : memref<2097152xi32, #tpu.memory_space<hbm>> -> memref<4096xi32, #tpu.memory_space<hbm>>
        tpu.wait_dma2 semaphore(%arg34 : memref<!tpu.dma_semaphore, #tpu.memory_space<semaphore_mem>>) src(%dma_wait3A_224 : memref<4096xi32, #tpu.memory_space<hbm>>) dst(%arg21 : memref<4096xi32, #tpu.memory_space<vmem>>)
        %dma_wait3A_225 = tpu.memref_slice %arg7[%add3A_222] : memref<2097152xi32, #tpu.memory_space<hbm>> -> memref<4096xi32, #tpu.memory_space<hbm>>
        %dma_wait3A_226 = tpu.memref_slice %arg7[%add3A_222] : memref<2097152xi32, #tpu.memory_space<hbm>> -> memref<4096xi32, #tpu.memory_space<hbm>>
        tpu.wait_dma2 semaphore(%arg34 : memref<!tpu.dma_semaphore, #tpu.memory_space<semaphore_mem>>) src(%dma_wait3A_226 : memref<4096xi32, #tpu.memory_space<hbm>>) dst(%arg24 : memref<4096xi32, #tpu.memory_space<vmem>>)
        %dma_wait3A_227 = tpu.memref_slice %arg8[%add3A_222] : memref<2097152xf32, #tpu.memory_space<hbm>> -> memref<4096xf32, #tpu.memory_space<hbm>>
        %dma_wait3A_228 = tpu.memref_slice %arg8[%add3A_222] : memref<2097152xf32, #tpu.memory_space<hbm>> -> memref<4096xf32, #tpu.memory_space<hbm>>
        tpu.wait_dma2 semaphore(%arg34 : memref<!tpu.dma_semaphore, #tpu.memory_space<semaphore_mem>>) src(%dma_wait3A_228 : memref<4096xf32, #tpu.memory_space<hbm>>) dst(%arg27 : memref<4096xf32, #tpu.memory_space<vmem>>)
        %dma_wait3A_229 = tpu.memref_slice %arg9[%add3A_222] : memref<2097152xf32, #tpu.memory_space<hbm>> -> memref<4096xf32, #tpu.memory_space<hbm>>
        %dma_wait3A_230 = tpu.memref_slice %arg9[%add3A_222] : memref<2097152xf32, #tpu.memory_space<hbm>> -> memref<4096xf32, #tpu.memory_space<hbm>>
        tpu.wait_dma2 semaphore(%arg34 : memref<!tpu.dma_semaphore, #tpu.memory_space<semaphore_mem>>) src(%dma_wait3A_230 : memref<4096xf32, #tpu.memory_space<hbm>>) dst(%arg30 : memref<4096xf32, #tpu.memory_space<vmem>>)
        %dma_start3A_231 = arith.constant 0 : i32
        %dma_start3A_232 = tpu.memref_slice %arg19[%dma_start3A_231] : memref<1048576xf32, #tpu.memory_space<vmem_shared>> -> memref<1048576xf32, #tpu.memory_space<vmem_shared>>
        tpu.enqueue_indirect_dma source(%arg27 : memref<4096xf32, #tpu.memory_space<vmem>>) target(%dma_start3A_232 : memref<1048576xf32, #tpu.memory_space<vmem_shared>>) offsets(%arg21 : memref<4096xi32, #tpu.memory_space<vmem>>) semaphore(%arg37 : memref<!tpu.dma_semaphore, #tpu.memory_space<semaphore_mem>>) {add = true}
        %dma_start3A_233 = arith.constant 0 : i32
        %dma_start3A_234 = tpu.memref_slice %arg19[%dma_start3A_233] : memref<1048576xf32, #tpu.memory_space<vmem_shared>> -> memref<1048576xf32, #tpu.memory_space<vmem_shared>>
        tpu.enqueue_indirect_dma source(%arg30 : memref<4096xf32, #tpu.memory_space<vmem>>) target(%dma_start3A_234 : memref<1048576xf32, #tpu.memory_space<vmem_shared>>) offsets(%arg24 : memref<4096xi32, #tpu.memory_space<vmem>>) semaphore(%arg37 : memref<!tpu.dma_semaphore, #tpu.memory_space<semaphore_mem>>) {add = true}
        %mul3A_235 = arith.constant 3 : i32
        %mul3A_236 = arith.muli %mul3A_235, %scan3A_174 : i32
        %add3A_237 = arith.constant 2 : i32
        %add3A_238 = arith.addi %mul3A_236, %add3A_237 : i32
        %ge3A_239 = arith.constant 2 : i32
        %ge3A_240 = arith.cmpi sge, %add3A_238, %ge3A_239 : i32
        %convert_element_type3A_241 = arith.extui %ge3A_240 : i1 to i32
        %cond3A_242 = arith.constant 0 : i32
        %cond3A_243 = arith.cmpi ne, %convert_element_type3A_241, %cond3A_242 : i32
        scf.if %cond3A_243 {
          %dma_wait3A_266 = arith.constant 0 : i32
          %dma_wait3A_267 = tpu.memref_slice %arg19[%dma_wait3A_266] : memref<1048576xf32, #tpu.memory_space<vmem_shared>> -> memref<1048576xf32, #tpu.memory_space<vmem_shared>>
          tpu.wait_indirect_dma semaphore(%arg36 : memref<!tpu.dma_semaphore, #tpu.memory_space<semaphore_mem>>) src(%arg26 : memref<4096xf32, #tpu.memory_space<vmem>>) dst(%dma_wait3A_267 : memref<1048576xf32, #tpu.memory_space<vmem_shared>>)
          %dma_wait3A_268 = arith.constant 0 : i32
          %dma_wait3A_269 = tpu.memref_slice %arg19[%dma_wait3A_268] : memref<1048576xf32, #tpu.memory_space<vmem_shared>> -> memref<1048576xf32, #tpu.memory_space<vmem_shared>>
          tpu.wait_indirect_dma semaphore(%arg36 : memref<!tpu.dma_semaphore, #tpu.memory_space<semaphore_mem>>) src(%arg29 : memref<4096xf32, #tpu.memory_space<vmem>>) dst(%dma_wait3A_269 : memref<1048576xf32, #tpu.memory_space<vmem_shared>>)
        } else {
        }
        %add3A_244 = arith.constant 1 : i32
        %add3A_245 = arith.addi %add3A_238, %add3A_244 : i32
        %lt3A_246 = arith.constant 32 : i32
        %lt3A_247 = arith.cmpi slt, %add3A_245, %lt3A_246 : i32
        %convert_element_type3A_248 = arith.extui %lt3A_247 : i1 to i32
        %cond3A_249 = arith.constant 0 : i32
        %cond3A_250 = arith.cmpi ne, %convert_element_type3A_248, %cond3A_249 : i32
        scf.if %cond3A_250 {
          %add3A_266 = arith.constant 1 : i32
          %add3A_267 = arith.addi %add3A_238, %add3A_266 : i32
          %mul3A_268 = arith.constant 4096 : i32
          %mul3A_269 = arith.muli %add3A_267, %mul3A_268 : i32
          %add3A_270 = arith.addi %mul3A_98, %mul3A_269 : i32
          %dma_start3A_271 = tpu.memref_slice %arg6[%add3A_270] : memref<2097152xi32, #tpu.memory_space<hbm>> -> memref<4096xi32, #tpu.memory_space<hbm>>
          %dma_start3A_272 = tpu.memref_slice %arg6[%add3A_270] : memref<2097152xi32, #tpu.memory_space<hbm>> -> memref<4096xi32, #tpu.memory_space<hbm>>
          tpu.enqueue_dma source(%dma_start3A_272 : memref<4096xi32, #tpu.memory_space<hbm>>) target(%arg20 : memref<4096xi32, #tpu.memory_space<vmem>>) target_semaphore(%arg33 : memref<!tpu.dma_semaphore, #tpu.memory_space<semaphore_mem>>)
          %dma_start3A_273 = tpu.memref_slice %arg7[%add3A_270] : memref<2097152xi32, #tpu.memory_space<hbm>> -> memref<4096xi32, #tpu.memory_space<hbm>>
          %dma_start3A_274 = tpu.memref_slice %arg7[%add3A_270] : memref<2097152xi32, #tpu.memory_space<hbm>> -> memref<4096xi32, #tpu.memory_space<hbm>>
          tpu.enqueue_dma source(%dma_start3A_274 : memref<4096xi32, #tpu.memory_space<hbm>>) target(%arg23 : memref<4096xi32, #tpu.memory_space<vmem>>) target_semaphore(%arg33 : memref<!tpu.dma_semaphore, #tpu.memory_space<semaphore_mem>>)
          %dma_start3A_275 = tpu.memref_slice %arg8[%add3A_270] : memref<2097152xf32, #tpu.memory_space<hbm>> -> memref<4096xf32, #tpu.memory_space<hbm>>
          %dma_start3A_276 = tpu.memref_slice %arg8[%add3A_270] : memref<2097152xf32, #tpu.memory_space<hbm>> -> memref<4096xf32, #tpu.memory_space<hbm>>
          tpu.enqueue_dma source(%dma_start3A_276 : memref<4096xf32, #tpu.memory_space<hbm>>) target(%arg26 : memref<4096xf32, #tpu.memory_space<vmem>>) target_semaphore(%arg33 : memref<!tpu.dma_semaphore, #tpu.memory_space<semaphore_mem>>)
          %dma_start3A_277 = tpu.memref_slice %arg9[%add3A_270] : memref<2097152xf32, #tpu.memory_space<hbm>> -> memref<4096xf32, #tpu.memory_space<hbm>>
          %dma_start3A_278 = tpu.memref_slice %arg9[%add3A_270] : memref<2097152xf32, #tpu.memory_space<hbm>> -> memref<4096xf32, #tpu.memory_space<hbm>>
          tpu.enqueue_dma source(%dma_start3A_278 : memref<4096xf32, #tpu.memory_space<hbm>>) target(%arg29 : memref<4096xf32, #tpu.memory_space<vmem>>) target_semaphore(%arg33 : memref<!tpu.dma_semaphore, #tpu.memory_space<semaphore_mem>>)
        } else {
        }
        %mul3A_251 = arith.constant 4096 : i32
        %mul3A_252 = arith.muli %add3A_238, %mul3A_251 : i32
        %add3A_253 = arith.addi %mul3A_98, %mul3A_252 : i32
        %dma_wait3A_254 = tpu.memref_slice %arg6[%add3A_253] : memref<2097152xi32, #tpu.memory_space<hbm>> -> memref<4096xi32, #tpu.memory_space<hbm>>
        %dma_wait3A_255 = tpu.memref_slice %arg6[%add3A_253] : memref<2097152xi32, #tpu.memory_space<hbm>> -> memref<4096xi32, #tpu.memory_space<hbm>>
        tpu.wait_dma2 semaphore(%arg35 : memref<!tpu.dma_semaphore, #tpu.memory_space<semaphore_mem>>) src(%dma_wait3A_255 : memref<4096xi32, #tpu.memory_space<hbm>>) dst(%arg22 : memref<4096xi32, #tpu.memory_space<vmem>>)
        %dma_wait3A_256 = tpu.memref_slice %arg7[%add3A_253] : memref<2097152xi32, #tpu.memory_space<hbm>> -> memref<4096xi32, #tpu.memory_space<hbm>>
        %dma_wait3A_257 = tpu.memref_slice %arg7[%add3A_253] : memref<2097152xi32, #tpu.memory_space<hbm>> -> memref<4096xi32, #tpu.memory_space<hbm>>
        tpu.wait_dma2 semaphore(%arg35 : memref<!tpu.dma_semaphore, #tpu.memory_space<semaphore_mem>>) src(%dma_wait3A_257 : memref<4096xi32, #tpu.memory_space<hbm>>) dst(%arg25 : memref<4096xi32, #tpu.memory_space<vmem>>)
        %dma_wait3A_258 = tpu.memref_slice %arg8[%add3A_253] : memref<2097152xf32, #tpu.memory_space<hbm>> -> memref<4096xf32, #tpu.memory_space<hbm>>
        %dma_wait3A_259 = tpu.memref_slice %arg8[%add3A_253] : memref<2097152xf32, #tpu.memory_space<hbm>> -> memref<4096xf32, #tpu.memory_space<hbm>>
        tpu.wait_dma2 semaphore(%arg35 : memref<!tpu.dma_semaphore, #tpu.memory_space<semaphore_mem>>) src(%dma_wait3A_259 : memref<4096xf32, #tpu.memory_space<hbm>>) dst(%arg28 : memref<4096xf32, #tpu.memory_space<vmem>>)
        %dma_wait3A_260 = tpu.memref_slice %arg9[%add3A_253] : memref<2097152xf32, #tpu.memory_space<hbm>> -> memref<4096xf32, #tpu.memory_space<hbm>>
        %dma_wait3A_261 = tpu.memref_slice %arg9[%add3A_253] : memref<2097152xf32, #tpu.memory_space<hbm>> -> memref<4096xf32, #tpu.memory_space<hbm>>
        tpu.wait_dma2 semaphore(%arg35 : memref<!tpu.dma_semaphore, #tpu.memory_space<semaphore_mem>>) src(%dma_wait3A_261 : memref<4096xf32, #tpu.memory_space<hbm>>) dst(%arg31 : memref<4096xf32, #tpu.memory_space<vmem>>)
        %dma_start3A_262 = arith.constant 0 : i32
        %dma_start3A_263 = tpu.memref_slice %arg19[%dma_start3A_262] : memref<1048576xf32, #tpu.memory_space<vmem_shared>> -> memref<1048576xf32, #tpu.memory_space<vmem_shared>>
        tpu.enqueue_indirect_dma source(%arg28 : memref<4096xf32, #tpu.memory_space<vmem>>) target(%dma_start3A_263 : memref<1048576xf32, #tpu.memory_space<vmem_shared>>) offsets(%arg22 : memref<4096xi32, #tpu.memory_space<vmem>>) semaphore(%arg38 : memref<!tpu.dma_semaphore, #tpu.memory_space<semaphore_mem>>) {add = true}
        %dma_start3A_264 = arith.constant 0 : i32
        %dma_start3A_265 = tpu.memref_slice %arg19[%dma_start3A_264] : memref<1048576xf32, #tpu.memory_space<vmem_shared>> -> memref<1048576xf32, #tpu.memory_space<vmem_shared>>
        tpu.enqueue_indirect_dma source(%arg31 : memref<4096xf32, #tpu.memory_space<vmem>>) target(%dma_start3A_265 : memref<1048576xf32, #tpu.memory_space<vmem_shared>>) offsets(%arg25 : memref<4096xi32, #tpu.memory_space<vmem>>) semaphore(%arg38 : memref<!tpu.dma_semaphore, #tpu.memory_space<semaphore_mem>>) {add = true}
      }
      %scan3A_112 = arith.constant 10 : i32
      %dma_wait3A_113 = arith.constant 0 : i32
      %dma_wait3A_114 = tpu.memref_slice %arg19[%dma_wait3A_113] : memref<1048576xf32, #tpu.memory_space<vmem_shared>> -> memref<1048576xf32, #tpu.memory_space<vmem_shared>>
      tpu.wait_indirect_dma semaphore(%arg37 : memref<!tpu.dma_semaphore, #tpu.memory_space<semaphore_mem>>) src(%arg27 : memref<4096xf32, #tpu.memory_space<vmem>>) dst(%dma_wait3A_114 : memref<1048576xf32, #tpu.memory_space<vmem_shared>>)
      %dma_wait3A_115 = arith.constant 0 : i32
      %dma_wait3A_116 = tpu.memref_slice %arg19[%dma_wait3A_115] : memref<1048576xf32, #tpu.memory_space<vmem_shared>> -> memref<1048576xf32, #tpu.memory_space<vmem_shared>>
      tpu.wait_indirect_dma semaphore(%arg37 : memref<!tpu.dma_semaphore, #tpu.memory_space<semaphore_mem>>) src(%arg30 : memref<4096xf32, #tpu.memory_space<vmem>>) dst(%dma_wait3A_116 : memref<1048576xf32, #tpu.memory_space<vmem_shared>>)
      %add3A_117 = arith.constant 126976 : i32
      %add3A_118 = arith.addi %mul3A_98, %add3A_117 : i32
      %dma_start3A_119 = tpu.memref_slice %arg6[%add3A_118] : memref<2097152xi32, #tpu.memory_space<hbm>> -> memref<4096xi32, #tpu.memory_space<hbm>>
      %dma_start3A_120 = tpu.memref_slice %arg6[%add3A_118] : memref<2097152xi32, #tpu.memory_space<hbm>> -> memref<4096xi32, #tpu.memory_space<hbm>>
      tpu.enqueue_dma source(%dma_start3A_120 : memref<4096xi32, #tpu.memory_space<hbm>>) target(%arg21 : memref<4096xi32, #tpu.memory_space<vmem>>) target_semaphore(%arg34 : memref<!tpu.dma_semaphore, #tpu.memory_space<semaphore_mem>>)
      %dma_start3A_121 = tpu.memref_slice %arg7[%add3A_118] : memref<2097152xi32, #tpu.memory_space<hbm>> -> memref<4096xi32, #tpu.memory_space<hbm>>
      %dma_start3A_122 = tpu.memref_slice %arg7[%add3A_118] : memref<2097152xi32, #tpu.memory_space<hbm>> -> memref<4096xi32, #tpu.memory_space<hbm>>
      tpu.enqueue_dma source(%dma_start3A_122 : memref<4096xi32, #tpu.memory_space<hbm>>) target(%arg24 : memref<4096xi32, #tpu.memory_space<vmem>>) target_semaphore(%arg34 : memref<!tpu.dma_semaphore, #tpu.memory_space<semaphore_mem>>)
      %dma_start3A_123 = tpu.memref_slice %arg8[%add3A_118] : memref<2097152xf32, #tpu.memory_space<hbm>> -> memref<4096xf32, #tpu.memory_space<hbm>>
      %dma_start3A_124 = tpu.memref_slice %arg8[%add3A_118] : memref<2097152xf32, #tpu.memory_space<hbm>> -> memref<4096xf32, #tpu.memory_space<hbm>>
      tpu.enqueue_dma source(%dma_start3A_124 : memref<4096xf32, #tpu.memory_space<hbm>>) target(%arg27 : memref<4096xf32, #tpu.memory_space<vmem>>) target_semaphore(%arg34 : memref<!tpu.dma_semaphore, #tpu.memory_space<semaphore_mem>>)
      %dma_start3A_125 = tpu.memref_slice %arg9[%add3A_118] : memref<2097152xf32, #tpu.memory_space<hbm>> -> memref<4096xf32, #tpu.memory_space<hbm>>
      %dma_start3A_126 = tpu.memref_slice %arg9[%add3A_118] : memref<2097152xf32, #tpu.memory_space<hbm>> -> memref<4096xf32, #tpu.memory_space<hbm>>
      tpu.enqueue_dma source(%dma_start3A_126 : memref<4096xf32, #tpu.memory_space<hbm>>) target(%arg30 : memref<4096xf32, #tpu.memory_space<vmem>>) target_semaphore(%arg34 : memref<!tpu.dma_semaphore, #tpu.memory_space<semaphore_mem>>)
      %add3A_127 = arith.constant 122880 : i32
      %add3A_128 = arith.addi %mul3A_98, %add3A_127 : i32
      %dma_wait3A_129 = tpu.memref_slice %arg6[%add3A_128] : memref<2097152xi32, #tpu.memory_space<hbm>> -> memref<4096xi32, #tpu.memory_space<hbm>>
      %dma_wait3A_130 = tpu.memref_slice %arg6[%add3A_128] : memref<2097152xi32, #tpu.memory_space<hbm>> -> memref<4096xi32, #tpu.memory_space<hbm>>
      tpu.wait_dma2 semaphore(%arg33 : memref<!tpu.dma_semaphore, #tpu.memory_space<semaphore_mem>>) src(%dma_wait3A_130 : memref<4096xi32, #tpu.memory_space<hbm>>) dst(%arg20 : memref<4096xi32, #tpu.memory_space<vmem>>)
      %dma_wait3A_131 = tpu.memref_slice %arg7[%add3A_128] : memref<2097152xi32, #tpu.memory_space<hbm>> -> memref<4096xi32, #tpu.memory_space<hbm>>
      %dma_wait3A_132 = tpu.memref_slice %arg7[%add3A_128] : memref<2097152xi32, #tpu.memory_space<hbm>> -> memref<4096xi32, #tpu.memory_space<hbm>>
      tpu.wait_dma2 semaphore(%arg33 : memref<!tpu.dma_semaphore, #tpu.memory_space<semaphore_mem>>) src(%dma_wait3A_132 : memref<4096xi32, #tpu.memory_space<hbm>>) dst(%arg23 : memref<4096xi32, #tpu.memory_space<vmem>>)
      %dma_wait3A_133 = tpu.memref_slice %arg8[%add3A_128] : memref<2097152xf32, #tpu.memory_space<hbm>> -> memref<4096xf32, #tpu.memory_space<hbm>>
      %dma_wait3A_134 = tpu.memref_slice %arg8[%add3A_128] : memref<2097152xf32, #tpu.memory_space<hbm>> -> memref<4096xf32, #tpu.memory_space<hbm>>
      tpu.wait_dma2 semaphore(%arg33 : memref<!tpu.dma_semaphore, #tpu.memory_space<semaphore_mem>>) src(%dma_wait3A_134 : memref<4096xf32, #tpu.memory_space<hbm>>) dst(%arg26 : memref<4096xf32, #tpu.memory_space<vmem>>)
      %dma_wait3A_135 = tpu.memref_slice %arg9[%add3A_128] : memref<2097152xf32, #tpu.memory_space<hbm>> -> memref<4096xf32, #tpu.memory_space<hbm>>
      %dma_wait3A_136 = tpu.memref_slice %arg9[%add3A_128] : memref<2097152xf32, #tpu.memory_space<hbm>> -> memref<4096xf32, #tpu.memory_space<hbm>>
      tpu.wait_dma2 semaphore(%arg33 : memref<!tpu.dma_semaphore, #tpu.memory_space<semaphore_mem>>) src(%dma_wait3A_136 : memref<4096xf32, #tpu.memory_space<hbm>>) dst(%arg29 : memref<4096xf32, #tpu.memory_space<vmem>>)
      %dma_start3A_137 = arith.constant 0 : i32
      %dma_start3A_138 = tpu.memref_slice %arg19[%dma_start3A_137] : memref<1048576xf32, #tpu.memory_space<vmem_shared>> -> memref<1048576xf32, #tpu.memory_space<vmem_shared>>
      tpu.enqueue_indirect_dma source(%arg26 : memref<4096xf32, #tpu.memory_space<vmem>>) target(%dma_start3A_138 : memref<1048576xf32, #tpu.memory_space<vmem_shared>>) offsets(%arg20 : memref<4096xi32, #tpu.memory_space<vmem>>) semaphore(%arg36 : memref<!tpu.dma_semaphore, #tpu.memory_space<semaphore_mem>>) {add = true}
      %dma_start3A_139 = arith.constant 0 : i32
      %dma_start3A_140 = tpu.memref_slice %arg19[%dma_start3A_139] : memref<1048576xf32, #tpu.memory_space<vmem_shared>> -> memref<1048576xf32, #tpu.memory_space<vmem_shared>>
      tpu.enqueue_indirect_dma source(%arg29 : memref<4096xf32, #tpu.memory_space<vmem>>) target(%dma_start3A_140 : memref<1048576xf32, #tpu.memory_space<vmem_shared>>) offsets(%arg23 : memref<4096xi32, #tpu.memory_space<vmem>>) semaphore(%arg36 : memref<!tpu.dma_semaphore, #tpu.memory_space<semaphore_mem>>) {add = true}
      %dma_wait3A_141 = arith.constant 0 : i32
      %dma_wait3A_142 = tpu.memref_slice %arg19[%dma_wait3A_141] : memref<1048576xf32, #tpu.memory_space<vmem_shared>> -> memref<1048576xf32, #tpu.memory_space<vmem_shared>>
      tpu.wait_indirect_dma semaphore(%arg38 : memref<!tpu.dma_semaphore, #tpu.memory_space<semaphore_mem>>) src(%arg28 : memref<4096xf32, #tpu.memory_space<vmem>>) dst(%dma_wait3A_142 : memref<1048576xf32, #tpu.memory_space<vmem_shared>>)
      %dma_wait3A_143 = arith.constant 0 : i32
      %dma_wait3A_144 = tpu.memref_slice %arg19[%dma_wait3A_143] : memref<1048576xf32, #tpu.memory_space<vmem_shared>> -> memref<1048576xf32, #tpu.memory_space<vmem_shared>>
      tpu.wait_indirect_dma semaphore(%arg38 : memref<!tpu.dma_semaphore, #tpu.memory_space<semaphore_mem>>) src(%arg31 : memref<4096xf32, #tpu.memory_space<vmem>>) dst(%dma_wait3A_144 : memref<1048576xf32, #tpu.memory_space<vmem_shared>>)
      %add3A_145 = arith.constant 126976 : i32
      %add3A_146 = arith.addi %mul3A_98, %add3A_145 : i32
      %dma_wait3A_147 = tpu.memref_slice %arg6[%add3A_146] : memref<2097152xi32, #tpu.memory_space<hbm>> -> memref<4096xi32, #tpu.memory_space<hbm>>
      %dma_wait3A_148 = tpu.memref_slice %arg6[%add3A_146] : memref<2097152xi32, #tpu.memory_space<hbm>> -> memref<4096xi32, #tpu.memory_space<hbm>>
      tpu.wait_dma2 semaphore(%arg34 : memref<!tpu.dma_semaphore, #tpu.memory_space<semaphore_mem>>) src(%dma_wait3A_148 : memref<4096xi32, #tpu.memory_space<hbm>>) dst(%arg21 : memref<4096xi32, #tpu.memory_space<vmem>>)
      %dma_wait3A_149 = tpu.memref_slice %arg7[%add3A_146] : memref<2097152xi32, #tpu.memory_space<hbm>> -> memref<4096xi32, #tpu.memory_space<hbm>>
      %dma_wait3A_150 = tpu.memref_slice %arg7[%add3A_146] : memref<2097152xi32, #tpu.memory_space<hbm>> -> memref<4096xi32, #tpu.memory_space<hbm>>
      tpu.wait_dma2 semaphore(%arg34 : memref<!tpu.dma_semaphore, #tpu.memory_space<semaphore_mem>>) src(%dma_wait3A_150 : memref<4096xi32, #tpu.memory_space<hbm>>) dst(%arg24 : memref<4096xi32, #tpu.memory_space<vmem>>)
      %dma_wait3A_151 = tpu.memref_slice %arg8[%add3A_146] : memref<2097152xf32, #tpu.memory_space<hbm>> -> memref<4096xf32, #tpu.memory_space<hbm>>
      %dma_wait3A_152 = tpu.memref_slice %arg8[%add3A_146] : memref<2097152xf32, #tpu.memory_space<hbm>> -> memref<4096xf32, #tpu.memory_space<hbm>>
      tpu.wait_dma2 semaphore(%arg34 : memref<!tpu.dma_semaphore, #tpu.memory_space<semaphore_mem>>) src(%dma_wait3A_152 : memref<4096xf32, #tpu.memory_space<hbm>>) dst(%arg27 : memref<4096xf32, #tpu.memory_space<vmem>>)
      %dma_wait3A_153 = tpu.memref_slice %arg9[%add3A_146] : memref<2097152xf32, #tpu.memory_space<hbm>> -> memref<4096xf32, #tpu.memory_space<hbm>>
      %dma_wait3A_154 = tpu.memref_slice %arg9[%add3A_146] : memref<2097152xf32, #tpu.memory_space<hbm>> -> memref<4096xf32, #tpu.memory_space<hbm>>
      tpu.wait_dma2 semaphore(%arg34 : memref<!tpu.dma_semaphore, #tpu.memory_space<semaphore_mem>>) src(%dma_wait3A_154 : memref<4096xf32, #tpu.memory_space<hbm>>) dst(%arg30 : memref<4096xf32, #tpu.memory_space<vmem>>)
      %dma_start3A_155 = arith.constant 0 : i32
      %dma_start3A_156 = tpu.memref_slice %arg19[%dma_start3A_155] : memref<1048576xf32, #tpu.memory_space<vmem_shared>> -> memref<1048576xf32, #tpu.memory_space<vmem_shared>>
      tpu.enqueue_indirect_dma source(%arg27 : memref<4096xf32, #tpu.memory_space<vmem>>) target(%dma_start3A_156 : memref<1048576xf32, #tpu.memory_space<vmem_shared>>) offsets(%arg21 : memref<4096xi32, #tpu.memory_space<vmem>>) semaphore(%arg37 : memref<!tpu.dma_semaphore, #tpu.memory_space<semaphore_mem>>) {add = true}
      %dma_start3A_157 = arith.constant 0 : i32
      %dma_start3A_158 = tpu.memref_slice %arg19[%dma_start3A_157] : memref<1048576xf32, #tpu.memory_space<vmem_shared>> -> memref<1048576xf32, #tpu.memory_space<vmem_shared>>
      tpu.enqueue_indirect_dma source(%arg30 : memref<4096xf32, #tpu.memory_space<vmem>>) target(%dma_start3A_158 : memref<1048576xf32, #tpu.memory_space<vmem_shared>>) offsets(%arg24 : memref<4096xi32, #tpu.memory_space<vmem>>) semaphore(%arg37 : memref<!tpu.dma_semaphore, #tpu.memory_space<semaphore_mem>>) {add = true}
      %dma_wait3A_159 = arith.constant 0 : i32
      %dma_wait3A_160 = tpu.memref_slice %arg19[%dma_wait3A_159] : memref<1048576xf32, #tpu.memory_space<vmem_shared>> -> memref<1048576xf32, #tpu.memory_space<vmem_shared>>
      tpu.wait_indirect_dma semaphore(%arg36 : memref<!tpu.dma_semaphore, #tpu.memory_space<semaphore_mem>>) src(%arg26 : memref<4096xf32, #tpu.memory_space<vmem>>) dst(%dma_wait3A_160 : memref<1048576xf32, #tpu.memory_space<vmem_shared>>)
      %dma_wait3A_161 = arith.constant 0 : i32
      %dma_wait3A_162 = tpu.memref_slice %arg19[%dma_wait3A_161] : memref<1048576xf32, #tpu.memory_space<vmem_shared>> -> memref<1048576xf32, #tpu.memory_space<vmem_shared>>
      tpu.wait_indirect_dma semaphore(%arg36 : memref<!tpu.dma_semaphore, #tpu.memory_space<semaphore_mem>>) src(%arg29 : memref<4096xf32, #tpu.memory_space<vmem>>) dst(%dma_wait3A_162 : memref<1048576xf32, #tpu.memory_space<vmem_shared>>)
      %dma_wait3A_163 = arith.constant 0 : i32
      %dma_wait3A_164 = tpu.memref_slice %arg19[%dma_wait3A_163] : memref<1048576xf32, #tpu.memory_space<vmem_shared>> -> memref<1048576xf32, #tpu.memory_space<vmem_shared>>
      tpu.wait_indirect_dma semaphore(%arg37 : memref<!tpu.dma_semaphore, #tpu.memory_space<semaphore_mem>>) src(%arg27 : memref<4096xf32, #tpu.memory_space<vmem>>) dst(%dma_wait3A_164 : memref<1048576xf32, #tpu.memory_space<vmem_shared>>)
      %dma_wait3A_165 = arith.constant 0 : i32
      %dma_wait3A_166 = tpu.memref_slice %arg19[%dma_wait3A_165] : memref<1048576xf32, #tpu.memory_space<vmem_shared>> -> memref<1048576xf32, #tpu.memory_space<vmem_shared>>
      tpu.wait_indirect_dma semaphore(%arg37 : memref<!tpu.dma_semaphore, #tpu.memory_space<semaphore_mem>>) src(%arg30 : memref<4096xf32, #tpu.memory_space<vmem>>) dst(%dma_wait3A_166 : memref<1048576xf32, #tpu.memory_space<vmem_shared>>)
      %barrier3A_167 = arith.constant 0 : index
      tpu.barrier barrier_id(%barrier3A_167)
      %mul3A_168 = arith.constant 65536 : i32
      %mul3A_169 = arith.muli %arg1, %mul3A_168 : i32
      %mul3A_170 = arith.constant 65536 : i32
      %mul3A_171 = arith.muli %arg1, %mul3A_170 : i32
      %run_scoped3A_172 = arith.constant 0 : i32
      %run_scoped3A_173 = arith.constant 1 : i32
      "tpu.region"() ({
        %run_scoped3A_174 = tpu.sem_alloc : memref<!tpu.dma_semaphore, #tpu.memory_space<semaphore_mem>>
        %dma_start3A_175 = tpu.memref_slice %arg18[%run_scoped3A_172, %run_scoped3A_173, %mul3A_171] : memref<2x2x1048576xf32, #tpu.memory_space<hbm>> -> memref<1x1x65536xf32, #tpu.memory_space<hbm>>
        %dma_start3A_176 = tpu.memref_squeeze %dma_start3A_175 : memref<1x1x65536xf32, #tpu.memory_space<hbm>> -> memref<65536xf32, #tpu.memory_space<hbm>>
        %dma_start3A_177 = tpu.memref_slice %arg19[%mul3A_169] : memref<1048576xf32, #tpu.memory_space<vmem_shared>> -> memref<65536xf32, #tpu.memory_space<vmem_shared>>
        tpu.enqueue_dma source(%dma_start3A_177 : memref<65536xf32, #tpu.memory_space<vmem_shared>>) target(%dma_start3A_176 : memref<65536xf32, #tpu.memory_space<hbm>>) target_semaphore(%run_scoped3A_174 : memref<!tpu.dma_semaphore, #tpu.memory_space<semaphore_mem>>)
        %dma_wait3A_178 = tpu.memref_slice %arg18[%run_scoped3A_172, %run_scoped3A_173, %mul3A_171] : memref<2x2x1048576xf32, #tpu.memory_space<hbm>> -> memref<1x1x65536xf32, #tpu.memory_space<hbm>>
        %dma_wait3A_179 = tpu.memref_squeeze %dma_wait3A_178 : memref<1x1x65536xf32, #tpu.memory_space<hbm>> -> memref<65536xf32, #tpu.memory_space<hbm>>
        %dma_wait3A_180 = tpu.memref_slice %arg19[%mul3A_169] : memref<1048576xf32, #tpu.memory_space<vmem_shared>> -> memref<65536xf32, #tpu.memory_space<vmem_shared>>
        tpu.wait_dma2 semaphore(%run_scoped3A_174 : memref<!tpu.dma_semaphore, #tpu.memory_space<semaphore_mem>>) src(%dma_wait3A_180 : memref<65536xf32, #tpu.memory_space<vmem_shared>>) dst(%dma_wait3A_179 : memref<65536xf32, #tpu.memory_space<hbm>>)
        tpu.yield
      }) : () -> ()
    } else {
    }
    %eq3A_13 = arith.constant 1 : i32
    %eq3A_14 = arith.cmpi eq, %arg0, %eq3A_13 : i32
    %convert_element_type3A_15 = arith.extui %eq3A_14 : i1 to i32
    %cond3A_16 = arith.constant 0 : i32
    %cond3A_17 = arith.cmpi ne, %convert_element_type3A_15, %cond3A_16 : i32
    scf.if %cond3A_17 {
      %mul3A = arith.constant 131072 : i32
      %mul3A_18 = arith.muli %arg1, %mul3A : i32
      %dma_start3A = tpu.memref_slice %arg10[%mul3A_18] : memref<2097152xi32, #tpu.memory_space<hbm>> -> memref<4096xi32, #tpu.memory_space<hbm>>
      %dma_start3A_19 = tpu.memref_slice %arg10[%mul3A_18] : memref<2097152xi32, #tpu.memory_space<hbm>> -> memref<4096xi32, #tpu.memory_space<hbm>>
      tpu.enqueue_dma source(%dma_start3A_19 : memref<4096xi32, #tpu.memory_space<hbm>>) target(%arg20 : memref<4096xi32, #tpu.memory_space<vmem>>) target_semaphore(%arg33 : memref<!tpu.dma_semaphore, #tpu.memory_space<semaphore_mem>>)
      %dma_start3A_20 = tpu.memref_slice %arg11[%mul3A_18] : memref<2097152xi32, #tpu.memory_space<hbm>> -> memref<4096xi32, #tpu.memory_space<hbm>>
      %dma_start3A_21 = tpu.memref_slice %arg11[%mul3A_18] : memref<2097152xi32, #tpu.memory_space<hbm>> -> memref<4096xi32, #tpu.memory_space<hbm>>
      tpu.enqueue_dma source(%dma_start3A_21 : memref<4096xi32, #tpu.memory_space<hbm>>) target(%arg23 : memref<4096xi32, #tpu.memory_space<vmem>>) target_semaphore(%arg33 : memref<!tpu.dma_semaphore, #tpu.memory_space<semaphore_mem>>)
      %dma_start3A_22 = tpu.memref_slice %arg12[%mul3A_18] : memref<2097152xf32, #tpu.memory_space<hbm>> -> memref<4096xf32, #tpu.memory_space<hbm>>
      %dma_start3A_23 = tpu.memref_slice %arg12[%mul3A_18] : memref<2097152xf32, #tpu.memory_space<hbm>> -> memref<4096xf32, #tpu.memory_space<hbm>>
      tpu.enqueue_dma source(%dma_start3A_23 : memref<4096xf32, #tpu.memory_space<hbm>>) target(%arg26 : memref<4096xf32, #tpu.memory_space<vmem>>) target_semaphore(%arg33 : memref<!tpu.dma_semaphore, #tpu.memory_space<semaphore_mem>>)
      %dma_start3A_24 = tpu.memref_slice %arg13[%mul3A_18] : memref<2097152xf32, #tpu.memory_space<hbm>> -> memref<4096xf32, #tpu.memory_space<hbm>>
      %dma_start3A_25 = tpu.memref_slice %arg13[%mul3A_18] : memref<2097152xf32, #tpu.memory_space<hbm>> -> memref<4096xf32, #tpu.memory_space<hbm>>
      tpu.enqueue_dma source(%dma_start3A_25 : memref<4096xf32, #tpu.memory_space<hbm>>) target(%arg29 : memref<4096xf32, #tpu.memory_space<vmem>>) target_semaphore(%arg33 : memref<!tpu.dma_semaphore, #tpu.memory_space<semaphore_mem>>)
      %scan3A_26 = arith.constant 0 : i32
      %scan3A_27 = arith.constant 0 : i32
      %scan3A_28 = arith.constant 10 : i32
      %scan3A_29 = arith.addi %scan3A_27, %scan3A_28 : i32
      %scan3A_30 = arith.constant 1 : i32
      scf.for %scan3A_174 = %scan3A_27 to %scan3A_29 step %scan3A_30  : i32 {
        %mul3A_175 = arith.constant 3 : i32
        %mul3A_176 = arith.muli %mul3A_175, %scan3A_174 : i32
        %add3A_177 = arith.constant 0 : i32
        %add3A_178 = arith.addi %mul3A_176, %add3A_177 : i32
        %ge3A = arith.constant 2 : i32
        %ge3A_179 = arith.cmpi sge, %add3A_178, %ge3A : i32
        %convert_element_type3A_180 = arith.extui %ge3A_179 : i1 to i32
        %cond3A_181 = arith.constant 0 : i32
        %cond3A_182 = arith.cmpi ne, %convert_element_type3A_180, %cond3A_181 : i32
        scf.if %cond3A_182 {
          %dma_wait3A_266 = arith.constant 0 : i32
          %dma_wait3A_267 = tpu.memref_slice %arg19[%dma_wait3A_266] : memref<1048576xf32, #tpu.memory_space<vmem_shared>> -> memref<1048576xf32, #tpu.memory_space<vmem_shared>>
          tpu.wait_indirect_dma semaphore(%arg37 : memref<!tpu.dma_semaphore, #tpu.memory_space<semaphore_mem>>) src(%arg27 : memref<4096xf32, #tpu.memory_space<vmem>>) dst(%dma_wait3A_267 : memref<1048576xf32, #tpu.memory_space<vmem_shared>>)
          %dma_wait3A_268 = arith.constant 0 : i32
          %dma_wait3A_269 = tpu.memref_slice %arg19[%dma_wait3A_268] : memref<1048576xf32, #tpu.memory_space<vmem_shared>> -> memref<1048576xf32, #tpu.memory_space<vmem_shared>>
          tpu.wait_indirect_dma semaphore(%arg37 : memref<!tpu.dma_semaphore, #tpu.memory_space<semaphore_mem>>) src(%arg30 : memref<4096xf32, #tpu.memory_space<vmem>>) dst(%dma_wait3A_269 : memref<1048576xf32, #tpu.memory_space<vmem_shared>>)
        } else {
        }
        %add3A_183 = arith.constant 1 : i32
        %add3A_184 = arith.addi %add3A_178, %add3A_183 : i32
        %lt3A = arith.constant 32 : i32
        %lt3A_185 = arith.cmpi slt, %add3A_184, %lt3A : i32
        %convert_element_type3A_186 = arith.extui %lt3A_185 : i1 to i32
        %cond3A_187 = arith.constant 0 : i32
        %cond3A_188 = arith.cmpi ne, %convert_element_type3A_186, %cond3A_187 : i32
        scf.if %cond3A_188 {
          %add3A_266 = arith.constant 1 : i32
          %add3A_267 = arith.addi %add3A_178, %add3A_266 : i32
          %mul3A_268 = arith.constant 4096 : i32
          %mul3A_269 = arith.muli %add3A_267, %mul3A_268 : i32
          %add3A_270 = arith.addi %mul3A_18, %mul3A_269 : i32
          %dma_start3A_271 = tpu.memref_slice %arg10[%add3A_270] : memref<2097152xi32, #tpu.memory_space<hbm>> -> memref<4096xi32, #tpu.memory_space<hbm>>
          %dma_start3A_272 = tpu.memref_slice %arg10[%add3A_270] : memref<2097152xi32, #tpu.memory_space<hbm>> -> memref<4096xi32, #tpu.memory_space<hbm>>
          tpu.enqueue_dma source(%dma_start3A_272 : memref<4096xi32, #tpu.memory_space<hbm>>) target(%arg21 : memref<4096xi32, #tpu.memory_space<vmem>>) target_semaphore(%arg34 : memref<!tpu.dma_semaphore, #tpu.memory_space<semaphore_mem>>)
          %dma_start3A_273 = tpu.memref_slice %arg11[%add3A_270] : memref<2097152xi32, #tpu.memory_space<hbm>> -> memref<4096xi32, #tpu.memory_space<hbm>>
          %dma_start3A_274 = tpu.memref_slice %arg11[%add3A_270] : memref<2097152xi32, #tpu.memory_space<hbm>> -> memref<4096xi32, #tpu.memory_space<hbm>>
          tpu.enqueue_dma source(%dma_start3A_274 : memref<4096xi32, #tpu.memory_space<hbm>>) target(%arg24 : memref<4096xi32, #tpu.memory_space<vmem>>) target_semaphore(%arg34 : memref<!tpu.dma_semaphore, #tpu.memory_space<semaphore_mem>>)
          %dma_start3A_275 = tpu.memref_slice %arg12[%add3A_270] : memref<2097152xf32, #tpu.memory_space<hbm>> -> memref<4096xf32, #tpu.memory_space<hbm>>
          %dma_start3A_276 = tpu.memref_slice %arg12[%add3A_270] : memref<2097152xf32, #tpu.memory_space<hbm>> -> memref<4096xf32, #tpu.memory_space<hbm>>
          tpu.enqueue_dma source(%dma_start3A_276 : memref<4096xf32, #tpu.memory_space<hbm>>) target(%arg27 : memref<4096xf32, #tpu.memory_space<vmem>>) target_semaphore(%arg34 : memref<!tpu.dma_semaphore, #tpu.memory_space<semaphore_mem>>)
          %dma_start3A_277 = tpu.memref_slice %arg13[%add3A_270] : memref<2097152xf32, #tpu.memory_space<hbm>> -> memref<4096xf32, #tpu.memory_space<hbm>>
          %dma_start3A_278 = tpu.memref_slice %arg13[%add3A_270] : memref<2097152xf32, #tpu.memory_space<hbm>> -> memref<4096xf32, #tpu.memory_space<hbm>>
          tpu.enqueue_dma source(%dma_start3A_278 : memref<4096xf32, #tpu.memory_space<hbm>>) target(%arg30 : memref<4096xf32, #tpu.memory_space<vmem>>) target_semaphore(%arg34 : memref<!tpu.dma_semaphore, #tpu.memory_space<semaphore_mem>>)
        } else {
        }
        %mul3A_189 = arith.constant 4096 : i32
        %mul3A_190 = arith.muli %add3A_178, %mul3A_189 : i32
        %add3A_191 = arith.addi %mul3A_18, %mul3A_190 : i32
        %dma_wait3A_192 = tpu.memref_slice %arg10[%add3A_191] : memref<2097152xi32, #tpu.memory_space<hbm>> -> memref<4096xi32, #tpu.memory_space<hbm>>
        %dma_wait3A_193 = tpu.memref_slice %arg10[%add3A_191] : memref<2097152xi32, #tpu.memory_space<hbm>> -> memref<4096xi32, #tpu.memory_space<hbm>>
        tpu.wait_dma2 semaphore(%arg33 : memref<!tpu.dma_semaphore, #tpu.memory_space<semaphore_mem>>) src(%dma_wait3A_193 : memref<4096xi32, #tpu.memory_space<hbm>>) dst(%arg20 : memref<4096xi32, #tpu.memory_space<vmem>>)
        %dma_wait3A_194 = tpu.memref_slice %arg11[%add3A_191] : memref<2097152xi32, #tpu.memory_space<hbm>> -> memref<4096xi32, #tpu.memory_space<hbm>>
        %dma_wait3A_195 = tpu.memref_slice %arg11[%add3A_191] : memref<2097152xi32, #tpu.memory_space<hbm>> -> memref<4096xi32, #tpu.memory_space<hbm>>
        tpu.wait_dma2 semaphore(%arg33 : memref<!tpu.dma_semaphore, #tpu.memory_space<semaphore_mem>>) src(%dma_wait3A_195 : memref<4096xi32, #tpu.memory_space<hbm>>) dst(%arg23 : memref<4096xi32, #tpu.memory_space<vmem>>)
        %dma_wait3A_196 = tpu.memref_slice %arg12[%add3A_191] : memref<2097152xf32, #tpu.memory_space<hbm>> -> memref<4096xf32, #tpu.memory_space<hbm>>
        %dma_wait3A_197 = tpu.memref_slice %arg12[%add3A_191] : memref<2097152xf32, #tpu.memory_space<hbm>> -> memref<4096xf32, #tpu.memory_space<hbm>>
        tpu.wait_dma2 semaphore(%arg33 : memref<!tpu.dma_semaphore, #tpu.memory_space<semaphore_mem>>) src(%dma_wait3A_197 : memref<4096xf32, #tpu.memory_space<hbm>>) dst(%arg26 : memref<4096xf32, #tpu.memory_space<vmem>>)
        %dma_wait3A_198 = tpu.memref_slice %arg13[%add3A_191] : memref<2097152xf32, #tpu.memory_space<hbm>> -> memref<4096xf32, #tpu.memory_space<hbm>>
        %dma_wait3A_199 = tpu.memref_slice %arg13[%add3A_191] : memref<2097152xf32, #tpu.memory_space<hbm>> -> memref<4096xf32, #tpu.memory_space<hbm>>
        tpu.wait_dma2 semaphore(%arg33 : memref<!tpu.dma_semaphore, #tpu.memory_space<semaphore_mem>>) src(%dma_wait3A_199 : memref<4096xf32, #tpu.memory_space<hbm>>) dst(%arg29 : memref<4096xf32, #tpu.memory_space<vmem>>)
        %dma_start3A_200 = arith.constant 0 : i32
        %dma_start3A_201 = tpu.memref_slice %arg19[%dma_start3A_200] : memref<1048576xf32, #tpu.memory_space<vmem_shared>> -> memref<1048576xf32, #tpu.memory_space<vmem_shared>>
        tpu.enqueue_indirect_dma source(%arg26 : memref<4096xf32, #tpu.memory_space<vmem>>) target(%dma_start3A_201 : memref<1048576xf32, #tpu.memory_space<vmem_shared>>) offsets(%arg20 : memref<4096xi32, #tpu.memory_space<vmem>>) semaphore(%arg36 : memref<!tpu.dma_semaphore, #tpu.memory_space<semaphore_mem>>) {add = true}
        %dma_start3A_202 = arith.constant 0 : i32
        %dma_start3A_203 = tpu.memref_slice %arg19[%dma_start3A_202] : memref<1048576xf32, #tpu.memory_space<vmem_shared>> -> memref<1048576xf32, #tpu.memory_space<vmem_shared>>
        tpu.enqueue_indirect_dma source(%arg29 : memref<4096xf32, #tpu.memory_space<vmem>>) target(%dma_start3A_203 : memref<1048576xf32, #tpu.memory_space<vmem_shared>>) offsets(%arg23 : memref<4096xi32, #tpu.memory_space<vmem>>) semaphore(%arg36 : memref<!tpu.dma_semaphore, #tpu.memory_space<semaphore_mem>>) {add = true}
        %mul3A_204 = arith.constant 3 : i32
        %mul3A_205 = arith.muli %mul3A_204, %scan3A_174 : i32
        %add3A_206 = arith.constant 1 : i32
        %add3A_207 = arith.addi %mul3A_205, %add3A_206 : i32
        %ge3A_208 = arith.constant 2 : i32
        %ge3A_209 = arith.cmpi sge, %add3A_207, %ge3A_208 : i32
        %convert_element_type3A_210 = arith.extui %ge3A_209 : i1 to i32
        %cond3A_211 = arith.constant 0 : i32
        %cond3A_212 = arith.cmpi ne, %convert_element_type3A_210, %cond3A_211 : i32
        scf.if %cond3A_212 {
          %dma_wait3A_266 = arith.constant 0 : i32
          %dma_wait3A_267 = tpu.memref_slice %arg19[%dma_wait3A_266] : memref<1048576xf32, #tpu.memory_space<vmem_shared>> -> memref<1048576xf32, #tpu.memory_space<vmem_shared>>
          tpu.wait_indirect_dma semaphore(%arg38 : memref<!tpu.dma_semaphore, #tpu.memory_space<semaphore_mem>>) src(%arg28 : memref<4096xf32, #tpu.memory_space<vmem>>) dst(%dma_wait3A_267 : memref<1048576xf32, #tpu.memory_space<vmem_shared>>)
          %dma_wait3A_268 = arith.constant 0 : i32
          %dma_wait3A_269 = tpu.memref_slice %arg19[%dma_wait3A_268] : memref<1048576xf32, #tpu.memory_space<vmem_shared>> -> memref<1048576xf32, #tpu.memory_space<vmem_shared>>
          tpu.wait_indirect_dma semaphore(%arg38 : memref<!tpu.dma_semaphore, #tpu.memory_space<semaphore_mem>>) src(%arg31 : memref<4096xf32, #tpu.memory_space<vmem>>) dst(%dma_wait3A_269 : memref<1048576xf32, #tpu.memory_space<vmem_shared>>)
        } else {
        }
        %add3A_213 = arith.constant 1 : i32
        %add3A_214 = arith.addi %add3A_207, %add3A_213 : i32
        %lt3A_215 = arith.constant 32 : i32
        %lt3A_216 = arith.cmpi slt, %add3A_214, %lt3A_215 : i32
        %convert_element_type3A_217 = arith.extui %lt3A_216 : i1 to i32
        %cond3A_218 = arith.constant 0 : i32
        %cond3A_219 = arith.cmpi ne, %convert_element_type3A_217, %cond3A_218 : i32
        scf.if %cond3A_219 {
          %add3A_266 = arith.constant 1 : i32
          %add3A_267 = arith.addi %add3A_207, %add3A_266 : i32
          %mul3A_268 = arith.constant 4096 : i32
          %mul3A_269 = arith.muli %add3A_267, %mul3A_268 : i32
          %add3A_270 = arith.addi %mul3A_18, %mul3A_269 : i32
          %dma_start3A_271 = tpu.memref_slice %arg10[%add3A_270] : memref<2097152xi32, #tpu.memory_space<hbm>> -> memref<4096xi32, #tpu.memory_space<hbm>>
          %dma_start3A_272 = tpu.memref_slice %arg10[%add3A_270] : memref<2097152xi32, #tpu.memory_space<hbm>> -> memref<4096xi32, #tpu.memory_space<hbm>>
          tpu.enqueue_dma source(%dma_start3A_272 : memref<4096xi32, #tpu.memory_space<hbm>>) target(%arg22 : memref<4096xi32, #tpu.memory_space<vmem>>) target_semaphore(%arg35 : memref<!tpu.dma_semaphore, #tpu.memory_space<semaphore_mem>>)
          %dma_start3A_273 = tpu.memref_slice %arg11[%add3A_270] : memref<2097152xi32, #tpu.memory_space<hbm>> -> memref<4096xi32, #tpu.memory_space<hbm>>
          %dma_start3A_274 = tpu.memref_slice %arg11[%add3A_270] : memref<2097152xi32, #tpu.memory_space<hbm>> -> memref<4096xi32, #tpu.memory_space<hbm>>
          tpu.enqueue_dma source(%dma_start3A_274 : memref<4096xi32, #tpu.memory_space<hbm>>) target(%arg25 : memref<4096xi32, #tpu.memory_space<vmem>>) target_semaphore(%arg35 : memref<!tpu.dma_semaphore, #tpu.memory_space<semaphore_mem>>)
          %dma_start3A_275 = tpu.memref_slice %arg12[%add3A_270] : memref<2097152xf32, #tpu.memory_space<hbm>> -> memref<4096xf32, #tpu.memory_space<hbm>>
          %dma_start3A_276 = tpu.memref_slice %arg12[%add3A_270] : memref<2097152xf32, #tpu.memory_space<hbm>> -> memref<4096xf32, #tpu.memory_space<hbm>>
          tpu.enqueue_dma source(%dma_start3A_276 : memref<4096xf32, #tpu.memory_space<hbm>>) target(%arg28 : memref<4096xf32, #tpu.memory_space<vmem>>) target_semaphore(%arg35 : memref<!tpu.dma_semaphore, #tpu.memory_space<semaphore_mem>>)
          %dma_start3A_277 = tpu.memref_slice %arg13[%add3A_270] : memref<2097152xf32, #tpu.memory_space<hbm>> -> memref<4096xf32, #tpu.memory_space<hbm>>
          %dma_start3A_278 = tpu.memref_slice %arg13[%add3A_270] : memref<2097152xf32, #tpu.memory_space<hbm>> -> memref<4096xf32, #tpu.memory_space<hbm>>
          tpu.enqueue_dma source(%dma_start3A_278 : memref<4096xf32, #tpu.memory_space<hbm>>) target(%arg31 : memref<4096xf32, #tpu.memory_space<vmem>>) target_semaphore(%arg35 : memref<!tpu.dma_semaphore, #tpu.memory_space<semaphore_mem>>)
        } else {
        }
        %mul3A_220 = arith.constant 4096 : i32
        %mul3A_221 = arith.muli %add3A_207, %mul3A_220 : i32
        %add3A_222 = arith.addi %mul3A_18, %mul3A_221 : i32
        %dma_wait3A_223 = tpu.memref_slice %arg10[%add3A_222] : memref<2097152xi32, #tpu.memory_space<hbm>> -> memref<4096xi32, #tpu.memory_space<hbm>>
        %dma_wait3A_224 = tpu.memref_slice %arg10[%add3A_222] : memref<2097152xi32, #tpu.memory_space<hbm>> -> memref<4096xi32, #tpu.memory_space<hbm>>
        tpu.wait_dma2 semaphore(%arg34 : memref<!tpu.dma_semaphore, #tpu.memory_space<semaphore_mem>>) src(%dma_wait3A_224 : memref<4096xi32, #tpu.memory_space<hbm>>) dst(%arg21 : memref<4096xi32, #tpu.memory_space<vmem>>)
        %dma_wait3A_225 = tpu.memref_slice %arg11[%add3A_222] : memref<2097152xi32, #tpu.memory_space<hbm>> -> memref<4096xi32, #tpu.memory_space<hbm>>
        %dma_wait3A_226 = tpu.memref_slice %arg11[%add3A_222] : memref<2097152xi32, #tpu.memory_space<hbm>> -> memref<4096xi32, #tpu.memory_space<hbm>>
        tpu.wait_dma2 semaphore(%arg34 : memref<!tpu.dma_semaphore, #tpu.memory_space<semaphore_mem>>) src(%dma_wait3A_226 : memref<4096xi32, #tpu.memory_space<hbm>>) dst(%arg24 : memref<4096xi32, #tpu.memory_space<vmem>>)
        %dma_wait3A_227 = tpu.memref_slice %arg12[%add3A_222] : memref<2097152xf32, #tpu.memory_space<hbm>> -> memref<4096xf32, #tpu.memory_space<hbm>>
        %dma_wait3A_228 = tpu.memref_slice %arg12[%add3A_222] : memref<2097152xf32, #tpu.memory_space<hbm>> -> memref<4096xf32, #tpu.memory_space<hbm>>
        tpu.wait_dma2 semaphore(%arg34 : memref<!tpu.dma_semaphore, #tpu.memory_space<semaphore_mem>>) src(%dma_wait3A_228 : memref<4096xf32, #tpu.memory_space<hbm>>) dst(%arg27 : memref<4096xf32, #tpu.memory_space<vmem>>)
        %dma_wait3A_229 = tpu.memref_slice %arg13[%add3A_222] : memref<2097152xf32, #tpu.memory_space<hbm>> -> memref<4096xf32, #tpu.memory_space<hbm>>
        %dma_wait3A_230 = tpu.memref_slice %arg13[%add3A_222] : memref<2097152xf32, #tpu.memory_space<hbm>> -> memref<4096xf32, #tpu.memory_space<hbm>>
        tpu.wait_dma2 semaphore(%arg34 : memref<!tpu.dma_semaphore, #tpu.memory_space<semaphore_mem>>) src(%dma_wait3A_230 : memref<4096xf32, #tpu.memory_space<hbm>>) dst(%arg30 : memref<4096xf32, #tpu.memory_space<vmem>>)
        %dma_start3A_231 = arith.constant 0 : i32
        %dma_start3A_232 = tpu.memref_slice %arg19[%dma_start3A_231] : memref<1048576xf32, #tpu.memory_space<vmem_shared>> -> memref<1048576xf32, #tpu.memory_space<vmem_shared>>
        tpu.enqueue_indirect_dma source(%arg27 : memref<4096xf32, #tpu.memory_space<vmem>>) target(%dma_start3A_232 : memref<1048576xf32, #tpu.memory_space<vmem_shared>>) offsets(%arg21 : memref<4096xi32, #tpu.memory_space<vmem>>) semaphore(%arg37 : memref<!tpu.dma_semaphore, #tpu.memory_space<semaphore_mem>>) {add = true}
        %dma_start3A_233 = arith.constant 0 : i32
        %dma_start3A_234 = tpu.memref_slice %arg19[%dma_start3A_233] : memref<1048576xf32, #tpu.memory_space<vmem_shared>> -> memref<1048576xf32, #tpu.memory_space<vmem_shared>>
        tpu.enqueue_indirect_dma source(%arg30 : memref<4096xf32, #tpu.memory_space<vmem>>) target(%dma_start3A_234 : memref<1048576xf32, #tpu.memory_space<vmem_shared>>) offsets(%arg24 : memref<4096xi32, #tpu.memory_space<vmem>>) semaphore(%arg37 : memref<!tpu.dma_semaphore, #tpu.memory_space<semaphore_mem>>) {add = true}
        %mul3A_235 = arith.constant 3 : i32
        %mul3A_236 = arith.muli %mul3A_235, %scan3A_174 : i32
        %add3A_237 = arith.constant 2 : i32
        %add3A_238 = arith.addi %mul3A_236, %add3A_237 : i32
        %ge3A_239 = arith.constant 2 : i32
        %ge3A_240 = arith.cmpi sge, %add3A_238, %ge3A_239 : i32
        %convert_element_type3A_241 = arith.extui %ge3A_240 : i1 to i32
        %cond3A_242 = arith.constant 0 : i32
        %cond3A_243 = arith.cmpi ne, %convert_element_type3A_241, %cond3A_242 : i32
        scf.if %cond3A_243 {
          %dma_wait3A_266 = arith.constant 0 : i32
          %dma_wait3A_267 = tpu.memref_slice %arg19[%dma_wait3A_266] : memref<1048576xf32, #tpu.memory_space<vmem_shared>> -> memref<1048576xf32, #tpu.memory_space<vmem_shared>>
          tpu.wait_indirect_dma semaphore(%arg36 : memref<!tpu.dma_semaphore, #tpu.memory_space<semaphore_mem>>) src(%arg26 : memref<4096xf32, #tpu.memory_space<vmem>>) dst(%dma_wait3A_267 : memref<1048576xf32, #tpu.memory_space<vmem_shared>>)
          %dma_wait3A_268 = arith.constant 0 : i32
          %dma_wait3A_269 = tpu.memref_slice %arg19[%dma_wait3A_268] : memref<1048576xf32, #tpu.memory_space<vmem_shared>> -> memref<1048576xf32, #tpu.memory_space<vmem_shared>>
          tpu.wait_indirect_dma semaphore(%arg36 : memref<!tpu.dma_semaphore, #tpu.memory_space<semaphore_mem>>) src(%arg29 : memref<4096xf32, #tpu.memory_space<vmem>>) dst(%dma_wait3A_269 : memref<1048576xf32, #tpu.memory_space<vmem_shared>>)
        } else {
        }
        %add3A_244 = arith.constant 1 : i32
        %add3A_245 = arith.addi %add3A_238, %add3A_244 : i32
        %lt3A_246 = arith.constant 32 : i32
        %lt3A_247 = arith.cmpi slt, %add3A_245, %lt3A_246 : i32
        %convert_element_type3A_248 = arith.extui %lt3A_247 : i1 to i32
        %cond3A_249 = arith.constant 0 : i32
        %cond3A_250 = arith.cmpi ne, %convert_element_type3A_248, %cond3A_249 : i32
        scf.if %cond3A_250 {
          %add3A_266 = arith.constant 1 : i32
          %add3A_267 = arith.addi %add3A_238, %add3A_266 : i32
          %mul3A_268 = arith.constant 4096 : i32
          %mul3A_269 = arith.muli %add3A_267, %mul3A_268 : i32
          %add3A_270 = arith.addi %mul3A_18, %mul3A_269 : i32
          %dma_start3A_271 = tpu.memref_slice %arg10[%add3A_270] : memref<2097152xi32, #tpu.memory_space<hbm>> -> memref<4096xi32, #tpu.memory_space<hbm>>
          %dma_start3A_272 = tpu.memref_slice %arg10[%add3A_270] : memref<2097152xi32, #tpu.memory_space<hbm>> -> memref<4096xi32, #tpu.memory_space<hbm>>
          tpu.enqueue_dma source(%dma_start3A_272 : memref<4096xi32, #tpu.memory_space<hbm>>) target(%arg20 : memref<4096xi32, #tpu.memory_space<vmem>>) target_semaphore(%arg33 : memref<!tpu.dma_semaphore, #tpu.memory_space<semaphore_mem>>)
          %dma_start3A_273 = tpu.memref_slice %arg11[%add3A_270] : memref<2097152xi32, #tpu.memory_space<hbm>> -> memref<4096xi32, #tpu.memory_space<hbm>>
          %dma_start3A_274 = tpu.memref_slice %arg11[%add3A_270] : memref<2097152xi32, #tpu.memory_space<hbm>> -> memref<4096xi32, #tpu.memory_space<hbm>>
          tpu.enqueue_dma source(%dma_start3A_274 : memref<4096xi32, #tpu.memory_space<hbm>>) target(%arg23 : memref<4096xi32, #tpu.memory_space<vmem>>) target_semaphore(%arg33 : memref<!tpu.dma_semaphore, #tpu.memory_space<semaphore_mem>>)
          %dma_start3A_275 = tpu.memref_slice %arg12[%add3A_270] : memref<2097152xf32, #tpu.memory_space<hbm>> -> memref<4096xf32, #tpu.memory_space<hbm>>
          %dma_start3A_276 = tpu.memref_slice %arg12[%add3A_270] : memref<2097152xf32, #tpu.memory_space<hbm>> -> memref<4096xf32, #tpu.memory_space<hbm>>
          tpu.enqueue_dma source(%dma_start3A_276 : memref<4096xf32, #tpu.memory_space<hbm>>) target(%arg26 : memref<4096xf32, #tpu.memory_space<vmem>>) target_semaphore(%arg33 : memref<!tpu.dma_semaphore, #tpu.memory_space<semaphore_mem>>)
          %dma_start3A_277 = tpu.memref_slice %arg13[%add3A_270] : memref<2097152xf32, #tpu.memory_space<hbm>> -> memref<4096xf32, #tpu.memory_space<hbm>>
          %dma_start3A_278 = tpu.memref_slice %arg13[%add3A_270] : memref<2097152xf32, #tpu.memory_space<hbm>> -> memref<4096xf32, #tpu.memory_space<hbm>>
          tpu.enqueue_dma source(%dma_start3A_278 : memref<4096xf32, #tpu.memory_space<hbm>>) target(%arg29 : memref<4096xf32, #tpu.memory_space<vmem>>) target_semaphore(%arg33 : memref<!tpu.dma_semaphore, #tpu.memory_space<semaphore_mem>>)
        } else {
        }
        %mul3A_251 = arith.constant 4096 : i32
        %mul3A_252 = arith.muli %add3A_238, %mul3A_251 : i32
        %add3A_253 = arith.addi %mul3A_18, %mul3A_252 : i32
        %dma_wait3A_254 = tpu.memref_slice %arg10[%add3A_253] : memref<2097152xi32, #tpu.memory_space<hbm>> -> memref<4096xi32, #tpu.memory_space<hbm>>
        %dma_wait3A_255 = tpu.memref_slice %arg10[%add3A_253] : memref<2097152xi32, #tpu.memory_space<hbm>> -> memref<4096xi32, #tpu.memory_space<hbm>>
        tpu.wait_dma2 semaphore(%arg35 : memref<!tpu.dma_semaphore, #tpu.memory_space<semaphore_mem>>) src(%dma_wait3A_255 : memref<4096xi32, #tpu.memory_space<hbm>>) dst(%arg22 : memref<4096xi32, #tpu.memory_space<vmem>>)
        %dma_wait3A_256 = tpu.memref_slice %arg11[%add3A_253] : memref<2097152xi32, #tpu.memory_space<hbm>> -> memref<4096xi32, #tpu.memory_space<hbm>>
        %dma_wait3A_257 = tpu.memref_slice %arg11[%add3A_253] : memref<2097152xi32, #tpu.memory_space<hbm>> -> memref<4096xi32, #tpu.memory_space<hbm>>
        tpu.wait_dma2 semaphore(%arg35 : memref<!tpu.dma_semaphore, #tpu.memory_space<semaphore_mem>>) src(%dma_wait3A_257 : memref<4096xi32, #tpu.memory_space<hbm>>) dst(%arg25 : memref<4096xi32, #tpu.memory_space<vmem>>)
        %dma_wait3A_258 = tpu.memref_slice %arg12[%add3A_253] : memref<2097152xf32, #tpu.memory_space<hbm>> -> memref<4096xf32, #tpu.memory_space<hbm>>
        %dma_wait3A_259 = tpu.memref_slice %arg12[%add3A_253] : memref<2097152xf32, #tpu.memory_space<hbm>> -> memref<4096xf32, #tpu.memory_space<hbm>>
        tpu.wait_dma2 semaphore(%arg35 : memref<!tpu.dma_semaphore, #tpu.memory_space<semaphore_mem>>) src(%dma_wait3A_259 : memref<4096xf32, #tpu.memory_space<hbm>>) dst(%arg28 : memref<4096xf32, #tpu.memory_space<vmem>>)
        %dma_wait3A_260 = tpu.memref_slice %arg13[%add3A_253] : memref<2097152xf32, #tpu.memory_space<hbm>> -> memref<4096xf32, #tpu.memory_space<hbm>>
        %dma_wait3A_261 = tpu.memref_slice %arg13[%add3A_253] : memref<2097152xf32, #tpu.memory_space<hbm>> -> memref<4096xf32, #tpu.memory_space<hbm>>
        tpu.wait_dma2 semaphore(%arg35 : memref<!tpu.dma_semaphore, #tpu.memory_space<semaphore_mem>>) src(%dma_wait3A_261 : memref<4096xf32, #tpu.memory_space<hbm>>) dst(%arg31 : memref<4096xf32, #tpu.memory_space<vmem>>)
        %dma_start3A_262 = arith.constant 0 : i32
        %dma_start3A_263 = tpu.memref_slice %arg19[%dma_start3A_262] : memref<1048576xf32, #tpu.memory_space<vmem_shared>> -> memref<1048576xf32, #tpu.memory_space<vmem_shared>>
        tpu.enqueue_indirect_dma source(%arg28 : memref<4096xf32, #tpu.memory_space<vmem>>) target(%dma_start3A_263 : memref<1048576xf32, #tpu.memory_space<vmem_shared>>) offsets(%arg22 : memref<4096xi32, #tpu.memory_space<vmem>>) semaphore(%arg38 : memref<!tpu.dma_semaphore, #tpu.memory_space<semaphore_mem>>) {add = true}
        %dma_start3A_264 = arith.constant 0 : i32
        %dma_start3A_265 = tpu.memref_slice %arg19[%dma_start3A_264] : memref<1048576xf32, #tpu.memory_space<vmem_shared>> -> memref<1048576xf32, #tpu.memory_space<vmem_shared>>
        tpu.enqueue_indirect_dma source(%arg31 : memref<4096xf32, #tpu.memory_space<vmem>>) target(%dma_start3A_265 : memref<1048576xf32, #tpu.memory_space<vmem_shared>>) offsets(%arg25 : memref<4096xi32, #tpu.memory_space<vmem>>) semaphore(%arg38 : memref<!tpu.dma_semaphore, #tpu.memory_space<semaphore_mem>>) {add = true}
      }
      %scan3A_31 = arith.constant 10 : i32
      %dma_wait3A = arith.constant 0 : i32
      %dma_wait3A_32 = tpu.memref_slice %arg19[%dma_wait3A] : memref<1048576xf32, #tpu.memory_space<vmem_shared>> -> memref<1048576xf32, #tpu.memory_space<vmem_shared>>
      tpu.wait_indirect_dma semaphore(%arg37 : memref<!tpu.dma_semaphore, #tpu.memory_space<semaphore_mem>>) src(%arg27 : memref<4096xf32, #tpu.memory_space<vmem>>) dst(%dma_wait3A_32 : memref<1048576xf32, #tpu.memory_space<vmem_shared>>)
      %dma_wait3A_33 = arith.constant 0 : i32
      %dma_wait3A_34 = tpu.memref_slice %arg19[%dma_wait3A_33] : memref<1048576xf32, #tpu.memory_space<vmem_shared>> -> memref<1048576xf32, #tpu.memory_space<vmem_shared>>
      tpu.wait_indirect_dma semaphore(%arg37 : memref<!tpu.dma_semaphore, #tpu.memory_space<semaphore_mem>>) src(%arg30 : memref<4096xf32, #tpu.memory_space<vmem>>) dst(%dma_wait3A_34 : memref<1048576xf32, #tpu.memory_space<vmem_shared>>)
      %add3A = arith.constant 126976 : i32
      %add3A_35 = arith.addi %mul3A_18, %add3A : i32
      %dma_start3A_36 = tpu.memref_slice %arg10[%add3A_35] : memref<2097152xi32, #tpu.memory_space<hbm>> -> memref<4096xi32, #tpu.memory_space<hbm>>
      %dma_start3A_37 = tpu.memref_slice %arg10[%add3A_35] : memref<2097152xi32, #tpu.memory_space<hbm>> -> memref<4096xi32, #tpu.memory_space<hbm>>
      tpu.enqueue_dma source(%dma_start3A_37 : memref<4096xi32, #tpu.memory_space<hbm>>) target(%arg21 : memref<4096xi32, #tpu.memory_space<vmem>>) target_semaphore(%arg34 : memref<!tpu.dma_semaphore, #tpu.memory_space<semaphore_mem>>)
      %dma_start3A_38 = tpu.memref_slice %arg11[%add3A_35] : memref<2097152xi32, #tpu.memory_space<hbm>> -> memref<4096xi32, #tpu.memory_space<hbm>>
      %dma_start3A_39 = tpu.memref_slice %arg11[%add3A_35] : memref<2097152xi32, #tpu.memory_space<hbm>> -> memref<4096xi32, #tpu.memory_space<hbm>>
      tpu.enqueue_dma source(%dma_start3A_39 : memref<4096xi32, #tpu.memory_space<hbm>>) target(%arg24 : memref<4096xi32, #tpu.memory_space<vmem>>) target_semaphore(%arg34 : memref<!tpu.dma_semaphore, #tpu.memory_space<semaphore_mem>>)
      %dma_start3A_40 = tpu.memref_slice %arg12[%add3A_35] : memref<2097152xf32, #tpu.memory_space<hbm>> -> memref<4096xf32, #tpu.memory_space<hbm>>
      %dma_start3A_41 = tpu.memref_slice %arg12[%add3A_35] : memref<2097152xf32, #tpu.memory_space<hbm>> -> memref<4096xf32, #tpu.memory_space<hbm>>
      tpu.enqueue_dma source(%dma_start3A_41 : memref<4096xf32, #tpu.memory_space<hbm>>) target(%arg27 : memref<4096xf32, #tpu.memory_space<vmem>>) target_semaphore(%arg34 : memref<!tpu.dma_semaphore, #tpu.memory_space<semaphore_mem>>)
      %dma_start3A_42 = tpu.memref_slice %arg13[%add3A_35] : memref<2097152xf32, #tpu.memory_space<hbm>> -> memref<4096xf32, #tpu.memory_space<hbm>>
      %dma_start3A_43 = tpu.memref_slice %arg13[%add3A_35] : memref<2097152xf32, #tpu.memory_space<hbm>> -> memref<4096xf32, #tpu.memory_space<hbm>>
      tpu.enqueue_dma source(%dma_start3A_43 : memref<4096xf32, #tpu.memory_space<hbm>>) target(%arg30 : memref<4096xf32, #tpu.memory_space<vmem>>) target_semaphore(%arg34 : memref<!tpu.dma_semaphore, #tpu.memory_space<semaphore_mem>>)
      %add3A_44 = arith.constant 122880 : i32
      %add3A_45 = arith.addi %mul3A_18, %add3A_44 : i32
      %dma_wait3A_46 = tpu.memref_slice %arg10[%add3A_45] : memref<2097152xi32, #tpu.memory_space<hbm>> -> memref<4096xi32, #tpu.memory_space<hbm>>
      %dma_wait3A_47 = tpu.memref_slice %arg10[%add3A_45] : memref<2097152xi32, #tpu.memory_space<hbm>> -> memref<4096xi32, #tpu.memory_space<hbm>>
      tpu.wait_dma2 semaphore(%arg33 : memref<!tpu.dma_semaphore, #tpu.memory_space<semaphore_mem>>) src(%dma_wait3A_47 : memref<4096xi32, #tpu.memory_space<hbm>>) dst(%arg20 : memref<4096xi32, #tpu.memory_space<vmem>>)
      %dma_wait3A_48 = tpu.memref_slice %arg11[%add3A_45] : memref<2097152xi32, #tpu.memory_space<hbm>> -> memref<4096xi32, #tpu.memory_space<hbm>>
      %dma_wait3A_49 = tpu.memref_slice %arg11[%add3A_45] : memref<2097152xi32, #tpu.memory_space<hbm>> -> memref<4096xi32, #tpu.memory_space<hbm>>
      tpu.wait_dma2 semaphore(%arg33 : memref<!tpu.dma_semaphore, #tpu.memory_space<semaphore_mem>>) src(%dma_wait3A_49 : memref<4096xi32, #tpu.memory_space<hbm>>) dst(%arg23 : memref<4096xi32, #tpu.memory_space<vmem>>)
      %dma_wait3A_50 = tpu.memref_slice %arg12[%add3A_45] : memref<2097152xf32, #tpu.memory_space<hbm>> -> memref<4096xf32, #tpu.memory_space<hbm>>
      %dma_wait3A_51 = tpu.memref_slice %arg12[%add3A_45] : memref<2097152xf32, #tpu.memory_space<hbm>> -> memref<4096xf32, #tpu.memory_space<hbm>>
      tpu.wait_dma2 semaphore(%arg33 : memref<!tpu.dma_semaphore, #tpu.memory_space<semaphore_mem>>) src(%dma_wait3A_51 : memref<4096xf32, #tpu.memory_space<hbm>>) dst(%arg26 : memref<4096xf32, #tpu.memory_space<vmem>>)
      %dma_wait3A_52 = tpu.memref_slice %arg13[%add3A_45] : memref<2097152xf32, #tpu.memory_space<hbm>> -> memref<4096xf32, #tpu.memory_space<hbm>>
      %dma_wait3A_53 = tpu.memref_slice %arg13[%add3A_45] : memref<2097152xf32, #tpu.memory_space<hbm>> -> memref<4096xf32, #tpu.memory_space<hbm>>
      tpu.wait_dma2 semaphore(%arg33 : memref<!tpu.dma_semaphore, #tpu.memory_space<semaphore_mem>>) src(%dma_wait3A_53 : memref<4096xf32, #tpu.memory_space<hbm>>) dst(%arg29 : memref<4096xf32, #tpu.memory_space<vmem>>)
      %dma_start3A_54 = arith.constant 0 : i32
      %dma_start3A_55 = tpu.memref_slice %arg19[%dma_start3A_54] : memref<1048576xf32, #tpu.memory_space<vmem_shared>> -> memref<1048576xf32, #tpu.memory_space<vmem_shared>>
      tpu.enqueue_indirect_dma source(%arg26 : memref<4096xf32, #tpu.memory_space<vmem>>) target(%dma_start3A_55 : memref<1048576xf32, #tpu.memory_space<vmem_shared>>) offsets(%arg20 : memref<4096xi32, #tpu.memory_space<vmem>>) semaphore(%arg36 : memref<!tpu.dma_semaphore, #tpu.memory_space<semaphore_mem>>) {add = true}
      %dma_start3A_56 = arith.constant 0 : i32
      %dma_start3A_57 = tpu.memref_slice %arg19[%dma_start3A_56] : memref<1048576xf32, #tpu.memory_space<vmem_shared>> -> memref<1048576xf32, #tpu.memory_space<vmem_shared>>
      tpu.enqueue_indirect_dma source(%arg29 : memref<4096xf32, #tpu.memory_space<vmem>>) target(%dma_start3A_57 : memref<1048576xf32, #tpu.memory_space<vmem_shared>>) offsets(%arg23 : memref<4096xi32, #tpu.memory_space<vmem>>) semaphore(%arg36 : memref<!tpu.dma_semaphore, #tpu.memory_space<semaphore_mem>>) {add = true}
      %dma_wait3A_58 = arith.constant 0 : i32
      %dma_wait3A_59 = tpu.memref_slice %arg19[%dma_wait3A_58] : memref<1048576xf32, #tpu.memory_space<vmem_shared>> -> memref<1048576xf32, #tpu.memory_space<vmem_shared>>
      tpu.wait_indirect_dma semaphore(%arg38 : memref<!tpu.dma_semaphore, #tpu.memory_space<semaphore_mem>>) src(%arg28 : memref<4096xf32, #tpu.memory_space<vmem>>) dst(%dma_wait3A_59 : memref<1048576xf32, #tpu.memory_space<vmem_shared>>)
      %dma_wait3A_60 = arith.constant 0 : i32
      %dma_wait3A_61 = tpu.memref_slice %arg19[%dma_wait3A_60] : memref<1048576xf32, #tpu.memory_space<vmem_shared>> -> memref<1048576xf32, #tpu.memory_space<vmem_shared>>
      tpu.wait_indirect_dma semaphore(%arg38 : memref<!tpu.dma_semaphore, #tpu.memory_space<semaphore_mem>>) src(%arg31 : memref<4096xf32, #tpu.memory_space<vmem>>) dst(%dma_wait3A_61 : memref<1048576xf32, #tpu.memory_space<vmem_shared>>)
      %add3A_62 = arith.constant 126976 : i32
      %add3A_63 = arith.addi %mul3A_18, %add3A_62 : i32
      %dma_wait3A_64 = tpu.memref_slice %arg10[%add3A_63] : memref<2097152xi32, #tpu.memory_space<hbm>> -> memref<4096xi32, #tpu.memory_space<hbm>>
      %dma_wait3A_65 = tpu.memref_slice %arg10[%add3A_63] : memref<2097152xi32, #tpu.memory_space<hbm>> -> memref<4096xi32, #tpu.memory_space<hbm>>
      tpu.wait_dma2 semaphore(%arg34 : memref<!tpu.dma_semaphore, #tpu.memory_space<semaphore_mem>>) src(%dma_wait3A_65 : memref<4096xi32, #tpu.memory_space<hbm>>) dst(%arg21 : memref<4096xi32, #tpu.memory_space<vmem>>)
      %dma_wait3A_66 = tpu.memref_slice %arg11[%add3A_63] : memref<2097152xi32, #tpu.memory_space<hbm>> -> memref<4096xi32, #tpu.memory_space<hbm>>
      %dma_wait3A_67 = tpu.memref_slice %arg11[%add3A_63] : memref<2097152xi32, #tpu.memory_space<hbm>> -> memref<4096xi32, #tpu.memory_space<hbm>>
      tpu.wait_dma2 semaphore(%arg34 : memref<!tpu.dma_semaphore, #tpu.memory_space<semaphore_mem>>) src(%dma_wait3A_67 : memref<4096xi32, #tpu.memory_space<hbm>>) dst(%arg24 : memref<4096xi32, #tpu.memory_space<vmem>>)
      %dma_wait3A_68 = tpu.memref_slice %arg12[%add3A_63] : memref<2097152xf32, #tpu.memory_space<hbm>> -> memref<4096xf32, #tpu.memory_space<hbm>>
      %dma_wait3A_69 = tpu.memref_slice %arg12[%add3A_63] : memref<2097152xf32, #tpu.memory_space<hbm>> -> memref<4096xf32, #tpu.memory_space<hbm>>
      tpu.wait_dma2 semaphore(%arg34 : memref<!tpu.dma_semaphore, #tpu.memory_space<semaphore_mem>>) src(%dma_wait3A_69 : memref<4096xf32, #tpu.memory_space<hbm>>) dst(%arg27 : memref<4096xf32, #tpu.memory_space<vmem>>)
      %dma_wait3A_70 = tpu.memref_slice %arg13[%add3A_63] : memref<2097152xf32, #tpu.memory_space<hbm>> -> memref<4096xf32, #tpu.memory_space<hbm>>
      %dma_wait3A_71 = tpu.memref_slice %arg13[%add3A_63] : memref<2097152xf32, #tpu.memory_space<hbm>> -> memref<4096xf32, #tpu.memory_space<hbm>>
      tpu.wait_dma2 semaphore(%arg34 : memref<!tpu.dma_semaphore, #tpu.memory_space<semaphore_mem>>) src(%dma_wait3A_71 : memref<4096xf32, #tpu.memory_space<hbm>>) dst(%arg30 : memref<4096xf32, #tpu.memory_space<vmem>>)
      %dma_start3A_72 = arith.constant 0 : i32
      %dma_start3A_73 = tpu.memref_slice %arg19[%dma_start3A_72] : memref<1048576xf32, #tpu.memory_space<vmem_shared>> -> memref<1048576xf32, #tpu.memory_space<vmem_shared>>
      tpu.enqueue_indirect_dma source(%arg27 : memref<4096xf32, #tpu.memory_space<vmem>>) target(%dma_start3A_73 : memref<1048576xf32, #tpu.memory_space<vmem_shared>>) offsets(%arg21 : memref<4096xi32, #tpu.memory_space<vmem>>) semaphore(%arg37 : memref<!tpu.dma_semaphore, #tpu.memory_space<semaphore_mem>>) {add = true}
      %dma_start3A_74 = arith.constant 0 : i32
      %dma_start3A_75 = tpu.memref_slice %arg19[%dma_start3A_74] : memref<1048576xf32, #tpu.memory_space<vmem_shared>> -> memref<1048576xf32, #tpu.memory_space<vmem_shared>>
      tpu.enqueue_indirect_dma source(%arg30 : memref<4096xf32, #tpu.memory_space<vmem>>) target(%dma_start3A_75 : memref<1048576xf32, #tpu.memory_space<vmem_shared>>) offsets(%arg24 : memref<4096xi32, #tpu.memory_space<vmem>>) semaphore(%arg37 : memref<!tpu.dma_semaphore, #tpu.memory_space<semaphore_mem>>) {add = true}
      %dma_wait3A_76 = arith.constant 0 : i32
      %dma_wait3A_77 = tpu.memref_slice %arg19[%dma_wait3A_76] : memref<1048576xf32, #tpu.memory_space<vmem_shared>> -> memref<1048576xf32, #tpu.memory_space<vmem_shared>>
      tpu.wait_indirect_dma semaphore(%arg36 : memref<!tpu.dma_semaphore, #tpu.memory_space<semaphore_mem>>) src(%arg26 : memref<4096xf32, #tpu.memory_space<vmem>>) dst(%dma_wait3A_77 : memref<1048576xf32, #tpu.memory_space<vmem_shared>>)
      %dma_wait3A_78 = arith.constant 0 : i32
      %dma_wait3A_79 = tpu.memref_slice %arg19[%dma_wait3A_78] : memref<1048576xf32, #tpu.memory_space<vmem_shared>> -> memref<1048576xf32, #tpu.memory_space<vmem_shared>>
      tpu.wait_indirect_dma semaphore(%arg36 : memref<!tpu.dma_semaphore, #tpu.memory_space<semaphore_mem>>) src(%arg29 : memref<4096xf32, #tpu.memory_space<vmem>>) dst(%dma_wait3A_79 : memref<1048576xf32, #tpu.memory_space<vmem_shared>>)
      %dma_wait3A_80 = arith.constant 0 : i32
      %dma_wait3A_81 = tpu.memref_slice %arg19[%dma_wait3A_80] : memref<1048576xf32, #tpu.memory_space<vmem_shared>> -> memref<1048576xf32, #tpu.memory_space<vmem_shared>>
      tpu.wait_indirect_dma semaphore(%arg37 : memref<!tpu.dma_semaphore, #tpu.memory_space<semaphore_mem>>) src(%arg27 : memref<4096xf32, #tpu.memory_space<vmem>>) dst(%dma_wait3A_81 : memref<1048576xf32, #tpu.memory_space<vmem_shared>>)
      %dma_wait3A_82 = arith.constant 0 : i32
      %dma_wait3A_83 = tpu.memref_slice %arg19[%dma_wait3A_82] : memref<1048576xf32, #tpu.memory_space<vmem_shared>> -> memref<1048576xf32, #tpu.memory_space<vmem_shared>>
      tpu.wait_indirect_dma semaphore(%arg37 : memref<!tpu.dma_semaphore, #tpu.memory_space<semaphore_mem>>) src(%arg30 : memref<4096xf32, #tpu.memory_space<vmem>>) dst(%dma_wait3A_83 : memref<1048576xf32, #tpu.memory_space<vmem_shared>>)
      %barrier3A_84 = arith.constant 0 : index
      tpu.barrier barrier_id(%barrier3A_84)
      %mul3A_85 = arith.constant 65536 : i32
      %mul3A_86 = arith.muli %arg1, %mul3A_85 : i32
      %mul3A_87 = arith.constant 65536 : i32
      %mul3A_88 = arith.muli %arg1, %mul3A_87 : i32
      %run_scoped3A = arith.constant 1 : i32
      %run_scoped3A_89 = arith.constant 0 : i32
      "tpu.region"() ({
        %run_scoped3A_174 = tpu.sem_alloc : memref<!tpu.dma_semaphore, #tpu.memory_space<semaphore_mem>>
        %dma_start3A_175 = tpu.memref_slice %arg18[%run_scoped3A, %run_scoped3A_89, %mul3A_88] : memref<2x2x1048576xf32, #tpu.memory_space<hbm>> -> memref<1x1x65536xf32, #tpu.memory_space<hbm>>
        %dma_start3A_176 = tpu.memref_squeeze %dma_start3A_175 : memref<1x1x65536xf32, #tpu.memory_space<hbm>> -> memref<65536xf32, #tpu.memory_space<hbm>>
        %dma_start3A_177 = tpu.memref_slice %arg19[%mul3A_86] : memref<1048576xf32, #tpu.memory_space<vmem_shared>> -> memref<65536xf32, #tpu.memory_space<vmem_shared>>
        tpu.enqueue_dma source(%dma_start3A_177 : memref<65536xf32, #tpu.memory_space<vmem_shared>>) target(%dma_start3A_176 : memref<65536xf32, #tpu.memory_space<hbm>>) target_semaphore(%run_scoped3A_174 : memref<!tpu.dma_semaphore, #tpu.memory_space<semaphore_mem>>)
        %dma_wait3A_178 = tpu.memref_slice %arg18[%run_scoped3A, %run_scoped3A_89, %mul3A_88] : memref<2x2x1048576xf32, #tpu.memory_space<hbm>> -> memref<1x1x65536xf32, #tpu.memory_space<hbm>>
        %dma_wait3A_179 = tpu.memref_squeeze %dma_wait3A_178 : memref<1x1x65536xf32, #tpu.memory_space<hbm>> -> memref<65536xf32, #tpu.memory_space<hbm>>
        %dma_wait3A_180 = tpu.memref_slice %arg19[%mul3A_86] : memref<1048576xf32, #tpu.memory_space<vmem_shared>> -> memref<65536xf32, #tpu.memory_space<vmem_shared>>
        tpu.wait_dma2 semaphore(%run_scoped3A_174 : memref<!tpu.dma_semaphore, #tpu.memory_space<semaphore_mem>>) src(%dma_wait3A_180 : memref<65536xf32, #tpu.memory_space<vmem_shared>>) dst(%dma_wait3A_179 : memref<65536xf32, #tpu.memory_space<hbm>>)
        tpu.yield
      }) : () -> ()
      %scan3A_90 = arith.constant 0 : i32
      %scan3A_91 = arith.constant 0 : i32
      %scan3A_92 = arith.constant 16 : i32
      %scan3A_93 = arith.addi %scan3A_91, %scan3A_92 : i32
      %scan3A_94 = arith.constant 1 : i32
      scf.for %scan3A_174 = %scan3A_91 to %scan3A_93 step %scan3A_94  : i32 {
        %mul3A_175 = arith.constant 16 : i32
        %mul3A_176 = arith.muli %arg1, %mul3A_175 : i32
        %add3A_177 = arith.addi %mul3A_176, %scan3A_174 : i32
        %mul3A_178 = arith.constant 4096 : i32
        %mul3A_179 = arith.muli %add3A_177, %mul3A_178 : i32
        "tpu.region"() ({
          %run_scoped3A_180 = tpu.sem_alloc : memref<!tpu.dma_semaphore, #tpu.memory_space<semaphore_mem>>
          %dma_start3A_181 = tpu.memref_slice %arg19[%mul3A_179] : memref<1048576xf32, #tpu.memory_space<vmem_shared>> -> memref<4096xf32, #tpu.memory_space<vmem_shared>>
          %dma_start3A_182 = tpu.memref_slice %arg19[%mul3A_179] : memref<1048576xf32, #tpu.memory_space<vmem_shared>> -> memref<4096xf32, #tpu.memory_space<vmem_shared>>
          tpu.enqueue_dma source(%arg32 : memref<4096xf32, #tpu.memory_space<vmem>>) target(%dma_start3A_182 : memref<4096xf32, #tpu.memory_space<vmem_shared>>) target_semaphore(%run_scoped3A_180 : memref<!tpu.dma_semaphore, #tpu.memory_space<semaphore_mem>>)
          %dma_wait3A_183 = tpu.memref_slice %arg19[%mul3A_179] : memref<1048576xf32, #tpu.memory_space<vmem_shared>> -> memref<4096xf32, #tpu.memory_space<vmem_shared>>
          %dma_wait3A_184 = tpu.memref_slice %arg19[%mul3A_179] : memref<1048576xf32, #tpu.memory_space<vmem_shared>> -> memref<4096xf32, #tpu.memory_space<vmem_shared>>
          tpu.wait_dma2 semaphore(%run_scoped3A_180 : memref<!tpu.dma_semaphore, #tpu.memory_space<semaphore_mem>>) src(%arg32 : memref<4096xf32, #tpu.memory_space<vmem>>) dst(%dma_wait3A_184 : memref<4096xf32, #tpu.memory_space<vmem_shared>>)
          tpu.yield
        }) : () -> ()
      }
      %scan3A_95 = arith.constant 16 : i32
      %barrier3A_96 = arith.constant 0 : index
      tpu.barrier barrier_id(%barrier3A_96)
      %mul3A_97 = arith.constant 131072 : i32
      %mul3A_98 = arith.muli %arg1, %mul3A_97 : i32
      %dma_start3A_99 = tpu.memref_slice %arg14[%mul3A_98] : memref<2097152xi32, #tpu.memory_space<hbm>> -> memref<4096xi32, #tpu.memory_space<hbm>>
      %dma_start3A_100 = tpu.memref_slice %arg14[%mul3A_98] : memref<2097152xi32, #tpu.memory_space<hbm>> -> memref<4096xi32, #tpu.memory_space<hbm>>
      tpu.enqueue_dma source(%dma_start3A_100 : memref<4096xi32, #tpu.memory_space<hbm>>) target(%arg20 : memref<4096xi32, #tpu.memory_space<vmem>>) target_semaphore(%arg33 : memref<!tpu.dma_semaphore, #tpu.memory_space<semaphore_mem>>)
      %dma_start3A_101 = tpu.memref_slice %arg15[%mul3A_98] : memref<2097152xi32, #tpu.memory_space<hbm>> -> memref<4096xi32, #tpu.memory_space<hbm>>
      %dma_start3A_102 = tpu.memref_slice %arg15[%mul3A_98] : memref<2097152xi32, #tpu.memory_space<hbm>> -> memref<4096xi32, #tpu.memory_space<hbm>>
      tpu.enqueue_dma source(%dma_start3A_102 : memref<4096xi32, #tpu.memory_space<hbm>>) target(%arg23 : memref<4096xi32, #tpu.memory_space<vmem>>) target_semaphore(%arg33 : memref<!tpu.dma_semaphore, #tpu.memory_space<semaphore_mem>>)
      %dma_start3A_103 = tpu.memref_slice %arg16[%mul3A_98] : memref<2097152xf32, #tpu.memory_space<hbm>> -> memref<4096xf32, #tpu.memory_space<hbm>>
      %dma_start3A_104 = tpu.memref_slice %arg16[%mul3A_98] : memref<2097152xf32, #tpu.memory_space<hbm>> -> memref<4096xf32, #tpu.memory_space<hbm>>
      tpu.enqueue_dma source(%dma_start3A_104 : memref<4096xf32, #tpu.memory_space<hbm>>) target(%arg26 : memref<4096xf32, #tpu.memory_space<vmem>>) target_semaphore(%arg33 : memref<!tpu.dma_semaphore, #tpu.memory_space<semaphore_mem>>)
      %dma_start3A_105 = tpu.memref_slice %arg17[%mul3A_98] : memref<2097152xf32, #tpu.memory_space<hbm>> -> memref<4096xf32, #tpu.memory_space<hbm>>
      %dma_start3A_106 = tpu.memref_slice %arg17[%mul3A_98] : memref<2097152xf32, #tpu.memory_space<hbm>> -> memref<4096xf32, #tpu.memory_space<hbm>>
      tpu.enqueue_dma source(%dma_start3A_106 : memref<4096xf32, #tpu.memory_space<hbm>>) target(%arg29 : memref<4096xf32, #tpu.memory_space<vmem>>) target_semaphore(%arg33 : memref<!tpu.dma_semaphore, #tpu.memory_space<semaphore_mem>>)
      %scan3A_107 = arith.constant 0 : i32
      %scan3A_108 = arith.constant 0 : i32
      %scan3A_109 = arith.constant 10 : i32
      %scan3A_110 = arith.addi %scan3A_108, %scan3A_109 : i32
      %scan3A_111 = arith.constant 1 : i32
      scf.for %scan3A_174 = %scan3A_108 to %scan3A_110 step %scan3A_111  : i32 {
        %mul3A_175 = arith.constant 3 : i32
        %mul3A_176 = arith.muli %mul3A_175, %scan3A_174 : i32
        %add3A_177 = arith.constant 0 : i32
        %add3A_178 = arith.addi %mul3A_176, %add3A_177 : i32
        %ge3A = arith.constant 2 : i32
        %ge3A_179 = arith.cmpi sge, %add3A_178, %ge3A : i32
        %convert_element_type3A_180 = arith.extui %ge3A_179 : i1 to i32
        %cond3A_181 = arith.constant 0 : i32
        %cond3A_182 = arith.cmpi ne, %convert_element_type3A_180, %cond3A_181 : i32
        scf.if %cond3A_182 {
          %dma_wait3A_266 = arith.constant 0 : i32
          %dma_wait3A_267 = tpu.memref_slice %arg19[%dma_wait3A_266] : memref<1048576xf32, #tpu.memory_space<vmem_shared>> -> memref<1048576xf32, #tpu.memory_space<vmem_shared>>
          tpu.wait_indirect_dma semaphore(%arg37 : memref<!tpu.dma_semaphore, #tpu.memory_space<semaphore_mem>>) src(%arg27 : memref<4096xf32, #tpu.memory_space<vmem>>) dst(%dma_wait3A_267 : memref<1048576xf32, #tpu.memory_space<vmem_shared>>)
          %dma_wait3A_268 = arith.constant 0 : i32
          %dma_wait3A_269 = tpu.memref_slice %arg19[%dma_wait3A_268] : memref<1048576xf32, #tpu.memory_space<vmem_shared>> -> memref<1048576xf32, #tpu.memory_space<vmem_shared>>
          tpu.wait_indirect_dma semaphore(%arg37 : memref<!tpu.dma_semaphore, #tpu.memory_space<semaphore_mem>>) src(%arg30 : memref<4096xf32, #tpu.memory_space<vmem>>) dst(%dma_wait3A_269 : memref<1048576xf32, #tpu.memory_space<vmem_shared>>)
        } else {
        }
        %add3A_183 = arith.constant 1 : i32
        %add3A_184 = arith.addi %add3A_178, %add3A_183 : i32
        %lt3A = arith.constant 32 : i32
        %lt3A_185 = arith.cmpi slt, %add3A_184, %lt3A : i32
        %convert_element_type3A_186 = arith.extui %lt3A_185 : i1 to i32
        %cond3A_187 = arith.constant 0 : i32
        %cond3A_188 = arith.cmpi ne, %convert_element_type3A_186, %cond3A_187 : i32
        scf.if %cond3A_188 {
          %add3A_266 = arith.constant 1 : i32
          %add3A_267 = arith.addi %add3A_178, %add3A_266 : i32
          %mul3A_268 = arith.constant 4096 : i32
          %mul3A_269 = arith.muli %add3A_267, %mul3A_268 : i32
          %add3A_270 = arith.addi %mul3A_98, %mul3A_269 : i32
          %dma_start3A_271 = tpu.memref_slice %arg14[%add3A_270] : memref<2097152xi32, #tpu.memory_space<hbm>> -> memref<4096xi32, #tpu.memory_space<hbm>>
          %dma_start3A_272 = tpu.memref_slice %arg14[%add3A_270] : memref<2097152xi32, #tpu.memory_space<hbm>> -> memref<4096xi32, #tpu.memory_space<hbm>>
          tpu.enqueue_dma source(%dma_start3A_272 : memref<4096xi32, #tpu.memory_space<hbm>>) target(%arg21 : memref<4096xi32, #tpu.memory_space<vmem>>) target_semaphore(%arg34 : memref<!tpu.dma_semaphore, #tpu.memory_space<semaphore_mem>>)
          %dma_start3A_273 = tpu.memref_slice %arg15[%add3A_270] : memref<2097152xi32, #tpu.memory_space<hbm>> -> memref<4096xi32, #tpu.memory_space<hbm>>
          %dma_start3A_274 = tpu.memref_slice %arg15[%add3A_270] : memref<2097152xi32, #tpu.memory_space<hbm>> -> memref<4096xi32, #tpu.memory_space<hbm>>
          tpu.enqueue_dma source(%dma_start3A_274 : memref<4096xi32, #tpu.memory_space<hbm>>) target(%arg24 : memref<4096xi32, #tpu.memory_space<vmem>>) target_semaphore(%arg34 : memref<!tpu.dma_semaphore, #tpu.memory_space<semaphore_mem>>)
          %dma_start3A_275 = tpu.memref_slice %arg16[%add3A_270] : memref<2097152xf32, #tpu.memory_space<hbm>> -> memref<4096xf32, #tpu.memory_space<hbm>>
          %dma_start3A_276 = tpu.memref_slice %arg16[%add3A_270] : memref<2097152xf32, #tpu.memory_space<hbm>> -> memref<4096xf32, #tpu.memory_space<hbm>>
          tpu.enqueue_dma source(%dma_start3A_276 : memref<4096xf32, #tpu.memory_space<hbm>>) target(%arg27 : memref<4096xf32, #tpu.memory_space<vmem>>) target_semaphore(%arg34 : memref<!tpu.dma_semaphore, #tpu.memory_space<semaphore_mem>>)
          %dma_start3A_277 = tpu.memref_slice %arg17[%add3A_270] : memref<2097152xf32, #tpu.memory_space<hbm>> -> memref<4096xf32, #tpu.memory_space<hbm>>
          %dma_start3A_278 = tpu.memref_slice %arg17[%add3A_270] : memref<2097152xf32, #tpu.memory_space<hbm>> -> memref<4096xf32, #tpu.memory_space<hbm>>
          tpu.enqueue_dma source(%dma_start3A_278 : memref<4096xf32, #tpu.memory_space<hbm>>) target(%arg30 : memref<4096xf32, #tpu.memory_space<vmem>>) target_semaphore(%arg34 : memref<!tpu.dma_semaphore, #tpu.memory_space<semaphore_mem>>)
        } else {
        }
        %mul3A_189 = arith.constant 4096 : i32
        %mul3A_190 = arith.muli %add3A_178, %mul3A_189 : i32
        %add3A_191 = arith.addi %mul3A_98, %mul3A_190 : i32
        %dma_wait3A_192 = tpu.memref_slice %arg14[%add3A_191] : memref<2097152xi32, #tpu.memory_space<hbm>> -> memref<4096xi32, #tpu.memory_space<hbm>>
        %dma_wait3A_193 = tpu.memref_slice %arg14[%add3A_191] : memref<2097152xi32, #tpu.memory_space<hbm>> -> memref<4096xi32, #tpu.memory_space<hbm>>
        tpu.wait_dma2 semaphore(%arg33 : memref<!tpu.dma_semaphore, #tpu.memory_space<semaphore_mem>>) src(%dma_wait3A_193 : memref<4096xi32, #tpu.memory_space<hbm>>) dst(%arg20 : memref<4096xi32, #tpu.memory_space<vmem>>)
        %dma_wait3A_194 = tpu.memref_slice %arg15[%add3A_191] : memref<2097152xi32, #tpu.memory_space<hbm>> -> memref<4096xi32, #tpu.memory_space<hbm>>
        %dma_wait3A_195 = tpu.memref_slice %arg15[%add3A_191] : memref<2097152xi32, #tpu.memory_space<hbm>> -> memref<4096xi32, #tpu.memory_space<hbm>>
        tpu.wait_dma2 semaphore(%arg33 : memref<!tpu.dma_semaphore, #tpu.memory_space<semaphore_mem>>) src(%dma_wait3A_195 : memref<4096xi32, #tpu.memory_space<hbm>>) dst(%arg23 : memref<4096xi32, #tpu.memory_space<vmem>>)
        %dma_wait3A_196 = tpu.memref_slice %arg16[%add3A_191] : memref<2097152xf32, #tpu.memory_space<hbm>> -> memref<4096xf32, #tpu.memory_space<hbm>>
        %dma_wait3A_197 = tpu.memref_slice %arg16[%add3A_191] : memref<2097152xf32, #tpu.memory_space<hbm>> -> memref<4096xf32, #tpu.memory_space<hbm>>
        tpu.wait_dma2 semaphore(%arg33 : memref<!tpu.dma_semaphore, #tpu.memory_space<semaphore_mem>>) src(%dma_wait3A_197 : memref<4096xf32, #tpu.memory_space<hbm>>) dst(%arg26 : memref<4096xf32, #tpu.memory_space<vmem>>)
        %dma_wait3A_198 = tpu.memref_slice %arg17[%add3A_191] : memref<2097152xf32, #tpu.memory_space<hbm>> -> memref<4096xf32, #tpu.memory_space<hbm>>
        %dma_wait3A_199 = tpu.memref_slice %arg17[%add3A_191] : memref<2097152xf32, #tpu.memory_space<hbm>> -> memref<4096xf32, #tpu.memory_space<hbm>>
        tpu.wait_dma2 semaphore(%arg33 : memref<!tpu.dma_semaphore, #tpu.memory_space<semaphore_mem>>) src(%dma_wait3A_199 : memref<4096xf32, #tpu.memory_space<hbm>>) dst(%arg29 : memref<4096xf32, #tpu.memory_space<vmem>>)
        %dma_start3A_200 = arith.constant 0 : i32
        %dma_start3A_201 = tpu.memref_slice %arg19[%dma_start3A_200] : memref<1048576xf32, #tpu.memory_space<vmem_shared>> -> memref<1048576xf32, #tpu.memory_space<vmem_shared>>
        tpu.enqueue_indirect_dma source(%arg26 : memref<4096xf32, #tpu.memory_space<vmem>>) target(%dma_start3A_201 : memref<1048576xf32, #tpu.memory_space<vmem_shared>>) offsets(%arg20 : memref<4096xi32, #tpu.memory_space<vmem>>) semaphore(%arg36 : memref<!tpu.dma_semaphore, #tpu.memory_space<semaphore_mem>>) {add = true}
        %dma_start3A_202 = arith.constant 0 : i32
        %dma_start3A_203 = tpu.memref_slice %arg19[%dma_start3A_202] : memref<1048576xf32, #tpu.memory_space<vmem_shared>> -> memref<1048576xf32, #tpu.memory_space<vmem_shared>>
        tpu.enqueue_indirect_dma source(%arg29 : memref<4096xf32, #tpu.memory_space<vmem>>) target(%dma_start3A_203 : memref<1048576xf32, #tpu.memory_space<vmem_shared>>) offsets(%arg23 : memref<4096xi32, #tpu.memory_space<vmem>>) semaphore(%arg36 : memref<!tpu.dma_semaphore, #tpu.memory_space<semaphore_mem>>) {add = true}
        %mul3A_204 = arith.constant 3 : i32
        %mul3A_205 = arith.muli %mul3A_204, %scan3A_174 : i32
        %add3A_206 = arith.constant 1 : i32
        %add3A_207 = arith.addi %mul3A_205, %add3A_206 : i32
        %ge3A_208 = arith.constant 2 : i32
        %ge3A_209 = arith.cmpi sge, %add3A_207, %ge3A_208 : i32
        %convert_element_type3A_210 = arith.extui %ge3A_209 : i1 to i32
        %cond3A_211 = arith.constant 0 : i32
        %cond3A_212 = arith.cmpi ne, %convert_element_type3A_210, %cond3A_211 : i32
        scf.if %cond3A_212 {
          %dma_wait3A_266 = arith.constant 0 : i32
          %dma_wait3A_267 = tpu.memref_slice %arg19[%dma_wait3A_266] : memref<1048576xf32, #tpu.memory_space<vmem_shared>> -> memref<1048576xf32, #tpu.memory_space<vmem_shared>>
          tpu.wait_indirect_dma semaphore(%arg38 : memref<!tpu.dma_semaphore, #tpu.memory_space<semaphore_mem>>) src(%arg28 : memref<4096xf32, #tpu.memory_space<vmem>>) dst(%dma_wait3A_267 : memref<1048576xf32, #tpu.memory_space<vmem_shared>>)
          %dma_wait3A_268 = arith.constant 0 : i32
          %dma_wait3A_269 = tpu.memref_slice %arg19[%dma_wait3A_268] : memref<1048576xf32, #tpu.memory_space<vmem_shared>> -> memref<1048576xf32, #tpu.memory_space<vmem_shared>>
          tpu.wait_indirect_dma semaphore(%arg38 : memref<!tpu.dma_semaphore, #tpu.memory_space<semaphore_mem>>) src(%arg31 : memref<4096xf32, #tpu.memory_space<vmem>>) dst(%dma_wait3A_269 : memref<1048576xf32, #tpu.memory_space<vmem_shared>>)
        } else {
        }
        %add3A_213 = arith.constant 1 : i32
        %add3A_214 = arith.addi %add3A_207, %add3A_213 : i32
        %lt3A_215 = arith.constant 32 : i32
        %lt3A_216 = arith.cmpi slt, %add3A_214, %lt3A_215 : i32
        %convert_element_type3A_217 = arith.extui %lt3A_216 : i1 to i32
        %cond3A_218 = arith.constant 0 : i32
        %cond3A_219 = arith.cmpi ne, %convert_element_type3A_217, %cond3A_218 : i32
        scf.if %cond3A_219 {
          %add3A_266 = arith.constant 1 : i32
          %add3A_267 = arith.addi %add3A_207, %add3A_266 : i32
          %mul3A_268 = arith.constant 4096 : i32
          %mul3A_269 = arith.muli %add3A_267, %mul3A_268 : i32
          %add3A_270 = arith.addi %mul3A_98, %mul3A_269 : i32
          %dma_start3A_271 = tpu.memref_slice %arg14[%add3A_270] : memref<2097152xi32, #tpu.memory_space<hbm>> -> memref<4096xi32, #tpu.memory_space<hbm>>
          %dma_start3A_272 = tpu.memref_slice %arg14[%add3A_270] : memref<2097152xi32, #tpu.memory_space<hbm>> -> memref<4096xi32, #tpu.memory_space<hbm>>
          tpu.enqueue_dma source(%dma_start3A_272 : memref<4096xi32, #tpu.memory_space<hbm>>) target(%arg22 : memref<4096xi32, #tpu.memory_space<vmem>>) target_semaphore(%arg35 : memref<!tpu.dma_semaphore, #tpu.memory_space<semaphore_mem>>)
          %dma_start3A_273 = tpu.memref_slice %arg15[%add3A_270] : memref<2097152xi32, #tpu.memory_space<hbm>> -> memref<4096xi32, #tpu.memory_space<hbm>>
          %dma_start3A_274 = tpu.memref_slice %arg15[%add3A_270] : memref<2097152xi32, #tpu.memory_space<hbm>> -> memref<4096xi32, #tpu.memory_space<hbm>>
          tpu.enqueue_dma source(%dma_start3A_274 : memref<4096xi32, #tpu.memory_space<hbm>>) target(%arg25 : memref<4096xi32, #tpu.memory_space<vmem>>) target_semaphore(%arg35 : memref<!tpu.dma_semaphore, #tpu.memory_space<semaphore_mem>>)
          %dma_start3A_275 = tpu.memref_slice %arg16[%add3A_270] : memref<2097152xf32, #tpu.memory_space<hbm>> -> memref<4096xf32, #tpu.memory_space<hbm>>
          %dma_start3A_276 = tpu.memref_slice %arg16[%add3A_270] : memref<2097152xf32, #tpu.memory_space<hbm>> -> memref<4096xf32, #tpu.memory_space<hbm>>
          tpu.enqueue_dma source(%dma_start3A_276 : memref<4096xf32, #tpu.memory_space<hbm>>) target(%arg28 : memref<4096xf32, #tpu.memory_space<vmem>>) target_semaphore(%arg35 : memref<!tpu.dma_semaphore, #tpu.memory_space<semaphore_mem>>)
          %dma_start3A_277 = tpu.memref_slice %arg17[%add3A_270] : memref<2097152xf32, #tpu.memory_space<hbm>> -> memref<4096xf32, #tpu.memory_space<hbm>>
          %dma_start3A_278 = tpu.memref_slice %arg17[%add3A_270] : memref<2097152xf32, #tpu.memory_space<hbm>> -> memref<4096xf32, #tpu.memory_space<hbm>>
          tpu.enqueue_dma source(%dma_start3A_278 : memref<4096xf32, #tpu.memory_space<hbm>>) target(%arg31 : memref<4096xf32, #tpu.memory_space<vmem>>) target_semaphore(%arg35 : memref<!tpu.dma_semaphore, #tpu.memory_space<semaphore_mem>>)
        } else {
        }
        %mul3A_220 = arith.constant 4096 : i32
        %mul3A_221 = arith.muli %add3A_207, %mul3A_220 : i32
        %add3A_222 = arith.addi %mul3A_98, %mul3A_221 : i32
        %dma_wait3A_223 = tpu.memref_slice %arg14[%add3A_222] : memref<2097152xi32, #tpu.memory_space<hbm>> -> memref<4096xi32, #tpu.memory_space<hbm>>
        %dma_wait3A_224 = tpu.memref_slice %arg14[%add3A_222] : memref<2097152xi32, #tpu.memory_space<hbm>> -> memref<4096xi32, #tpu.memory_space<hbm>>
        tpu.wait_dma2 semaphore(%arg34 : memref<!tpu.dma_semaphore, #tpu.memory_space<semaphore_mem>>) src(%dma_wait3A_224 : memref<4096xi32, #tpu.memory_space<hbm>>) dst(%arg21 : memref<4096xi32, #tpu.memory_space<vmem>>)
        %dma_wait3A_225 = tpu.memref_slice %arg15[%add3A_222] : memref<2097152xi32, #tpu.memory_space<hbm>> -> memref<4096xi32, #tpu.memory_space<hbm>>
        %dma_wait3A_226 = tpu.memref_slice %arg15[%add3A_222] : memref<2097152xi32, #tpu.memory_space<hbm>> -> memref<4096xi32, #tpu.memory_space<hbm>>
        tpu.wait_dma2 semaphore(%arg34 : memref<!tpu.dma_semaphore, #tpu.memory_space<semaphore_mem>>) src(%dma_wait3A_226 : memref<4096xi32, #tpu.memory_space<hbm>>) dst(%arg24 : memref<4096xi32, #tpu.memory_space<vmem>>)
        %dma_wait3A_227 = tpu.memref_slice %arg16[%add3A_222] : memref<2097152xf32, #tpu.memory_space<hbm>> -> memref<4096xf32, #tpu.memory_space<hbm>>
        %dma_wait3A_228 = tpu.memref_slice %arg16[%add3A_222] : memref<2097152xf32, #tpu.memory_space<hbm>> -> memref<4096xf32, #tpu.memory_space<hbm>>
        tpu.wait_dma2 semaphore(%arg34 : memref<!tpu.dma_semaphore, #tpu.memory_space<semaphore_mem>>) src(%dma_wait3A_228 : memref<4096xf32, #tpu.memory_space<hbm>>) dst(%arg27 : memref<4096xf32, #tpu.memory_space<vmem>>)
        %dma_wait3A_229 = tpu.memref_slice %arg17[%add3A_222] : memref<2097152xf32, #tpu.memory_space<hbm>> -> memref<4096xf32, #tpu.memory_space<hbm>>
        %dma_wait3A_230 = tpu.memref_slice %arg17[%add3A_222] : memref<2097152xf32, #tpu.memory_space<hbm>> -> memref<4096xf32, #tpu.memory_space<hbm>>
        tpu.wait_dma2 semaphore(%arg34 : memref<!tpu.dma_semaphore, #tpu.memory_space<semaphore_mem>>) src(%dma_wait3A_230 : memref<4096xf32, #tpu.memory_space<hbm>>) dst(%arg30 : memref<4096xf32, #tpu.memory_space<vmem>>)
        %dma_start3A_231 = arith.constant 0 : i32
        %dma_start3A_232 = tpu.memref_slice %arg19[%dma_start3A_231] : memref<1048576xf32, #tpu.memory_space<vmem_shared>> -> memref<1048576xf32, #tpu.memory_space<vmem_shared>>
        tpu.enqueue_indirect_dma source(%arg27 : memref<4096xf32, #tpu.memory_space<vmem>>) target(%dma_start3A_232 : memref<1048576xf32, #tpu.memory_space<vmem_shared>>) offsets(%arg21 : memref<4096xi32, #tpu.memory_space<vmem>>) semaphore(%arg37 : memref<!tpu.dma_semaphore, #tpu.memory_space<semaphore_mem>>) {add = true}
        %dma_start3A_233 = arith.constant 0 : i32
        %dma_start3A_234 = tpu.memref_slice %arg19[%dma_start3A_233] : memref<1048576xf32, #tpu.memory_space<vmem_shared>> -> memref<1048576xf32, #tpu.memory_space<vmem_shared>>
        tpu.enqueue_indirect_dma source(%arg30 : memref<4096xf32, #tpu.memory_space<vmem>>) target(%dma_start3A_234 : memref<1048576xf32, #tpu.memory_space<vmem_shared>>) offsets(%arg24 : memref<4096xi32, #tpu.memory_space<vmem>>) semaphore(%arg37 : memref<!tpu.dma_semaphore, #tpu.memory_space<semaphore_mem>>) {add = true}
        %mul3A_235 = arith.constant 3 : i32
        %mul3A_236 = arith.muli %mul3A_235, %scan3A_174 : i32
        %add3A_237 = arith.constant 2 : i32
        %add3A_238 = arith.addi %mul3A_236, %add3A_237 : i32
        %ge3A_239 = arith.constant 2 : i32
        %ge3A_240 = arith.cmpi sge, %add3A_238, %ge3A_239 : i32
        %convert_element_type3A_241 = arith.extui %ge3A_240 : i1 to i32
        %cond3A_242 = arith.constant 0 : i32
        %cond3A_243 = arith.cmpi ne, %convert_element_type3A_241, %cond3A_242 : i32
        scf.if %cond3A_243 {
          %dma_wait3A_266 = arith.constant 0 : i32
          %dma_wait3A_267 = tpu.memref_slice %arg19[%dma_wait3A_266] : memref<1048576xf32, #tpu.memory_space<vmem_shared>> -> memref<1048576xf32, #tpu.memory_space<vmem_shared>>
          tpu.wait_indirect_dma semaphore(%arg36 : memref<!tpu.dma_semaphore, #tpu.memory_space<semaphore_mem>>) src(%arg26 : memref<4096xf32, #tpu.memory_space<vmem>>) dst(%dma_wait3A_267 : memref<1048576xf32, #tpu.memory_space<vmem_shared>>)
          %dma_wait3A_268 = arith.constant 0 : i32
          %dma_wait3A_269 = tpu.memref_slice %arg19[%dma_wait3A_268] : memref<1048576xf32, #tpu.memory_space<vmem_shared>> -> memref<1048576xf32, #tpu.memory_space<vmem_shared>>
          tpu.wait_indirect_dma semaphore(%arg36 : memref<!tpu.dma_semaphore, #tpu.memory_space<semaphore_mem>>) src(%arg29 : memref<4096xf32, #tpu.memory_space<vmem>>) dst(%dma_wait3A_269 : memref<1048576xf32, #tpu.memory_space<vmem_shared>>)
        } else {
        }
        %add3A_244 = arith.constant 1 : i32
        %add3A_245 = arith.addi %add3A_238, %add3A_244 : i32
        %lt3A_246 = arith.constant 32 : i32
        %lt3A_247 = arith.cmpi slt, %add3A_245, %lt3A_246 : i32
        %convert_element_type3A_248 = arith.extui %lt3A_247 : i1 to i32
        %cond3A_249 = arith.constant 0 : i32
        %cond3A_250 = arith.cmpi ne, %convert_element_type3A_248, %cond3A_249 : i32
        scf.if %cond3A_250 {
          %add3A_266 = arith.constant 1 : i32
          %add3A_267 = arith.addi %add3A_238, %add3A_266 : i32
          %mul3A_268 = arith.constant 4096 : i32
          %mul3A_269 = arith.muli %add3A_267, %mul3A_268 : i32
          %add3A_270 = arith.addi %mul3A_98, %mul3A_269 : i32
          %dma_start3A_271 = tpu.memref_slice %arg14[%add3A_270] : memref<2097152xi32, #tpu.memory_space<hbm>> -> memref<4096xi32, #tpu.memory_space<hbm>>
          %dma_start3A_272 = tpu.memref_slice %arg14[%add3A_270] : memref<2097152xi32, #tpu.memory_space<hbm>> -> memref<4096xi32, #tpu.memory_space<hbm>>
          tpu.enqueue_dma source(%dma_start3A_272 : memref<4096xi32, #tpu.memory_space<hbm>>) target(%arg20 : memref<4096xi32, #tpu.memory_space<vmem>>) target_semaphore(%arg33 : memref<!tpu.dma_semaphore, #tpu.memory_space<semaphore_mem>>)
          %dma_start3A_273 = tpu.memref_slice %arg15[%add3A_270] : memref<2097152xi32, #tpu.memory_space<hbm>> -> memref<4096xi32, #tpu.memory_space<hbm>>
          %dma_start3A_274 = tpu.memref_slice %arg15[%add3A_270] : memref<2097152xi32, #tpu.memory_space<hbm>> -> memref<4096xi32, #tpu.memory_space<hbm>>
          tpu.enqueue_dma source(%dma_start3A_274 : memref<4096xi32, #tpu.memory_space<hbm>>) target(%arg23 : memref<4096xi32, #tpu.memory_space<vmem>>) target_semaphore(%arg33 : memref<!tpu.dma_semaphore, #tpu.memory_space<semaphore_mem>>)
          %dma_start3A_275 = tpu.memref_slice %arg16[%add3A_270] : memref<2097152xf32, #tpu.memory_space<hbm>> -> memref<4096xf32, #tpu.memory_space<hbm>>
          %dma_start3A_276 = tpu.memref_slice %arg16[%add3A_270] : memref<2097152xf32, #tpu.memory_space<hbm>> -> memref<4096xf32, #tpu.memory_space<hbm>>
          tpu.enqueue_dma source(%dma_start3A_276 : memref<4096xf32, #tpu.memory_space<hbm>>) target(%arg26 : memref<4096xf32, #tpu.memory_space<vmem>>) target_semaphore(%arg33 : memref<!tpu.dma_semaphore, #tpu.memory_space<semaphore_mem>>)
          %dma_start3A_277 = tpu.memref_slice %arg17[%add3A_270] : memref<2097152xf32, #tpu.memory_space<hbm>> -> memref<4096xf32, #tpu.memory_space<hbm>>
          %dma_start3A_278 = tpu.memref_slice %arg17[%add3A_270] : memref<2097152xf32, #tpu.memory_space<hbm>> -> memref<4096xf32, #tpu.memory_space<hbm>>
          tpu.enqueue_dma source(%dma_start3A_278 : memref<4096xf32, #tpu.memory_space<hbm>>) target(%arg29 : memref<4096xf32, #tpu.memory_space<vmem>>) target_semaphore(%arg33 : memref<!tpu.dma_semaphore, #tpu.memory_space<semaphore_mem>>)
        } else {
        }
        %mul3A_251 = arith.constant 4096 : i32
        %mul3A_252 = arith.muli %add3A_238, %mul3A_251 : i32
        %add3A_253 = arith.addi %mul3A_98, %mul3A_252 : i32
        %dma_wait3A_254 = tpu.memref_slice %arg14[%add3A_253] : memref<2097152xi32, #tpu.memory_space<hbm>> -> memref<4096xi32, #tpu.memory_space<hbm>>
        %dma_wait3A_255 = tpu.memref_slice %arg14[%add3A_253] : memref<2097152xi32, #tpu.memory_space<hbm>> -> memref<4096xi32, #tpu.memory_space<hbm>>
        tpu.wait_dma2 semaphore(%arg35 : memref<!tpu.dma_semaphore, #tpu.memory_space<semaphore_mem>>) src(%dma_wait3A_255 : memref<4096xi32, #tpu.memory_space<hbm>>) dst(%arg22 : memref<4096xi32, #tpu.memory_space<vmem>>)
        %dma_wait3A_256 = tpu.memref_slice %arg15[%add3A_253] : memref<2097152xi32, #tpu.memory_space<hbm>> -> memref<4096xi32, #tpu.memory_space<hbm>>
        %dma_wait3A_257 = tpu.memref_slice %arg15[%add3A_253] : memref<2097152xi32, #tpu.memory_space<hbm>> -> memref<4096xi32, #tpu.memory_space<hbm>>
        tpu.wait_dma2 semaphore(%arg35 : memref<!tpu.dma_semaphore, #tpu.memory_space<semaphore_mem>>) src(%dma_wait3A_257 : memref<4096xi32, #tpu.memory_space<hbm>>) dst(%arg25 : memref<4096xi32, #tpu.memory_space<vmem>>)
        %dma_wait3A_258 = tpu.memref_slice %arg16[%add3A_253] : memref<2097152xf32, #tpu.memory_space<hbm>> -> memref<4096xf32, #tpu.memory_space<hbm>>
        %dma_wait3A_259 = tpu.memref_slice %arg16[%add3A_253] : memref<2097152xf32, #tpu.memory_space<hbm>> -> memref<4096xf32, #tpu.memory_space<hbm>>
        tpu.wait_dma2 semaphore(%arg35 : memref<!tpu.dma_semaphore, #tpu.memory_space<semaphore_mem>>) src(%dma_wait3A_259 : memref<4096xf32, #tpu.memory_space<hbm>>) dst(%arg28 : memref<4096xf32, #tpu.memory_space<vmem>>)
        %dma_wait3A_260 = tpu.memref_slice %arg17[%add3A_253] : memref<2097152xf32, #tpu.memory_space<hbm>> -> memref<4096xf32, #tpu.memory_space<hbm>>
        %dma_wait3A_261 = tpu.memref_slice %arg17[%add3A_253] : memref<2097152xf32, #tpu.memory_space<hbm>> -> memref<4096xf32, #tpu.memory_space<hbm>>
        tpu.wait_dma2 semaphore(%arg35 : memref<!tpu.dma_semaphore, #tpu.memory_space<semaphore_mem>>) src(%dma_wait3A_261 : memref<4096xf32, #tpu.memory_space<hbm>>) dst(%arg31 : memref<4096xf32, #tpu.memory_space<vmem>>)
        %dma_start3A_262 = arith.constant 0 : i32
        %dma_start3A_263 = tpu.memref_slice %arg19[%dma_start3A_262] : memref<1048576xf32, #tpu.memory_space<vmem_shared>> -> memref<1048576xf32, #tpu.memory_space<vmem_shared>>
        tpu.enqueue_indirect_dma source(%arg28 : memref<4096xf32, #tpu.memory_space<vmem>>) target(%dma_start3A_263 : memref<1048576xf32, #tpu.memory_space<vmem_shared>>) offsets(%arg22 : memref<4096xi32, #tpu.memory_space<vmem>>) semaphore(%arg38 : memref<!tpu.dma_semaphore, #tpu.memory_space<semaphore_mem>>) {add = true}
        %dma_start3A_264 = arith.constant 0 : i32
        %dma_start3A_265 = tpu.memref_slice %arg19[%dma_start3A_264] : memref<1048576xf32, #tpu.memory_space<vmem_shared>> -> memref<1048576xf32, #tpu.memory_space<vmem_shared>>
        tpu.enqueue_indirect_dma source(%arg31 : memref<4096xf32, #tpu.memory_space<vmem>>) target(%dma_start3A_265 : memref<1048576xf32, #tpu.memory_space<vmem_shared>>) offsets(%arg25 : memref<4096xi32, #tpu.memory_space<vmem>>) semaphore(%arg38 : memref<!tpu.dma_semaphore, #tpu.memory_space<semaphore_mem>>) {add = true}
      }
      %scan3A_112 = arith.constant 10 : i32
      %dma_wait3A_113 = arith.constant 0 : i32
      %dma_wait3A_114 = tpu.memref_slice %arg19[%dma_wait3A_113] : memref<1048576xf32, #tpu.memory_space<vmem_shared>> -> memref<1048576xf32, #tpu.memory_space<vmem_shared>>
      tpu.wait_indirect_dma semaphore(%arg37 : memref<!tpu.dma_semaphore, #tpu.memory_space<semaphore_mem>>) src(%arg27 : memref<4096xf32, #tpu.memory_space<vmem>>) dst(%dma_wait3A_114 : memref<1048576xf32, #tpu.memory_space<vmem_shared>>)
      %dma_wait3A_115 = arith.constant 0 : i32
      %dma_wait3A_116 = tpu.memref_slice %arg19[%dma_wait3A_115] : memref<1048576xf32, #tpu.memory_space<vmem_shared>> -> memref<1048576xf32, #tpu.memory_space<vmem_shared>>
      tpu.wait_indirect_dma semaphore(%arg37 : memref<!tpu.dma_semaphore, #tpu.memory_space<semaphore_mem>>) src(%arg30 : memref<4096xf32, #tpu.memory_space<vmem>>) dst(%dma_wait3A_116 : memref<1048576xf32, #tpu.memory_space<vmem_shared>>)
      %add3A_117 = arith.constant 126976 : i32
      %add3A_118 = arith.addi %mul3A_98, %add3A_117 : i32
      %dma_start3A_119 = tpu.memref_slice %arg14[%add3A_118] : memref<2097152xi32, #tpu.memory_space<hbm>> -> memref<4096xi32, #tpu.memory_space<hbm>>
      %dma_start3A_120 = tpu.memref_slice %arg14[%add3A_118] : memref<2097152xi32, #tpu.memory_space<hbm>> -> memref<4096xi32, #tpu.memory_space<hbm>>
      tpu.enqueue_dma source(%dma_start3A_120 : memref<4096xi32, #tpu.memory_space<hbm>>) target(%arg21 : memref<4096xi32, #tpu.memory_space<vmem>>) target_semaphore(%arg34 : memref<!tpu.dma_semaphore, #tpu.memory_space<semaphore_mem>>)
      %dma_start3A_121 = tpu.memref_slice %arg15[%add3A_118] : memref<2097152xi32, #tpu.memory_space<hbm>> -> memref<4096xi32, #tpu.memory_space<hbm>>
      %dma_start3A_122 = tpu.memref_slice %arg15[%add3A_118] : memref<2097152xi32, #tpu.memory_space<hbm>> -> memref<4096xi32, #tpu.memory_space<hbm>>
      tpu.enqueue_dma source(%dma_start3A_122 : memref<4096xi32, #tpu.memory_space<hbm>>) target(%arg24 : memref<4096xi32, #tpu.memory_space<vmem>>) target_semaphore(%arg34 : memref<!tpu.dma_semaphore, #tpu.memory_space<semaphore_mem>>)
      %dma_start3A_123 = tpu.memref_slice %arg16[%add3A_118] : memref<2097152xf32, #tpu.memory_space<hbm>> -> memref<4096xf32, #tpu.memory_space<hbm>>
      %dma_start3A_124 = tpu.memref_slice %arg16[%add3A_118] : memref<2097152xf32, #tpu.memory_space<hbm>> -> memref<4096xf32, #tpu.memory_space<hbm>>
      tpu.enqueue_dma source(%dma_start3A_124 : memref<4096xf32, #tpu.memory_space<hbm>>) target(%arg27 : memref<4096xf32, #tpu.memory_space<vmem>>) target_semaphore(%arg34 : memref<!tpu.dma_semaphore, #tpu.memory_space<semaphore_mem>>)
      %dma_start3A_125 = tpu.memref_slice %arg17[%add3A_118] : memref<2097152xf32, #tpu.memory_space<hbm>> -> memref<4096xf32, #tpu.memory_space<hbm>>
      %dma_start3A_126 = tpu.memref_slice %arg17[%add3A_118] : memref<2097152xf32, #tpu.memory_space<hbm>> -> memref<4096xf32, #tpu.memory_space<hbm>>
      tpu.enqueue_dma source(%dma_start3A_126 : memref<4096xf32, #tpu.memory_space<hbm>>) target(%arg30 : memref<4096xf32, #tpu.memory_space<vmem>>) target_semaphore(%arg34 : memref<!tpu.dma_semaphore, #tpu.memory_space<semaphore_mem>>)
      %add3A_127 = arith.constant 122880 : i32
      %add3A_128 = arith.addi %mul3A_98, %add3A_127 : i32
      %dma_wait3A_129 = tpu.memref_slice %arg14[%add3A_128] : memref<2097152xi32, #tpu.memory_space<hbm>> -> memref<4096xi32, #tpu.memory_space<hbm>>
      %dma_wait3A_130 = tpu.memref_slice %arg14[%add3A_128] : memref<2097152xi32, #tpu.memory_space<hbm>> -> memref<4096xi32, #tpu.memory_space<hbm>>
      tpu.wait_dma2 semaphore(%arg33 : memref<!tpu.dma_semaphore, #tpu.memory_space<semaphore_mem>>) src(%dma_wait3A_130 : memref<4096xi32, #tpu.memory_space<hbm>>) dst(%arg20 : memref<4096xi32, #tpu.memory_space<vmem>>)
      %dma_wait3A_131 = tpu.memref_slice %arg15[%add3A_128] : memref<2097152xi32, #tpu.memory_space<hbm>> -> memref<4096xi32, #tpu.memory_space<hbm>>
      %dma_wait3A_132 = tpu.memref_slice %arg15[%add3A_128] : memref<2097152xi32, #tpu.memory_space<hbm>> -> memref<4096xi32, #tpu.memory_space<hbm>>
      tpu.wait_dma2 semaphore(%arg33 : memref<!tpu.dma_semaphore, #tpu.memory_space<semaphore_mem>>) src(%dma_wait3A_132 : memref<4096xi32, #tpu.memory_space<hbm>>) dst(%arg23 : memref<4096xi32, #tpu.memory_space<vmem>>)
      %dma_wait3A_133 = tpu.memref_slice %arg16[%add3A_128] : memref<2097152xf32, #tpu.memory_space<hbm>> -> memref<4096xf32, #tpu.memory_space<hbm>>
      %dma_wait3A_134 = tpu.memref_slice %arg16[%add3A_128] : memref<2097152xf32, #tpu.memory_space<hbm>> -> memref<4096xf32, #tpu.memory_space<hbm>>
      tpu.wait_dma2 semaphore(%arg33 : memref<!tpu.dma_semaphore, #tpu.memory_space<semaphore_mem>>) src(%dma_wait3A_134 : memref<4096xf32, #tpu.memory_space<hbm>>) dst(%arg26 : memref<4096xf32, #tpu.memory_space<vmem>>)
      %dma_wait3A_135 = tpu.memref_slice %arg17[%add3A_128] : memref<2097152xf32, #tpu.memory_space<hbm>> -> memref<4096xf32, #tpu.memory_space<hbm>>
      %dma_wait3A_136 = tpu.memref_slice %arg17[%add3A_128] : memref<2097152xf32, #tpu.memory_space<hbm>> -> memref<4096xf32, #tpu.memory_space<hbm>>
      tpu.wait_dma2 semaphore(%arg33 : memref<!tpu.dma_semaphore, #tpu.memory_space<semaphore_mem>>) src(%dma_wait3A_136 : memref<4096xf32, #tpu.memory_space<hbm>>) dst(%arg29 : memref<4096xf32, #tpu.memory_space<vmem>>)
      %dma_start3A_137 = arith.constant 0 : i32
      %dma_start3A_138 = tpu.memref_slice %arg19[%dma_start3A_137] : memref<1048576xf32, #tpu.memory_space<vmem_shared>> -> memref<1048576xf32, #tpu.memory_space<vmem_shared>>
      tpu.enqueue_indirect_dma source(%arg26 : memref<4096xf32, #tpu.memory_space<vmem>>) target(%dma_start3A_138 : memref<1048576xf32, #tpu.memory_space<vmem_shared>>) offsets(%arg20 : memref<4096xi32, #tpu.memory_space<vmem>>) semaphore(%arg36 : memref<!tpu.dma_semaphore, #tpu.memory_space<semaphore_mem>>) {add = true}
      %dma_start3A_139 = arith.constant 0 : i32
      %dma_start3A_140 = tpu.memref_slice %arg19[%dma_start3A_139] : memref<1048576xf32, #tpu.memory_space<vmem_shared>> -> memref<1048576xf32, #tpu.memory_space<vmem_shared>>
      tpu.enqueue_indirect_dma source(%arg29 : memref<4096xf32, #tpu.memory_space<vmem>>) target(%dma_start3A_140 : memref<1048576xf32, #tpu.memory_space<vmem_shared>>) offsets(%arg23 : memref<4096xi32, #tpu.memory_space<vmem>>) semaphore(%arg36 : memref<!tpu.dma_semaphore, #tpu.memory_space<semaphore_mem>>) {add = true}
      %dma_wait3A_141 = arith.constant 0 : i32
      %dma_wait3A_142 = tpu.memref_slice %arg19[%dma_wait3A_141] : memref<1048576xf32, #tpu.memory_space<vmem_shared>> -> memref<1048576xf32, #tpu.memory_space<vmem_shared>>
      tpu.wait_indirect_dma semaphore(%arg38 : memref<!tpu.dma_semaphore, #tpu.memory_space<semaphore_mem>>) src(%arg28 : memref<4096xf32, #tpu.memory_space<vmem>>) dst(%dma_wait3A_142 : memref<1048576xf32, #tpu.memory_space<vmem_shared>>)
      %dma_wait3A_143 = arith.constant 0 : i32
      %dma_wait3A_144 = tpu.memref_slice %arg19[%dma_wait3A_143] : memref<1048576xf32, #tpu.memory_space<vmem_shared>> -> memref<1048576xf32, #tpu.memory_space<vmem_shared>>
      tpu.wait_indirect_dma semaphore(%arg38 : memref<!tpu.dma_semaphore, #tpu.memory_space<semaphore_mem>>) src(%arg31 : memref<4096xf32, #tpu.memory_space<vmem>>) dst(%dma_wait3A_144 : memref<1048576xf32, #tpu.memory_space<vmem_shared>>)
      %add3A_145 = arith.constant 126976 : i32
      %add3A_146 = arith.addi %mul3A_98, %add3A_145 : i32
      %dma_wait3A_147 = tpu.memref_slice %arg14[%add3A_146] : memref<2097152xi32, #tpu.memory_space<hbm>> -> memref<4096xi32, #tpu.memory_space<hbm>>
      %dma_wait3A_148 = tpu.memref_slice %arg14[%add3A_146] : memref<2097152xi32, #tpu.memory_space<hbm>> -> memref<4096xi32, #tpu.memory_space<hbm>>
      tpu.wait_dma2 semaphore(%arg34 : memref<!tpu.dma_semaphore, #tpu.memory_space<semaphore_mem>>) src(%dma_wait3A_148 : memref<4096xi32, #tpu.memory_space<hbm>>) dst(%arg21 : memref<4096xi32, #tpu.memory_space<vmem>>)
      %dma_wait3A_149 = tpu.memref_slice %arg15[%add3A_146] : memref<2097152xi32, #tpu.memory_space<hbm>> -> memref<4096xi32, #tpu.memory_space<hbm>>
      %dma_wait3A_150 = tpu.memref_slice %arg15[%add3A_146] : memref<2097152xi32, #tpu.memory_space<hbm>> -> memref<4096xi32, #tpu.memory_space<hbm>>
      tpu.wait_dma2 semaphore(%arg34 : memref<!tpu.dma_semaphore, #tpu.memory_space<semaphore_mem>>) src(%dma_wait3A_150 : memref<4096xi32, #tpu.memory_space<hbm>>) dst(%arg24 : memref<4096xi32, #tpu.memory_space<vmem>>)
      %dma_wait3A_151 = tpu.memref_slice %arg16[%add3A_146] : memref<2097152xf32, #tpu.memory_space<hbm>> -> memref<4096xf32, #tpu.memory_space<hbm>>
      %dma_wait3A_152 = tpu.memref_slice %arg16[%add3A_146] : memref<2097152xf32, #tpu.memory_space<hbm>> -> memref<4096xf32, #tpu.memory_space<hbm>>
      tpu.wait_dma2 semaphore(%arg34 : memref<!tpu.dma_semaphore, #tpu.memory_space<semaphore_mem>>) src(%dma_wait3A_152 : memref<4096xf32, #tpu.memory_space<hbm>>) dst(%arg27 : memref<4096xf32, #tpu.memory_space<vmem>>)
      %dma_wait3A_153 = tpu.memref_slice %arg17[%add3A_146] : memref<2097152xf32, #tpu.memory_space<hbm>> -> memref<4096xf32, #tpu.memory_space<hbm>>
      %dma_wait3A_154 = tpu.memref_slice %arg17[%add3A_146] : memref<2097152xf32, #tpu.memory_space<hbm>> -> memref<4096xf32, #tpu.memory_space<hbm>>
      tpu.wait_dma2 semaphore(%arg34 : memref<!tpu.dma_semaphore, #tpu.memory_space<semaphore_mem>>) src(%dma_wait3A_154 : memref<4096xf32, #tpu.memory_space<hbm>>) dst(%arg30 : memref<4096xf32, #tpu.memory_space<vmem>>)
      %dma_start3A_155 = arith.constant 0 : i32
      %dma_start3A_156 = tpu.memref_slice %arg19[%dma_start3A_155] : memref<1048576xf32, #tpu.memory_space<vmem_shared>> -> memref<1048576xf32, #tpu.memory_space<vmem_shared>>
      tpu.enqueue_indirect_dma source(%arg27 : memref<4096xf32, #tpu.memory_space<vmem>>) target(%dma_start3A_156 : memref<1048576xf32, #tpu.memory_space<vmem_shared>>) offsets(%arg21 : memref<4096xi32, #tpu.memory_space<vmem>>) semaphore(%arg37 : memref<!tpu.dma_semaphore, #tpu.memory_space<semaphore_mem>>) {add = true}
      %dma_start3A_157 = arith.constant 0 : i32
      %dma_start3A_158 = tpu.memref_slice %arg19[%dma_start3A_157] : memref<1048576xf32, #tpu.memory_space<vmem_shared>> -> memref<1048576xf32, #tpu.memory_space<vmem_shared>>
      tpu.enqueue_indirect_dma source(%arg30 : memref<4096xf32, #tpu.memory_space<vmem>>) target(%dma_start3A_158 : memref<1048576xf32, #tpu.memory_space<vmem_shared>>) offsets(%arg24 : memref<4096xi32, #tpu.memory_space<vmem>>) semaphore(%arg37 : memref<!tpu.dma_semaphore, #tpu.memory_space<semaphore_mem>>) {add = true}
      %dma_wait3A_159 = arith.constant 0 : i32
      %dma_wait3A_160 = tpu.memref_slice %arg19[%dma_wait3A_159] : memref<1048576xf32, #tpu.memory_space<vmem_shared>> -> memref<1048576xf32, #tpu.memory_space<vmem_shared>>
      tpu.wait_indirect_dma semaphore(%arg36 : memref<!tpu.dma_semaphore, #tpu.memory_space<semaphore_mem>>) src(%arg26 : memref<4096xf32, #tpu.memory_space<vmem>>) dst(%dma_wait3A_160 : memref<1048576xf32, #tpu.memory_space<vmem_shared>>)
      %dma_wait3A_161 = arith.constant 0 : i32
      %dma_wait3A_162 = tpu.memref_slice %arg19[%dma_wait3A_161] : memref<1048576xf32, #tpu.memory_space<vmem_shared>> -> memref<1048576xf32, #tpu.memory_space<vmem_shared>>
      tpu.wait_indirect_dma semaphore(%arg36 : memref<!tpu.dma_semaphore, #tpu.memory_space<semaphore_mem>>) src(%arg29 : memref<4096xf32, #tpu.memory_space<vmem>>) dst(%dma_wait3A_162 : memref<1048576xf32, #tpu.memory_space<vmem_shared>>)
      %dma_wait3A_163 = arith.constant 0 : i32
      %dma_wait3A_164 = tpu.memref_slice %arg19[%dma_wait3A_163] : memref<1048576xf32, #tpu.memory_space<vmem_shared>> -> memref<1048576xf32, #tpu.memory_space<vmem_shared>>
      tpu.wait_indirect_dma semaphore(%arg37 : memref<!tpu.dma_semaphore, #tpu.memory_space<semaphore_mem>>) src(%arg27 : memref<4096xf32, #tpu.memory_space<vmem>>) dst(%dma_wait3A_164 : memref<1048576xf32, #tpu.memory_space<vmem_shared>>)
      %dma_wait3A_165 = arith.constant 0 : i32
      %dma_wait3A_166 = tpu.memref_slice %arg19[%dma_wait3A_165] : memref<1048576xf32, #tpu.memory_space<vmem_shared>> -> memref<1048576xf32, #tpu.memory_space<vmem_shared>>
      tpu.wait_indirect_dma semaphore(%arg37 : memref<!tpu.dma_semaphore, #tpu.memory_space<semaphore_mem>>) src(%arg30 : memref<4096xf32, #tpu.memory_space<vmem>>) dst(%dma_wait3A_166 : memref<1048576xf32, #tpu.memory_space<vmem_shared>>)
      %barrier3A_167 = arith.constant 0 : index
      tpu.barrier barrier_id(%barrier3A_167)
      %mul3A_168 = arith.constant 65536 : i32
      %mul3A_169 = arith.muli %arg1, %mul3A_168 : i32
      %mul3A_170 = arith.constant 65536 : i32
      %mul3A_171 = arith.muli %arg1, %mul3A_170 : i32
      %run_scoped3A_172 = arith.constant 1 : i32
      %run_scoped3A_173 = arith.constant 1 : i32
      "tpu.region"() ({
        %run_scoped3A_174 = tpu.sem_alloc : memref<!tpu.dma_semaphore, #tpu.memory_space<semaphore_mem>>
        %dma_start3A_175 = tpu.memref_slice %arg18[%run_scoped3A_172, %run_scoped3A_173, %mul3A_171] : memref<2x2x1048576xf32, #tpu.memory_space<hbm>> -> memref<1x1x65536xf32, #tpu.memory_space<hbm>>
        %dma_start3A_176 = tpu.memref_squeeze %dma_start3A_175 : memref<1x1x65536xf32, #tpu.memory_space<hbm>> -> memref<65536xf32, #tpu.memory_space<hbm>>
        %dma_start3A_177 = tpu.memref_slice %arg19[%mul3A_169] : memref<1048576xf32, #tpu.memory_space<vmem_shared>> -> memref<65536xf32, #tpu.memory_space<vmem_shared>>
        tpu.enqueue_dma source(%dma_start3A_177 : memref<65536xf32, #tpu.memory_space<vmem_shared>>) target(%dma_start3A_176 : memref<65536xf32, #tpu.memory_space<hbm>>) target_semaphore(%run_scoped3A_174 : memref<!tpu.dma_semaphore, #tpu.memory_space<semaphore_mem>>)
        %dma_wait3A_178 = tpu.memref_slice %arg18[%run_scoped3A_172, %run_scoped3A_173, %mul3A_171] : memref<2x2x1048576xf32, #tpu.memory_space<hbm>> -> memref<1x1x65536xf32, #tpu.memory_space<hbm>>
        %dma_wait3A_179 = tpu.memref_squeeze %dma_wait3A_178 : memref<1x1x65536xf32, #tpu.memory_space<hbm>> -> memref<65536xf32, #tpu.memory_space<hbm>>
        %dma_wait3A_180 = tpu.memref_slice %arg19[%mul3A_169] : memref<1048576xf32, #tpu.memory_space<vmem_shared>> -> memref<65536xf32, #tpu.memory_space<vmem_shared>>
        tpu.wait_dma2 semaphore(%run_scoped3A_174 : memref<!tpu.dma_semaphore, #tpu.memory_space<semaphore_mem>>) src(%dma_wait3A_180 : memref<65536xf32, #tpu.memory_space<vmem_shared>>) dst(%dma_wait3A_179 : memref<65536xf32, #tpu.memory_space<hbm>>)
        tpu.yield
      }) : () -> ()
    } else {
    }
    return
  }
}

module attributes {stable_mosaic.version = 14 : i64} {
  func.func @_blur_body(%arg0: i32, %arg1: memref<1x1x1x128x256xf32, #tpu.memory_space<vmem>>, %arg2: memref<1x1x1x128x256xf32, #tpu.memory_space<vmem>>, %arg3: memref<256x128xf32, #tpu.memory_space<vmem>>, %arg4: memref<256x128xf32, #tpu.memory_space<vmem>>, %arg5: memref<256x256xf32, #tpu.memory_space<vmem>>, %arg6: memref<1x256x256xf32, #tpu.memory_space<vmem>>) attributes {dimension_semantics = [#tpu.dimension_semantics<arbitrary>], iteration_bounds = array<i64: 64>, scalar_prefetch = 0 : i64, scratch_operands = 0 : i64, tpu.core_type = #tpu.core_type<tc>, window_params = [{transform_indices = @transform_0, window_bounds = array<i64: 1, 1, 1, 128, 256>}, {transform_indices = @transform_1, window_bounds = array<i64: 1, 1, 1, 128, 256>}, {pipeline_mode = #tpu.pipeline_mode<synchronous>, transform_indices = @transform_2, window_bounds = array<i64: 256, 128>}, {pipeline_mode = #tpu.pipeline_mode<synchronous>, transform_indices = @transform_3, window_bounds = array<i64: 256, 128>}, {pipeline_mode = #tpu.pipeline_mode<synchronous>, transform_indices = @transform_4, window_bounds = array<i64: 256, 256>}, {transform_indices = @transform_5, window_bounds = array<i64: 1, 256, 256>}]} {
    %get3A = arith.constant 0 : index
    %get3A_0 = arith.constant 0 : index
    %get3A_1 = arith.constant 0 : index
    %get3A_2 = arith.constant 0 : index
    %get3A_3 = arith.constant 0 : index
    %get3A_4 = vector.load %arg1[%get3A, %get3A_0, %get3A_1, %get3A_2, %get3A_3] : memref<1x1x1x128x256xf32, #tpu.memory_space<vmem>>, vector<1x1x1x128x256xf32>
    %reshape3A = vector.shape_cast %get3A_4 : vector<1x1x1x128x256xf32> to vector<128x256xf32>
    %get3A_5 = arith.constant 0 : index
    %get3A_6 = arith.constant 0 : index
    %get3A_7 = arith.constant 0 : index
    %get3A_8 = arith.constant 0 : index
    %get3A_9 = arith.constant 0 : index
    %get3A_10 = vector.load %arg2[%get3A_5, %get3A_6, %get3A_7, %get3A_8, %get3A_9] : memref<1x1x1x128x256xf32, #tpu.memory_space<vmem>>, vector<1x1x1x128x256xf32>
    %reshape3A_11 = vector.shape_cast %get3A_10 : vector<1x1x1x128x256xf32> to vector<128x256xf32>
    %get3A_12 = arith.constant 0 : index
    %get3A_13 = arith.constant 0 : index
    %get3A_14 = vector.load %arg3[%get3A_12, %get3A_13] : memref<256x128xf32, #tpu.memory_space<vmem>>, vector<256x128xf32>
    %dot_general3A = arith.constant dense<0.000000e+00> : vector<256x256xf32>
    %dot_general3A_15 = tpu.matmul %get3A_14, %reshape3A, %dot_general3A {dimension_numbers = #tpu.dot_dimension_numbers<[1], [0], [0], [1], [0, 0, 1, 1], [], []>, transpose_lhs_hint = false} : vector<256x128xf32>, vector<128x256xf32>, vector<256x256xf32> -> vector<256x256xf32>
    %get3A_16 = arith.constant 0 : index
    %get3A_17 = arith.constant 0 : index
    %get3A_18 = vector.load %arg4[%get3A_16, %get3A_17] : memref<256x128xf32, #tpu.memory_space<vmem>>, vector<256x128xf32>
    %dot_general3A_19 = arith.constant dense<0.000000e+00> : vector<256x256xf32>
    %dot_general3A_20 = tpu.matmul %get3A_18, %reshape3A_11, %dot_general3A_19 {dimension_numbers = #tpu.dot_dimension_numbers<[1], [0], [0], [1], [0, 0, 1, 1], [], []>, transpose_lhs_hint = false} : vector<256x128xf32>, vector<128x256xf32>, vector<256x256xf32> -> vector<256x256xf32>
    %add3A = arith.addf %dot_general3A_15, %dot_general3A_20 : vector<256x256xf32>
    %get3A_21 = arith.constant 0 : index
    %get3A_22 = arith.constant 0 : index
    %get3A_23 = vector.load %arg5[%get3A_21, %get3A_22] : memref<256x256xf32, #tpu.memory_space<vmem>>, vector<256x256xf32>
    %dot_general3A_24 = arith.constant dense<0.000000e+00> : vector<256x256xf32>
    %dot_general3A_25 = tpu.matmul %add3A, %get3A_23, %dot_general3A_24 {dimension_numbers = #tpu.dot_dimension_numbers<[1], [0], [0], [1], [0, 0, 1, 1], [], []>, transpose_lhs_hint = false} : vector<256x256xf32>, vector<256x256xf32>, vector<256x256xf32> -> vector<256x256xf32>
    %broadcast_in_dim3A = vector.shape_cast %dot_general3A_25 : vector<256x256xf32> to vector<1x256x256xf32>
    %swap3A = arith.constant 0 : index
    %swap3A_26 = arith.constant 0 : index
    %swap3A_27 = arith.constant 0 : index
    %swap3A_28 = vector.load %arg6[%swap3A, %swap3A_26, %swap3A_27] : memref<1x256x256xf32, #tpu.memory_space<vmem>>, vector<1x256x256xf32>
    tpu.vector_store %arg6[%swap3A, %swap3A_26, %swap3A_27], %broadcast_in_dim3A {strides = array<i32>} : memref<1x256x256xf32, #tpu.memory_space<vmem>>, vector<1x256x256xf32>,
    return
  }
  func.func @transform_0(%arg0: i32) -> (i32, i32, i32, i32, i32) {
    %jit3A = arith.constant 2 : i32
    %eq3A = arith.constant 0 : i32
    %eq3A_0 = arith.cmpi eq, %jit3A, %eq3A : i32
    %jit3A_1 = arith.constant 1 : i32
    %select_n3A = arith.select %eq3A_0, %jit3A_1, %jit3A : i32
    %rem3A = arith.remsi %arg0, %select_n3A : i32
    %ne3A = arith.constant 0 : i32
    %ne3A_2 = arith.cmpi ne, %rem3A, %ne3A : i32
    %lt3A = arith.constant 0 : i32
    %lt3A_3 = arith.cmpi slt, %rem3A, %lt3A : i32
    %lt3A_4 = arith.constant 0 : i32
    %lt3A_5 = arith.cmpi slt, %select_n3A, %lt3A_4 : i32
    %ne3A_6 = arith.xori %lt3A_3, %lt3A_5 : i1
    %and3A = arith.andi %ne3A_6, %ne3A_2 : i1
    %add3A = arith.addi %rem3A, %select_n3A : i32
    %select_n3A_7 = arith.select %and3A, %add3A, %rem3A : i32
    %jit3A_8 = arith.constant 2 : i32
    %div3A = arith.divsi %arg0, %jit3A_8 : i32
    %sign3A = arith.constant 0 : i32
    %sign3A_9 = arith.cmpi sgt, %arg0, %sign3A : i32
    %sign3A_10 = arith.extui %sign3A_9 : i1 to i32
    %sign3A_11 = arith.constant 0 : i32
    %sign3A_12 = arith.cmpi slt, %arg0, %sign3A_11 : i32
    %sign3A_13 = arith.extui %sign3A_12 : i1 to i32
    %sign3A_14 = arith.subi %sign3A_10, %sign3A_13 : i32
    %sign3A_15 = arith.constant 0 : i32
    %sign3A_16 = arith.cmpi sgt, %jit3A_8, %sign3A_15 : i32
    %sign3A_17 = arith.extui %sign3A_16 : i1 to i32
    %sign3A_18 = arith.constant 0 : i32
    %sign3A_19 = arith.cmpi slt, %jit3A_8, %sign3A_18 : i32
    %sign3A_20 = arith.extui %sign3A_19 : i1 to i32
    %sign3A_21 = arith.subi %sign3A_17, %sign3A_20 : i32
    %ne3A_22 = arith.cmpi ne, %sign3A_14, %sign3A_21 : i32
    %rem3A_23 = arith.remsi %arg0, %jit3A_8 : i32
    %ne3A_24 = arith.constant 0 : i32
    %ne3A_25 = arith.cmpi ne, %rem3A_23, %ne3A_24 : i32
    %and3A_26 = arith.andi %ne3A_22, %ne3A_25 : i1
    %sub3A = arith.constant 1 : i32
    %sub3A_27 = arith.subi %div3A, %sub3A : i32
    %select_n3A_28 = arith.select %and3A_26, %sub3A_27, %div3A : i32
    %c0_i32 = arith.constant 0 : i32
    %c0_i32_29 = arith.constant 0 : i32
    %c0_i32_30 = arith.constant 0 : i32
    %c0_i32_31 = arith.constant 0 : i32
    return %select_n3A_7, %c0_i32, %select_n3A_28, %c0_i32_29, %c0_i32_30 : i32, i32, i32, i32, i32
  }
  func.func @transform_1(%arg0: i32) -> (i32, i32, i32, i32, i32) {
    %jit3A = arith.constant 2 : i32
    %eq3A = arith.constant 0 : i32
    %eq3A_0 = arith.cmpi eq, %jit3A, %eq3A : i32
    %jit3A_1 = arith.constant 1 : i32
    %select_n3A = arith.select %eq3A_0, %jit3A_1, %jit3A : i32
    %rem3A = arith.remsi %arg0, %select_n3A : i32
    %ne3A = arith.constant 0 : i32
    %ne3A_2 = arith.cmpi ne, %rem3A, %ne3A : i32
    %lt3A = arith.constant 0 : i32
    %lt3A_3 = arith.cmpi slt, %rem3A, %lt3A : i32
    %lt3A_4 = arith.constant 0 : i32
    %lt3A_5 = arith.cmpi slt, %select_n3A, %lt3A_4 : i32
    %ne3A_6 = arith.xori %lt3A_3, %lt3A_5 : i1
    %and3A = arith.andi %ne3A_6, %ne3A_2 : i1
    %add3A = arith.addi %rem3A, %select_n3A : i32
    %select_n3A_7 = arith.select %and3A, %add3A, %rem3A : i32
    %jit3A_8 = arith.constant 2 : i32
    %div3A = arith.divsi %arg0, %jit3A_8 : i32
    %sign3A = arith.constant 0 : i32
    %sign3A_9 = arith.cmpi sgt, %arg0, %sign3A : i32
    %sign3A_10 = arith.extui %sign3A_9 : i1 to i32
    %sign3A_11 = arith.constant 0 : i32
    %sign3A_12 = arith.cmpi slt, %arg0, %sign3A_11 : i32
    %sign3A_13 = arith.extui %sign3A_12 : i1 to i32
    %sign3A_14 = arith.subi %sign3A_10, %sign3A_13 : i32
    %sign3A_15 = arith.constant 0 : i32
    %sign3A_16 = arith.cmpi sgt, %jit3A_8, %sign3A_15 : i32
    %sign3A_17 = arith.extui %sign3A_16 : i1 to i32
    %sign3A_18 = arith.constant 0 : i32
    %sign3A_19 = arith.cmpi slt, %jit3A_8, %sign3A_18 : i32
    %sign3A_20 = arith.extui %sign3A_19 : i1 to i32
    %sign3A_21 = arith.subi %sign3A_17, %sign3A_20 : i32
    %ne3A_22 = arith.cmpi ne, %sign3A_14, %sign3A_21 : i32
    %rem3A_23 = arith.remsi %arg0, %jit3A_8 : i32
    %ne3A_24 = arith.constant 0 : i32
    %ne3A_25 = arith.cmpi ne, %rem3A_23, %ne3A_24 : i32
    %and3A_26 = arith.andi %ne3A_22, %ne3A_25 : i1
    %sub3A = arith.constant 1 : i32
    %sub3A_27 = arith.subi %div3A, %sub3A : i32
    %select_n3A_28 = arith.select %and3A_26, %sub3A_27, %div3A : i32
    %c1_i32 = arith.constant 1 : i32
    %c0_i32 = arith.constant 0 : i32
    %c0_i32_29 = arith.constant 0 : i32
    %c0_i32_30 = arith.constant 0 : i32
    return %select_n3A_7, %c1_i32, %select_n3A_28, %c0_i32, %c0_i32_29 : i32, i32, i32, i32, i32
  }
  func.func @transform_2(%arg0: i32) -> (i32, i32) {
    %c0_i32 = arith.constant 0 : i32
    %c0_i32_0 = arith.constant 0 : i32
    %c0_i32_1 = arith.constant 0 : i32
    return %c0_i32, %c0_i32_0 : i32, i32
  }
  func.func @transform_3(%arg0: i32) -> (i32, i32) {
    %c0_i32 = arith.constant 0 : i32
    %c0_i32_0 = arith.constant 0 : i32
    %c0_i32_1 = arith.constant 0 : i32
    return %c0_i32, %c0_i32_0 : i32, i32
  }
  func.func @transform_4(%arg0: i32) -> (i32, i32) {
    %c0_i32 = arith.constant 0 : i32
    %c0_i32_0 = arith.constant 0 : i32
    %c0_i32_1 = arith.constant 0 : i32
    return %c0_i32, %c0_i32_0 : i32, i32
  }
  func.func @transform_5(%arg0: i32) -> (i32, i32, i32) {
    %c0_i32 = arith.constant 0 : i32
    %c0_i32_0 = arith.constant 0 : i32
    %c0_i32_1 = arith.constant 0 : i32
    return %arg0, %c0_i32, %c0_i32_0 : i32, i32, i32
  }
}

module attributes {stable_mosaic.version = 14 : i64} {
  func.func @_prep_body(%arg0: i32, %arg1: memref<1024x128xf32, #tpu.memory_space<vmem>>, %arg2: memref<1024x128xf32, #tpu.memory_space<vmem>>, %arg3: memref<1024x128xf32, #tpu.memory_space<vmem>>, %arg4: memref<1024x128xf32, #tpu.memory_space<vmem>>, %arg5: memref<1024x128xi32, #tpu.memory_space<vmem>>, %arg6: memref<1024x128xi32, #tpu.memory_space<vmem>>, %arg7: memref<1024x128xf32, #tpu.memory_space<vmem>>, %arg8: memref<1024x128xf32, #tpu.memory_space<vmem>>, %arg9: memref<1024x128xi32, #tpu.memory_space<vmem>>, %arg10: memref<1024x128xi32, #tpu.memory_space<vmem>>, %arg11: memref<1024x128xf32, #tpu.memory_space<vmem>>, %arg12: memref<1024x128xf32, #tpu.memory_space<vmem>>, %arg13: memref<1024x128xi32, #tpu.memory_space<vmem>>, %arg14: memref<1024x128xi32, #tpu.memory_space<vmem>>, %arg15: memref<1024x128xf32, #tpu.memory_space<vmem>>, %arg16: memref<1024x128xf32, #tpu.memory_space<vmem>>, %arg17: memref<1024x128xi32, #tpu.memory_space<vmem>>, %arg18: memref<1024x128xi32, #tpu.memory_space<vmem>>, %arg19: memref<1024x128xf32, #tpu.memory_space<vmem>>, %arg20: memref<1024x128xf32, #tpu.memory_space<vmem>>) attributes {dimension_semantics = [#tpu.dimension_semantics<arbitrary>], iteration_bounds = array<i64: 16>, scalar_prefetch = 0 : i64, scratch_operands = 0 : i64, tpu.core_type = #tpu.core_type<tc>, window_params = [{transform_indices = @transform_0, window_bounds = array<i64: 1024, 128>}, {transform_indices = @transform_1, window_bounds = array<i64: 1024, 128>}, {transform_indices = @transform_2, window_bounds = array<i64: 1024, 128>}, {transform_indices = @transform_3, window_bounds = array<i64: 1024, 128>}, {transform_indices = @transform_4, window_bounds = array<i64: 1024, 128>}, {transform_indices = @transform_5, window_bounds = array<i64: 1024, 128>}, {transform_indices = @transform_6, window_bounds = array<i64: 1024, 128>}, {transform_indices = @transform_7, window_bounds = array<i64: 1024, 128>}, {transform_indices = @transform_8, window_bounds = array<i64: 1024, 128>}, {transform_indices = @transform_9, window_bounds = array<i64: 1024, 128>}, {transform_indices = @transform_10, window_bounds = array<i64: 1024, 128>}, {transform_indices = @transform_11, window_bounds = array<i64: 1024, 128>}, {transform_indices = @transform_12, window_bounds = array<i64: 1024, 128>}, {transform_indices = @transform_13, window_bounds = array<i64: 1024, 128>}, {transform_indices = @transform_14, window_bounds = array<i64: 1024, 128>}, {transform_indices = @transform_15, window_bounds = array<i64: 1024, 128>}, {transform_indices = @transform_16, window_bounds = array<i64: 1024, 128>}, {transform_indices = @transform_17, window_bounds = array<i64: 1024, 128>}, {transform_indices = @transform_18, window_bounds = array<i64: 1024, 128>}, {transform_indices = @transform_19, window_bounds = array<i64: 1024, 128>}]} {
    %get3A = arith.constant 0 : index
    %get3A_0 = arith.constant 0 : index
    %get3A_1 = vector.load %arg1[%get3A, %get3A_0] : memref<1024x128xf32, #tpu.memory_space<vmem>>, vector<1024x128xf32>
    %get3A_2 = arith.constant 0 : index
    %get3A_3 = arith.constant 0 : index
    %get3A_4 = vector.load %arg2[%get3A_2, %get3A_3] : memref<1024x128xf32, #tpu.memory_space<vmem>>, vector<1024x128xf32>
    %get3A_5 = arith.constant 0 : index
    %get3A_6 = arith.constant 0 : index
    %get3A_7 = vector.load %arg3[%get3A_5, %get3A_6] : memref<1024x128xf32, #tpu.memory_space<vmem>>, vector<1024x128xf32>
    %get3A_8 = arith.constant 0 : index
    %get3A_9 = arith.constant 0 : index
    %get3A_10 = vector.load %arg4[%get3A_8, %get3A_9] : memref<1024x128xf32, #tpu.memory_space<vmem>>, vector<1024x128xf32>
    %add3A = arith.constant 3.187500e+00 : f32
    %add3A_11 = vector.broadcast %add3A : f32 to vector<1024x128xf32>
    %add3A_12 = arith.addf %get3A_1, %add3A_11 : vector<1024x128xf32>
    %div3A = arith.constant 2.500000e-02 : f32
    %div3A_13 = vector.broadcast %div3A : f32 to vector<1024x128xf32>
    %div3A_14 = arith.divf %add3A_12, %div3A_13 : vector<1024x128xf32>
    %add3A_15 = arith.constant 3.187500e+00 : f32
    %add3A_16 = vector.broadcast %add3A_15 : f32 to vector<1024x128xf32>
    %add3A_17 = arith.addf %get3A_4, %add3A_16 : vector<1024x128xf32>
    %div3A_18 = arith.constant 2.500000e-02 : f32
    %div3A_19 = vector.broadcast %div3A_18 : f32 to vector<1024x128xf32>
    %div3A_20 = arith.divf %add3A_17, %div3A_19 : vector<1024x128xf32>
    %sub3A = arith.constant -3.150000e+00 : f32
    %sub3A_21 = vector.broadcast %sub3A : f32 to vector<1024x128xf32>
    %sub3A_22 = arith.subf %get3A_7, %sub3A_21 : vector<1024x128xf32>
    %div3A_23 = arith.constant 1.000000e-01 : f32
    %div3A_24 = vector.broadcast %div3A_23 : f32 to vector<1024x128xf32>
    %div3A_25 = arith.divf %sub3A_22, %div3A_24 : vector<1024x128xf32>
    %floor3A = math.floor %div3A_14 : vector<1024x128xf32>
    %floor3A_26 = math.floor %div3A_20 : vector<1024x128xf32>
    %floor3A_27 = math.floor %div3A_25 : vector<1024x128xf32>
    %sub3A_28 = arith.subf %div3A_14, %floor3A : vector<1024x128xf32>
    %sub3A_29 = arith.subf %div3A_20, %floor3A_26 : vector<1024x128xf32>
    %sub3A_30 = arith.subf %div3A_25, %floor3A_27 : vector<1024x128xf32>
    %convert_element_type3A = arith.fptosi %floor3A : vector<1024x128xf32> to vector<1024x128xi32>
    %convert_element_type3A_31 = arith.fptosi %floor3A_26 : vector<1024x128xf32> to vector<1024x128xi32>
    %convert_element_type3A_32 = arith.fptosi %floor3A_27 : vector<1024x128xf32> to vector<1024x128xi32>
    %mul3A = arith.constant 131072 : i32
    %mul3A_33 = arith.muli %arg0, %mul3A : i32
    %iota3A = tpu.iota {dimensions = array<i32: 0>} : vector<1024x128xi32>
    %mul3A_34 = arith.constant 128 : i32
    %mul3A_35 = vector.broadcast %mul3A_34 : i32 to vector<1024x128xi32>
    %mul3A_36 = arith.muli %iota3A, %mul3A_35 : vector<1024x128xi32>
    %add3A_37 = vector.broadcast %mul3A_33 : i32 to vector<1024x128xi32>
    %add3A_38 = arith.addi %add3A_37, %mul3A_36 : vector<1024x128xi32>
    %iota3A_39 = tpu.iota {dimensions = array<i32: 1>} : vector<1024x128xi32>
    %add3A_40 = arith.addi %add3A_38, %iota3A_39 : vector<1024x128xi32>
    %ge3A = arith.constant 0 : i32
    %ge3A_41 = vector.broadcast %ge3A : i32 to vector<1024x128xi32>
    %ge3A_42 = arith.cmpi sge, %convert_element_type3A, %ge3A_41 : vector<1024x128xi32>
    %lt3A = arith.constant 255 : i32
    %lt3A_43 = vector.broadcast %lt3A : i32 to vector<1024x128xi32>
    %lt3A_44 = arith.cmpi slt, %convert_element_type3A, %lt3A_43 : vector<1024x128xi32>
    %and3A = arith.andi %ge3A_42, %lt3A_44 : vector<1024x128xi1>
    %ge3A_45 = arith.constant 0 : i32
    %ge3A_46 = vector.broadcast %ge3A_45 : i32 to vector<1024x128xi32>
    %ge3A_47 = arith.cmpi sge, %convert_element_type3A_31, %ge3A_46 : vector<1024x128xi32>
    %and3A_48 = arith.andi %and3A, %ge3A_47 : vector<1024x128xi1>
    %lt3A_49 = arith.constant 255 : i32
    %lt3A_50 = vector.broadcast %lt3A_49 : i32 to vector<1024x128xi32>
    %lt3A_51 = arith.cmpi slt, %convert_element_type3A_31, %lt3A_50 : vector<1024x128xi32>
    %and3A_52 = arith.andi %and3A_48, %lt3A_51 : vector<1024x128xi1>
    %ge3A_53 = arith.constant 0 : i32
    %ge3A_54 = vector.broadcast %ge3A_53 : i32 to vector<1024x128xi32>
    %ge3A_55 = arith.cmpi sge, %convert_element_type3A_32, %ge3A_54 : vector<1024x128xi32>
    %and3A_56 = arith.andi %and3A_52, %ge3A_55 : vector<1024x128xi1>
    %lt3A_57 = arith.constant 63 : i32
    %lt3A_58 = vector.broadcast %lt3A_57 : i32 to vector<1024x128xi32>
    %lt3A_59 = arith.cmpi slt, %convert_element_type3A_32, %lt3A_58 : vector<1024x128xi32>
    %and3A_60 = arith.andi %and3A_56, %lt3A_59 : vector<1024x128xi1>
    %lt3A_61 = arith.constant 2000000 : i32
    %lt3A_62 = vector.broadcast %lt3A_61 : i32 to vector<1024x128xi32>
    %lt3A_63 = arith.cmpi slt, %add3A_40, %lt3A_62 : vector<1024x128xi32>
    %and3A_64 = arith.andi %and3A_60, %lt3A_63 : vector<1024x128xi1>
    %jit3A = arith.constant 0 : i32
    %jit3A_65 = arith.constant 254 : i32
    %max3A = vector.broadcast %jit3A : i32 to vector<1024x128xi32>
    %max3A_66 = arith.maxsi %max3A, %convert_element_type3A : vector<1024x128xi32>
    %min3A = vector.broadcast %jit3A_65 : i32 to vector<1024x128xi32>
    %min3A_67 = arith.minsi %min3A, %max3A_66 : vector<1024x128xi32>
    %jit3A_68 = arith.constant 0 : i32
    %jit3A_69 = arith.constant 254 : i32
    %max3A_70 = vector.broadcast %jit3A_68 : i32 to vector<1024x128xi32>
    %max3A_71 = arith.maxsi %max3A_70, %convert_element_type3A_31 : vector<1024x128xi32>
    %min3A_72 = vector.broadcast %jit3A_69 : i32 to vector<1024x128xi32>
    %min3A_73 = arith.minsi %min3A_72, %max3A_71 : vector<1024x128xi32>
    %jit3A_74 = arith.constant 0 : i32
    %jit3A_75 = arith.constant 62 : i32
    %max3A_76 = vector.broadcast %jit3A_74 : i32 to vector<1024x128xi32>
    %max3A_77 = arith.maxsi %max3A_76, %convert_element_type3A_32 : vector<1024x128xi32>
    %min3A_78 = vector.broadcast %jit3A_75 : i32 to vector<1024x128xi32>
    %min3A_79 = arith.minsi %min3A_78, %max3A_77 : vector<1024x128xi32>
    %add3A_80 = arith.constant 1 : i32
    %add3A_81 = vector.broadcast %add3A_80 : i32 to vector<1024x128xi32>
    %add3A_82 = arith.addi %min3A_73, %add3A_81 : vector<1024x128xi32>
    %add3A_83 = arith.constant 1 : i32
    %add3A_84 = vector.broadcast %add3A_83 : i32 to vector<1024x128xi32>
    %add3A_85 = arith.addi %min3A_79, %add3A_84 : vector<1024x128xi32>
    %sub3A_86 = arith.constant 1.000000e+00 : f32
    %sub3A_87 = vector.broadcast %sub3A_86 : f32 to vector<1024x128xf32>
    %sub3A_88 = arith.subf %sub3A_87, %sub3A_28 : vector<1024x128xf32>
    %sub3A_89 = arith.constant 1.000000e+00 : f32
    %sub3A_90 = vector.broadcast %sub3A_89 : f32 to vector<1024x128xf32>
    %sub3A_91 = arith.subf %sub3A_90, %sub3A_29 : vector<1024x128xf32>
    %sub3A_92 = arith.constant 1.000000e+00 : f32
    %sub3A_93 = vector.broadcast %sub3A_92 : f32 to vector<1024x128xf32>
    %sub3A_94 = arith.subf %sub3A_93, %sub3A_30 : vector<1024x128xf32>
    %and3A_95 = arith.constant 1048575 : i32
    %and3A_96 = vector.broadcast %and3A_95 : i32 to vector<1024x128xi32>
    %and3A_97 = arith.andi %add3A_40, %and3A_96 : vector<1024x128xi32>
    %and3A_98 = arith.constant 1 : i32
    %and3A_99 = vector.broadcast %and3A_98 : i32 to vector<1024x128xi32>
    %and3A_100 = arith.andi %min3A_79, %and3A_99 : vector<1024x128xi32>
    %eq3A = arith.constant 0 : i32
    %eq3A_101 = vector.broadcast %eq3A : i32 to vector<1024x128xi32>
    %eq3A_102 = arith.cmpi eq, %and3A_100, %eq3A_101 : vector<1024x128xi32>
    %and3A_103 = arith.constant 1 : i32
    %and3A_104 = vector.broadcast %and3A_103 : i32 to vector<1024x128xi32>
    %and3A_105 = arith.andi %min3A_73, %and3A_104 : vector<1024x128xi32>
    %eq3A_106 = arith.constant 0 : i32
    %eq3A_107 = vector.broadcast %eq3A_106 : i32 to vector<1024x128xi32>
    %eq3A_108 = arith.cmpi eq, %and3A_105, %eq3A_107 : vector<1024x128xi32>
    %select_n3A = arith.select %eq3A_102, %min3A_79, %add3A_85 : vector<1024x128xi1>, vector<1024x128xi32>
    %select_n3A_109 = arith.select %eq3A_102, %sub3A_94, %sub3A_30 : vector<1024x128xi1>, vector<1024x128xf32>
    %select_n3A_110 = arith.select %eq3A_108, %min3A_73, %add3A_82 : vector<1024x128xi1>, vector<1024x128xi32>
    %select_n3A_111 = arith.select %eq3A_108, %sub3A_91, %sub3A_29 : vector<1024x128xi1>, vector<1024x128xf32>
    %shift_right_arithmetic3A = arith.constant 1 : i32
    %shift_right_arithmetic3A_112 = vector.broadcast %shift_right_arithmetic3A : i32 to vector<1024x128xi32>
    %shift_right_arithmetic3A_113 = arith.shrsi %select_n3A, %shift_right_arithmetic3A_112 : vector<1024x128xi32>
    %mul3A_114 = arith.constant 128 : i32
    %mul3A_115 = vector.broadcast %mul3A_114 : i32 to vector<1024x128xi32>
    %mul3A_116 = arith.muli %shift_right_arithmetic3A_113, %mul3A_115 : vector<1024x128xi32>
    %shift_right_arithmetic3A_117 = arith.constant 1 : i32
    %shift_right_arithmetic3A_118 = vector.broadcast %shift_right_arithmetic3A_117 : i32 to vector<1024x128xi32>
    %shift_right_arithmetic3A_119 = arith.shrsi %select_n3A_110, %shift_right_arithmetic3A_118 : vector<1024x128xi32>
    %add3A_120 = arith.addi %mul3A_116, %shift_right_arithmetic3A_119 : vector<1024x128xi32>
    %mul3A_121 = arith.constant 256 : i32
    %mul3A_122 = vector.broadcast %mul3A_121 : i32 to vector<1024x128xi32>
    %mul3A_123 = arith.muli %add3A_120, %mul3A_122 : vector<1024x128xi32>
    %add3A_124 = arith.addi %mul3A_123, %min3A_67 : vector<1024x128xi32>
    %mul3A_125 = arith.mulf %sub3A_88, %select_n3A_111 : vector<1024x128xf32>
    %mul3A_126 = arith.mulf %mul3A_125, %select_n3A_109 : vector<1024x128xf32>
    %mul3A_127 = arith.mulf %get3A_10, %mul3A_126 : vector<1024x128xf32>
    %jit3A_128 = arith.constant 0.000000e+00 : f32
    %broadcast_in_dim3A = vector.broadcast %jit3A_128 : f32 to vector<1024x128xf32>
    %select_n3A_129 = arith.select %and3A_64, %mul3A_127, %broadcast_in_dim3A : vector<1024x128xi1>, vector<1024x128xf32>
    %mul3A_130 = arith.mulf %sub3A_28, %select_n3A_111 : vector<1024x128xf32>
    %mul3A_131 = arith.mulf %mul3A_130, %select_n3A_109 : vector<1024x128xf32>
    %mul3A_132 = arith.mulf %get3A_10, %mul3A_131 : vector<1024x128xf32>
    %jit3A_133 = arith.constant 0.000000e+00 : f32
    %broadcast_in_dim3A_134 = vector.broadcast %jit3A_133 : f32 to vector<1024x128xf32>
    %select_n3A_135 = arith.select %and3A_64, %mul3A_132, %broadcast_in_dim3A_134 : vector<1024x128xi1>, vector<1024x128xf32>
    %and3A_136 = arith.constant -2 : i32
    %and3A_137 = vector.broadcast %and3A_136 : i32 to vector<1024x128xi32>
    %and3A_138 = arith.andi %and3A_97, %and3A_137 : vector<1024x128xi32>
    %select_n3A_139 = arith.select %and3A_64, %add3A_124, %and3A_138 : vector<1024x128xi1>, vector<1024x128xi32>
    %swap3A = arith.constant 0 : index
    %swap3A_140 = arith.constant 0 : index
    %swap3A_141 = vector.load %arg5[%swap3A, %swap3A_140] : memref<1024x128xi32, #tpu.memory_space<vmem>>, vector<1024x128xi32>
    tpu.vector_store %arg5[%swap3A, %swap3A_140], %select_n3A_139 {strides = array<i32>} : memref<1024x128xi32, #tpu.memory_space<vmem>>, vector<1024x128xi32>,
    %add3A_142 = arith.constant 1 : i32
    %add3A_143 = vector.broadcast %add3A_142 : i32 to vector<1024x128xi32>
    %add3A_144 = arith.addi %select_n3A_139, %add3A_143 : vector<1024x128xi32>
    %swap3A_145 = arith.constant 0 : index
    %swap3A_146 = arith.constant 0 : index
    %swap3A_147 = vector.load %arg6[%swap3A_145, %swap3A_146] : memref<1024x128xi32, #tpu.memory_space<vmem>>, vector<1024x128xi32>
    tpu.vector_store %arg6[%swap3A_145, %swap3A_146], %add3A_144 {strides = array<i32>} : memref<1024x128xi32, #tpu.memory_space<vmem>>, vector<1024x128xi32>,
    %swap3A_148 = arith.constant 0 : index
    %swap3A_149 = arith.constant 0 : index
    %swap3A_150 = vector.load %arg7[%swap3A_148, %swap3A_149] : memref<1024x128xf32, #tpu.memory_space<vmem>>, vector<1024x128xf32>
    tpu.vector_store %arg7[%swap3A_148, %swap3A_149], %select_n3A_129 {strides = array<i32>} : memref<1024x128xf32, #tpu.memory_space<vmem>>, vector<1024x128xf32>,
    %swap3A_151 = arith.constant 0 : index
    %swap3A_152 = arith.constant 0 : index
    %swap3A_153 = vector.load %arg8[%swap3A_151, %swap3A_152] : memref<1024x128xf32, #tpu.memory_space<vmem>>, vector<1024x128xf32>
    tpu.vector_store %arg8[%swap3A_151, %swap3A_152], %select_n3A_135 {strides = array<i32>} : memref<1024x128xf32, #tpu.memory_space<vmem>>, vector<1024x128xf32>,
    %not3A = arith.constant dense<true> : vector<1024x128xi1>
    %not3A_154 = arith.xori %eq3A_108, %not3A : vector<1024x128xi1>
    %select_n3A_155 = arith.select %not3A_154, %min3A_73, %add3A_82 : vector<1024x128xi1>, vector<1024x128xi32>
    %select_n3A_156 = arith.select %not3A_154, %sub3A_91, %sub3A_29 : vector<1024x128xi1>, vector<1024x128xf32>
    %shift_right_arithmetic3A_157 = arith.constant 1 : i32
    %shift_right_arithmetic3A_158 = vector.broadcast %shift_right_arithmetic3A_157 : i32 to vector<1024x128xi32>
    %shift_right_arithmetic3A_159 = arith.shrsi %select_n3A, %shift_right_arithmetic3A_158 : vector<1024x128xi32>
    %mul3A_160 = arith.constant 128 : i32
    %mul3A_161 = vector.broadcast %mul3A_160 : i32 to vector<1024x128xi32>
    %mul3A_162 = arith.muli %shift_right_arithmetic3A_159, %mul3A_161 : vector<1024x128xi32>
    %shift_right_arithmetic3A_163 = arith.constant 1 : i32
    %shift_right_arithmetic3A_164 = vector.broadcast %shift_right_arithmetic3A_163 : i32 to vector<1024x128xi32>
    %shift_right_arithmetic3A_165 = arith.shrsi %select_n3A_155, %shift_right_arithmetic3A_164 : vector<1024x128xi32>
    %add3A_166 = arith.addi %mul3A_162, %shift_right_arithmetic3A_165 : vector<1024x128xi32>
    %mul3A_167 = arith.constant 256 : i32
    %mul3A_168 = vector.broadcast %mul3A_167 : i32 to vector<1024x128xi32>
    %mul3A_169 = arith.muli %add3A_166, %mul3A_168 : vector<1024x128xi32>
    %add3A_170 = arith.addi %mul3A_169, %min3A_67 : vector<1024x128xi32>
    %mul3A_171 = arith.mulf %sub3A_88, %select_n3A_156 : vector<1024x128xf32>
    %mul3A_172 = arith.mulf %mul3A_171, %select_n3A_109 : vector<1024x128xf32>
    %mul3A_173 = arith.mulf %get3A_10, %mul3A_172 : vector<1024x128xf32>
    %jit3A_174 = arith.constant 0.000000e+00 : f32
    %broadcast_in_dim3A_175 = vector.broadcast %jit3A_174 : f32 to vector<1024x128xf32>
    %select_n3A_176 = arith.select %and3A_64, %mul3A_173, %broadcast_in_dim3A_175 : vector<1024x128xi1>, vector<1024x128xf32>
    %mul3A_177 = arith.mulf %sub3A_28, %select_n3A_156 : vector<1024x128xf32>
    %mul3A_178 = arith.mulf %mul3A_177, %select_n3A_109 : vector<1024x128xf32>
    %mul3A_179 = arith.mulf %get3A_10, %mul3A_178 : vector<1024x128xf32>
    %jit3A_180 = arith.constant 0.000000e+00 : f32
    %broadcast_in_dim3A_181 = vector.broadcast %jit3A_180 : f32 to vector<1024x128xf32>
    %select_n3A_182 = arith.select %and3A_64, %mul3A_179, %broadcast_in_dim3A_181 : vector<1024x128xi1>, vector<1024x128xf32>
    %and3A_183 = arith.constant -2 : i32
    %and3A_184 = vector.broadcast %and3A_183 : i32 to vector<1024x128xi32>
    %and3A_185 = arith.andi %and3A_97, %and3A_184 : vector<1024x128xi32>
    %select_n3A_186 = arith.select %and3A_64, %add3A_170, %and3A_185 : vector<1024x128xi1>, vector<1024x128xi32>
    %swap3A_187 = arith.constant 0 : index
    %swap3A_188 = arith.constant 0 : index
    %swap3A_189 = vector.load %arg9[%swap3A_187, %swap3A_188] : memref<1024x128xi32, #tpu.memory_space<vmem>>, vector<1024x128xi32>
    tpu.vector_store %arg9[%swap3A_187, %swap3A_188], %select_n3A_186 {strides = array<i32>} : memref<1024x128xi32, #tpu.memory_space<vmem>>, vector<1024x128xi32>,
    %add3A_190 = arith.constant 1 : i32
    %add3A_191 = vector.broadcast %add3A_190 : i32 to vector<1024x128xi32>
    %add3A_192 = arith.addi %select_n3A_186, %add3A_191 : vector<1024x128xi32>
    %swap3A_193 = arith.constant 0 : index
    %swap3A_194 = arith.constant 0 : index
    %swap3A_195 = vector.load %arg10[%swap3A_193, %swap3A_194] : memref<1024x128xi32, #tpu.memory_space<vmem>>, vector<1024x128xi32>
    tpu.vector_store %arg10[%swap3A_193, %swap3A_194], %add3A_192 {strides = array<i32>} : memref<1024x128xi32, #tpu.memory_space<vmem>>, vector<1024x128xi32>,
    %swap3A_196 = arith.constant 0 : index
    %swap3A_197 = arith.constant 0 : index
    %swap3A_198 = vector.load %arg11[%swap3A_196, %swap3A_197] : memref<1024x128xf32, #tpu.memory_space<vmem>>, vector<1024x128xf32>
    tpu.vector_store %arg11[%swap3A_196, %swap3A_197], %select_n3A_176 {strides = array<i32>} : memref<1024x128xf32, #tpu.memory_space<vmem>>, vector<1024x128xf32>,
    %swap3A_199 = arith.constant 0 : index
    %swap3A_200 = arith.constant 0 : index
    %swap3A_201 = vector.load %arg12[%swap3A_199, %swap3A_200] : memref<1024x128xf32, #tpu.memory_space<vmem>>, vector<1024x128xf32>
    tpu.vector_store %arg12[%swap3A_199, %swap3A_200], %select_n3A_182 {strides = array<i32>} : memref<1024x128xf32, #tpu.memory_space<vmem>>, vector<1024x128xf32>,
    %not3A_202 = arith.constant dense<true> : vector<1024x128xi1>
    %not3A_203 = arith.xori %eq3A_102, %not3A_202 : vector<1024x128xi1>
    %select_n3A_204 = arith.select %not3A_203, %min3A_79, %add3A_85 : vector<1024x128xi1>, vector<1024x128xi32>
    %select_n3A_205 = arith.select %not3A_203, %sub3A_94, %sub3A_30 : vector<1024x128xi1>, vector<1024x128xf32>
    %select_n3A_206 = arith.select %eq3A_108, %min3A_73, %add3A_82 : vector<1024x128xi1>, vector<1024x128xi32>
    %select_n3A_207 = arith.select %eq3A_108, %sub3A_91, %sub3A_29 : vector<1024x128xi1>, vector<1024x128xf32>
    %shift_right_arithmetic3A_208 = arith.constant 1 : i32
    %shift_right_arithmetic3A_209 = vector.broadcast %shift_right_arithmetic3A_208 : i32 to vector<1024x128xi32>
    %shift_right_arithmetic3A_210 = arith.shrsi %select_n3A_204, %shift_right_arithmetic3A_209 : vector<1024x128xi32>
    %mul3A_211 = arith.constant 128 : i32
    %mul3A_212 = vector.broadcast %mul3A_211 : i32 to vector<1024x128xi32>
    %mul3A_213 = arith.muli %shift_right_arithmetic3A_210, %mul3A_212 : vector<1024x128xi32>
    %shift_right_arithmetic3A_214 = arith.constant 1 : i32
    %shift_right_arithmetic3A_215 = vector.broadcast %shift_right_arithmetic3A_214 : i32 to vector<1024x128xi32>
    %shift_right_arithmetic3A_216 = arith.shrsi %select_n3A_206, %shift_right_arithmetic3A_215 : vector<1024x128xi32>
    %add3A_217 = arith.addi %mul3A_213, %shift_right_arithmetic3A_216 : vector<1024x128xi32>
    %mul3A_218 = arith.constant 256 : i32
    %mul3A_219 = vector.broadcast %mul3A_218 : i32 to vector<1024x128xi32>
    %mul3A_220 = arith.muli %add3A_217, %mul3A_219 : vector<1024x128xi32>
    %add3A_221 = arith.addi %mul3A_220, %min3A_67 : vector<1024x128xi32>
    %mul3A_222 = arith.mulf %sub3A_88, %select_n3A_207 : vector<1024x128xf32>
    %mul3A_223 = arith.mulf %mul3A_222, %select_n3A_205 : vector<1024x128xf32>
    %mul3A_224 = arith.mulf %get3A_10, %mul3A_223 : vector<1024x128xf32>
    %jit3A_225 = arith.constant 0.000000e+00 : f32
    %broadcast_in_dim3A_226 = vector.broadcast %jit3A_225 : f32 to vector<1024x128xf32>
    %select_n3A_227 = arith.select %and3A_64, %mul3A_224, %broadcast_in_dim3A_226 : vector<1024x128xi1>, vector<1024x128xf32>
    %mul3A_228 = arith.mulf %sub3A_28, %select_n3A_207 : vector<1024x128xf32>
    %mul3A_229 = arith.mulf %mul3A_228, %select_n3A_205 : vector<1024x128xf32>
    %mul3A_230 = arith.mulf %get3A_10, %mul3A_229 : vector<1024x128xf32>
    %jit3A_231 = arith.constant 0.000000e+00 : f32
    %broadcast_in_dim3A_232 = vector.broadcast %jit3A_231 : f32 to vector<1024x128xf32>
    %select_n3A_233 = arith.select %and3A_64, %mul3A_230, %broadcast_in_dim3A_232 : vector<1024x128xi1>, vector<1024x128xf32>
    %and3A_234 = arith.constant -2 : i32
    %and3A_235 = vector.broadcast %and3A_234 : i32 to vector<1024x128xi32>
    %and3A_236 = arith.andi %and3A_97, %and3A_235 : vector<1024x128xi32>
    %select_n3A_237 = arith.select %and3A_64, %add3A_221, %and3A_236 : vector<1024x128xi1>, vector<1024x128xi32>
    %swap3A_238 = arith.constant 0 : index
    %swap3A_239 = arith.constant 0 : index
    %swap3A_240 = vector.load %arg13[%swap3A_238, %swap3A_239] : memref<1024x128xi32, #tpu.memory_space<vmem>>, vector<1024x128xi32>
    tpu.vector_store %arg13[%swap3A_238, %swap3A_239], %select_n3A_237 {strides = array<i32>} : memref<1024x128xi32, #tpu.memory_space<vmem>>, vector<1024x128xi32>,
    %add3A_241 = arith.constant 1 : i32
    %add3A_242 = vector.broadcast %add3A_241 : i32 to vector<1024x128xi32>
    %add3A_243 = arith.addi %select_n3A_237, %add3A_242 : vector<1024x128xi32>
    %swap3A_244 = arith.constant 0 : index
    %swap3A_245 = arith.constant 0 : index
    %swap3A_246 = vector.load %arg14[%swap3A_244, %swap3A_245] : memref<1024x128xi32, #tpu.memory_space<vmem>>, vector<1024x128xi32>
    tpu.vector_store %arg14[%swap3A_244, %swap3A_245], %add3A_243 {strides = array<i32>} : memref<1024x128xi32, #tpu.memory_space<vmem>>, vector<1024x128xi32>,
    %swap3A_247 = arith.constant 0 : index
    %swap3A_248 = arith.constant 0 : index
    %swap3A_249 = vector.load %arg15[%swap3A_247, %swap3A_248] : memref<1024x128xf32, #tpu.memory_space<vmem>>, vector<1024x128xf32>
    tpu.vector_store %arg15[%swap3A_247, %swap3A_248], %select_n3A_227 {strides = array<i32>} : memref<1024x128xf32, #tpu.memory_space<vmem>>, vector<1024x128xf32>,
    %swap3A_250 = arith.constant 0 : index
    %swap3A_251 = arith.constant 0 : index
    %swap3A_252 = vector.load %arg16[%swap3A_250, %swap3A_251] : memref<1024x128xf32, #tpu.memory_space<vmem>>, vector<1024x128xf32>
    tpu.vector_store %arg16[%swap3A_250, %swap3A_251], %select_n3A_233 {strides = array<i32>} : memref<1024x128xf32, #tpu.memory_space<vmem>>, vector<1024x128xf32>,
    %not3A_253 = arith.constant dense<true> : vector<1024x128xi1>
    %not3A_254 = arith.xori %eq3A_108, %not3A_253 : vector<1024x128xi1>
    %select_n3A_255 = arith.select %not3A_254, %min3A_73, %add3A_82 : vector<1024x128xi1>, vector<1024x128xi32>
    %select_n3A_256 = arith.select %not3A_254, %sub3A_91, %sub3A_29 : vector<1024x128xi1>, vector<1024x128xf32>
    %shift_right_arithmetic3A_257 = arith.constant 1 : i32
    %shift_right_arithmetic3A_258 = vector.broadcast %shift_right_arithmetic3A_257 : i32 to vector<1024x128xi32>
    %shift_right_arithmetic3A_259 = arith.shrsi %select_n3A_204, %shift_right_arithmetic3A_258 : vector<1024x128xi32>
    %mul3A_260 = arith.constant 128 : i32
    %mul3A_261 = vector.broadcast %mul3A_260 : i32 to vector<1024x128xi32>
    %mul3A_262 = arith.muli %shift_right_arithmetic3A_259, %mul3A_261 : vector<1024x128xi32>
    %shift_right_arithmetic3A_263 = arith.constant 1 : i32
    %shift_right_arithmetic3A_264 = vector.broadcast %shift_right_arithmetic3A_263 : i32 to vector<1024x128xi32>
    %shift_right_arithmetic3A_265 = arith.shrsi %select_n3A_255, %shift_right_arithmetic3A_264 : vector<1024x128xi32>
    %add3A_266 = arith.addi %mul3A_262, %shift_right_arithmetic3A_265 : vector<1024x128xi32>
    %mul3A_267 = arith.constant 256 : i32
    %mul3A_268 = vector.broadcast %mul3A_267 : i32 to vector<1024x128xi32>
    %mul3A_269 = arith.muli %add3A_266, %mul3A_268 : vector<1024x128xi32>
    %add3A_270 = arith.addi %mul3A_269, %min3A_67 : vector<1024x128xi32>
    %mul3A_271 = arith.mulf %sub3A_88, %select_n3A_256 : vector<1024x128xf32>
    %mul3A_272 = arith.mulf %mul3A_271, %select_n3A_205 : vector<1024x128xf32>
    %mul3A_273 = arith.mulf %get3A_10, %mul3A_272 : vector<1024x128xf32>
    %jit3A_274 = arith.constant 0.000000e+00 : f32
    %broadcast_in_dim3A_275 = vector.broadcast %jit3A_274 : f32 to vector<1024x128xf32>
    %select_n3A_276 = arith.select %and3A_64, %mul3A_273, %broadcast_in_dim3A_275 : vector<1024x128xi1>, vector<1024x128xf32>
    %mul3A_277 = arith.mulf %sub3A_28, %select_n3A_256 : vector<1024x128xf32>
    %mul3A_278 = arith.mulf %mul3A_277, %select_n3A_205 : vector<1024x128xf32>
    %mul3A_279 = arith.mulf %get3A_10, %mul3A_278 : vector<1024x128xf32>
    %jit3A_280 = arith.constant 0.000000e+00 : f32
    %broadcast_in_dim3A_281 = vector.broadcast %jit3A_280 : f32 to vector<1024x128xf32>
    %select_n3A_282 = arith.select %and3A_64, %mul3A_279, %broadcast_in_dim3A_281 : vector<1024x128xi1>, vector<1024x128xf32>
    %and3A_283 = arith.constant -2 : i32
    %and3A_284 = vector.broadcast %and3A_283 : i32 to vector<1024x128xi32>
    %and3A_285 = arith.andi %and3A_97, %and3A_284 : vector<1024x128xi32>
    %select_n3A_286 = arith.select %and3A_64, %add3A_270, %and3A_285 : vector<1024x128xi1>, vector<1024x128xi32>
    %swap3A_287 = arith.constant 0 : index
    %swap3A_288 = arith.constant 0 : index
    %swap3A_289 = vector.load %arg17[%swap3A_287, %swap3A_288] : memref<1024x128xi32, #tpu.memory_space<vmem>>, vector<1024x128xi32>
    tpu.vector_store %arg17[%swap3A_287, %swap3A_288], %select_n3A_286 {strides = array<i32>} : memref<1024x128xi32, #tpu.memory_space<vmem>>, vector<1024x128xi32>,
    %add3A_290 = arith.constant 1 : i32
    %add3A_291 = vector.broadcast %add3A_290 : i32 to vector<1024x128xi32>
    %add3A_292 = arith.addi %select_n3A_286, %add3A_291 : vector<1024x128xi32>
    %swap3A_293 = arith.constant 0 : index
    %swap3A_294 = arith.constant 0 : index
    %swap3A_295 = vector.load %arg18[%swap3A_293, %swap3A_294] : memref<1024x128xi32, #tpu.memory_space<vmem>>, vector<1024x128xi32>
    tpu.vector_store %arg18[%swap3A_293, %swap3A_294], %add3A_292 {strides = array<i32>} : memref<1024x128xi32, #tpu.memory_space<vmem>>, vector<1024x128xi32>,
    %swap3A_296 = arith.constant 0 : index
    %swap3A_297 = arith.constant 0 : index
    %swap3A_298 = vector.load %arg19[%swap3A_296, %swap3A_297] : memref<1024x128xf32, #tpu.memory_space<vmem>>, vector<1024x128xf32>
    tpu.vector_store %arg19[%swap3A_296, %swap3A_297], %select_n3A_276 {strides = array<i32>} : memref<1024x128xf32, #tpu.memory_space<vmem>>, vector<1024x128xf32>,
    %swap3A_299 = arith.constant 0 : index
    %swap3A_300 = arith.constant 0 : index
    %swap3A_301 = vector.load %arg20[%swap3A_299, %swap3A_300] : memref<1024x128xf32, #tpu.memory_space<vmem>>, vector<1024x128xf32>
    tpu.vector_store %arg20[%swap3A_299, %swap3A_300], %select_n3A_282 {strides = array<i32>} : memref<1024x128xf32, #tpu.memory_space<vmem>>, vector<1024x128xf32>,
    return
  }
  func.func @transform_0(%arg0: i32) -> (i32, i32) {
    %c0_i32 = arith.constant 0 : i32
    %c0_i32_0 = arith.constant 0 : i32
    return %arg0, %c0_i32 : i32, i32
  }
  func.func @transform_1(%arg0: i32) -> (i32, i32) {
    %c0_i32 = arith.constant 0 : i32
    %c0_i32_0 = arith.constant 0 : i32
    return %arg0, %c0_i32 : i32, i32
  }
  func.func @transform_2(%arg0: i32) -> (i32, i32) {
    %c0_i32 = arith.constant 0 : i32
    %c0_i32_0 = arith.constant 0 : i32
    return %arg0, %c0_i32 : i32, i32
  }
  func.func @transform_3(%arg0: i32) -> (i32, i32) {
    %c0_i32 = arith.constant 0 : i32
    %c0_i32_0 = arith.constant 0 : i32
    return %arg0, %c0_i32 : i32, i32
  }
  func.func @transform_4(%arg0: i32) -> (i32, i32) {
    %c0_i32 = arith.constant 0 : i32
    %c0_i32_0 = arith.constant 0 : i32
    return %arg0, %c0_i32 : i32, i32
  }
  func.func @transform_5(%arg0: i32) -> (i32, i32) {
    %c0_i32 = arith.constant 0 : i32
    %c0_i32_0 = arith.constant 0 : i32
    return %arg0, %c0_i32 : i32, i32
  }
  func.func @transform_6(%arg0: i32) -> (i32, i32) {
    %c0_i32 = arith.constant 0 : i32
    %c0_i32_0 = arith.constant 0 : i32
    return %arg0, %c0_i32 : i32, i32
  }
  func.func @transform_7(%arg0: i32) -> (i32, i32) {
    %c0_i32 = arith.constant 0 : i32
    %c0_i32_0 = arith.constant 0 : i32
    return %arg0, %c0_i32 : i32, i32
  }
  func.func @transform_8(%arg0: i32) -> (i32, i32) {
    %c0_i32 = arith.constant 0 : i32
    %c0_i32_0 = arith.constant 0 : i32
    return %arg0, %c0_i32 : i32, i32
  }
  func.func @transform_9(%arg0: i32) -> (i32, i32) {
    %c0_i32 = arith.constant 0 : i32
    %c0_i32_0 = arith.constant 0 : i32
    return %arg0, %c0_i32 : i32, i32
  }
  func.func @transform_10(%arg0: i32) -> (i32, i32) {
    %c0_i32 = arith.constant 0 : i32
    %c0_i32_0 = arith.constant 0 : i32
    return %arg0, %c0_i32 : i32, i32
  }
  func.func @transform_11(%arg0: i32) -> (i32, i32) {
    %c0_i32 = arith.constant 0 : i32
    %c0_i32_0 = arith.constant 0 : i32
    return %arg0, %c0_i32 : i32, i32
  }
  func.func @transform_12(%arg0: i32) -> (i32, i32) {
    %c0_i32 = arith.constant 0 : i32
    %c0_i32_0 = arith.constant 0 : i32
    return %arg0, %c0_i32 : i32, i32
  }
  func.func @transform_13(%arg0: i32) -> (i32, i32) {
    %c0_i32 = arith.constant 0 : i32
    %c0_i32_0 = arith.constant 0 : i32
    return %arg0, %c0_i32 : i32, i32
  }
  func.func @transform_14(%arg0: i32) -> (i32, i32) {
    %c0_i32 = arith.constant 0 : i32
    %c0_i32_0 = arith.constant 0 : i32
    return %arg0, %c0_i32 : i32, i32
  }
  func.func @transform_15(%arg0: i32) -> (i32, i32) {
    %c0_i32 = arith.constant 0 : i32
    %c0_i32_0 = arith.constant 0 : i32
    return %arg0, %c0_i32 : i32, i32
  }
  func.func @transform_16(%arg0: i32) -> (i32, i32) {
    %c0_i32 = arith.constant 0 : i32
    %c0_i32_0 = arith.constant 0 : i32
    return %arg0, %c0_i32 : i32, i32
  }
  func.func @transform_17(%arg0: i32) -> (i32, i32) {
    %c0_i32 = arith.constant 0 : i32
    %c0_i32_0 = arith.constant 0 : i32
    return %arg0, %c0_i32 : i32, i32
  }
  func.func @transform_18(%arg0: i32) -> (i32, i32) {
    %c0_i32 = arith.constant 0 : i32
    %c0_i32_0 = arith.constant 0 : i32
    return %arg0, %c0_i32 : i32, i32
  }
  func.func @transform_19(%arg0: i32) -> (i32, i32) {
    %c0_i32 = arith.constant 0 : i32
    %c0_i32_0 = arith.constant 0 : i32
    return %arg0, %c0_i32 : i32, i32
  }
}

</mosaic_0001>

<sc_bundles>
// kernel: kernel.5.cloned.1.call-start
scs
__scs_entry_jumppad:
0x0: {  	(pc) =	sbr.rel $0x88, $3  }
0x1: {  	(tag) =	ssettag $0x0;
	lr =	simm.s32 $0x1  }
0x2: {  	[smem:$0x3F9E] =	sst lr;
	_ =	strace $0xD0000000  }
0x3: {  	_ = 	snop  }
0x4: {  	_ = 	snop  }
0x5: {  	_ = 	snop  }
0x6: {  	_ = 	snop  }
0x7: {  	_ = 	snop  }
__scs_overlays_trampoline_lowered:
0x8: {  	[smem:$0x3FAD] =	sst s0  }
0x9: {  	[smem:$0x3FAE] =	sst s1  }
0xa: {  	[smem:$0x3FAF] =	sst s2  }
0xb: {  	[smem:$0x3FB0] =	sst s3  }
0xc: {  	[smem:$0x3FB1] =	sst s4  }
0xd: {  	[smem:$0x3FB2] =	sst s5  }
0xe: {  	[smem:$0x3FB3] =	sst s6  }
0xf: {  	[smem:$0x3FB4] =	sst s7  }
0x10: {  	[smem:$0x3FB5] =	sst s8  }
0x11: {  	[smem:$0x3FB6] =	sst s9;
	s0 =	simm.s32 @!p0 $0x0  }
0x12: {  	s1 =	sld [smem:$0x3F9C];
	s0 =	simm.s32 @p0 $0x1  }
0x13: {  	[smem:$0x3FB7] =	sst s0;
	s0 =	simm.s32 @!p1 $0x0  }
0x14: {  	s2 =	sld [smem:$0x3F9B];
	s0 =	simm.s32 @p1 $0x1  }
0x15: {  	[smem:$0x3FB8] =	sst s0;
	s0 =	simm.s32 @!p2 $0x0  }
0x16: {  	s3 =	sld [smem:$0x3FDB];
	s0 =	simm.s32 @p2 $0x1  }
0x17: {  	s4 =	simm.s32 $0x1BF5;
	[smem:$0x3FBA] =	sst s0  }
0x18: {  	s0 =	sld [smem:$0x3F9D];
	_ =	swait.ge [sflag:s4], $0x0  }
0x19: {  	s7 =	sld [smem:$0x3F9E]  }
0x1a: {  	s8 =	sadd.s32 $0xFFFFE003, lr  }
0x1b: {  	s9 =	sadd.s32 $0xFFFFFEF7, lr;
	s5 =	simm.s32 $0xFFFFFFFF;
	p2 =	slt.u32 s8, $0xFFFFF086  }
0x1c: {  	p1 =	slt.u32 s9, $0xF7A;
	s5 =	simm.s32 @!p2 $0x0  }
0x1d: {  	s5 =	simm.s32 @p1 $0x1;
	p0 =	seq.s32 s7, s2  }
0x1e: {  	s7 =	smul.u32 @!p0 $0xF7A, s2;
	p2 =	seq.s32 @!p0 s5, $0x0  }
0x1f: {  	s9 =	smul.u32 $0xF7A, s1;
	s8 =	simm.s32 @!p0 $0x1BF5;
	p2 =	por !p2, p0  }
0x20: {  	[sflag:s8] =	ssyncset.s32 @!p0 $0xFFFFF086;
	s6 =	sadd.s32 @!p0 s3, s7;
	s7 =	simm.s32 @!p0 $0x108  }
0x21: {  	s3 =	sadd.s32 s3, s9;
	s6 =	sadd.s32 @!p0 $0x88, s6;
	s7 =	simm.s32 @p2 $0x1082  }
0x22: {  	[simem:s7], [sflag:s8] =	dma.local @!p0 [hbm:s6], $0xF7A  }
0x23: {  	s9 =	sor.u32 $0xD0000000, s2;
	s6 =	simm.s32 $0x108;
	_ =	swait.ge @!p0 [sflag:s8], $0x0  }
0x24: {  	s3 =	sadd.s32 $0x88, s3;
	s6 =	simm.s32 @!p1 $0x1082;
	[sflag:s4] =	ssyncset.s32 $0xFFFFF086  }
0x25: {  	[simem:s6], [sflag:s4] =	dma.local [hbm:s3], $0xF7A  }
0x26: {  	[smem:$0x3F9E] =	sst s1;
	(tag) =	ssettag s2;
	_ =	strace s9  }
0x27: {  	s1 =	sld [smem:$0x3FAE]  }
0x28: {  	s2 =	sld [smem:$0x3FAF]  }
0x29: {  	s4 =	sld [smem:$0x3FB1]  }
0x2a: {  	p0 =	seq.s32 s5, $0x0;
	s5 =	sld [smem:$0x3FB2]  }
0x2b: {  	s6 =	sld [smem:$0x3FB3]  }
0x2c: {  	s7 =	sld [smem:$0x3FB4]  }
0x2d: {  	s3 =	simm.s32 $0x108;
	s8 =	sld [smem:$0x3FB5]  }
0x2e: {  	s3 =	simm.s32 @!p0 $0x1082;
	s9 =	sld [smem:$0x3FB6]  }
0x2f: {  	lr =	sadd.s32 s0, s3;
	s0 =	sld [smem:$0x3FAD]  }
0x30: {  	s3 =	sld [smem:$0x3FB0]  }
0x31: {  	[smem:$0x3FB9] =	sst s10  }
0x32: {  	s10 =	sld [smem:$0x3FB7];
	_ =	sdelay $0x3  }
0x33: {  	p0 =	seq.s32 s10, $0x1;
	s10 =	sld [smem:$0x3FB9];
	_ =	sdelay $0x3  }
0x34: {  	[smem:$0x3FB9] =	sst s10  }
0x35: {  	s10 =	sld [smem:$0x3FB8];
	_ =	sdelay $0x3  }
0x36: {  	p1 =	seq.s32 s10, $0x1;
	s10 =	sld [smem:$0x3FB9];
	_ =	sdelay $0x3  }
0x37: {  	[smem:$0x3FB9] =	sst s10  }
0x38: {  	s10 =	sld [smem:$0x3FBA]  }
0x39: {  	_ = 	snop;
	(pc) =	sbr.ind lr, $3  }
0x3a: {  	_ = 	snop  }
0x3b: {  	_ = 	snop  }
0x3c: {  	p2 =	seq.s32 s10, $0x1;
	s10 =	sld [smem:$0x3FB9]  }
0x3d: {  	_ =	shalt  }
0x3e: {  	_ =	shalt  }
0x3f: {  	_ =	shalt  }
0x40: {  	_ =	shalt  }
0x41: {  	_ =	shalt  }
0x42: {  	_ =	shalt  }
0x43: {  	_ =	shalt  }
0x44: {  	_ =	shalt  }
0x45: {  	_ =	shalt  }
0x46: {  	_ =	shalt  }
0x47: {  	_ =	shalt  }
0x48: {  	_ =	shalt  }
0x49: {  	_ =	shalt  }
0x4a: {  	_ =	shalt  }
0x4b: {  	_ =	shalt  }
0x4c: {  	_ =	shalt  }
0x4d: {  	_ =	shalt  }
0x4e: {  	_ =	shalt  }
0x4f: {  	_ =	shalt  }
0x50: {  	_ =	shalt  }
0x51: {  	_ =	shalt  }
0x52: {  	_ =	shalt  }
0x53: {  	_ =	shalt  }
0x54: {  	_ =	shalt  }
0x55: {  	_ =	shalt  }
0x56: {  	_ =	shalt  }
0x57: {  	_ =	shalt  }
0x58: {  	_ =	shalt  }
0x59: {  	_ =	shalt  }
0x5a: {  	_ =	shalt  }
0x5b: {  	_ =	shalt  }
0x5c: {  	_ =	shalt  }
0x5d: {  	_ =	shalt  }
0x5e: {  	_ =	shalt  }
0x5f: {  	_ =	shalt  }
0x60: {  	_ =	shalt  }
0x61: {  	_ =	shalt  }
0x62: {  	_ =	shalt  }
0x63: {  	_ =	shalt  }
0x64: {  	_ =	shalt  }
0x65: {  	_ =	shalt  }
0x66: {  	_ =	shalt  }
0x67: {  	_ =	shalt  }
0x68: {  	_ =	shalt  }
0x69: {  	_ =	shalt  }
0x6a: {  	_ =	shalt  }
0x6b: {  	_ =	shalt  }
0x6c: {  	_ =	shalt  }
0x6d: {  	_ =	shalt  }
0x6e: {  	_ =	shalt  }
0x6f: {  	_ =	shalt  }
0x70: {  	_ =	shalt  }
0x71: {  	_ =	shalt  }
0x72: {  	_ =	shalt  }
0x73: {  	_ =	shalt  }
0x74: {  	_ =	shalt  }
0x75: {  	_ =	shalt  }
0x76: {  	_ =	shalt  }
0x77: {  	_ =	shalt  }
0x78: {  	_ =	shalt  }
0x79: {  	_ =	shalt  }
0x7a: {  	_ =	shalt  }
0x7b: {  	_ =	shalt  }
0x7c: {  	_ =	shalt  }
0x7d: {  	_ =	shalt  }
0x7e: {  	_ =	shalt  }
0x7f: {  	_ =	shalt  }
0x80: {  	_ =	shalt  }
0x81: {  	_ =	shalt  }
0x82: {  	_ =	shalt  }
0x83: {  	_ =	shalt  }
0x84: {  	_ =	shalt  }
0x85: {  	_ =	shalt  }
0x86: {  	_ =	shalt  }
0x87: {  	_ =	shalt  }
.Lfunc_end0:
.L_simem_size_0:
called_computation_lowered:
.L_overlay_start_0:
0x88: {  	s2 =	sld [smem:$0x3FD9]  }
0x89: {  	s3 =	sld [smem:$0x3FFE];
	_ =	sdelay $0x1  }
0x8a: {  	s1 =	srdreg.scid  }
0x8b: {  	s0 =	sand.u32 $0x1, s1  }
0x8c: {  	s17 =	sshll.u32 s0, $0xA;
	s2 =	sadd.s32 s3, s2  }
0x8d: {  	s2 =	sadd.s32 s2, s17  }
0x8e: {  	[smem:$0x3FC5] =	sst s2  }
0x8f: {  	_ = 	snop  }
0x90: {  	s2 =	sld [smem:$0x3FD0];
	(tm) =	ssettm $0x1  }
0x91: {  	s18 =	sld [smem:$0x3FFB];
	_ =	sdelay $0x3  }
0x92: {  	_ =	strace s18  }
0x93: {  	s3 =	sld [smem:$0x3FFC];
	_ =	sdelay $0x3  }
0x94: {  	_ =	strace s3  }
0x95: {  	s3 =	sld [smem:$0x3FFD];
	_ =	sdelay $0x3  }
0x96: {  	_ =	strace s3  }
0x97: {  	_ =	strace $0x8FFFFFFF  }
0x98: {  	s19 =	sld [smem:$0x3FDB];
	_ =	sdelay $0x1  }
0x99: {  	s4 =	simm.s32 $_scs_section_size  }
0x9a: {  	s5 =	simm.s32 $_size__tile_overlayer_lowered;
	s6 =	simm.s32 $_tile_overlayer_lowered  }
0x9b: {  	s22 =	simm.s32 $0x1BFF;
	s21 =	sshll.u32 s6, $0x1;
	s3 =	sadd.s32 s4, s19  }
0x9c: {  	s7 =	simm.s32 $0x0;
	s20 =	sshll.u32 s5, $0x1;
	s5 =	sadd.s32 s21, s3  }
0x9d: {  	[timem:s7], [sflag:s22] =	dma.local [hbm:s5], s20  }
0x9e: {  	_ =	swait.ge [sflag:s22], s20  }
0x9f: {  	s4 =	ssub.s32 $0x0, s20;
	[sflag:s22] =	ssyncset.done $0x0  }
0xa0: {  	[sflag:s22] =	ssyncadd.s32 s4;
	_ =	sdelay $0x1  }
0xa1: {  	s23 =	simm.s32 $0x1B8B  }
0xa2: {  	_ =	swait.ge [sflag:s23], $0x1  }
0xa3: {  	[sflag:s23] =	ssyncset.done $0x0  }
0xa4: {  	s25 =	simm.s32 $0x1B8E;
	s24 =	sld [smem:$0x3FFE];
	[sflag:s23] =	ssyncadd.s32 $0xFFFFFFFF  }
0xa5: {  	s26 =	simm.s32 $execute0_lowered;
	[smem:$0x3FD2] =	sst s25  }
0xa6: {  	s5 =	sshll.u32 s26, $0x1;
	_ =	strace $0x80000046;
	[dreg:$0x1] =	wrdreg $0xFFFFFFFF  }
0xa7: {  	s28 =	simm.s32 $_size_execute0_lowered;
	s3 =	sadd.s32 s3, s5;
	[dreg:$0x0] =	wrdreg $0x0  }
0xa8: {  	s5 =	sshll.u32 s28, $0x1;
	[dreg:$0x2] =	wrdreg s3  }
0xa9: {  	[dreg:$0x3] =	wrdreg s5  }
0xaa: {  	[dreg:$0x4] =	wrdreg $0xC0  }
0xab: {  	_ =	task [dreg:s7], $0x5FFFF  }
0xac: {  	[dreg:$0x1] =	wrdreg $0xFFFFFFFF  }
0xad: {  	[dreg:$0x0] =	wrdreg $0x60  }
0xae: {  	[dreg:$0x2] =	wrdreg s24  }
0xaf: {  	[dreg:$0x3] =	wrdreg s2  }
0xb0: {  	[dreg:$0x4] =	wrdreg $0x0  }
0xb1: {  	[dreg:$0x5] =	wrdreg $0x9  }
0xb2: {  	_ =	task.clear_ibuf [dreg:s7], $0x6FFFF;
	_ =	strace $0x90000046  }
0xb3: {  	s29 =	simm.s32 $0x9;
	_ =	strace $0x80000048  }
0xb4: {  	_ =	swait.ge [sflag:s29], $0x1  }
0xb5: {  	[sflag:s29] =	ssyncadd.s32 $0xFFFFFFFF  }
0xb6: {  	_ =	strace $0x90000048  }
0xb7: {  	_ =	sfence  }
0xb8: {  	s30 =	sld [smem:$0x0];
	_ =	sdelay $0x2  }
0xb9: {  	s31 =	sshll.u32 s1, $0xD;
	s1 =	sshrl.u32 s1, $0x2  }
0xba: {  	s3 =	sand.u32 $0x4000, s31;
	s1 =	sadd.s32 s1, s30  }
0xbb: {  	s0 =	sor.u32 s3, s0;
	s1 =	sshll.u32 s1, $0x11  }
0xbc: {  	s0 =	sor.u32 s1, s0  }
0xbd: {  	s0 =	sadd.s32 $0x8F2B, s0  }
0xbe: {  	[sflag:s0] =	ssyncadd.remote.s32 $0x1  }
0xbf: {  	_ =	sfence.sel $0xFFFF  }
0xc0: {  	[dreg:$0x0] =	wrdreg $0xFFFFFFFF;
	(pc) =	sbr.abs _section_cstart, $3  }
0xc1: {  	[dreg:$0x1] =	wrdreg $0xFFFFFFFF  }
0xc2: {  	_ =	task.clear_ibuf [dreg:s7], $0x2FFFF;
	_ =	strace $0x9FFFFFFF  }
0xc3: {  	(tm) =	ssettm $0x7FFFFFFF  }
tec
execute0_lowered:
.L_overlay_start_1:
0x0: {  	(tag) =	ssettag $0x1  }
0x1: {  	s0 =	rddreg [dreg:$0x0]  }
0x2: {  	s3 =	rddreg [dreg:$0x1]  }
0x3: {  	s1 =	rddreg [dreg:$0x2];
	s2 =	simm.s32 $0x0;
	s12 =	srdreg.scid  }
0x4: {  	s20 =	stileid.u32;
	[smem:$0x7FF] =	sst s2;
	s15 =	sadd.s32 $0x100400, s0  }
0x5: {  	s16 =	sadd.s32 $0x140400, s0;
	_ =	strace $0x80000047;
	[dreg:$0x8] =	wrdreg s15  }
0x6: {  	s4 =	sadd.s32 $0x40400, s0;
	s17 =	sadd.s32 $0x180400, s0;
	[dreg:$0x9] =	wrdreg s16  }
0x7: {  	s5 =	sadd.s32 $0x80400, s0;
	s18 =	sadd.s32 $0x1C0400, s0;
	[dreg:$0xa] =	wrdreg s17  }
0x8: {  	s6 =	sadd.s32 $0xC0400, s0;
	s19 =	sadd.s32 $0x300400, s0;
	[dreg:$0xb] =	wrdreg s18  }
0x9: {  	s7 =	sadd.s32 $0x200400, s0;
	s21 =	sadd.s32 $0x340400, s0;
	[dreg:$0xc] =	wrdreg s19  }
0xa: {  	s8 =	sadd.s32 $0x400, s0;
	s22 =	sadd.s32 $0x380400, s0;
	[dreg:$0xd] =	wrdreg s21  }
0xb: {  	s12 =	sand.u32 $0x1, s12;
	s23 =	sadd.s32 $0x3C0400, s0;
	[dreg:$0xe] =	wrdreg s22  }
0xc: {  	s14 =	sshll.u32 s20, $0x10;
	s20 =	sshll.u32 s20, $0xE;
	[dreg:$0xf] =	wrdreg s23  }
0xd: {  	s31 =	ssub.s32 $0x2, s12;
	s26 =	sadd.s32 s6, s20;
	[dreg:$0x10] =	wrdreg s20  }
0xe: {  	p0 =	seq.s32 s12, $0x1;
	s12 =	sadd.s32 $0x10, s3;
	[dreg:$0x17] =	wrdreg s26  }
0xf: {  	s9 =	sadd.s32 $0x240400, s0;
	s29 =	sadd.s32 s8, s20;
	[smem:$0x7E3] =	sst s12  }
0x10: {  	s11 =	sadd.s32 $0x2C0400, s0;
	s25 =	sadd.s32 s5, s20;
	[dreg:$0x5] =	wrdreg s29  }
0x11: {  	s10 =	sadd.s32 $0x280400, s0;
	s28 =	sadd.s32 s11, s20;
	[dreg:$0x15] =	wrdreg s25  }
0x12: {  	s18 =	sadd.s32 s18, s20;
	s13 =	sshrl.u32 s31, $0x1;
	[dreg:$0x1e] =	wrdreg s28  }
0x13: {  	s26 =	sadd.s32 s10, s20;
	[smem:$0x7FC] =	sst s18;
	s0 =	ssub.s32 s31, s13  }
0x14: {  	s13 =	sadd.s32 s14, s1;
	s14 =	sor.u32 $0x3E00, s20;
	[dreg:$0x1c] =	wrdreg s26  }
0x15: {  	[dreg:$0x12] =	wrdreg s14  }
0x16: {  	s31 =	sadd.s32 s4, s20;
	[dreg:$0x11] =	wrdreg s13  }
0x17: {  	s8 =	sadd.s32 s8, s14;
	[smem:$0x7FA] =	sst s31  }
0x18: {  	s4 =	sadd.s32 s4, s14;
	[dreg:$0x13] =	wrdreg s8  }
0x19: {  	s24 =	sadd.s32 s5, s14;
	[dreg:$0x14] =	wrdreg s4  }
0x1a: {  	s5 =	sadd.s32 s7, s20;
	[dreg:$0x16] =	wrdreg s24  }
0x1b: {  	s12 =	sadd.s32 $0x6000, s13;
	[dreg:$0x19] =	wrdreg s5  }
0x1c: {  	s4 =	sadd.s32 s6, s14;
	[smem:$0x7F0] =	sst s12  }
0x1d: {  	s6 =	sadd.s32 s7, s14;
	[dreg:$0x18] =	wrdreg s4  }
0x1e: {  	s7 =	sadd.s32 s9, s20;
	[dreg:$0x1a] =	wrdreg s6  }
0x1f: {  	s8 =	sadd.s32 s9, s14;
	[dreg:$0x4] =	wrdreg s7  }
0x20: {  	s9 =	sadd.s32 s10, s14;
	[dreg:$0x1b] =	wrdreg s8  }
0x21: {  	s10 =	sadd.s32 s11, s14;
	[dreg:$0x1d] =	wrdreg s9  }
0x22: {  	s11 =	sadd.s32 s3, s20;
	s3 =	sadd.s32 $0x40010, s3;
	[dreg:$0x1f] =	wrdreg s10  }
0x23: {  	s14 =	sadd.s32 s15, s20;
	[smem:$0x7E4] =	sst s3  }
0x24: {  	s15 =	sadd.s32 s16, s20;
	[smem:$0x7E5] =	sst s14  }
0x25: {  	s16 =	sadd.s32 s17, s20;
	[smem:$0x7E6] =	sst s15  }
0x26: {  	[dreg:$0x6] =	wrdreg s16  }
0x27: {  	s5 =	sadd.s32 s22, s20;
	[smem:$0x7E7] =	sst s11  }
0x28: {  	s22 =	sadd.s32 $0xE000, s13;
	[dreg:$0x7] =	wrdreg s5  }
0x29: {  	s24 =	smax.u32 s0, $0x1;
	[smem:$0x7F8] =	sst s22  }
0x2a: {  	s17 =	sadd.s32 $0x40000, s11;
	[smem:$0x7FB] =	sst s24  }
0x2b: {  	s3 =	sadd.s32 s19, s20;
	[smem:$0x7E8] =	sst s17  }
0x2c: {  	s4 =	sadd.s32 s21, s20;
	[smem:$0x7E9] =	sst s3  }
0x2d: {  	s6 =	sadd.s32 $0x1000, s13;
	[smem:$0x7EA] =	sst s4  }
0x2e: {  	s7 =	sadd.s32 $0x2000, s13;
	[smem:$0x7EB] =	sst s6  }
0x2f: {  	s9 =	sadd.s32 $0x3000, s13;
	[smem:$0x7EC] =	sst s7  }
0x30: {  	s10 =	sadd.s32 $0x4000, s13;
	[smem:$0x7ED] =	sst s9  }
0x31: {  	s11 =	sadd.s32 $0x5000, s13;
	[smem:$0x7EE] =	sst s10  }
0x32: {  	s14 =	sadd.s32 $0x7000, s13;
	[smem:$0x7EF] =	sst s11  }
0x33: {  	s15 =	sadd.s32 $0x8000, s13;
	[smem:$0x7F1] =	sst s14  }
0x34: {  	s16 =	sadd.s32 $0x9000, s13;
	[smem:$0x7F2] =	sst s15  }
0x35: {  	s30 =	simm.s32 $0x0;
	s19 =	sadd.s32 $0xB000, s13;
	[smem:$0x7F3] =	sst s16  }
0x36: {  	s8 =	sadd.s32 s23, s20;
	s20 =	sadd.s32 $0xC000, s13;
	[smem:$0x7F5] =	sst s19  }
0x37: {  	s0 =	simm.s32 $0x16000;
	s21 =	sadd.s32 $0xD000, s13;
	[smem:$0x7F6] =	sst s20  }
0x38: {  	s12 =	simm.s32 $0x11000;
	s23 =	sadd.s32 $0xF000, s13;
	[smem:$0x7F7] =	sst s21  }
0x39: {  	s5 =	simm.s32 $0x1A000;
	s17 =	sadd.s32 $0xA000, s13;
	[smem:$0x7F9] =	sst s23  }
0x3a: {  	s10 =	simm.s32 $0x10000;
	s11 =	simm.s32 $0x13000;
	s20 =	simm.s32 $0x19000  }
.Ltmp0:
0x3b: {  	s3 =	simm.s32 $0x14000;
	s4 =	simm.s32 $0x17000;
	(pc) =	sbr.rel .LBB2_1-.Ltmp0, $4  }
0x3c: {  	s6 =	simm.s32 $0x1;
	s14 =	simm.s32 $0x1000;
	s13 =	simm.s32 $0x12000  }
0x3d: {  	s7 =	simm.s32 $0x15000;
	s9 =	simm.s32 $0x18000;
	s15 =	simm.s32 $0x1B000  }
0x3e: {  	s19 =	simm.s32 $0x4;
	s21 =	simm.s32 $0x3;
	[smem:$0x7FD] =	sst s8  }
0x3f: {  	v0 =	vimm.f32 $0.0e+00;
	s16 =	smov.u32 s31;
	[smem:$0x7F4] =	sst s17;
	s17 =	simm.s32 $0x2  }
.LBB2_8:
0x40: {  	s22 =	simm.s32 @!p2 $0x5  }
0x41: {  	[spmem:s1] =	stream.indirect.scatter.add.f32 [tilespmem:s15], [sflag:$0x6], $0x1, s7, s14, $0xb8;
	[tilespmem:$0x1D000] =	vst v63  }
0x42: {  	_ =	swait.ge @!p2 [sflag:s22], $0x1000  }
0x43: {  	[sflag:s22] =	ssyncset.done @!p2 $0x0  }
0x44: {  	[sflag:s22] =	ssyncadd.s32 @!p2 $0xFFFFF000  }
0x45: {  	_ =	swait.ge @!p2 [sflag:s22], $0x1000  }
0x46: {  	s24 =	sadd.s32 s23, s8;
	[sflag:s22] =	ssyncset.done @!p2 $0x0  }
0x47: {  	s25 =	sadd.s32 s23, s18;
	s8 =	sadd.s32 $0x200, s24;
	[sflag:s22] =	ssyncadd.s32 @!p2 $0xFFFFF000  }
0x48: {  	[tilespmem:s12], [sflag:$0x2] =	stream.linear.gather [hbm4b:s8+s2], $0x1000, $0x38;
	[tilespmem:$0x1D000] =	vst v63  }
0x49: {  	s26 =	sadd.s32 s23, s29;
	s18 =	sadd.s32 $0x200, s25  }
0x4a: {  	[tilespmem:s3], [sflag:$0x2] =	stream.linear.gather [hbm4b:s18+s2], $0x1000, $0x38;
	[tilespmem:$0x1D000] =	vst v63  }
0x4b: {  	s23 =	sadd.s32 s23, s31;
	s29 =	sadd.s32 $0x200, s26  }
0x4c: {  	[tilespmem:s4], [sflag:$0x2] =	stream.linear.gather [hbm4b:s29+s2], $0x1000, $0x38;
	[tilespmem:$0x1D000] =	vst v63  }
0x4d: {  	s8 =	sadd.s32 $0x200, s23  }
0x4e: {  	[tilespmem:s5], [sflag:$0x2] =	stream.linear.gather [hbm4b:s8+s2], $0x1000, $0x38;
	[tilespmem:$0x1D000] =	vst v63  }
0x4f: {  	_ =	swait.ge [sflag:s6], $0x1000  }
0x50: {  	[sflag:s6] =	ssyncset.done $0x0  }
0x51: {  	[sflag:s6] =	ssyncadd.s32 $0xFFFFF000  }
0x52: {  	_ =	swait.ge [sflag:s6], $0x1000  }
0x53: {  	[sflag:s6] =	ssyncset.done $0x0  }
0x54: {  	[sflag:s6] =	ssyncadd.s32 $0xFFFFF000  }
0x55: {  	_ =	swait.ge [sflag:s6], $0x1000  }
0x56: {  	[sflag:s6] =	ssyncset.done $0x0  }
0x57: {  	[sflag:s6] =	ssyncadd.s32 $0xFFFFF000  }
0x58: {  	_ =	swait.ge [sflag:s6], $0x1000  }
0x59: {  	[sflag:s6] =	ssyncset.done $0x0  }
0x5a: {  	[sflag:s6] =	ssyncadd.s32 $0xFFFFF000  }
0x5b: {  	[spmem:s1] =	stream.indirect.scatter.add.f32 [tilespmem:s0], [sflag:$0x4], $0x1, s10, s14, $0xb8;
	[tilespmem:$0x1D000] =	vst v63  }
0x5c: {  	s22 =	simm.s32 @!p2 $0x6  }
0x5d: {  	[spmem:s1] =	stream.indirect.scatter.add.f32 [tilespmem:s20], [sflag:$0x4], $0x1, s11, s14, $0xb8;
	[tilespmem:$0x1D000] =	vst v63  }
0x5e: {  	_ =	swait.ge @!p2 [sflag:s22], $0x1000  }
0x5f: {  	[sflag:s22] =	ssyncset.done @!p2 $0x0  }
0x60: {  	[sflag:s22] =	ssyncadd.s32 @!p2 $0xFFFFF000  }
0x61: {  	_ =	swait.ge @!p2 [sflag:s22], $0x1000  }
0x62: {  	[sflag:s22] =	ssyncset.done @!p2 $0x0  }
0x63: {  	s18 =	sadd.s32 $0x400, s24;
	[sflag:s22] =	ssyncadd.s32 @!p2 $0xFFFFF000  }
0x64: {  	[tilespmem:s13], [sflag:$0x3] =	stream.linear.gather [hbm4b:s18+s2], $0x1000, $0x38;
	[tilespmem:$0x1D000] =	vst v63  }
0x65: {  	s29 =	sadd.s32 $0x400, s25  }
0x66: {  	[tilespmem:s7], [sflag:$0x3] =	stream.linear.gather [hbm4b:s29+s2], $0x1000, $0x38;
	[tilespmem:$0x1D000] =	vst v63  }
0x67: {  	s8 =	sadd.s32 $0x400, s26  }
0x68: {  	[tilespmem:s9], [sflag:$0x3] =	stream.linear.gather [hbm4b:s8+s2], $0x1000, $0x38;
	[tilespmem:$0x1D000] =	vst v63  }
0x69: {  	s18 =	sadd.s32 $0x400, s23  }
0x6a: {  	[tilespmem:s15], [sflag:$0x3] =	stream.linear.gather [hbm4b:s18+s2], $0x1000, $0x38;
	[tilespmem:$0x1D000] =	vst v63  }
0x6b: {  	_ =	swait.ge [sflag:s17], $0x1000  }
0x6c: {  	[sflag:s17] =	ssyncset.done $0x0  }
0x6d: {  	[sflag:s17] =	ssyncadd.s32 $0xFFFFF000  }
0x6e: {  	_ =	swait.ge [sflag:s17], $0x1000  }
0x6f: {  	[sflag:s17] =	ssyncset.done $0x0  }
0x70: {  	[sflag:s17] =	ssyncadd.s32 $0xFFFFF000  }
0x71: {  	_ =	swait.ge [sflag:s17], $0x1000  }
0x72: {  	[sflag:s17] =	ssyncset.done $0x0  }
0x73: {  	[sflag:s17] =	ssyncadd.s32 $0xFFFFF000  }
0x74: {  	_ =	swait.ge [sflag:s17], $0x1000  }
0x75: {  	[sflag:s17] =	ssyncset.done $0x0  }
0x76: {  	[sflag:s17] =	ssyncadd.s32 $0xFFFFF000  }
0x77: {  	[spmem:s1] =	stream.indirect.scatter.add.f32 [tilespmem:s4], [sflag:$0x5], $0x1, s12, s14, $0xb8;
	[tilespmem:$0x1D000] =	vst v63  }
0x78: {  	_ = 	snop  }
0x79: {  	[spmem:s1] =	stream.indirect.scatter.add.f32 [tilespmem:s5], [sflag:$0x5], $0x1, s3, s14, $0xb8;
	[tilespmem:$0x1D000] =	vst v63  }
0x7a: {  	_ =	swait.ge [sflag:s19], $0x1000  }
0x7b: {  	[sflag:s19] =	ssyncset.done $0x0  }
0x7c: {  	[sflag:s19] =	ssyncadd.s32 $0xFFFFF000  }
0x7d: {  	_ =	swait.ge [sflag:s19], $0x1000  }
0x7e: {  	[sflag:s19] =	ssyncset.done $0x0  }
0x7f: {  	s24 =	sadd.s32 $0x600, s24;
	[sflag:s19] =	ssyncadd.s32 $0xFFFFF000  }
0x80: {  	[tilespmem:s10], [sflag:$0x1] =	stream.linear.gather [hbm4b:s24+s2], $0x1000, $0x38;
	[tilespmem:$0x1D000] =	vst v63  }
0x81: {  	s25 =	sadd.s32 $0x600, s25  }
0x82: {  	[tilespmem:s11], [sflag:$0x1] =	stream.linear.gather [hbm4b:s25+s2], $0x1000, $0x38;
	[tilespmem:$0x1D000] =	vst v63  }
0x83: {  	s26 =	sadd.s32 $0x600, s26  }
0x84: {  	[tilespmem:s0], [sflag:$0x1] =	stream.linear.gather [hbm4b:s26+s2], $0x1000, $0x38;
	[tilespmem:$0x1D000] =	vst v63  }
0x85: {  	s29 =	sadd.s32 $0x600, s23  }
0x86: {  	[tilespmem:s20], [sflag:$0x1] =	stream.linear.gather [hbm4b:s29+s2], $0x1000, $0x38;
	[tilespmem:$0x1D000] =	vst v63  }
0x87: {  	_ =	swait.ge [sflag:s21], $0x1000  }
0x88: {  	[sflag:s21] =	ssyncset.done $0x0  }
0x89: {  	[sflag:s21] =	ssyncadd.s32 $0xFFFFF000  }
0x8a: {  	_ =	swait.ge [sflag:s21], $0x1000  }
0x8b: {  	[sflag:s21] =	ssyncset.done $0x0  }
0x8c: {  	[sflag:s21] =	ssyncadd.s32 $0xFFFFF000  }
0x8d: {  	_ =	swait.ge [sflag:s21], $0x1000  }
0x8e: {  	[sflag:s21] =	ssyncset.done $0x0  }
0x8f: {  	[sflag:s21] =	ssyncadd.s32 $0xFFFFF000  }
0x90: {  	_ =	swait.ge [sflag:s21], $0x1000  }
0x91: {  	s28 =	rddreg [dreg:$0x8]  }
0x92: {  	s23 =	rddreg [dreg:$0x9]  }
0x93: {  	s24 =	rddreg [dreg:$0xa]  }
0x94: {  	s25 =	rddreg [dreg:$0xb]  }
0x95: {  	[sflag:s21] =	ssyncset.done $0x0;
	s22 =	sld [smem:$0x7E3]  }
0x96: {  	s30 =	sld [smem:$0x7E2];
	[sflag:s21] =	ssyncadd.s32 $0xFFFFF000  }
0x97: {  	[spmem:s1] =	stream.indirect.scatter.add.f32 [tilespmem:s9], [sflag:$0x6], $0x1, s13, s14, $0xb8;
	[tilespmem:$0x1D000] =	vst v63  }
0x98: {  	s31 =	sld [smem:$0x7FB]  }
0x99: {  	[spmem:s1] =	stream.indirect.scatter.add.f32 [tilespmem:s15], [sflag:$0x6], $0x1, s7, s14, $0xb8;
	[tilespmem:$0x1D000] =	vst v63  }
.LBB2_14:
0x9a: {  	s18 =	simm.s32 $0x5  }
0x9b: {  	_ =	swait.ge [sflag:s18], $0x1000  }
0x9c: {  	[sflag:s18] =	ssyncset.done $0x0  }
0x9d: {  	[sflag:s18] =	ssyncadd.s32 $0xFFFFF000  }
0x9e: {  	_ =	swait.ge [sflag:s18], $0x1000  }
0x9f: {  	[sflag:s18] =	ssyncset.done $0x0;
	s29 =	rddreg [dreg:$0x12]  }
0xa0: {  	s26 =	sadd.s32 s28, s29;
	[sflag:s18] =	ssyncadd.s32 $0xFFFFF000  }
0xa1: {  	[tilespmem:s12], [sflag:$0x2] =	stream.linear.gather [hbm4b:s26+s2], $0x1000, $0x38;
	[tilespmem:$0x1D000] =	vst v63  }
0xa2: {  	s23 =	sadd.s32 s23, s29  }
0xa3: {  	[tilespmem:s3], [sflag:$0x2] =	stream.linear.gather [hbm4b:s23+s2], $0x1000, $0x38;
	[tilespmem:$0x1D000] =	vst v63  }
0xa4: {  	s24 =	sadd.s32 s24, s29  }
0xa5: {  	[tilespmem:s4], [sflag:$0x2] =	stream.linear.gather [hbm4b:s24+s2], $0x1000, $0x38;
	[tilespmem:$0x1D000] =	vst v63  }
0xa6: {  	s26 =	sadd.s32 s25, s29  }
0xa7: {  	[tilespmem:s5], [sflag:$0x2] =	stream.linear.gather [hbm4b:s26+s2], $0x1000, $0x38;
	[tilespmem:$0x1D000] =	vst v63  }
0xa8: {  	_ =	swait.ge [sflag:s6], $0x1000  }
0xa9: {  	[sflag:s6] =	ssyncset.done $0x0  }
0xaa: {  	[sflag:s6] =	ssyncadd.s32 $0xFFFFF000  }
0xab: {  	_ =	swait.ge [sflag:s6], $0x1000  }
0xac: {  	[sflag:s6] =	ssyncset.done $0x0  }
0xad: {  	[sflag:s6] =	ssyncadd.s32 $0xFFFFF000  }
0xae: {  	_ =	swait.ge [sflag:s6], $0x1000  }
0xaf: {  	[sflag:s6] =	ssyncset.done $0x0  }
0xb0: {  	[sflag:s6] =	ssyncadd.s32 $0xFFFFF000  }
0xb1: {  	_ =	swait.ge [sflag:s6], $0x1000  }
0xb2: {  	[sflag:s6] =	ssyncset.done $0x0  }
0xb3: {  	[sflag:s6] =	ssyncadd.s32 $0xFFFFF000  }
0xb4: {  	[spmem:s1] =	stream.indirect.scatter.add.f32 [tilespmem:s0], [sflag:$0x4], $0x1, s10, s14, $0xb8;
	[tilespmem:$0x1D000] =	vst v63  }
0xb5: {  	s8 =	simm.s32 $0x6  }
0xb6: {  	[spmem:s1] =	stream.indirect.scatter.add.f32 [tilespmem:s20], [sflag:$0x4], $0x1, s11, s14, $0xb8;
	[tilespmem:$0x1D000] =	vst v63  }
0xb7: {  	_ =	swait.ge [sflag:s8], $0x1000  }
0xb8: {  	[sflag:s8] =	ssyncset.done $0x0  }
0xb9: {  	[sflag:s8] =	ssyncadd.s32 $0xFFFFF000  }
0xba: {  	_ =	swait.ge [sflag:s8], $0x1000  }
0xbb: {  	[sflag:s8] =	ssyncset.done $0x0  }
0xbc: {  	[sflag:s8] =	ssyncadd.s32 $0xFFFFF000  }
0xbd: {  	_ =	swait.ge [sflag:s17], $0x1000  }
0xbe: {  	[sflag:s17] =	ssyncset.done $0x0  }
0xbf: {  	[sflag:s17] =	ssyncadd.s32 $0xFFFFF000  }
0xc0: {  	_ =	swait.ge [sflag:s17], $0x1000  }
0xc1: {  	[sflag:s17] =	ssyncset.done $0x0  }
0xc2: {  	[sflag:s17] =	ssyncadd.s32 $0xFFFFF000  }
0xc3: {  	_ =	swait.ge [sflag:s17], $0x1000  }
0xc4: {  	[sflag:s17] =	ssyncset.done $0x0  }
0xc5: {  	[sflag:s17] =	ssyncadd.s32 $0xFFFFF000  }
0xc6: {  	_ =	swait.ge [sflag:s17], $0x1000  }
0xc7: {  	[sflag:s17] =	ssyncset.done $0x0  }
0xc8: {  	[sflag:s17] =	ssyncadd.s32 $0xFFFFF000  }
0xc9: {  	[spmem:s1] =	stream.indirect.scatter.add.f32 [tilespmem:s4], [sflag:$0x5], $0x1, s12, s14, $0xb8;
	[tilespmem:$0x1D000] =	vst v63  }
0xca: {  	_ = 	snop  }
0xcb: {  	[spmem:s1] =	stream.indirect.scatter.add.f32 [tilespmem:s5], [sflag:$0x5], $0x1, s3, s14, $0xb8;
	[tilespmem:$0x1D000] =	vst v63  }
0xcc: {  	_ =	swait.ge [sflag:s19], $0x1000  }
0xcd: {  	[sflag:s19] =	ssyncset.done $0x0  }
0xce: {  	[sflag:s19] =	ssyncadd.s32 $0xFFFFF000  }
0xcf: {  	_ =	swait.ge [sflag:s19], $0x1000  }
0xd0: {  	[sflag:s19] =	ssyncset.done $0x0  }
0xd1: {  	[sflag:s19] =	ssyncadd.s32 $0xFFFFF000  }
0xd2: {  	_ =	swait.ge [sflag:s18], $0x1000  }
0xd3: {  	[sflag:s18] =	ssyncset.done $0x0  }
0xd4: {  	[sflag:s18] =	ssyncadd.s32 $0xFFFFF000  }
0xd5: {  	_ =	swait.ge [sflag:s18], $0x1000  }
0xd6: {  	[sflag:s18] =	ssyncset.done $0x0  }
0xd7: {  	[sflag:s18] =	ssyncadd.s32 $0xFFFFF000  }
0xd8: {  	s18 =	rddreg [dreg:$0x10];
	[bflag:$0x0] =	sbarrier.arrive $0xFFFF  }
0xd9: {  	s8 =	sld [smem:$0x7E1]  }
0xda: {  	s30 =	sadd.s32 $0x1, s30;
	s25 =	simm.s32 $0x20;
	s24 =	rddreg [dreg:$0x11]  }
0xdb: {  	s26 =	simm.s32 $0x10;
	s22 =	sadd.s32 s18, s22;
	s23 =	sshrl.u32 s24, $0x3  }
0xdc: {  	[hbm:s22@s25], [sflag:s8] =	dma.strided [spmem:s23@s26], $0x2000, s6, $0x10   }
0xdd: {  	p1 =	sne.s32 s30, s31;
	s26 =	simm.s32 $0x7  }
.Ltmp1:
0xde: {  	_ =	swait.ge [sflag:s26], $0x2000;
	(pc) =	sbr.rel @!p1 .LBB2_15-.Ltmp1, $4  }
0xdf: {  	s29 =	rddreg [dreg:$0x5]  }
0xe0: {  	s25 =	rddreg [dreg:$0x15]  }
0xe1: {  	[sflag:s26] =	ssyncset.done $0x0;
	s28 =	rddreg [dreg:$0x1e]  }
0xe2: {  	[sflag:s26] =	ssyncadd.s32 $0xFFFFE000;
	s26 =	rddreg [dreg:$0x1c]  }
.LBB2_1:
0xe3: {  	[smem:$0x7E2] =	sst s30;
	s22 =	simm.s32 $0x40;
	s23 =	simm.s32 $0x0  }
.LBB2_2:
0xe4: {  	p1 =	sne.s32 s22, $0x3FC0;
	[tilespmem:s23+$0x1C000] =	vst v0;
	s23 =	smov.u32 s22;
	s22 =	sadd.s32 $0x40, s22  }
.Ltmp2:
0xe5: {  	(pc) =	sbr.rel @p1 .LBB2_2-.Ltmp2, $2  }
0xe6: {  	_ =	sdelay $0x2  }
0xe7: {  	s23 =	sshra.s32 s23, $0x2  }
0xe8: {  	[tilespmem:s23+$0x1C000] =	vst v0;
	s22 =	rddreg [dreg:$0x11];
	s18 =	simm.s32 $0x1C000  }
0xe9: {  	[spmem:s22] =	stream.linear.scatter [tilespmem:s18], [sflag:$0x7], $0x1000, $0x38;
	[tilespmem:$0x1D000] =	vst v63  }
0xea: {  	s22 =	simm.s32 $0x7  }
0xeb: {  	_ =	swait.ge [sflag:s22], $0x1000  }
0xec: {  	s8 =	sld [smem:$0x7EB]  }
0xed: {  	[sflag:s22] =	ssyncset.done $0x0  }
0xee: {  	[sflag:s22] =	ssyncadd.s32 $0xFFFFF000  }
0xef: {  	[spmem:s8] =	stream.linear.scatter [tilespmem:s18], [sflag:$0x7], $0x1000, $0x38;
	[tilespmem:$0x1D000] =	vst v63  }
0xf0: {  	_ =	swait.ge [sflag:s22], $0x1000  }
0xf1: {  	s30 =	sld [smem:$0x7EC]  }
0xf2: {  	[sflag:s22] =	ssyncset.done $0x0  }
0xf3: {  	[sflag:s22] =	ssyncadd.s32 $0xFFFFF000  }
0xf4: {  	[spmem:s30] =	stream.linear.scatter [tilespmem:s18], [sflag:$0x7], $0x1000, $0x38;
	[tilespmem:$0x1D000] =	vst v63  }
0xf5: {  	_ =	swait.ge [sflag:s22], $0x1000  }
0xf6: {  	s31 =	sld [smem:$0x7ED]  }
0xf7: {  	[sflag:s22] =	ssyncset.done $0x0  }
0xf8: {  	[sflag:s22] =	ssyncadd.s32 $0xFFFFF000  }
0xf9: {  	[spmem:s31] =	stream.linear.scatter [tilespmem:s18], [sflag:$0x7], $0x1000, $0x38;
	[tilespmem:$0x1D000] =	vst v63  }
0xfa: {  	_ =	swait.ge [sflag:s22], $0x1000  }
0xfb: {  	s23 =	sld [smem:$0x7EE]  }
0xfc: {  	[sflag:s22] =	ssyncset.done $0x0  }
0xfd: {  	[sflag:s22] =	ssyncadd.s32 $0xFFFFF000  }
0xfe: {  	[spmem:s23] =	stream.linear.scatter [tilespmem:s18], [sflag:$0x7], $0x1000, $0x38;
	[tilespmem:$0x1D000] =	vst v63  }
0xff: {  	_ =	swait.ge [sflag:s22], $0x1000  }
0x100: {  	s24 =	sld [smem:$0x7EF]  }
0x101: {  	[sflag:s22] =	ssyncset.done $0x0  }
0x102: {  	[sflag:s22] =	ssyncadd.s32 $0xFFFFF000  }
0x103: {  	[spmem:s24] =	stream.linear.scatter [tilespmem:s18], [sflag:$0x7], $0x1000, $0x38;
	[tilespmem:$0x1D000] =	vst v63  }
0x104: {  	_ =	swait.ge [sflag:s22], $0x1000  }
0x105: {  	s30 =	sld [smem:$0x7F0]  }
0x106: {  	[sflag:s22] =	ssyncset.done $0x0  }
0x107: {  	[sflag:s22] =	ssyncadd.s32 $0xFFFFF000  }
0x108: {  	[spmem:s30] =	stream.linear.scatter [tilespmem:s18], [sflag:$0x7], $0x1000, $0x38;
	[tilespmem:$0x1D000] =	vst v63  }
0x109: {  	_ =	swait.ge [sflag:s22], $0x1000  }
0x10a: {  	s31 =	sld [smem:$0x7F1]  }
0x10b: {  	[sflag:s22] =	ssyncset.done $0x0  }
0x10c: {  	[sflag:s22] =	ssyncadd.s32 $0xFFFFF000  }
0x10d: {  	[spmem:s31] =	stream.linear.scatter [tilespmem:s18], [sflag:$0x7], $0x1000, $0x38;
	[tilespmem:$0x1D000] =	vst v63  }
0x10e: {  	_ =	swait.ge [sflag:s22], $0x1000  }
0x10f: {  	s23 =	sld [smem:$0x7F2]  }
0x110: {  	[sflag:s22] =	ssyncset.done $0x0  }
0x111: {  	[sflag:s22] =	ssyncadd.s32 $0xFFFFF000  }
0x112: {  	[spmem:s23] =	stream.linear.scatter [tilespmem:s18], [sflag:$0x7], $0x1000, $0x38;
	[tilespmem:$0x1D000] =	vst v63  }
0x113: {  	_ =	swait.ge [sflag:s22], $0x1000  }
0x114: {  	s24 =	sld [smem:$0x7F3]  }
0x115: {  	[sflag:s22] =	ssyncset.done $0x0  }
0x116: {  	[sflag:s22] =	ssyncadd.s32 $0xFFFFF000  }
0x117: {  	[spmem:s24] =	stream.linear.scatter [tilespmem:s18], [sflag:$0x7], $0x1000, $0x38;
	[tilespmem:$0x1D000] =	vst v63  }
0x118: {  	_ =	swait.ge [sflag:s22], $0x1000  }
0x119: {  	s30 =	sld [smem:$0x7F4]  }
0x11a: {  	[sflag:s22] =	ssyncset.done $0x0  }
0x11b: {  	[sflag:s22] =	ssyncadd.s32 $0xFFFFF000  }
0x11c: {  	[spmem:s30] =	stream.linear.scatter [tilespmem:s18], [sflag:$0x7], $0x1000, $0x38;
	[tilespmem:$0x1D000] =	vst v63  }
0x11d: {  	_ =	swait.ge [sflag:s22], $0x1000  }
0x11e: {  	s31 =	sld [smem:$0x7F5]  }
0x11f: {  	[sflag:s22] =	ssyncset.done $0x0  }
0x120: {  	[sflag:s22] =	ssyncadd.s32 $0xFFFFF000  }
0x121: {  	[spmem:s31] =	stream.linear.scatter [tilespmem:s18], [sflag:$0x7], $0x1000, $0x38;
	[tilespmem:$0x1D000] =	vst v63  }
0x122: {  	_ =	swait.ge [sflag:s22], $0x1000  }
0x123: {  	s23 =	sld [smem:$0x7F6]  }
0x124: {  	[sflag:s22] =	ssyncset.done $0x0  }
0x125: {  	[sflag:s22] =	ssyncadd.s32 $0xFFFFF000  }
0x126: {  	[spmem:s23] =	stream.linear.scatter [tilespmem:s18], [sflag:$0x7], $0x1000, $0x38;
	[tilespmem:$0x1D000] =	vst v63  }
0x127: {  	_ =	swait.ge [sflag:s22], $0x1000  }
0x128: {  	s24 =	sld [smem:$0x7F7]  }
0x129: {  	[sflag:s22] =	ssyncset.done $0x0  }
0x12a: {  	[sflag:s22] =	ssyncadd.s32 $0xFFFFF000  }
0x12b: {  	[spmem:s24] =	stream.linear.scatter [tilespmem:s18], [sflag:$0x7], $0x1000, $0x38;
	[tilespmem:$0x1D000] =	vst v63  }
0x12c: {  	_ =	swait.ge [sflag:s22], $0x1000  }
0x12d: {  	s30 =	sld [smem:$0x7F8]  }
0x12e: {  	[sflag:s22] =	ssyncset.done $0x0  }
0x12f: {  	[sflag:s22] =	ssyncadd.s32 $0xFFFFF000  }
0x130: {  	[spmem:s30] =	stream.linear.scatter [tilespmem:s18], [sflag:$0x7], $0x1000, $0x38;
	[tilespmem:$0x1D000] =	vst v63  }
0x131: {  	_ =	swait.ge [sflag:s22], $0x1000  }
0x132: {  	s31 =	sld [smem:$0x7F9]  }
0x133: {  	[sflag:s22] =	ssyncset.done $0x0  }
0x134: {  	[sflag:s22] =	ssyncadd.s32 $0xFFFFF000  }
0x135: {  	[spmem:s31] =	stream.linear.scatter [tilespmem:s18], [sflag:$0x7], $0x1000, $0x38;
	[tilespmem:$0x1D000] =	vst v63  }
.Ltmp3:
0x136: {  	_ =	swait.ge [sflag:s22], $0x1000;
	(pc) =	sbr.rel @!p0 .LBB2_4-.Ltmp3, $4  }
0x137: {  	[sflag:s22] =	ssyncset.done $0x0  }
0x138: {  	[sflag:s22] =	ssyncadd.s32 $0xFFFFF000  }
0x139: {  	[bflag:$0x0] =	sbarrier.arrive $0xFFFF  }
0x13a: {  	s22 =	simm.s32 $0x0  }
0x13b: {  	s8 =	rddreg [dreg:$0x19]  }
0x13c: {  	[tilespmem:s10], [sflag:$0x1] =	stream.linear.gather [hbm4b:s8+s22], $0x1000, $0x38;
	[tilespmem:$0x1D000] =	vst v63  }
0x13d: {  	s29 =	rddreg [dreg:$0x4]  }
0x13e: {  	[tilespmem:s11], [sflag:$0x1] =	stream.linear.gather [hbm4b:s29+s22], $0x1000, $0x38;
	[tilespmem:$0x1D000] =	vst v63  }
0x13f: {  	_ = 	snop  }
0x140: {  	[tilespmem:s0], [sflag:$0x1] =	stream.linear.gather [hbm4b:s26+s22], $0x1000, $0x38;
	[tilespmem:$0x1D000] =	vst v63  }
0x141: {  	p1 =	por $0x1, $0x1  }
0x142: {  	[tilespmem:s20], [sflag:$0x1] =	stream.linear.gather [hbm4b:s28+s22], $0x1000, $0x38;
	[tilespmem:$0x1D000] =	vst v63  }
0x143: {  	s22 =	simm.s32 @!p1 $0x5  }
0x144: {  	_ =	swait.ge @!p1 [sflag:s22], $0x1000  }
0x145: {  	[sflag:s22] =	ssyncset.done @!p1 $0x0  }
0x146: {  	[sflag:s22] =	ssyncadd.s32 @!p1 $0xFFFFF000  }
0x147: {  	_ =	swait.ge @!p1 [sflag:s22], $0x1000  }
0x148: {  	s23 =	sadd.s32 $0x0, s8;
	[sflag:s22] =	ssyncset.done @!p1 $0x0  }
0x149: {  	s24 =	sadd.s32 $0x0, s29;
	s30 =	sadd.s32 $0x200, s23;
	[sflag:s22] =	ssyncadd.s32 @!p1 $0xFFFFF000  }
0x14a: {  	[tilespmem:s12], [sflag:$0x2] =	stream.linear.gather [hbm4b:s30+s2], $0x1000, $0x38;
	[tilespmem:$0x1D000] =	vst v63  }
0x14b: {  	s25 =	sadd.s32 $0x0, s26;
	s18 =	sadd.s32 $0x200, s24  }
0x14c: {  	[tilespmem:s3], [sflag:$0x2] =	stream.linear.gather [hbm4b:s18+s2], $0x1000, $0x38;
	[tilespmem:$0x1D000] =	vst v63  }
0x14d: {  	s30 =	sadd.s32 $0x200, s25;
	s18 =	smov.u32 s26;
	s26 =	sadd.s32 $0x0, s28  }
0x14e: {  	[tilespmem:s4], [sflag:$0x2] =	stream.linear.gather [hbm4b:s30+s2], $0x1000, $0x38;
	[tilespmem:$0x1D000] =	vst v63  }
0x14f: {  	s30 =	sadd.s32 $0x200, s26  }
0x150: {  	[tilespmem:s5], [sflag:$0x2] =	stream.linear.gather [hbm4b:s30+s2], $0x1000, $0x38;
	[tilespmem:$0x1D000] =	vst v63  }
0x151: {  	_ =	swait.ge [sflag:s6], $0x1000  }
0x152: {  	[sflag:s6] =	ssyncset.done $0x0  }
0x153: {  	[sflag:s6] =	ssyncadd.s32 $0xFFFFF000  }
0x154: {  	_ =	swait.ge [sflag:s6], $0x1000  }
0x155: {  	[sflag:s6] =	ssyncset.done $0x0  }
0x156: {  	[sflag:s6] =	ssyncadd.s32 $0xFFFFF000  }
0x157: {  	_ =	swait.ge [sflag:s6], $0x1000  }
0x158: {  	[sflag:s6] =	ssyncset.done $0x0  }
0x159: {  	[sflag:s6] =	ssyncadd.s32 $0xFFFFF000  }
0x15a: {  	_ =	swait.ge [sflag:s6], $0x1000  }
0x15b: {  	[sflag:s6] =	ssyncset.done $0x0  }
0x15c: {  	[sflag:s6] =	ssyncadd.s32 $0xFFFFF000  }
0x15d: {  	[spmem:s1] =	stream.indirect.scatter.add.f32 [tilespmem:s0], [sflag:$0x4], $0x1, s10, s14, $0xb8;
	[tilespmem:$0x1D000] =	vst v63  }
0x15e: {  	s22 =	simm.s32 @!p1 $0x6  }
0x15f: {  	[spmem:s1] =	stream.indirect.scatter.add.f32 [tilespmem:s20], [sflag:$0x4], $0x1, s11, s14, $0xb8;
	[tilespmem:$0x1D000] =	vst v63  }
0x160: {  	_ =	swait.ge @!p1 [sflag:s22], $0x1000  }
0x161: {  	[sflag:s22] =	ssyncset.done @!p1 $0x0  }
0x162: {  	[sflag:s22] =	ssyncadd.s32 @!p1 $0xFFFFF000  }
0x163: {  	_ =	swait.ge @!p1 [sflag:s22], $0x1000  }
0x164: {  	[sflag:s22] =	ssyncset.done @!p1 $0x0  }
0x165: {  	s30 =	sadd.s32 $0x400, s23;
	[sflag:s22] =	ssyncadd.s32 @!p1 $0xFFFFF000  }
0x166: {  	[tilespmem:s13], [sflag:$0x3] =	stream.linear.gather [hbm4b:s30+s2], $0x1000, $0x38;
	[tilespmem:$0x1D000] =	vst v63  }
0x167: {  	s30 =	sadd.s32 $0x400, s24  }
0x168: {  	[tilespmem:s7], [sflag:$0x3] =	stream.linear.gather [hbm4b:s30+s2], $0x1000, $0x38;
	[tilespmem:$0x1D000] =	vst v63  }
0x169: {  	s30 =	sadd.s32 $0x400, s25  }
0x16a: {  	[tilespmem:s9], [sflag:$0x3] =	stream.linear.gather [hbm4b:s30+s2], $0x1000, $0x38;
	[tilespmem:$0x1D000] =	vst v63  }
0x16b: {  	s30 =	sadd.s32 $0x400, s26  }
0x16c: {  	[tilespmem:s15], [sflag:$0x3] =	stream.linear.gather [hbm4b:s30+s2], $0x1000, $0x38;
	[tilespmem:$0x1D000] =	vst v63  }
0x16d: {  	_ =	swait.ge [sflag:s17], $0x1000  }
0x16e: {  	[sflag:s17] =	ssyncset.done $0x0  }
0x16f: {  	[sflag:s17] =	ssyncadd.s32 $0xFFFFF000  }
0x170: {  	_ =	swait.ge [sflag:s17], $0x1000  }
0x171: {  	[sflag:s17] =	ssyncset.done $0x0  }
0x172: {  	[sflag:s17] =	ssyncadd.s32 $0xFFFFF000  }
0x173: {  	_ =	swait.ge [sflag:s17], $0x1000  }
0x174: {  	[sflag:s17] =	ssyncset.done $0x0  }
0x175: {  	[sflag:s17] =	ssyncadd.s32 $0xFFFFF000  }
0x176: {  	_ =	swait.ge [sflag:s17], $0x1000  }
0x177: {  	[sflag:s17] =	ssyncset.done $0x0  }
0x178: {  	[sflag:s17] =	ssyncadd.s32 $0xFFFFF000  }
0x179: {  	[spmem:s1] =	stream.indirect.scatter.add.f32 [tilespmem:s4], [sflag:$0x5], $0x1, s12, s14, $0xb8;
	[tilespmem:$0x1D000] =	vst v63  }
0x17a: {  	_ = 	snop  }
0x17b: {  	[spmem:s1] =	stream.indirect.scatter.add.f32 [tilespmem:s5], [sflag:$0x5], $0x1, s3, s14, $0xb8;
	[tilespmem:$0x1D000] =	vst v63  }
0x17c: {  	_ =	swait.ge [sflag:s19], $0x1000  }
0x17d: {  	[sflag:s19] =	ssyncset.done $0x0  }
0x17e: {  	[sflag:s19] =	ssyncadd.s32 $0xFFFFF000  }
0x17f: {  	_ =	swait.ge [sflag:s19], $0x1000  }
0x180: {  	[sflag:s19] =	ssyncset.done $0x0  }
0x181: {  	s23 =	sadd.s32 $0x600, s23;
	[sflag:s19] =	ssyncadd.s32 $0xFFFFF000  }
0x182: {  	[tilespmem:s10], [sflag:$0x1] =	stream.linear.gather [hbm4b:s23+s2], $0x1000, $0x38;
	[tilespmem:$0x1D000] =	vst v63  }
0x183: {  	s24 =	sadd.s32 $0x600, s24  }
0x184: {  	[tilespmem:s11], [sflag:$0x1] =	stream.linear.gather [hbm4b:s24+s2], $0x1000, $0x38;
	[tilespmem:$0x1D000] =	vst v63  }
0x185: {  	s25 =	sadd.s32 $0x600, s25  }
0x186: {  	[tilespmem:s0], [sflag:$0x1] =	stream.linear.gather [hbm4b:s25+s2], $0x1000, $0x38;
	[tilespmem:$0x1D000] =	vst v63  }
0x187: {  	s30 =	sadd.s32 $0x600, s26  }
0x188: {  	[tilespmem:s20], [sflag:$0x1] =	stream.linear.gather [hbm4b:s30+s2], $0x1000, $0x38;
	[tilespmem:$0x1D000] =	vst v63  }
0x189: {  	_ =	swait.ge [sflag:s21], $0x1000  }
0x18a: {  	[sflag:s21] =	ssyncset.done $0x0  }
0x18b: {  	[sflag:s21] =	ssyncadd.s32 $0xFFFFF000  }
0x18c: {  	_ =	swait.ge [sflag:s21], $0x1000  }
0x18d: {  	[sflag:s21] =	ssyncset.done $0x0  }
0x18e: {  	[sflag:s21] =	ssyncadd.s32 $0xFFFFF000  }
0x18f: {  	_ =	swait.ge [sflag:s21], $0x1000  }
0x190: {  	[sflag:s21] =	ssyncset.done $0x0  }
0x191: {  	[sflag:s21] =	ssyncadd.s32 $0xFFFFF000  }
0x192: {  	_ =	swait.ge [sflag:s21], $0x1000  }
0x193: {  	p2 =	por $0x0, $0x0;
	s31 =	smov.u32 s28;
	[sflag:s21] =	ssyncset.done $0x0  }
0x194: {  	s23 =	simm.s32 $0x600;
	s25 =	simm.s32 $0xC00;
	[sflag:s21] =	ssyncadd.s32 $0xFFFFF000  }
0x195: {  	[spmem:s1] =	stream.indirect.scatter.add.f32 [tilespmem:s9], [sflag:$0x6], $0x1, s13, s14, $0xb8;
	[tilespmem:$0x1D000] =	vst v63  }
.LBB2_10:
0x196: {  	s22 =	simm.s32 @!p2 $0x5  }
0x197: {  	[spmem:s1] =	stream.indirect.scatter.add.f32 [tilespmem:s15], [sflag:$0x6], $0x1, s7, s14, $0xb8;
	[tilespmem:$0x1D000] =	vst v63  }
0x198: {  	_ =	swait.ge @!p2 [sflag:s22], $0x1000  }
0x199: {  	[sflag:s22] =	ssyncset.done @!p2 $0x0  }
0x19a: {  	[sflag:s22] =	ssyncadd.s32 @!p2 $0xFFFFF000  }
0x19b: {  	_ =	swait.ge @!p2 [sflag:s22], $0x1000  }
0x19c: {  	s28 =	sadd.s32 s23, s8;
	[sflag:s22] =	ssyncset.done @!p2 $0x0  }
0x19d: {  	s30 =	sadd.s32 s23, s29;
	s24 =	sadd.s32 $0x200, s28;
	[sflag:s22] =	ssyncadd.s32 @!p2 $0xFFFFF000  }
0x19e: {  	[tilespmem:s12], [sflag:$0x2] =	stream.linear.gather [hbm4b:s24+s2], $0x1000, $0x38;
	[tilespmem:$0x1D000] =	vst v63  }
0x19f: {  	s22 =	sadd.s32 s23, s18;
	s24 =	sadd.s32 $0x200, s30  }
0x1a0: {  	[tilespmem:s3], [sflag:$0x2] =	stream.linear.gather [hbm4b:s24+s2], $0x1000, $0x38;
	[tilespmem:$0x1D000] =	vst v63  }
0x1a1: {  	s26 =	smov.u32 s25;
	s29 =	sadd.s32 $0x200, s22;
	s24 =	sadd.s32 s23, s31  }
0x1a2: {  	[tilespmem:s4], [sflag:$0x2] =	stream.linear.gather [hbm4b:s29+s2], $0x1000, $0x38;
	[tilespmem:$0x1D000] =	vst v63  }
0x1a3: {  	s23 =	smov.u32 s26;
	s26 =	sadd.s32 $0x200, s24  }
0x1a4: {  	[tilespmem:s5], [sflag:$0x2] =	stream.linear.gather [hbm4b:s26+s2], $0x1000, $0x38;
	[tilespmem:$0x1D000] =	vst v63  }
0x1a5: {  	s29 =	rddreg [dreg:$0x4];
	_ =	swait.ge [sflag:s6], $0x1000  }
0x1a6: {  	[sflag:s6] =	ssyncset.done $0x0  }
0x1a7: {  	[sflag:s6] =	ssyncadd.s32 $0xFFFFF000  }
0x1a8: {  	_ =	swait.ge [sflag:s6], $0x1000  }
0x1a9: {  	[sflag:s6] =	ssyncset.done $0x0  }
0x1aa: {  	[sflag:s6] =	ssyncadd.s32 $0xFFFFF000  }
0x1ab: {  	_ =	swait.ge [sflag:s6], $0x1000  }
0x1ac: {  	[sflag:s6] =	ssyncset.done $0x0  }
0x1ad: {  	[sflag:s6] =	ssyncadd.s32 $0xFFFFF000  }
0x1ae: {  	_ =	swait.ge [sflag:s6], $0x1000  }
0x1af: {  	[sflag:s6] =	ssyncset.done $0x0  }
0x1b0: {  	[sflag:s6] =	ssyncadd.s32 $0xFFFFF000  }
0x1b1: {  	[spmem:s1] =	stream.indirect.scatter.add.f32 [tilespmem:s0], [sflag:$0x4], $0x1, s10, s14, $0xb8;
	[tilespmem:$0x1D000] =	vst v63  }
0x1b2: {  	s26 =	simm.s32 @!p2 $0x6  }
0x1b3: {  	[spmem:s1] =	stream.indirect.scatter.add.f32 [tilespmem:s20], [sflag:$0x4], $0x1, s11, s14, $0xb8;
	[tilespmem:$0x1D000] =	vst v63  }
0x1b4: {  	_ =	swait.ge @!p2 [sflag:s26], $0x1000  }
0x1b5: {  	[sflag:s26] =	ssyncset.done @!p2 $0x0  }
0x1b6: {  	[sflag:s26] =	ssyncadd.s32 @!p2 $0xFFFFF000  }
0x1b7: {  	_ =	swait.ge @!p2 [sflag:s26], $0x1000  }
0x1b8: {  	[sflag:s26] =	ssyncset.done @!p2 $0x0  }
0x1b9: {  	[sflag:s26] =	ssyncadd.s32 @!p2 $0xFFFFF000;
	s26 =	sadd.s32 $0x400, s28  }
0x1ba: {  	[tilespmem:s13], [sflag:$0x3] =	stream.linear.gather [hbm4b:s26+s2], $0x1000, $0x38;
	[tilespmem:$0x1D000] =	vst v63  }
0x1bb: {  	s26 =	sadd.s32 $0x400, s30  }
0x1bc: {  	[tilespmem:s7], [sflag:$0x3] =	stream.linear.gather [hbm4b:s26+s2], $0x1000, $0x38;
	[tilespmem:$0x1D000] =	vst v63  }
0x1bd: {  	s26 =	sadd.s32 $0x400, s22  }
0x1be: {  	[tilespmem:s9], [sflag:$0x3] =	stream.linear.gather [hbm4b:s26+s2], $0x1000, $0x38;
	[tilespmem:$0x1D000] =	vst v63  }
0x1bf: {  	s26 =	sadd.s32 $0x400, s24  }
0x1c0: {  	[tilespmem:s15], [sflag:$0x3] =	stream.linear.gather [hbm4b:s26+s2], $0x1000, $0x38;
	[tilespmem:$0x1D000] =	vst v63  }
0x1c1: {  	_ =	swait.ge [sflag:s17], $0x1000  }
0x1c2: {  	[sflag:s17] =	ssyncset.done $0x0  }
0x1c3: {  	[sflag:s17] =	ssyncadd.s32 $0xFFFFF000  }
0x1c4: {  	_ =	swait.ge [sflag:s17], $0x1000  }
0x1c5: {  	[sflag:s17] =	ssyncset.done $0x0  }
0x1c6: {  	[sflag:s17] =	ssyncadd.s32 $0xFFFFF000  }
0x1c7: {  	_ =	swait.ge [sflag:s17], $0x1000  }
0x1c8: {  	[sflag:s17] =	ssyncset.done $0x0  }
0x1c9: {  	[sflag:s17] =	ssyncadd.s32 $0xFFFFF000  }
0x1ca: {  	_ =	swait.ge [sflag:s17], $0x1000  }
0x1cb: {  	[sflag:s17] =	ssyncset.done $0x0  }
0x1cc: {  	[sflag:s17] =	ssyncadd.s32 $0xFFFFF000  }
0x1cd: {  	[spmem:s1] =	stream.indirect.scatter.add.f32 [tilespmem:s4], [sflag:$0x5], $0x1, s12, s14, $0xb8;
	[tilespmem:$0x1D000] =	vst v63  }
0x1ce: {  	_ = 	snop  }
0x1cf: {  	[spmem:s1] =	stream.indirect.scatter.add.f32 [tilespmem:s5], [sflag:$0x5], $0x1, s3, s14, $0xb8;
	[tilespmem:$0x1D000] =	vst v63  }
0x1d0: {  	_ =	swait.ge [sflag:s19], $0x1000  }
0x1d1: {  	[sflag:s19] =	ssyncset.done $0x0  }
0x1d2: {  	[sflag:s19] =	ssyncadd.s32 $0xFFFFF000  }
0x1d3: {  	_ =	swait.ge [sflag:s19], $0x1000  }
0x1d4: {  	[sflag:s19] =	ssyncset.done $0x0  }
0x1d5: {  	s28 =	sadd.s32 $0x600, s28;
	[sflag:s19] =	ssyncadd.s32 $0xFFFFF000  }
0x1d6: {  	[tilespmem:s10], [sflag:$0x1] =	stream.linear.gather [hbm4b:s28+s2], $0x1000, $0x38;
	[tilespmem:$0x1D000] =	vst v63  }
0x1d7: {  	s28 =	sadd.s32 $0x600, s30  }
0x1d8: {  	[tilespmem:s11], [sflag:$0x1] =	stream.linear.gather [hbm4b:s28+s2], $0x1000, $0x38;
	[tilespmem:$0x1D000] =	vst v63  }
0x1d9: {  	s22 =	sadd.s32 $0x600, s22  }
0x1da: {  	[tilespmem:s0], [sflag:$0x1] =	stream.linear.gather [hbm4b:s22+s2], $0x1000, $0x38;
	[tilespmem:$0x1D000] =	vst v63  }
0x1db: {  	s30 =	sadd.s32 $0x600, s24  }
0x1dc: {  	[tilespmem:s20], [sflag:$0x1] =	stream.linear.gather [hbm4b:s30+s2], $0x1000, $0x38;
	[tilespmem:$0x1D000] =	vst v63  }
0x1dd: {  	_ =	swait.ge [sflag:s21], $0x1000  }
0x1de: {  	[sflag:s21] =	ssyncset.done $0x0  }
0x1df: {  	[sflag:s21] =	ssyncadd.s32 $0xFFFFF000  }
0x1e0: {  	_ =	swait.ge [sflag:s21], $0x1000  }
0x1e1: {  	[sflag:s21] =	ssyncset.done $0x0  }
0x1e2: {  	[sflag:s21] =	ssyncadd.s32 $0xFFFFF000  }
0x1e3: {  	s25 =	sadd.s32 $0x600, s25;
	_ =	swait.ge [sflag:s21], $0x1000  }
0x1e4: {  	p1 =	sne.s32 s25, $0x3C00;
	[sflag:s21] =	ssyncset.done $0x0  }
.Ltmp4:
0x1e5: {  	[sflag:s21] =	ssyncadd.s32 $0xFFFFF000;
	(pc) =	sbr.rel @p1 .LBB2_10-.Ltmp4, $4  }
0x1e6: {  	_ =	swait.ge [sflag:s21], $0x1000  }
0x1e7: {  	[sflag:s21] =	ssyncset.done $0x0  }
0x1e8: {  	p2 =	seq.s32 s23, $0x0;
	[sflag:s21] =	ssyncadd.s32 $0xFFFFF000  }
0x1e9: {  	[spmem:s1] =	stream.indirect.scatter.add.f32 [tilespmem:s9], [sflag:$0x6], $0x1, s13, s14, $0xb8;
	[tilespmem:$0x1D000] =	vst v63  }
0x1ea: {  	s22 =	simm.s32 @!p2 $0x5  }
0x1eb: {  	[spmem:s1] =	stream.indirect.scatter.add.f32 [tilespmem:s15], [sflag:$0x6], $0x1, s7, s14, $0xb8;
	[tilespmem:$0x1D000] =	vst v63  }
0x1ec: {  	_ =	swait.ge @!p2 [sflag:s22], $0x1000  }
0x1ed: {  	[sflag:s22] =	ssyncset.done @!p2 $0x0  }
0x1ee: {  	[sflag:s22] =	ssyncadd.s32 @!p2 $0xFFFFF000  }
0x1ef: {  	_ =	swait.ge @!p2 [sflag:s22], $0x1000  }
0x1f0: {  	s24 =	sadd.s32 s23, s8;
	[sflag:s22] =	ssyncset.done @!p2 $0x0  }
0x1f1: {  	s25 =	sadd.s32 s23, s29;
	s28 =	sadd.s32 $0x200, s24;
	[sflag:s22] =	ssyncadd.s32 @!p2 $0xFFFFF000  }
0x1f2: {  	[tilespmem:s12], [sflag:$0x2] =	stream.linear.gather [hbm4b:s28+s2], $0x1000, $0x38;
	[tilespmem:$0x1D000] =	vst v63  }
0x1f3: {  	s26 =	sadd.s32 s23, s18;
	s30 =	sadd.s32 $0x200, s25  }
0x1f4: {  	[tilespmem:s3], [sflag:$0x2] =	stream.linear.gather [hbm4b:s30+s2], $0x1000, $0x38;
	[tilespmem:$0x1D000] =	vst v63  }
0x1f5: {  	s23 =	sadd.s32 s23, s31;
	s8 =	sadd.s32 $0x200, s26  }
0x1f6: {  	[tilespmem:s4], [sflag:$0x2] =	stream.linear.gather [hbm4b:s8+s2], $0x1000, $0x38;
	[tilespmem:$0x1D000] =	vst v63  }
0x1f7: {  	s18 =	sadd.s32 $0x200, s23  }
0x1f8: {  	[tilespmem:s5], [sflag:$0x2] =	stream.linear.gather [hbm4b:s18+s2], $0x1000, $0x38;
	[tilespmem:$0x1D000] =	vst v63  }
0x1f9: {  	_ =	swait.ge [sflag:s6], $0x1000  }
0x1fa: {  	[sflag:s6] =	ssyncset.done $0x0  }
0x1fb: {  	[sflag:s6] =	ssyncadd.s32 $0xFFFFF000  }
0x1fc: {  	_ =	swait.ge [sflag:s6], $0x1000  }
0x1fd: {  	[sflag:s6] =	ssyncset.done $0x0  }
0x1fe: {  	[sflag:s6] =	ssyncadd.s32 $0xFFFFF000  }
0x1ff: {  	_ =	swait.ge [sflag:s6], $0x1000  }
0x200: {  	[sflag:s6] =	ssyncset.done $0x0  }
0x201: {  	[sflag:s6] =	ssyncadd.s32 $0xFFFFF000  }
0x202: {  	_ =	swait.ge [sflag:s6], $0x1000  }
0x203: {  	[sflag:s6] =	ssyncset.done $0x0  }
0x204: {  	[sflag:s6] =	ssyncadd.s32 $0xFFFFF000  }
0x205: {  	[spmem:s1] =	stream.indirect.scatter.add.f32 [tilespmem:s0], [sflag:$0x4], $0x1, s10, s14, $0xb8;
	[tilespmem:$0x1D000] =	vst v63  }
0x206: {  	s22 =	simm.s32 @!p2 $0x6  }
0x207: {  	[spmem:s1] =	stream.indirect.scatter.add.f32 [tilespmem:s20], [sflag:$0x4], $0x1, s11, s14, $0xb8;
	[tilespmem:$0x1D000] =	vst v63  }
0x208: {  	_ =	swait.ge @!p2 [sflag:s22], $0x1000  }
0x209: {  	[sflag:s22] =	ssyncset.done @!p2 $0x0  }
0x20a: {  	[sflag:s22] =	ssyncadd.s32 @!p2 $0xFFFFF000  }
0x20b: {  	_ =	swait.ge @!p2 [sflag:s22], $0x1000  }
0x20c: {  	[sflag:s22] =	ssyncset.done @!p2 $0x0  }
0x20d: {  	s28 =	sadd.s32 $0x400, s24;
	[sflag:s22] =	ssyncadd.s32 @!p2 $0xFFFFF000  }
0x20e: {  	[tilespmem:s13], [sflag:$0x3] =	stream.linear.gather [hbm4b:s28+s2], $0x1000, $0x38;
	[tilespmem:$0x1D000] =	vst v63  }
0x20f: {  	s30 =	sadd.s32 $0x400, s25  }
0x210: {  	[tilespmem:s7], [sflag:$0x3] =	stream.linear.gather [hbm4b:s30+s2], $0x1000, $0x38;
	[tilespmem:$0x1D000] =	vst v63  }
0x211: {  	s8 =	sadd.s32 $0x400, s26  }
0x212: {  	[tilespmem:s9], [sflag:$0x3] =	stream.linear.gather [hbm4b:s8+s2], $0x1000, $0x38;
	[tilespmem:$0x1D000] =	vst v63  }
0x213: {  	s18 =	sadd.s32 $0x400, s23  }
0x214: {  	[tilespmem:s15], [sflag:$0x3] =	stream.linear.gather [hbm4b:s18+s2], $0x1000, $0x38;
	[tilespmem:$0x1D000] =	vst v63  }
0x215: {  	_ =	swait.ge [sflag:s17], $0x1000  }
0x216: {  	[sflag:s17] =	ssyncset.done $0x0  }
0x217: {  	[sflag:s17] =	ssyncadd.s32 $0xFFFFF000  }
0x218: {  	_ =	swait.ge [sflag:s17], $0x1000  }
0x219: {  	[sflag:s17] =	ssyncset.done $0x0  }
0x21a: {  	[sflag:s17] =	ssyncadd.s32 $0xFFFFF000  }
0x21b: {  	_ =	swait.ge [sflag:s17], $0x1000  }
0x21c: {  	[sflag:s17] =	ssyncset.done $0x0  }
0x21d: {  	[sflag:s17] =	ssyncadd.s32 $0xFFFFF000  }
0x21e: {  	_ =	swait.ge [sflag:s17], $0x1000  }
0x21f: {  	[sflag:s17] =	ssyncset.done $0x0  }
0x220: {  	[sflag:s17] =	ssyncadd.s32 $0xFFFFF000  }
0x221: {  	[spmem:s1] =	stream.indirect.scatter.add.f32 [tilespmem:s4], [sflag:$0x5], $0x1, s12, s14, $0xb8;
	[tilespmem:$0x1D000] =	vst v63  }
0x222: {  	_ = 	snop  }
0x223: {  	[spmem:s1] =	stream.indirect.scatter.add.f32 [tilespmem:s5], [sflag:$0x5], $0x1, s3, s14, $0xb8;
	[tilespmem:$0x1D000] =	vst v63  }
0x224: {  	_ =	swait.ge [sflag:s19], $0x1000  }
0x225: {  	[sflag:s19] =	ssyncset.done $0x0  }
0x226: {  	[sflag:s19] =	ssyncadd.s32 $0xFFFFF000  }
0x227: {  	_ =	swait.ge [sflag:s19], $0x1000  }
0x228: {  	[sflag:s19] =	ssyncset.done $0x0  }
0x229: {  	s24 =	sadd.s32 $0x600, s24;
	[sflag:s19] =	ssyncadd.s32 $0xFFFFF000  }
0x22a: {  	[tilespmem:s10], [sflag:$0x1] =	stream.linear.gather [hbm4b:s24+s2], $0x1000, $0x38;
	[tilespmem:$0x1D000] =	vst v63  }
0x22b: {  	s25 =	sadd.s32 $0x600, s25  }
0x22c: {  	[tilespmem:s11], [sflag:$0x1] =	stream.linear.gather [hbm4b:s25+s2], $0x1000, $0x38;
	[tilespmem:$0x1D000] =	vst v63  }
0x22d: {  	s26 =	sadd.s32 $0x600, s26  }
0x22e: {  	[tilespmem:s0], [sflag:$0x1] =	stream.linear.gather [hbm4b:s26+s2], $0x1000, $0x38;
	[tilespmem:$0x1D000] =	vst v63  }
0x22f: {  	s28 =	sadd.s32 $0x600, s23  }
0x230: {  	[tilespmem:s20], [sflag:$0x1] =	stream.linear.gather [hbm4b:s28+s2], $0x1000, $0x38;
	[tilespmem:$0x1D000] =	vst v63  }
0x231: {  	_ =	swait.ge [sflag:s21], $0x1000  }
0x232: {  	[sflag:s21] =	ssyncset.done $0x0  }
0x233: {  	[sflag:s21] =	ssyncadd.s32 $0xFFFFF000  }
0x234: {  	_ =	swait.ge [sflag:s21], $0x1000  }
0x235: {  	[sflag:s21] =	ssyncset.done $0x0  }
0x236: {  	[sflag:s21] =	ssyncadd.s32 $0xFFFFF000  }
0x237: {  	_ =	swait.ge [sflag:s21], $0x1000  }
0x238: {  	[sflag:s21] =	ssyncset.done $0x0  }
0x239: {  	[sflag:s21] =	ssyncadd.s32 $0xFFFFF000  }
0x23a: {  	_ =	swait.ge [sflag:s21], $0x1000  }
0x23b: {  	[sflag:s21] =	ssyncset.done $0x0  }
0x23c: {  	[sflag:s21] =	ssyncadd.s32 $0xFFFFF000  }
0x23d: {  	[spmem:s1] =	stream.indirect.scatter.add.f32 [tilespmem:s9], [sflag:$0x6], $0x1, s13, s14, $0xb8;
	[tilespmem:$0x1D000] =	vst v63  }
0x23e: {  	s30 =	simm.s32 $0x5  }
0x23f: {  	[spmem:s1] =	stream.indirect.scatter.add.f32 [tilespmem:s15], [sflag:$0x6], $0x1, s7, s14, $0xb8;
	[tilespmem:$0x1D000] =	vst v63  }
0x240: {  	_ =	swait.ge [sflag:s30], $0x1000  }
0x241: {  	[sflag:s30] =	ssyncset.done $0x0  }
0x242: {  	[sflag:s30] =	ssyncadd.s32 $0xFFFFF000  }
0x243: {  	_ =	swait.ge [sflag:s30], $0x1000  }
0x244: {  	[sflag:s30] =	ssyncset.done $0x0  }
0x245: {  	s23 =	simm.s32 $0x0;
	s18 =	rddreg [dreg:$0x1a];
	[sflag:s30] =	ssyncadd.s32 $0xFFFFF000  }
0x246: {  	[tilespmem:s12], [sflag:$0x2] =	stream.linear.gather [hbm4b:s18+s23], $0x1000, $0x38;
	[tilespmem:$0x1D000] =	vst v63  }
0x247: {  	s24 =	rddreg [dreg:$0x1b]  }
0x248: {  	[tilespmem:s3], [sflag:$0x2] =	stream.linear.gather [hbm4b:s24+s23], $0x1000, $0x38;
	[tilespmem:$0x1D000] =	vst v63  }
0x249: {  	s25 =	rddreg [dreg:$0x1d]  }
0x24a: {  	[tilespmem:s4], [sflag:$0x2] =	stream.linear.gather [hbm4b:s25+s23], $0x1000, $0x38;
	[tilespmem:$0x1D000] =	vst v63  }
0x24b: {  	s26 =	rddreg [dreg:$0x1f]  }
0x24c: {  	[tilespmem:s5], [sflag:$0x2] =	stream.linear.gather [hbm4b:s26+s23], $0x1000, $0x38;
	[tilespmem:$0x1D000] =	vst v63  }
0x24d: {  	_ =	swait.ge [sflag:s6], $0x1000  }
0x24e: {  	[sflag:s6] =	ssyncset.done $0x0  }
0x24f: {  	[sflag:s6] =	ssyncadd.s32 $0xFFFFF000  }
0x250: {  	_ =	swait.ge [sflag:s6], $0x1000  }
0x251: {  	[sflag:s6] =	ssyncset.done $0x0  }
0x252: {  	[sflag:s6] =	ssyncadd.s32 $0xFFFFF000  }
0x253: {  	_ =	swait.ge [sflag:s6], $0x1000  }
0x254: {  	[sflag:s6] =	ssyncset.done $0x0  }
0x255: {  	[sflag:s6] =	ssyncadd.s32 $0xFFFFF000  }
0x256: {  	_ =	swait.ge [sflag:s6], $0x1000  }
0x257: {  	[sflag:s6] =	ssyncset.done $0x0  }
0x258: {  	[sflag:s6] =	ssyncadd.s32 $0xFFFFF000  }
0x259: {  	[spmem:s1] =	stream.indirect.scatter.add.f32 [tilespmem:s0], [sflag:$0x4], $0x1, s10, s14, $0xb8;
	[tilespmem:$0x1D000] =	vst v63  }
0x25a: {  	s28 =	simm.s32 $0x6  }
0x25b: {  	[spmem:s1] =	stream.indirect.scatter.add.f32 [tilespmem:s20], [sflag:$0x4], $0x1, s11, s14, $0xb8;
	[tilespmem:$0x1D000] =	vst v63  }
0x25c: {  	_ =	swait.ge [sflag:s28], $0x1000  }
0x25d: {  	[sflag:s28] =	ssyncset.done $0x0  }
0x25e: {  	[sflag:s28] =	ssyncadd.s32 $0xFFFFF000  }
0x25f: {  	_ =	swait.ge [sflag:s28], $0x1000  }
0x260: {  	[sflag:s28] =	ssyncset.done $0x0  }
0x261: {  	[sflag:s28] =	ssyncadd.s32 $0xFFFFF000  }
0x262: {  	_ =	swait.ge [sflag:s17], $0x1000  }
0x263: {  	[sflag:s17] =	ssyncset.done $0x0  }
0x264: {  	[sflag:s17] =	ssyncadd.s32 $0xFFFFF000  }
0x265: {  	_ =	swait.ge [sflag:s17], $0x1000  }
0x266: {  	[sflag:s17] =	ssyncset.done $0x0  }
0x267: {  	[sflag:s17] =	ssyncadd.s32 $0xFFFFF000  }
0x268: {  	_ =	swait.ge [sflag:s17], $0x1000  }
0x269: {  	[sflag:s17] =	ssyncset.done $0x0  }
0x26a: {  	[sflag:s17] =	ssyncadd.s32 $0xFFFFF000  }
0x26b: {  	_ =	swait.ge [sflag:s17], $0x1000  }
0x26c: {  	[sflag:s17] =	ssyncset.done $0x0  }
0x26d: {  	[sflag:s17] =	ssyncadd.s32 $0xFFFFF000  }
0x26e: {  	[spmem:s1] =	stream.indirect.scatter.add.f32 [tilespmem:s4], [sflag:$0x5], $0x1, s12, s14, $0xb8;
	[tilespmem:$0x1D000] =	vst v63  }
0x26f: {  	_ = 	snop  }
0x270: {  	[spmem:s1] =	stream.indirect.scatter.add.f32 [tilespmem:s5], [sflag:$0x5], $0x1, s3, s14, $0xb8;
	[tilespmem:$0x1D000] =	vst v63  }
0x271: {  	_ =	swait.ge [sflag:s19], $0x1000  }
0x272: {  	[sflag:s19] =	ssyncset.done $0x0  }
0x273: {  	[sflag:s19] =	ssyncadd.s32 $0xFFFFF000  }
0x274: {  	_ =	swait.ge [sflag:s19], $0x1000  }
0x275: {  	[sflag:s19] =	ssyncset.done $0x0  }
0x276: {  	[sflag:s19] =	ssyncadd.s32 $0xFFFFF000  }
0x277: {  	_ =	swait.ge [sflag:s30], $0x1000  }
0x278: {  	[sflag:s30] =	ssyncset.done $0x0  }
0x279: {  	[sflag:s30] =	ssyncadd.s32 $0xFFFFF000  }
0x27a: {  	_ =	swait.ge [sflag:s30], $0x1000  }
0x27b: {  	[sflag:s30] =	ssyncset.done $0x0  }
0x27c: {  	[sflag:s30] =	ssyncadd.s32 $0xFFFFF000  }
0x27d: {  	s30 =	stileid.u32;
	[bflag:$0x0] =	sbarrier.arrive $0xFFFF  }
0x27e: {  	s28 =	simm.s32 $0x20;
	s22 =	sshll.u32 s30, $0x6;
	s25 =	sld [smem:$0x7E8]  }
0x27f: {  	s30 =	simm.s32 $0x10;
	s8 =	sor.u32 $0x1C07, s22;
	s24 =	rddreg [dreg:$0x11]  }
0x280: {  	s22 =	simm.s32 $0x7;
	s18 =	sshrl.u32 s24, $0x3;
	[smem:$0x7E1] =	sst s8  }
0x281: {  	[hbm:s25@s28], [sflag:s8] =	dma.strided [spmem:s18@s30], $0x2000, s6, $0x10   }
0x282: {  	_ =	swait.ge [sflag:s22], $0x2000  }
0x283: {  	[sflag:s22] =	ssyncset.done $0x0  }
0x284: {  	s18 =	simm.s32 $0x1C000;
	[sflag:s22] =	ssyncadd.s32 $0xFFFFE000  }
0x285: {  	[spmem:s24] =	stream.linear.scatter [tilespmem:s18], [sflag:$0x7], $0x1000, $0x38;
	[tilespmem:$0x1D000] =	vst v63  }
0x286: {  	_ =	swait.ge [sflag:s22], $0x1000  }
0x287: {  	s25 =	sld [smem:$0x7EB]  }
0x288: {  	[sflag:s22] =	ssyncset.done $0x0  }
0x289: {  	[sflag:s22] =	ssyncadd.s32 $0xFFFFF000  }
0x28a: {  	[spmem:s25] =	stream.linear.scatter [tilespmem:s18], [sflag:$0x7], $0x1000, $0x38;
	[tilespmem:$0x1D000] =	vst v63  }
0x28b: {  	_ =	swait.ge [sflag:s22], $0x1000  }
0x28c: {  	s26 =	sld [smem:$0x7EC]  }
0x28d: {  	[sflag:s22] =	ssyncset.done $0x0  }
0x28e: {  	[sflag:s22] =	ssyncadd.s32 $0xFFFFF000  }
0x28f: {  	[spmem:s26] =	stream.linear.scatter [tilespmem:s18], [sflag:$0x7], $0x1000, $0x38;
	[tilespmem:$0x1D000] =	vst v63  }
0x290: {  	_ =	swait.ge [sflag:s22], $0x1000  }
0x291: {  	s28 =	sld [smem:$0x7ED]  }
0x292: {  	[sflag:s22] =	ssyncset.done $0x0  }
0x293: {  	[sflag:s22] =	ssyncadd.s32 $0xFFFFF000  }
0x294: {  	[spmem:s28] =	stream.linear.scatter [tilespmem:s18], [sflag:$0x7], $0x1000, $0x38;
	[tilespmem:$0x1D000] =	vst v63  }
0x295: {  	_ =	swait.ge [sflag:s22], $0x1000  }
0x296: {  	s30 =	sld [smem:$0x7EE]  }
0x297: {  	[sflag:s22] =	ssyncset.done $0x0  }
0x298: {  	[sflag:s22] =	ssyncadd.s32 $0xFFFFF000  }
0x299: {  	[spmem:s30] =	stream.linear.scatter [tilespmem:s18], [sflag:$0x7], $0x1000, $0x38;
	[tilespmem:$0x1D000] =	vst v63  }
0x29a: {  	_ =	swait.ge [sflag:s22], $0x1000  }
0x29b: {  	s24 =	sld [smem:$0x7EF]  }
0x29c: {  	[sflag:s22] =	ssyncset.done $0x0  }
0x29d: {  	[sflag:s22] =	ssyncadd.s32 $0xFFFFF000  }
0x29e: {  	[spmem:s24] =	stream.linear.scatter [tilespmem:s18], [sflag:$0x7], $0x1000, $0x38;
	[tilespmem:$0x1D000] =	vst v63  }
0x29f: {  	_ =	swait.ge [sflag:s22], $0x1000  }
0x2a0: {  	s25 =	sld [smem:$0x7F0]  }
0x2a1: {  	[sflag:s22] =	ssyncset.done $0x0  }
0x2a2: {  	[sflag:s22] =	ssyncadd.s32 $0xFFFFF000  }
0x2a3: {  	[spmem:s25] =	stream.linear.scatter [tilespmem:s18], [sflag:$0x7], $0x1000, $0x38;
	[tilespmem:$0x1D000] =	vst v63  }
0x2a4: {  	_ =	swait.ge [sflag:s22], $0x1000  }
0x2a5: {  	s26 =	sld [smem:$0x7F1]  }
0x2a6: {  	[sflag:s22] =	ssyncset.done $0x0  }
0x2a7: {  	[sflag:s22] =	ssyncadd.s32 $0xFFFFF000  }
0x2a8: {  	[spmem:s26] =	stream.linear.scatter [tilespmem:s18], [sflag:$0x7], $0x1000, $0x38;
	[tilespmem:$0x1D000] =	vst v63  }
0x2a9: {  	_ =	swait.ge [sflag:s22], $0x1000  }
0x2aa: {  	s28 =	sld [smem:$0x7F2]  }
0x2ab: {  	[sflag:s22] =	ssyncset.done $0x0  }
0x2ac: {  	[sflag:s22] =	ssyncadd.s32 $0xFFFFF000  }
0x2ad: {  	[spmem:s28] =	stream.linear.scatter [tilespmem:s18], [sflag:$0x7], $0x1000, $0x38;
	[tilespmem:$0x1D000] =	vst v63  }
0x2ae: {  	_ =	swait.ge [sflag:s22], $0x1000  }
0x2af: {  	s30 =	sld [smem:$0x7F3]  }
0x2b0: {  	[sflag:s22] =	ssyncset.done $0x0  }
0x2b1: {  	[sflag:s22] =	ssyncadd.s32 $0xFFFFF000  }
0x2b2: {  	[spmem:s30] =	stream.linear.scatter [tilespmem:s18], [sflag:$0x7], $0x1000, $0x38;
	[tilespmem:$0x1D000] =	vst v63  }
0x2b3: {  	_ =	swait.ge [sflag:s22], $0x1000  }
0x2b4: {  	s24 =	sld [smem:$0x7F4]  }
0x2b5: {  	[sflag:s22] =	ssyncset.done $0x0  }
0x2b6: {  	[sflag:s22] =	ssyncadd.s32 $0xFFFFF000  }
0x2b7: {  	[spmem:s24] =	stream.linear.scatter [tilespmem:s18], [sflag:$0x7], $0x1000, $0x38;
	[tilespmem:$0x1D000] =	vst v63  }
0x2b8: {  	_ =	swait.ge [sflag:s22], $0x1000  }
0x2b9: {  	s25 =	sld [smem:$0x7F5]  }
0x2ba: {  	[sflag:s22] =	ssyncset.done $0x0  }
0x2bb: {  	[sflag:s22] =	ssyncadd.s32 $0xFFFFF000  }
0x2bc: {  	[spmem:s25] =	stream.linear.scatter [tilespmem:s18], [sflag:$0x7], $0x1000, $0x38;
	[tilespmem:$0x1D000] =	vst v63  }
0x2bd: {  	_ =	swait.ge [sflag:s22], $0x1000  }
0x2be: {  	s26 =	sld [smem:$0x7F6]  }
0x2bf: {  	[sflag:s22] =	ssyncset.done $0x0  }
0x2c0: {  	[sflag:s22] =	ssyncadd.s32 $0xFFFFF000  }
0x2c1: {  	[spmem:s26] =	stream.linear.scatter [tilespmem:s18], [sflag:$0x7], $0x1000, $0x38;
	[tilespmem:$0x1D000] =	vst v63  }
0x2c2: {  	_ =	swait.ge [sflag:s22], $0x1000  }
0x2c3: {  	s28 =	sld [smem:$0x7F7]  }
0x2c4: {  	[sflag:s22] =	ssyncset.done $0x0  }
0x2c5: {  	[sflag:s22] =	ssyncadd.s32 $0xFFFFF000  }
0x2c6: {  	[spmem:s28] =	stream.linear.scatter [tilespmem:s18], [sflag:$0x7], $0x1000, $0x38;
	[tilespmem:$0x1D000] =	vst v63  }
0x2c7: {  	_ =	swait.ge [sflag:s22], $0x1000  }
0x2c8: {  	s30 =	sld [smem:$0x7F8]  }
0x2c9: {  	[sflag:s22] =	ssyncset.done $0x0  }
0x2ca: {  	[sflag:s22] =	ssyncadd.s32 $0xFFFFF000  }
0x2cb: {  	[spmem:s30] =	stream.linear.scatter [tilespmem:s18], [sflag:$0x7], $0x1000, $0x38;
	[tilespmem:$0x1D000] =	vst v63  }
0x2cc: {  	_ =	swait.ge [sflag:s22], $0x1000  }
0x2cd: {  	s24 =	sld [smem:$0x7F9]  }
0x2ce: {  	[sflag:s22] =	ssyncset.done $0x0  }
0x2cf: {  	[sflag:s22] =	ssyncadd.s32 $0xFFFFF000  }
0x2d0: {  	[spmem:s24] =	stream.linear.scatter [tilespmem:s18], [sflag:$0x7], $0x1000, $0x38;
	[tilespmem:$0x1D000] =	vst v63  }
0x2d1: {  	_ =	swait.ge [sflag:s22], $0x1000  }
0x2d2: {  	[sflag:s22] =	ssyncset.done $0x0  }
0x2d3: {  	[sflag:s22] =	ssyncadd.s32 $0xFFFFF000  }
0x2d4: {  	[bflag:$0x0] =	sbarrier.arrive $0xFFFF  }
0x2d5: {  	s18 =	sld [smem:$0x7E9];
	_ =	sdelay $0x1  }
0x2d6: {  	s31 =	sld [smem:$0x7EA]  }
0x2d7: {  	[tilespmem:s10], [sflag:$0x1] =	stream.linear.gather [hbm4b:s18+s23], $0x1000, $0x38;
	[tilespmem:$0x1D000] =	vst v63  }
0x2d8: {  	s29 =	rddreg [dreg:$0x7]  }
0x2d9: {  	[tilespmem:s11], [sflag:$0x1] =	stream.linear.gather [hbm4b:s31+s23], $0x1000, $0x38;
	[tilespmem:$0x1D000] =	vst v63  }
0x2da: {  	p1 =	por $0x1, $0x1;
	s8 =	sld [smem:$0x7FD]  }
0x2db: {  	[tilespmem:s0], [sflag:$0x1] =	stream.linear.gather [hbm4b:s29+s23], $0x1000, $0x38;
	[tilespmem:$0x1D000] =	vst v63  }
0x2dc: {  	s22 =	simm.s32 @!p1 $0x5  }
0x2dd: {  	[tilespmem:s20], [sflag:$0x1] =	stream.linear.gather [hbm4b:s8+s23], $0x1000, $0x38;
	[tilespmem:$0x1D000] =	vst v63  }
0x2de: {  	_ =	swait.ge @!p1 [sflag:s22], $0x1000  }
0x2df: {  	[sflag:s22] =	ssyncset.done @!p1 $0x0  }
0x2e0: {  	[sflag:s22] =	ssyncadd.s32 @!p1 $0xFFFFF000  }
0x2e1: {  	_ =	swait.ge @!p1 [sflag:s22], $0x1000  }
0x2e2: {  	s23 =	sadd.s32 $0x0, s18;
	[sflag:s22] =	ssyncset.done @!p1 $0x0  }
0x2e3: {  	s24 =	sadd.s32 $0x0, s31;
	s25 =	sadd.s32 $0x200, s23;
	[sflag:s22] =	ssyncadd.s32 @!p1 $0xFFFFF000  }
0x2e4: {  	[tilespmem:s12], [sflag:$0x2] =	stream.linear.gather [hbm4b:s25+s2], $0x1000, $0x38;
	[tilespmem:$0x1D000] =	vst v63  }
0x2e5: {  	s26 =	sadd.s32 $0x200, s24;
	s25 =	sadd.s32 $0x0, s29  }
0x2e6: {  	[tilespmem:s3], [sflag:$0x2] =	stream.linear.gather [hbm4b:s26+s2], $0x1000, $0x38;
	[tilespmem:$0x1D000] =	vst v63  }
0x2e7: {  	s28 =	sadd.s32 $0x200, s25;
	s26 =	sadd.s32 $0x0, s8  }
0x2e8: {  	[tilespmem:s4], [sflag:$0x2] =	stream.linear.gather [hbm4b:s28+s2], $0x1000, $0x38;
	[tilespmem:$0x1D000] =	vst v63  }
0x2e9: {  	s30 =	sadd.s32 $0x200, s26  }
0x2ea: {  	[tilespmem:s5], [sflag:$0x2] =	stream.linear.gather [hbm4b:s30+s2], $0x1000, $0x38;
	[tilespmem:$0x1D000] =	vst v63  }
0x2eb: {  	_ =	swait.ge [sflag:s6], $0x1000  }
0x2ec: {  	[sflag:s6] =	ssyncset.done $0x0  }
0x2ed: {  	[sflag:s6] =	ssyncadd.s32 $0xFFFFF000  }
0x2ee: {  	_ =	swait.ge [sflag:s6], $0x1000  }
0x2ef: {  	[sflag:s6] =	ssyncset.done $0x0  }
0x2f0: {  	[sflag:s6] =	ssyncadd.s32 $0xFFFFF000  }
0x2f1: {  	_ =	swait.ge [sflag:s6], $0x1000  }
0x2f2: {  	[sflag:s6] =	ssyncset.done $0x0  }
0x2f3: {  	[sflag:s6] =	ssyncadd.s32 $0xFFFFF000  }
0x2f4: {  	_ =	swait.ge [sflag:s6], $0x1000  }
0x2f5: {  	[sflag:s6] =	ssyncset.done $0x0  }
0x2f6: {  	[sflag:s6] =	ssyncadd.s32 $0xFFFFF000  }
0x2f7: {  	[spmem:s1] =	stream.indirect.scatter.add.f32 [tilespmem:s0], [sflag:$0x4], $0x1, s10, s14, $0xb8;
	[tilespmem:$0x1D000] =	vst v63  }
0x2f8: {  	s22 =	simm.s32 @!p1 $0x6  }
0x2f9: {  	[spmem:s1] =	stream.indirect.scatter.add.f32 [tilespmem:s20], [sflag:$0x4], $0x1, s11, s14, $0xb8;
	[tilespmem:$0x1D000] =	vst v63  }
0x2fa: {  	_ =	swait.ge @!p1 [sflag:s22], $0x1000  }
0x2fb: {  	[sflag:s22] =	ssyncset.done @!p1 $0x0  }
0x2fc: {  	[sflag:s22] =	ssyncadd.s32 @!p1 $0xFFFFF000  }
0x2fd: {  	_ =	swait.ge @!p1 [sflag:s22], $0x1000  }
0x2fe: {  	[sflag:s22] =	ssyncset.done @!p1 $0x0  }
0x2ff: {  	s28 =	sadd.s32 $0x400, s23;
	[sflag:s22] =	ssyncadd.s32 @!p1 $0xFFFFF000  }
0x300: {  	[tilespmem:s13], [sflag:$0x3] =	stream.linear.gather [hbm4b:s28+s2], $0x1000, $0x38;
	[tilespmem:$0x1D000] =	vst v63  }
0x301: {  	s30 =	sadd.s32 $0x400, s24  }
0x302: {  	[tilespmem:s7], [sflag:$0x3] =	stream.linear.gather [hbm4b:s30+s2], $0x1000, $0x38;
	[tilespmem:$0x1D000] =	vst v63  }
0x303: {  	s28 =	sadd.s32 $0x400, s25  }
0x304: {  	[tilespmem:s9], [sflag:$0x3] =	stream.linear.gather [hbm4b:s28+s2], $0x1000, $0x38;
	[tilespmem:$0x1D000] =	vst v63  }
0x305: {  	s30 =	sadd.s32 $0x400, s26  }
0x306: {  	[tilespmem:s15], [sflag:$0x3] =	stream.linear.gather [hbm4b:s30+s2], $0x1000, $0x38;
	[tilespmem:$0x1D000] =	vst v63  }
0x307: {  	_ =	swait.ge [sflag:s17], $0x1000  }
0x308: {  	[sflag:s17] =	ssyncset.done $0x0  }
0x309: {  	[sflag:s17] =	ssyncadd.s32 $0xFFFFF000  }
0x30a: {  	_ =	swait.ge [sflag:s17], $0x1000  }
0x30b: {  	[sflag:s17] =	ssyncset.done $0x0  }
0x30c: {  	[sflag:s17] =	ssyncadd.s32 $0xFFFFF000  }
0x30d: {  	_ =	swait.ge [sflag:s17], $0x1000  }
0x30e: {  	[sflag:s17] =	ssyncset.done $0x0  }
0x30f: {  	[sflag:s17] =	ssyncadd.s32 $0xFFFFF000  }
0x310: {  	_ =	swait.ge [sflag:s17], $0x1000  }
0x311: {  	[sflag:s17] =	ssyncset.done $0x0  }
0x312: {  	[sflag:s17] =	ssyncadd.s32 $0xFFFFF000  }
0x313: {  	[spmem:s1] =	stream.indirect.scatter.add.f32 [tilespmem:s4], [sflag:$0x5], $0x1, s12, s14, $0xb8;
	[tilespmem:$0x1D000] =	vst v63  }
0x314: {  	_ = 	snop  }
0x315: {  	[spmem:s1] =	stream.indirect.scatter.add.f32 [tilespmem:s5], [sflag:$0x5], $0x1, s3, s14, $0xb8;
	[tilespmem:$0x1D000] =	vst v63  }
0x316: {  	_ =	swait.ge [sflag:s19], $0x1000  }
0x317: {  	[sflag:s19] =	ssyncset.done $0x0  }
0x318: {  	[sflag:s19] =	ssyncadd.s32 $0xFFFFF000  }
0x319: {  	_ =	swait.ge [sflag:s19], $0x1000  }
0x31a: {  	[sflag:s19] =	ssyncset.done $0x0  }
0x31b: {  	s23 =	sadd.s32 $0x600, s23;
	[sflag:s19] =	ssyncadd.s32 $0xFFFFF000  }
0x31c: {  	[tilespmem:s10], [sflag:$0x1] =	stream.linear.gather [hbm4b:s23+s2], $0x1000, $0x38;
	[tilespmem:$0x1D000] =	vst v63  }
0x31d: {  	s24 =	sadd.s32 $0x600, s24  }
0x31e: {  	[tilespmem:s11], [sflag:$0x1] =	stream.linear.gather [hbm4b:s24+s2], $0x1000, $0x38;
	[tilespmem:$0x1D000] =	vst v63  }
0x31f: {  	s28 =	sadd.s32 $0x600, s25  }
0x320: {  	[tilespmem:s0], [sflag:$0x1] =	stream.linear.gather [hbm4b:s28+s2], $0x1000, $0x38;
	[tilespmem:$0x1D000] =	vst v63  }
0x321: {  	s30 =	sadd.s32 $0x600, s26  }
0x322: {  	[tilespmem:s20], [sflag:$0x1] =	stream.linear.gather [hbm4b:s30+s2], $0x1000, $0x38;
	[tilespmem:$0x1D000] =	vst v63  }
0x323: {  	_ =	swait.ge [sflag:s21], $0x1000  }
0x324: {  	[sflag:s21] =	ssyncset.done $0x0  }
0x325: {  	[sflag:s21] =	ssyncadd.s32 $0xFFFFF000  }
0x326: {  	_ =	swait.ge [sflag:s21], $0x1000  }
0x327: {  	[sflag:s21] =	ssyncset.done $0x0  }
0x328: {  	[sflag:s21] =	ssyncadd.s32 $0xFFFFF000  }
0x329: {  	_ =	swait.ge [sflag:s21], $0x1000  }
0x32a: {  	[sflag:s21] =	ssyncset.done $0x0  }
0x32b: {  	[sflag:s21] =	ssyncadd.s32 $0xFFFFF000  }
0x32c: {  	_ =	swait.ge [sflag:s21], $0x1000  }
0x32d: {  	p2 =	por $0x0, $0x0;
	[sflag:s21] =	ssyncset.done $0x0  }
0x32e: {  	s25 =	simm.s32 $0xC00;
	s23 =	simm.s32 $0x600;
	[sflag:s21] =	ssyncadd.s32 $0xFFFFF000  }
0x32f: {  	[spmem:s1] =	stream.indirect.scatter.add.f32 [tilespmem:s9], [sflag:$0x6], $0x1, s13, s14, $0xb8;
	[tilespmem:$0x1D000] =	vst v63  }
.LBB2_12:
0x330: {  	s22 =	simm.s32 @!p2 $0x5  }
0x331: {  	[spmem:s1] =	stream.indirect.scatter.add.f32 [tilespmem:s15], [sflag:$0x6], $0x1, s7, s14, $0xb8;
	[tilespmem:$0x1D000] =	vst v63  }
0x332: {  	_ =	swait.ge @!p2 [sflag:s22], $0x1000  }
0x333: {  	[sflag:s22] =	ssyncset.done @!p2 $0x0  }
0x334: {  	[sflag:s22] =	ssyncadd.s32 @!p2 $0xFFFFF000  }
0x335: {  	_ =	swait.ge @!p2 [sflag:s22], $0x1000  }
0x336: {  	s28 =	sadd.s32 s23, s18;
	[sflag:s22] =	ssyncset.done @!p2 $0x0  }
0x337: {  	s30 =	sadd.s32 s23, s31;
	s24 =	sadd.s32 $0x200, s28;
	[sflag:s22] =	ssyncadd.s32 @!p2 $0xFFFFF000  }
0x338: {  	[tilespmem:s12], [sflag:$0x2] =	stream.linear.gather [hbm4b:s24+s2], $0x1000, $0x38;
	[tilespmem:$0x1D000] =	vst v63  }
0x339: {  	s22 =	sadd.s32 s23, s29;
	s24 =	sadd.s32 $0x200, s30  }
0x33a: {  	[tilespmem:s3], [sflag:$0x2] =	stream.linear.gather [hbm4b:s24+s2], $0x1000, $0x38;
	[tilespmem:$0x1D000] =	vst v63  }
0x33b: {  	s26 =	smov.u32 s25;
	s29 =	sadd.s32 $0x200, s22;
	s24 =	sadd.s32 s23, s8  }
0x33c: {  	[tilespmem:s4], [sflag:$0x2] =	stream.linear.gather [hbm4b:s29+s2], $0x1000, $0x38;
	[tilespmem:$0x1D000] =	vst v63  }
0x33d: {  	s23 =	smov.u32 s26;
	s26 =	sadd.s32 $0x200, s24  }
0x33e: {  	[tilespmem:s5], [sflag:$0x2] =	stream.linear.gather [hbm4b:s26+s2], $0x1000, $0x38;
	[tilespmem:$0x1D000] =	vst v63  }
0x33f: {  	s29 =	rddreg [dreg:$0x7];
	_ =	swait.ge [sflag:s6], $0x1000  }
0x340: {  	[sflag:s6] =	ssyncset.done $0x0  }
0x341: {  	[sflag:s6] =	ssyncadd.s32 $0xFFFFF000  }
0x342: {  	_ =	swait.ge [sflag:s6], $0x1000  }
0x343: {  	[sflag:s6] =	ssyncset.done $0x0  }
0x344: {  	[sflag:s6] =	ssyncadd.s32 $0xFFFFF000  }
0x345: {  	_ =	swait.ge [sflag:s6], $0x1000  }
0x346: {  	[sflag:s6] =	ssyncset.done $0x0  }
0x347: {  	[sflag:s6] =	ssyncadd.s32 $0xFFFFF000  }
0x348: {  	_ =	swait.ge [sflag:s6], $0x1000  }
0x349: {  	[sflag:s6] =	ssyncset.done $0x0  }
0x34a: {  	[sflag:s6] =	ssyncadd.s32 $0xFFFFF000  }
0x34b: {  	[spmem:s1] =	stream.indirect.scatter.add.f32 [tilespmem:s0], [sflag:$0x4], $0x1, s10, s14, $0xb8;
	[tilespmem:$0x1D000] =	vst v63  }
0x34c: {  	s26 =	simm.s32 @!p2 $0x6  }
0x34d: {  	[spmem:s1] =	stream.indirect.scatter.add.f32 [tilespmem:s20], [sflag:$0x4], $0x1, s11, s14, $0xb8;
	[tilespmem:$0x1D000] =	vst v63  }
0x34e: {  	_ =	swait.ge @!p2 [sflag:s26], $0x1000  }
0x34f: {  	[sflag:s26] =	ssyncset.done @!p2 $0x0  }
0x350: {  	[sflag:s26] =	ssyncadd.s32 @!p2 $0xFFFFF000  }
0x351: {  	_ =	swait.ge @!p2 [sflag:s26], $0x1000  }
0x352: {  	[sflag:s26] =	ssyncset.done @!p2 $0x0  }
0x353: {  	[sflag:s26] =	ssyncadd.s32 @!p2 $0xFFFFF000;
	s26 =	sadd.s32 $0x400, s28  }
0x354: {  	[tilespmem:s13], [sflag:$0x3] =	stream.linear.gather [hbm4b:s26+s2], $0x1000, $0x38;
	[tilespmem:$0x1D000] =	vst v63  }
0x355: {  	s26 =	sadd.s32 $0x400, s30  }
0x356: {  	[tilespmem:s7], [sflag:$0x3] =	stream.linear.gather [hbm4b:s26+s2], $0x1000, $0x38;
	[tilespmem:$0x1D000] =	vst v63  }
0x357: {  	s26 =	sadd.s32 $0x400, s22  }
0x358: {  	[tilespmem:s9], [sflag:$0x3] =	stream.linear.gather [hbm4b:s26+s2], $0x1000, $0x38;
	[tilespmem:$0x1D000] =	vst v63  }
0x359: {  	s26 =	sadd.s32 $0x400, s24  }
0x35a: {  	[tilespmem:s15], [sflag:$0x3] =	stream.linear.gather [hbm4b:s26+s2], $0x1000, $0x38;
	[tilespmem:$0x1D000] =	vst v63  }
0x35b: {  	_ =	swait.ge [sflag:s17], $0x1000  }
0x35c: {  	[sflag:s17] =	ssyncset.done $0x0  }
0x35d: {  	[sflag:s17] =	ssyncadd.s32 $0xFFFFF000  }
0x35e: {  	_ =	swait.ge [sflag:s17], $0x1000  }
0x35f: {  	[sflag:s17] =	ssyncset.done $0x0  }
0x360: {  	[sflag:s17] =	ssyncadd.s32 $0xFFFFF000  }
0x361: {  	_ =	swait.ge [sflag:s17], $0x1000  }
0x362: {  	[sflag:s17] =	ssyncset.done $0x0  }
0x363: {  	[sflag:s17] =	ssyncadd.s32 $0xFFFFF000  }
0x364: {  	_ =	swait.ge [sflag:s17], $0x1000  }
0x365: {  	[sflag:s17] =	ssyncset.done $0x0  }
0x366: {  	[sflag:s17] =	ssyncadd.s32 $0xFFFFF000  }
0x367: {  	[spmem:s1] =	stream.indirect.scatter.add.f32 [tilespmem:s4], [sflag:$0x5], $0x1, s12, s14, $0xb8;
	[tilespmem:$0x1D000] =	vst v63  }
0x368: {  	_ = 	snop  }
0x369: {  	[spmem:s1] =	stream.indirect.scatter.add.f32 [tilespmem:s5], [sflag:$0x5], $0x1, s3, s14, $0xb8;
	[tilespmem:$0x1D000] =	vst v63  }
0x36a: {  	_ =	swait.ge [sflag:s19], $0x1000  }
0x36b: {  	[sflag:s19] =	ssyncset.done $0x0  }
0x36c: {  	[sflag:s19] =	ssyncadd.s32 $0xFFFFF000  }
0x36d: {  	_ =	swait.ge [sflag:s19], $0x1000  }
0x36e: {  	[sflag:s19] =	ssyncset.done $0x0  }
0x36f: {  	s28 =	sadd.s32 $0x600, s28;
	[sflag:s19] =	ssyncadd.s32 $0xFFFFF000  }
0x370: {  	[tilespmem:s10], [sflag:$0x1] =	stream.linear.gather [hbm4b:s28+s2], $0x1000, $0x38;
	[tilespmem:$0x1D000] =	vst v63  }
0x371: {  	s28 =	sadd.s32 $0x600, s30  }
0x372: {  	[tilespmem:s11], [sflag:$0x1] =	stream.linear.gather [hbm4b:s28+s2], $0x1000, $0x38;
	[tilespmem:$0x1D000] =	vst v63  }
0x373: {  	s22 =	sadd.s32 $0x600, s22  }
0x374: {  	[tilespmem:s0], [sflag:$0x1] =	stream.linear.gather [hbm4b:s22+s2], $0x1000, $0x38;
	[tilespmem:$0x1D000] =	vst v63  }
0x375: {  	s30 =	sadd.s32 $0x600, s24  }
0x376: {  	[tilespmem:s20], [sflag:$0x1] =	stream.linear.gather [hbm4b:s30+s2], $0x1000, $0x38;
	[tilespmem:$0x1D000] =	vst v63  }
0x377: {  	_ =	swait.ge [sflag:s21], $0x1000  }
0x378: {  	[sflag:s21] =	ssyncset.done $0x0  }
0x379: {  	[sflag:s21] =	ssyncadd.s32 $0xFFFFF000  }
0x37a: {  	_ =	swait.ge [sflag:s21], $0x1000  }
0x37b: {  	[sflag:s21] =	ssyncset.done $0x0  }
0x37c: {  	[sflag:s21] =	ssyncadd.s32 $0xFFFFF000  }
0x37d: {  	s25 =	sadd.s32 $0x600, s25;
	_ =	swait.ge [sflag:s21], $0x1000  }
0x37e: {  	p1 =	sne.s32 s25, $0x3C00;
	[sflag:s21] =	ssyncset.done $0x0  }
.Ltmp5:
0x37f: {  	[sflag:s21] =	ssyncadd.s32 $0xFFFFF000;
	(pc) =	sbr.rel @p1 .LBB2_12-.Ltmp5, $4  }
0x380: {  	_ =	swait.ge [sflag:s21], $0x1000  }
0x381: {  	[sflag:s21] =	ssyncset.done $0x0  }
0x382: {  	p2 =	seq.s32 s23, $0x0;
	[sflag:s21] =	ssyncadd.s32 $0xFFFFF000  }
0x383: {  	[spmem:s1] =	stream.indirect.scatter.add.f32 [tilespmem:s9], [sflag:$0x6], $0x1, s13, s14, $0xb8;
	[tilespmem:$0x1D000] =	vst v63  }
0x384: {  	s22 =	simm.s32 @!p2 $0x5  }
0x385: {  	[spmem:s1] =	stream.indirect.scatter.add.f32 [tilespmem:s15], [sflag:$0x6], $0x1, s7, s14, $0xb8;
	[tilespmem:$0x1D000] =	vst v63  }
0x386: {  	_ =	swait.ge @!p2 [sflag:s22], $0x1000  }
0x387: {  	[sflag:s22] =	ssyncset.done @!p2 $0x0  }
0x388: {  	[sflag:s22] =	ssyncadd.s32 @!p2 $0xFFFFF000  }
0x389: {  	_ =	swait.ge @!p2 [sflag:s22], $0x1000  }
0x38a: {  	s24 =	sadd.s32 s23, s18;
	[sflag:s22] =	ssyncset.done @!p2 $0x0  }
0x38b: {  	s25 =	sadd.s32 s23, s31;
	s26 =	sadd.s32 $0x200, s24;
	[sflag:s22] =	ssyncadd.s32 @!p2 $0xFFFFF000  }
0x38c: {  	[tilespmem:s12], [sflag:$0x2] =	stream.linear.gather [hbm4b:s26+s2], $0x1000, $0x38;
	[tilespmem:$0x1D000] =	vst v63  }
0x38d: {  	s18 =	sadd.s32 $0x200, s25;
	s26 =	sadd.s32 s23, s29  }
0x38e: {  	[tilespmem:s3], [sflag:$0x2] =	stream.linear.gather [hbm4b:s18+s2], $0x1000, $0x38;
	[tilespmem:$0x1D000] =	vst v63  }
0x38f: {  	s23 =	sadd.s32 s23, s8;
	s29 =	sadd.s32 $0x200, s26  }
0x390: {  	[tilespmem:s4], [sflag:$0x2] =	stream.linear.gather [hbm4b:s29+s2], $0x1000, $0x38;
	[tilespmem:$0x1D000] =	vst v63  }
0x391: {  	s8 =	sadd.s32 $0x200, s23  }
0x392: {  	[tilespmem:s5], [sflag:$0x2] =	stream.linear.gather [hbm4b:s8+s2], $0x1000, $0x38;
	[tilespmem:$0x1D000] =	vst v63  }
0x393: {  	_ =	swait.ge [sflag:s6], $0x1000  }
0x394: {  	[sflag:s6] =	ssyncset.done $0x0  }
0x395: {  	[sflag:s6] =	ssyncadd.s32 $0xFFFFF000  }
0x396: {  	_ =	swait.ge [sflag:s6], $0x1000  }
0x397: {  	[sflag:s6] =	ssyncset.done $0x0  }
0x398: {  	[sflag:s6] =	ssyncadd.s32 $0xFFFFF000  }
0x399: {  	_ =	swait.ge [sflag:s6], $0x1000  }
0x39a: {  	[sflag:s6] =	ssyncset.done $0x0  }
0x39b: {  	[sflag:s6] =	ssyncadd.s32 $0xFFFFF000  }
0x39c: {  	_ =	swait.ge [sflag:s6], $0x1000  }
0x39d: {  	[sflag:s6] =	ssyncset.done $0x0  }
0x39e: {  	[sflag:s6] =	ssyncadd.s32 $0xFFFFF000  }
0x39f: {  	[spmem:s1] =	stream.indirect.scatter.add.f32 [tilespmem:s0], [sflag:$0x4], $0x1, s10, s14, $0xb8;
	[tilespmem:$0x1D000] =	vst v63  }
0x3a0: {  	s22 =	simm.s32 @!p2 $0x6  }
0x3a1: {  	[spmem:s1] =	stream.indirect.scatter.add.f32 [tilespmem:s20], [sflag:$0x4], $0x1, s11, s14, $0xb8;
	[tilespmem:$0x1D000] =	vst v63  }
0x3a2: {  	_ =	swait.ge @!p2 [sflag:s22], $0x1000  }
0x3a3: {  	[sflag:s22] =	ssyncset.done @!p2 $0x0  }
0x3a4: {  	[sflag:s22] =	ssyncadd.s32 @!p2 $0xFFFFF000  }
0x3a5: {  	_ =	swait.ge @!p2 [sflag:s22], $0x1000  }
0x3a6: {  	[sflag:s22] =	ssyncset.done @!p2 $0x0  }
0x3a7: {  	s18 =	sadd.s32 $0x400, s24;
	[sflag:s22] =	ssyncadd.s32 @!p2 $0xFFFFF000  }
0x3a8: {  	[tilespmem:s13], [sflag:$0x3] =	stream.linear.gather [hbm4b:s18+s2], $0x1000, $0x38;
	[tilespmem:$0x1D000] =	vst v63  }
0x3a9: {  	s29 =	sadd.s32 $0x400, s25  }
0x3aa: {  	[tilespmem:s7], [sflag:$0x3] =	stream.linear.gather [hbm4b:s29+s2], $0x1000, $0x38;
	[tilespmem:$0x1D000] =	vst v63  }
0x3ab: {  	s8 =	sadd.s32 $0x400, s26  }
0x3ac: {  	[tilespmem:s9], [sflag:$0x3] =	stream.linear.gather [hbm4b:s8+s2], $0x1000, $0x38;
	[tilespmem:$0x1D000] =	vst v63  }
0x3ad: {  	s18 =	sadd.s32 $0x400, s23  }
0x3ae: {  	[tilespmem:s15], [sflag:$0x3] =	stream.linear.gather [hbm4b:s18+s2], $0x1000, $0x38;
	[tilespmem:$0x1D000] =	vst v63  }
0x3af: {  	_ =	swait.ge [sflag:s17], $0x1000  }
0x3b0: {  	[sflag:s17] =	ssyncset.done $0x0  }
0x3b1: {  	[sflag:s17] =	ssyncadd.s32 $0xFFFFF000  }
0x3b2: {  	_ =	swait.ge [sflag:s17], $0x1000  }
0x3b3: {  	[sflag:s17] =	ssyncset.done $0x0  }
0x3b4: {  	[sflag:s17] =	ssyncadd.s32 $0xFFFFF000  }
0x3b5: {  	_ =	swait.ge [sflag:s17], $0x1000  }
0x3b6: {  	[sflag:s17] =	ssyncset.done $0x0  }
0x3b7: {  	[sflag:s17] =	ssyncadd.s32 $0xFFFFF000  }
0x3b8: {  	_ =	swait.ge [sflag:s17], $0x1000  }
0x3b9: {  	[sflag:s17] =	ssyncset.done $0x0  }
0x3ba: {  	[sflag:s17] =	ssyncadd.s32 $0xFFFFF000  }
0x3bb: {  	[spmem:s1] =	stream.indirect.scatter.add.f32 [tilespmem:s4], [sflag:$0x5], $0x1, s12, s14, $0xb8;
	[tilespmem:$0x1D000] =	vst v63  }
0x3bc: {  	_ = 	snop  }
0x3bd: {  	[spmem:s1] =	stream.indirect.scatter.add.f32 [tilespmem:s5], [sflag:$0x5], $0x1, s3, s14, $0xb8;
	[tilespmem:$0x1D000] =	vst v63  }
0x3be: {  	_ =	swait.ge [sflag:s19], $0x1000  }
0x3bf: {  	[sflag:s19] =	ssyncset.done $0x0  }
0x3c0: {  	[sflag:s19] =	ssyncadd.s32 $0xFFFFF000  }
0x3c1: {  	_ =	swait.ge [sflag:s19], $0x1000  }
0x3c2: {  	[sflag:s19] =	ssyncset.done $0x0  }
0x3c3: {  	s24 =	sadd.s32 $0x600, s24;
	[sflag:s19] =	ssyncadd.s32 $0xFFFFF000  }
0x3c4: {  	[tilespmem:s10], [sflag:$0x1] =	stream.linear.gather [hbm4b:s24+s2], $0x1000, $0x38;
	[tilespmem:$0x1D000] =	vst v63  }
0x3c5: {  	s25 =	sadd.s32 $0x600, s25  }
0x3c6: {  	[tilespmem:s11], [sflag:$0x1] =	stream.linear.gather [hbm4b:s25+s2], $0x1000, $0x38;
	[tilespmem:$0x1D000] =	vst v63  }
0x3c7: {  	s26 =	sadd.s32 $0x600, s26  }
0x3c8: {  	[tilespmem:s0], [sflag:$0x1] =	stream.linear.gather [hbm4b:s26+s2], $0x1000, $0x38;
	[tilespmem:$0x1D000] =	vst v63  }
0x3c9: {  	s29 =	sadd.s32 $0x600, s23  }
0x3ca: {  	[tilespmem:s20], [sflag:$0x1] =	stream.linear.gather [hbm4b:s29+s2], $0x1000, $0x38;
	[tilespmem:$0x1D000] =	vst v63  }
0x3cb: {  	_ =	swait.ge [sflag:s21], $0x1000  }
0x3cc: {  	[sflag:s21] =	ssyncset.done $0x0  }
0x3cd: {  	[sflag:s21] =	ssyncadd.s32 $0xFFFFF000  }
0x3ce: {  	_ =	swait.ge [sflag:s21], $0x1000  }
0x3cf: {  	[sflag:s21] =	ssyncset.done $0x0  }
0x3d0: {  	[sflag:s21] =	ssyncadd.s32 $0xFFFFF000  }
0x3d1: {  	_ =	swait.ge [sflag:s21], $0x1000  }
0x3d2: {  	[sflag:s21] =	ssyncset.done $0x0  }
0x3d3: {  	[sflag:s21] =	ssyncadd.s32 $0xFFFFF000  }
0x3d4: {  	_ =	swait.ge [sflag:s21], $0x1000  }
0x3d5: {  	s28 =	rddreg [dreg:$0xc]  }
0x3d6: {  	s23 =	rddreg [dreg:$0xd]  }
0x3d7: {  	s24 =	rddreg [dreg:$0xe]  }
0x3d8: {  	s25 =	rddreg [dreg:$0xf]  }
.Ltmp6:
0x3d9: {  	[sflag:s21] =	ssyncset.done $0x0;
	s22 =	sld [smem:$0x7E4];
	(pc) =	sbr.rel .LBB2_14-.Ltmp6, $4  }
0x3da: {  	s31 =	sld [smem:$0x7FB];
	[sflag:s21] =	ssyncadd.s32 $0xFFFFF000  }
0x3db: {  	[spmem:s1] =	stream.indirect.scatter.add.f32 [tilespmem:s9], [sflag:$0x6], $0x1, s13, s14, $0xb8;
	[tilespmem:$0x1D000] =	vst v63  }
0x3dc: {  	s30 =	sld [smem:$0x7E2]  }
0x3dd: {  	[spmem:s1] =	stream.indirect.scatter.add.f32 [tilespmem:s15], [sflag:$0x6], $0x1, s7, s14, $0xb8;
	[tilespmem:$0x1D000] =	vst v63  }
.LBB2_4:
0x3de: {  	s18 =	sld [smem:$0x7FA]  }
0x3df: {  	[tilespmem:s10], [sflag:$0x1] =	stream.linear.gather [hbm4b:s29+s22], $0x1000, $0x38;
	[tilespmem:$0x1D000] =	vst v63  }
0x3e0: {  	_ = 	snop  }
0x3e1: {  	[tilespmem:s11], [sflag:$0x1] =	stream.linear.gather [hbm4b:s18+s22], $0x1000, $0x38;
	[tilespmem:$0x1D000] =	vst v63  }
0x3e2: {  	_ = 	snop  }
0x3e3: {  	[tilespmem:s0], [sflag:$0x1] =	stream.linear.gather [hbm4b:s25+s22], $0x1000, $0x38;
	[tilespmem:$0x1D000] =	vst v63  }
0x3e4: {  	s8 =	rddreg [dreg:$0x17];
	p1 =	por $0x1, $0x1  }
0x3e5: {  	[tilespmem:s20], [sflag:$0x1] =	stream.linear.gather [hbm4b:s8+s22], $0x1000, $0x38;
	[tilespmem:$0x1D000] =	vst v63  }
0x3e6: {  	s22 =	simm.s32 @!p1 $0x5  }
0x3e7: {  	_ =	swait.ge @!p1 [sflag:s22], $0x1000  }
0x3e8: {  	[sflag:s22] =	ssyncset.done @!p1 $0x0  }
0x3e9: {  	[sflag:s22] =	ssyncadd.s32 @!p1 $0xFFFFF000  }
0x3ea: {  	_ =	swait.ge @!p1 [sflag:s22], $0x1000  }
0x3eb: {  	s23 =	sadd.s32 $0x0, s29;
	[sflag:s22] =	ssyncset.done @!p1 $0x0  }
0x3ec: {  	s30 =	sadd.s32 $0x200, s23;
	s24 =	sadd.s32 $0x0, s18;
	[sflag:s22] =	ssyncadd.s32 @!p1 $0xFFFFF000  }
0x3ed: {  	[tilespmem:s12], [sflag:$0x2] =	stream.linear.gather [hbm4b:s30+s2], $0x1000, $0x38;
	[tilespmem:$0x1D000] =	vst v63  }
0x3ee: {  	s18 =	smov.u32 s25;
	s31 =	sadd.s32 $0x200, s24;
	s25 =	sadd.s32 $0x0, s25  }
0x3ef: {  	[tilespmem:s3], [sflag:$0x2] =	stream.linear.gather [hbm4b:s31+s2], $0x1000, $0x38;
	[tilespmem:$0x1D000] =	vst v63  }
0x3f0: {  	s28 =	sadd.s32 $0x0, s8;
	s26 =	sadd.s32 $0x200, s25  }
0x3f1: {  	[tilespmem:s4], [sflag:$0x2] =	stream.linear.gather [hbm4b:s26+s2], $0x1000, $0x38;
	[tilespmem:$0x1D000] =	vst v63  }
0x3f2: {  	s30 =	sadd.s32 $0x200, s28  }
0x3f3: {  	[tilespmem:s5], [sflag:$0x2] =	stream.linear.gather [hbm4b:s30+s2], $0x1000, $0x38;
	[tilespmem:$0x1D000] =	vst v63  }
0x3f4: {  	_ =	swait.ge [sflag:s6], $0x1000  }
0x3f5: {  	[sflag:s6] =	ssyncset.done $0x0  }
0x3f6: {  	[sflag:s6] =	ssyncadd.s32 $0xFFFFF000  }
0x3f7: {  	_ =	swait.ge [sflag:s6], $0x1000  }
0x3f8: {  	[sflag:s6] =	ssyncset.done $0x0  }
0x3f9: {  	[sflag:s6] =	ssyncadd.s32 $0xFFFFF000  }
0x3fa: {  	_ =	swait.ge [sflag:s6], $0x1000  }
0x3fb: {  	[sflag:s6] =	ssyncset.done $0x0  }
0x3fc: {  	[sflag:s6] =	ssyncadd.s32 $0xFFFFF000  }
0x3fd: {  	_ =	swait.ge [sflag:s6], $0x1000  }
0x3fe: {  	[sflag:s6] =	ssyncset.done $0x0  }
0x3ff: {  	[sflag:s6] =	ssyncadd.s32 $0xFFFFF000  }
0x400: {  	[spmem:s1] =	stream.indirect.scatter.add.f32 [tilespmem:s0], [sflag:$0x4], $0x1, s10, s14, $0xb8;
	[tilespmem:$0x1D000] =	vst v63  }
0x401: {  	s22 =	simm.s32 @!p1 $0x6  }
0x402: {  	[spmem:s1] =	stream.indirect.scatter.add.f32 [tilespmem:s20], [sflag:$0x4], $0x1, s11, s14, $0xb8;
	[tilespmem:$0x1D000] =	vst v63  }
0x403: {  	_ =	swait.ge @!p1 [sflag:s22], $0x1000  }
0x404: {  	[sflag:s22] =	ssyncset.done @!p1 $0x0  }
0x405: {  	[sflag:s22] =	ssyncadd.s32 @!p1 $0xFFFFF000  }
0x406: {  	_ =	swait.ge @!p1 [sflag:s22], $0x1000  }
0x407: {  	[sflag:s22] =	ssyncset.done @!p1 $0x0  }
0x408: {  	s31 =	sadd.s32 $0x400, s23;
	[sflag:s22] =	ssyncadd.s32 @!p1 $0xFFFFF000  }
0x409: {  	[tilespmem:s13], [sflag:$0x3] =	stream.linear.gather [hbm4b:s31+s2], $0x1000, $0x38;
	[tilespmem:$0x1D000] =	vst v63  }
0x40a: {  	s26 =	sadd.s32 $0x400, s24  }
0x40b: {  	[tilespmem:s7], [sflag:$0x3] =	stream.linear.gather [hbm4b:s26+s2], $0x1000, $0x38;
	[tilespmem:$0x1D000] =	vst v63  }
0x40c: {  	s30 =	sadd.s32 $0x400, s25  }
0x40d: {  	[tilespmem:s9], [sflag:$0x3] =	stream.linear.gather [hbm4b:s30+s2], $0x1000, $0x38;
	[tilespmem:$0x1D000] =	vst v63  }
0x40e: {  	s31 =	sadd.s32 $0x400, s28  }
0x40f: {  	[tilespmem:s15], [sflag:$0x3] =	stream.linear.gather [hbm4b:s31+s2], $0x1000, $0x38;
	[tilespmem:$0x1D000] =	vst v63  }
0x410: {  	_ =	swait.ge [sflag:s17], $0x1000  }
0x411: {  	[sflag:s17] =	ssyncset.done $0x0  }
0x412: {  	[sflag:s17] =	ssyncadd.s32 $0xFFFFF000  }
0x413: {  	_ =	swait.ge [sflag:s17], $0x1000  }
0x414: {  	[sflag:s17] =	ssyncset.done $0x0  }
0x415: {  	[sflag:s17] =	ssyncadd.s32 $0xFFFFF000  }
0x416: {  	_ =	swait.ge [sflag:s17], $0x1000  }
0x417: {  	[sflag:s17] =	ssyncset.done $0x0  }
0x418: {  	[sflag:s17] =	ssyncadd.s32 $0xFFFFF000  }
0x419: {  	_ =	swait.ge [sflag:s17], $0x1000  }
0x41a: {  	[sflag:s17] =	ssyncset.done $0x0  }
0x41b: {  	[sflag:s17] =	ssyncadd.s32 $0xFFFFF000  }
0x41c: {  	[spmem:s1] =	stream.indirect.scatter.add.f32 [tilespmem:s4], [sflag:$0x5], $0x1, s12, s14, $0xb8;
	[tilespmem:$0x1D000] =	vst v63  }
0x41d: {  	_ = 	snop  }
0x41e: {  	[spmem:s1] =	stream.indirect.scatter.add.f32 [tilespmem:s5], [sflag:$0x5], $0x1, s3, s14, $0xb8;
	[tilespmem:$0x1D000] =	vst v63  }
0x41f: {  	_ =	swait.ge [sflag:s19], $0x1000  }
0x420: {  	[sflag:s19] =	ssyncset.done $0x0  }
0x421: {  	[sflag:s19] =	ssyncadd.s32 $0xFFFFF000  }
0x422: {  	_ =	swait.ge [sflag:s19], $0x1000  }
0x423: {  	[sflag:s19] =	ssyncset.done $0x0  }
0x424: {  	s23 =	sadd.s32 $0x600, s23;
	[sflag:s19] =	ssyncadd.s32 $0xFFFFF000  }
0x425: {  	[tilespmem:s10], [sflag:$0x1] =	stream.linear.gather [hbm4b:s23+s2], $0x1000, $0x38;
	[tilespmem:$0x1D000] =	vst v63  }
0x426: {  	s26 =	sadd.s32 $0x600, s24  }
0x427: {  	[tilespmem:s11], [sflag:$0x1] =	stream.linear.gather [hbm4b:s26+s2], $0x1000, $0x38;
	[tilespmem:$0x1D000] =	vst v63  }
0x428: {  	s30 =	sadd.s32 $0x600, s25  }
0x429: {  	[tilespmem:s0], [sflag:$0x1] =	stream.linear.gather [hbm4b:s30+s2], $0x1000, $0x38;
	[tilespmem:$0x1D000] =	vst v63  }
0x42a: {  	s31 =	sadd.s32 $0x600, s28  }
0x42b: {  	[tilespmem:s20], [sflag:$0x1] =	stream.linear.gather [hbm4b:s31+s2], $0x1000, $0x38;
	[tilespmem:$0x1D000] =	vst v63  }
0x42c: {  	_ =	swait.ge [sflag:s21], $0x1000  }
0x42d: {  	[sflag:s21] =	ssyncset.done $0x0  }
0x42e: {  	[sflag:s21] =	ssyncadd.s32 $0xFFFFF000  }
0x42f: {  	_ =	swait.ge [sflag:s21], $0x1000  }
0x430: {  	[sflag:s21] =	ssyncset.done $0x0  }
0x431: {  	[sflag:s21] =	ssyncadd.s32 $0xFFFFF000  }
0x432: {  	_ =	swait.ge [sflag:s21], $0x1000  }
0x433: {  	[sflag:s21] =	ssyncset.done $0x0  }
0x434: {  	[sflag:s21] =	ssyncadd.s32 $0xFFFFF000  }
0x435: {  	_ =	swait.ge [sflag:s21], $0x1000  }
0x436: {  	p2 =	por $0x0, $0x0;
	[sflag:s21] =	ssyncset.done $0x0  }
0x437: {  	s25 =	simm.s32 $0xC00;
	s23 =	simm.s32 $0x600;
	[sflag:s21] =	ssyncadd.s32 $0xFFFFF000  }
0x438: {  	[spmem:s1] =	stream.indirect.scatter.add.f32 [tilespmem:s9], [sflag:$0x6], $0x1, s13, s14, $0xb8;
	[tilespmem:$0x1D000] =	vst v63  }
.LBB2_5:
0x439: {  	s22 =	simm.s32 @!p2 $0x5  }
0x43a: {  	[spmem:s1] =	stream.indirect.scatter.add.f32 [tilespmem:s15], [sflag:$0x6], $0x1, s7, s14, $0xb8;
	[tilespmem:$0x1D000] =	vst v63  }
0x43b: {  	_ =	swait.ge @!p2 [sflag:s22], $0x1000  }
0x43c: {  	[sflag:s22] =	ssyncset.done @!p2 $0x0  }
0x43d: {  	[sflag:s22] =	ssyncadd.s32 @!p2 $0xFFFFF000  }
0x43e: {  	_ =	swait.ge @!p2 [sflag:s22], $0x1000  }
0x43f: {  	s28 =	sadd.s32 s23, s29;
	[sflag:s22] =	ssyncset.done @!p2 $0x0  }
0x440: {  	s30 =	sadd.s32 s23, s16;
	s24 =	sadd.s32 $0x200, s28;
	[sflag:s22] =	ssyncadd.s32 @!p2 $0xFFFFF000  }
0x441: {  	[tilespmem:s12], [sflag:$0x2] =	stream.linear.gather [hbm4b:s24+s2], $0x1000, $0x38;
	[tilespmem:$0x1D000] =	vst v63  }
0x442: {  	s22 =	sadd.s32 s23, s18;
	s24 =	sadd.s32 $0x200, s30  }
0x443: {  	[tilespmem:s3], [sflag:$0x2] =	stream.linear.gather [hbm4b:s24+s2], $0x1000, $0x38;
	[tilespmem:$0x1D000] =	vst v63  }
0x444: {  	s29 =	sadd.s32 $0x200, s22;
	s24 =	sadd.s32 s23, s8  }
0x445: {  	[tilespmem:s4], [sflag:$0x2] =	stream.linear.gather [hbm4b:s29+s2], $0x1000, $0x38;
	[tilespmem:$0x1D000] =	vst v63  }
0x446: {  	s31 =	sadd.s32 $0x200, s24  }
0x447: {  	[tilespmem:s5], [sflag:$0x2] =	stream.linear.gather [hbm4b:s31+s2], $0x1000, $0x38;
	[tilespmem:$0x1D000] =	vst v63  }
0x448: {  	s29 =	rddreg [dreg:$0x5];
	_ =	swait.ge [sflag:s6], $0x1000  }
0x449: {  	[sflag:s6] =	ssyncset.done $0x0  }
0x44a: {  	[sflag:s6] =	ssyncadd.s32 $0xFFFFF000  }
0x44b: {  	_ =	swait.ge [sflag:s6], $0x1000  }
0x44c: {  	[sflag:s6] =	ssyncset.done $0x0  }
0x44d: {  	[sflag:s6] =	ssyncadd.s32 $0xFFFFF000  }
0x44e: {  	_ =	swait.ge [sflag:s6], $0x1000  }
0x44f: {  	[sflag:s6] =	ssyncset.done $0x0  }
0x450: {  	[sflag:s6] =	ssyncadd.s32 $0xFFFFF000  }
0x451: {  	_ =	swait.ge [sflag:s6], $0x1000  }
0x452: {  	[sflag:s6] =	ssyncset.done $0x0  }
0x453: {  	s26 =	smov.u32 s25;
	[sflag:s6] =	ssyncadd.s32 $0xFFFFF000  }
0x454: {  	[spmem:s1] =	stream.indirect.scatter.add.f32 [tilespmem:s0], [sflag:$0x4], $0x1, s10, s14, $0xb8;
	[tilespmem:$0x1D000] =	vst v63  }
0x455: {  	s23 =	smov.u32 s26;
	s26 =	simm.s32 @!p2 $0x6  }
0x456: {  	[spmem:s1] =	stream.indirect.scatter.add.f32 [tilespmem:s20], [sflag:$0x4], $0x1, s11, s14, $0xb8;
	[tilespmem:$0x1D000] =	vst v63  }
0x457: {  	_ =	swait.ge @!p2 [sflag:s26], $0x1000  }
0x458: {  	[sflag:s26] =	ssyncset.done @!p2 $0x0  }
0x459: {  	[sflag:s26] =	ssyncadd.s32 @!p2 $0xFFFFF000  }
0x45a: {  	_ =	swait.ge @!p2 [sflag:s26], $0x1000  }
0x45b: {  	[sflag:s26] =	ssyncset.done @!p2 $0x0  }
0x45c: {  	s31 =	sadd.s32 $0x400, s28;
	[sflag:s26] =	ssyncadd.s32 @!p2 $0xFFFFF000  }
0x45d: {  	[tilespmem:s13], [sflag:$0x3] =	stream.linear.gather [hbm4b:s31+s2], $0x1000, $0x38;
	[tilespmem:$0x1D000] =	vst v63  }
0x45e: {  	s31 =	sadd.s32 $0x400, s30  }
0x45f: {  	[tilespmem:s7], [sflag:$0x3] =	stream.linear.gather [hbm4b:s31+s2], $0x1000, $0x38;
	[tilespmem:$0x1D000] =	vst v63  }
0x460: {  	s31 =	sadd.s32 $0x400, s22  }
0x461: {  	[tilespmem:s9], [sflag:$0x3] =	stream.linear.gather [hbm4b:s31+s2], $0x1000, $0x38;
	[tilespmem:$0x1D000] =	vst v63  }
0x462: {  	s31 =	sadd.s32 $0x400, s24  }
0x463: {  	[tilespmem:s15], [sflag:$0x3] =	stream.linear.gather [hbm4b:s31+s2], $0x1000, $0x38;
	[tilespmem:$0x1D000] =	vst v63  }
0x464: {  	_ =	swait.ge [sflag:s17], $0x1000  }
0x465: {  	[sflag:s17] =	ssyncset.done $0x0  }
0x466: {  	[sflag:s17] =	ssyncadd.s32 $0xFFFFF000  }
0x467: {  	_ =	swait.ge [sflag:s17], $0x1000  }
0x468: {  	[sflag:s17] =	ssyncset.done $0x0  }
0x469: {  	[sflag:s17] =	ssyncadd.s32 $0xFFFFF000  }
0x46a: {  	_ =	swait.ge [sflag:s17], $0x1000  }
0x46b: {  	[sflag:s17] =	ssyncset.done $0x0  }
0x46c: {  	[sflag:s17] =	ssyncadd.s32 $0xFFFFF000  }
0x46d: {  	_ =	swait.ge [sflag:s17], $0x1000  }
0x46e: {  	[sflag:s17] =	ssyncset.done $0x0  }
0x46f: {  	[sflag:s17] =	ssyncadd.s32 $0xFFFFF000  }
0x470: {  	[spmem:s1] =	stream.indirect.scatter.add.f32 [tilespmem:s4], [sflag:$0x5], $0x1, s12, s14, $0xb8;
	[tilespmem:$0x1D000] =	vst v63  }
0x471: {  	_ = 	snop  }
0x472: {  	[spmem:s1] =	stream.indirect.scatter.add.f32 [tilespmem:s5], [sflag:$0x5], $0x1, s3, s14, $0xb8;
	[tilespmem:$0x1D000] =	vst v63  }
0x473: {  	_ =	swait.ge [sflag:s19], $0x1000  }
0x474: {  	[sflag:s19] =	ssyncset.done $0x0  }
0x475: {  	[sflag:s19] =	ssyncadd.s32 $0xFFFFF000  }
0x476: {  	_ =	swait.ge [sflag:s19], $0x1000  }
0x477: {  	[sflag:s19] =	ssyncset.done $0x0  }
0x478: {  	s28 =	sadd.s32 $0x600, s28;
	[sflag:s19] =	ssyncadd.s32 $0xFFFFF000  }
0x479: {  	[tilespmem:s10], [sflag:$0x1] =	stream.linear.gather [hbm4b:s28+s2], $0x1000, $0x38;
	[tilespmem:$0x1D000] =	vst v63  }
0x47a: {  	s30 =	sadd.s32 $0x600, s30  }
0x47b: {  	[tilespmem:s11], [sflag:$0x1] =	stream.linear.gather [hbm4b:s30+s2], $0x1000, $0x38;
	[tilespmem:$0x1D000] =	vst v63  }
0x47c: {  	s22 =	sadd.s32 $0x600, s22  }
0x47d: {  	[tilespmem:s0], [sflag:$0x1] =	stream.linear.gather [hbm4b:s22+s2], $0x1000, $0x38;
	[tilespmem:$0x1D000] =	vst v63  }
0x47e: {  	s31 =	sadd.s32 $0x600, s24  }
0x47f: {  	[tilespmem:s20], [sflag:$0x1] =	stream.linear.gather [hbm4b:s31+s2], $0x1000, $0x38;
	[tilespmem:$0x1D000] =	vst v63  }
0x480: {  	_ =	swait.ge [sflag:s21], $0x1000  }
0x481: {  	[sflag:s21] =	ssyncset.done $0x0  }
0x482: {  	[sflag:s21] =	ssyncadd.s32 $0xFFFFF000  }
0x483: {  	_ =	swait.ge [sflag:s21], $0x1000  }
0x484: {  	[sflag:s21] =	ssyncset.done $0x0  }
0x485: {  	[sflag:s21] =	ssyncadd.s32 $0xFFFFF000  }
0x486: {  	s25 =	sadd.s32 $0x600, s25;
	_ =	swait.ge [sflag:s21], $0x1000  }
0x487: {  	p1 =	sne.s32 s25, $0x3C00;
	[sflag:s21] =	ssyncset.done $0x0  }
.Ltmp7:
0x488: {  	[sflag:s21] =	ssyncadd.s32 $0xFFFFF000;
	(pc) =	sbr.rel @p1 .LBB2_5-.Ltmp7, $4  }
0x489: {  	_ =	swait.ge [sflag:s21], $0x1000  }
0x48a: {  	[sflag:s21] =	ssyncset.done $0x0  }
0x48b: {  	p2 =	seq.s32 s23, $0x0;
	[sflag:s21] =	ssyncadd.s32 $0xFFFFF000  }
0x48c: {  	[spmem:s1] =	stream.indirect.scatter.add.f32 [tilespmem:s9], [sflag:$0x6], $0x1, s13, s14, $0xb8;
	[tilespmem:$0x1D000] =	vst v63  }
0x48d: {  	s22 =	simm.s32 @!p2 $0x5  }
0x48e: {  	[spmem:s1] =	stream.indirect.scatter.add.f32 [tilespmem:s15], [sflag:$0x6], $0x1, s7, s14, $0xb8;
	[tilespmem:$0x1D000] =	vst v63  }
0x48f: {  	_ =	swait.ge @!p2 [sflag:s22], $0x1000  }
0x490: {  	[sflag:s22] =	ssyncset.done @!p2 $0x0  }
0x491: {  	[sflag:s22] =	ssyncadd.s32 @!p2 $0xFFFFF000  }
0x492: {  	_ =	swait.ge @!p2 [sflag:s22], $0x1000  }
0x493: {  	s24 =	sadd.s32 s23, s29;
	[sflag:s22] =	ssyncset.done @!p2 $0x0  }
0x494: {  	s25 =	sadd.s32 s23, s16;
	s26 =	sadd.s32 $0x200, s24;
	[sflag:s22] =	ssyncadd.s32 @!p2 $0xFFFFF000  }
0x495: {  	[tilespmem:s12], [sflag:$0x2] =	stream.linear.gather [hbm4b:s26+s2], $0x1000, $0x38;
	[tilespmem:$0x1D000] =	vst v63  }
0x496: {  	s28 =	sadd.s32 $0x200, s25;
	s26 =	sadd.s32 s23, s18  }
0x497: {  	[tilespmem:s3], [sflag:$0x2] =	stream.linear.gather [hbm4b:s28+s2], $0x1000, $0x38;
	[tilespmem:$0x1D000] =	vst v63  }
0x498: {  	s23 =	sadd.s32 s23, s8;
	s30 =	sadd.s32 $0x200, s26  }
0x499: {  	[tilespmem:s4], [sflag:$0x2] =	stream.linear.gather [hbm4b:s30+s2], $0x1000, $0x38;
	[tilespmem:$0x1D000] =	vst v63  }
0x49a: {  	s18 =	sadd.s32 $0x200, s23  }
0x49b: {  	[tilespmem:s5], [sflag:$0x2] =	stream.linear.gather [hbm4b:s18+s2], $0x1000, $0x38;
	[tilespmem:$0x1D000] =	vst v63  }
0x49c: {  	_ =	swait.ge [sflag:s6], $0x1000  }
0x49d: {  	[sflag:s6] =	ssyncset.done $0x0  }
0x49e: {  	[sflag:s6] =	ssyncadd.s32 $0xFFFFF000  }
0x49f: {  	_ =	swait.ge [sflag:s6], $0x1000  }
0x4a0: {  	[sflag:s6] =	ssyncset.done $0x0  }
0x4a1: {  	[sflag:s6] =	ssyncadd.s32 $0xFFFFF000  }
0x4a2: {  	_ =	swait.ge [sflag:s6], $0x1000  }
0x4a3: {  	[sflag:s6] =	ssyncset.done $0x0  }
0x4a4: {  	[sflag:s6] =	ssyncadd.s32 $0xFFFFF000  }
0x4a5: {  	_ =	swait.ge [sflag:s6], $0x1000  }
0x4a6: {  	[sflag:s6] =	ssyncset.done $0x0  }
0x4a7: {  	[sflag:s6] =	ssyncadd.s32 $0xFFFFF000  }
0x4a8: {  	[spmem:s1] =	stream.indirect.scatter.add.f32 [tilespmem:s0], [sflag:$0x4], $0x1, s10, s14, $0xb8;
	[tilespmem:$0x1D000] =	vst v63  }
0x4a9: {  	s22 =	simm.s32 @!p2 $0x6  }
0x4aa: {  	[spmem:s1] =	stream.indirect.scatter.add.f32 [tilespmem:s20], [sflag:$0x4], $0x1, s11, s14, $0xb8;
	[tilespmem:$0x1D000] =	vst v63  }
0x4ab: {  	_ =	swait.ge @!p2 [sflag:s22], $0x1000  }
0x4ac: {  	[sflag:s22] =	ssyncset.done @!p2 $0x0  }
0x4ad: {  	[sflag:s22] =	ssyncadd.s32 @!p2 $0xFFFFF000  }
0x4ae: {  	_ =	swait.ge @!p2 [sflag:s22], $0x1000  }
0x4af: {  	[sflag:s22] =	ssyncset.done @!p2 $0x0  }
0x4b0: {  	s28 =	sadd.s32 $0x400, s24;
	[sflag:s22] =	ssyncadd.s32 @!p2 $0xFFFFF000  }
0x4b1: {  	[tilespmem:s13], [sflag:$0x3] =	stream.linear.gather [hbm4b:s28+s2], $0x1000, $0x38;
	[tilespmem:$0x1D000] =	vst v63  }
0x4b2: {  	s30 =	sadd.s32 $0x400, s25  }
0x4b3: {  	[tilespmem:s7], [sflag:$0x3] =	stream.linear.gather [hbm4b:s30+s2], $0x1000, $0x38;
	[tilespmem:$0x1D000] =	vst v63  }
0x4b4: {  	s8 =	sadd.s32 $0x400, s26  }
0x4b5: {  	[tilespmem:s9], [sflag:$0x3] =	stream.linear.gather [hbm4b:s8+s2], $0x1000, $0x38;
	[tilespmem:$0x1D000] =	vst v63  }
0x4b6: {  	s18 =	sadd.s32 $0x400, s23  }
0x4b7: {  	[tilespmem:s15], [sflag:$0x3] =	stream.linear.gather [hbm4b:s18+s2], $0x1000, $0x38;
	[tilespmem:$0x1D000] =	vst v63  }
0x4b8: {  	_ =	swait.ge [sflag:s17], $0x1000  }
0x4b9: {  	[sflag:s17] =	ssyncset.done $0x0  }
0x4ba: {  	[sflag:s17] =	ssyncadd.s32 $0xFFFFF000  }
0x4bb: {  	_ =	swait.ge [sflag:s17], $0x1000  }
0x4bc: {  	[sflag:s17] =	ssyncset.done $0x0  }
0x4bd: {  	[sflag:s17] =	ssyncadd.s32 $0xFFFFF000  }
0x4be: {  	_ =	swait.ge [sflag:s17], $0x1000  }
0x4bf: {  	[sflag:s17] =	ssyncset.done $0x0  }
0x4c0: {  	[sflag:s17] =	ssyncadd.s32 $0xFFFFF000  }
0x4c1: {  	_ =	swait.ge [sflag:s17], $0x1000  }
0x4c2: {  	[sflag:s17] =	ssyncset.done $0x0  }
0x4c3: {  	[sflag:s17] =	ssyncadd.s32 $0xFFFFF000  }
0x4c4: {  	[spmem:s1] =	stream.indirect.scatter.add.f32 [tilespmem:s4], [sflag:$0x5], $0x1, s12, s14, $0xb8;
	[tilespmem:$0x1D000] =	vst v63  }
0x4c5: {  	_ = 	snop  }
0x4c6: {  	[spmem:s1] =	stream.indirect.scatter.add.f32 [tilespmem:s5], [sflag:$0x5], $0x1, s3, s14, $0xb8;
	[tilespmem:$0x1D000] =	vst v63  }
0x4c7: {  	_ =	swait.ge [sflag:s19], $0x1000  }
0x4c8: {  	[sflag:s19] =	ssyncset.done $0x0  }
0x4c9: {  	[sflag:s19] =	ssyncadd.s32 $0xFFFFF000  }
0x4ca: {  	_ =	swait.ge [sflag:s19], $0x1000  }
0x4cb: {  	[sflag:s19] =	ssyncset.done $0x0  }
0x4cc: {  	s24 =	sadd.s32 $0x600, s24;
	[sflag:s19] =	ssyncadd.s32 $0xFFFFF000  }
0x4cd: {  	[tilespmem:s10], [sflag:$0x1] =	stream.linear.gather [hbm4b:s24+s2], $0x1000, $0x38;
	[tilespmem:$0x1D000] =	vst v63  }
0x4ce: {  	s25 =	sadd.s32 $0x600, s25  }
0x4cf: {  	[tilespmem:s11], [sflag:$0x1] =	stream.linear.gather [hbm4b:s25+s2], $0x1000, $0x38;
	[tilespmem:$0x1D000] =	vst v63  }
0x4d0: {  	s26 =	sadd.s32 $0x600, s26  }
0x4d1: {  	[tilespmem:s0], [sflag:$0x1] =	stream.linear.gather [hbm4b:s26+s2], $0x1000, $0x38;
	[tilespmem:$0x1D000] =	vst v63  }
0x4d2: {  	s28 =	sadd.s32 $0x600, s23  }
0x4d3: {  	[tilespmem:s20], [sflag:$0x1] =	stream.linear.gather [hbm4b:s28+s2], $0x1000, $0x38;
	[tilespmem:$0x1D000] =	vst v63  }
0x4d4: {  	_ =	swait.ge [sflag:s21], $0x1000  }
0x4d5: {  	[sflag:s21] =	ssyncset.done $0x0  }
0x4d6: {  	[sflag:s21] =	ssyncadd.s32 $0xFFFFF000  }
0x4d7: {  	_ =	swait.ge [sflag:s21], $0x1000  }
0x4d8: {  	[sflag:s21] =	ssyncset.done $0x0  }
0x4d9: {  	[sflag:s21] =	ssyncadd.s32 $0xFFFFF000  }
0x4da: {  	_ =	swait.ge [sflag:s21], $0x1000  }
0x4db: {  	[sflag:s21] =	ssyncset.done $0x0  }
0x4dc: {  	[sflag:s21] =	ssyncadd.s32 $0xFFFFF000  }
0x4dd: {  	_ =	swait.ge [sflag:s21], $0x1000  }
0x4de: {  	[sflag:s21] =	ssyncset.done $0x0  }
0x4df: {  	[sflag:s21] =	ssyncadd.s32 $0xFFFFF000  }
0x4e0: {  	[spmem:s1] =	stream.indirect.scatter.add.f32 [tilespmem:s9], [sflag:$0x6], $0x1, s13, s14, $0xb8;
	[tilespmem:$0x1D000] =	vst v63  }
0x4e1: {  	s30 =	simm.s32 $0x5  }
0x4e2: {  	[spmem:s1] =	stream.indirect.scatter.add.f32 [tilespmem:s15], [sflag:$0x6], $0x1, s7, s14, $0xb8;
	[tilespmem:$0x1D000] =	vst v63  }
0x4e3: {  	_ =	swait.ge [sflag:s30], $0x1000  }
0x4e4: {  	[sflag:s30] =	ssyncset.done $0x0  }
0x4e5: {  	[sflag:s30] =	ssyncadd.s32 $0xFFFFF000  }
0x4e6: {  	_ =	swait.ge [sflag:s30], $0x1000  }
0x4e7: {  	[sflag:s30] =	ssyncset.done $0x0  }
0x4e8: {  	s23 =	simm.s32 $0x0;
	s8 =	rddreg [dreg:$0x13];
	[sflag:s30] =	ssyncadd.s32 $0xFFFFF000  }
0x4e9: {  	[tilespmem:s12], [sflag:$0x2] =	stream.linear.gather [hbm4b:s8+s23], $0x1000, $0x38;
	[tilespmem:$0x1D000] =	vst v63  }
0x4ea: {  	s18 =	rddreg [dreg:$0x14]  }
0x4eb: {  	[tilespmem:s3], [sflag:$0x2] =	stream.linear.gather [hbm4b:s18+s23], $0x1000, $0x38;
	[tilespmem:$0x1D000] =	vst v63  }
0x4ec: {  	s25 =	rddreg [dreg:$0x16]  }
0x4ed: {  	[tilespmem:s4], [sflag:$0x2] =	stream.linear.gather [hbm4b:s25+s23], $0x1000, $0x38;
	[tilespmem:$0x1D000] =	vst v63  }
0x4ee: {  	s26 =	rddreg [dreg:$0x18]  }
0x4ef: {  	[tilespmem:s5], [sflag:$0x2] =	stream.linear.gather [hbm4b:s26+s23], $0x1000, $0x38;
	[tilespmem:$0x1D000] =	vst v63  }
0x4f0: {  	_ =	swait.ge [sflag:s6], $0x1000  }
0x4f1: {  	[sflag:s6] =	ssyncset.done $0x0  }
0x4f2: {  	[sflag:s6] =	ssyncadd.s32 $0xFFFFF000  }
0x4f3: {  	_ =	swait.ge [sflag:s6], $0x1000  }
0x4f4: {  	[sflag:s6] =	ssyncset.done $0x0  }
0x4f5: {  	[sflag:s6] =	ssyncadd.s32 $0xFFFFF000  }
0x4f6: {  	_ =	swait.ge [sflag:s6], $0x1000  }
0x4f7: {  	[sflag:s6] =	ssyncset.done $0x0  }
0x4f8: {  	[sflag:s6] =	ssyncadd.s32 $0xFFFFF000  }
0x4f9: {  	_ =	swait.ge [sflag:s6], $0x1000  }
0x4fa: {  	[sflag:s6] =	ssyncset.done $0x0  }
0x4fb: {  	[sflag:s6] =	ssyncadd.s32 $0xFFFFF000  }
0x4fc: {  	[spmem:s1] =	stream.indirect.scatter.add.f32 [tilespmem:s0], [sflag:$0x4], $0x1, s10, s14, $0xb8;
	[tilespmem:$0x1D000] =	vst v63  }
0x4fd: {  	s28 =	simm.s32 $0x6  }
0x4fe: {  	[spmem:s1] =	stream.indirect.scatter.add.f32 [tilespmem:s20], [sflag:$0x4], $0x1, s11, s14, $0xb8;
	[tilespmem:$0x1D000] =	vst v63  }
0x4ff: {  	_ =	swait.ge [sflag:s28], $0x1000  }
0x500: {  	[sflag:s28] =	ssyncset.done $0x0  }
0x501: {  	[sflag:s28] =	ssyncadd.s32 $0xFFFFF000  }
0x502: {  	_ =	swait.ge [sflag:s28], $0x1000  }
0x503: {  	[sflag:s28] =	ssyncset.done $0x0  }
0x504: {  	[sflag:s28] =	ssyncadd.s32 $0xFFFFF000  }
0x505: {  	_ =	swait.ge [sflag:s17], $0x1000  }
0x506: {  	[sflag:s17] =	ssyncset.done $0x0  }
0x507: {  	[sflag:s17] =	ssyncadd.s32 $0xFFFFF000  }
0x508: {  	_ =	swait.ge [sflag:s17], $0x1000  }
0x509: {  	[sflag:s17] =	ssyncset.done $0x0  }
0x50a: {  	[sflag:s17] =	ssyncadd.s32 $0xFFFFF000  }
0x50b: {  	_ =	swait.ge [sflag:s17], $0x1000  }
0x50c: {  	[sflag:s17] =	ssyncset.done $0x0  }
0x50d: {  	[sflag:s17] =	ssyncadd.s32 $0xFFFFF000  }
0x50e: {  	_ =	swait.ge [sflag:s17], $0x1000  }
0x50f: {  	[sflag:s17] =	ssyncset.done $0x0  }
0x510: {  	[sflag:s17] =	ssyncadd.s32 $0xFFFFF000  }
0x511: {  	[spmem:s1] =	stream.indirect.scatter.add.f32 [tilespmem:s4], [sflag:$0x5], $0x1, s12, s14, $0xb8;
	[tilespmem:$0x1D000] =	vst v63  }
0x512: {  	_ = 	snop  }
0x513: {  	[spmem:s1] =	stream.indirect.scatter.add.f32 [tilespmem:s5], [sflag:$0x5], $0x1, s3, s14, $0xb8;
	[tilespmem:$0x1D000] =	vst v63  }
0x514: {  	_ =	swait.ge [sflag:s19], $0x1000  }
0x515: {  	[sflag:s19] =	ssyncset.done $0x0  }
0x516: {  	[sflag:s19] =	ssyncadd.s32 $0xFFFFF000  }
0x517: {  	_ =	swait.ge [sflag:s19], $0x1000  }
0x518: {  	[sflag:s19] =	ssyncset.done $0x0  }
0x519: {  	[sflag:s19] =	ssyncadd.s32 $0xFFFFF000  }
0x51a: {  	_ =	swait.ge [sflag:s30], $0x1000  }
0x51b: {  	[sflag:s30] =	ssyncset.done $0x0  }
0x51c: {  	[sflag:s30] =	ssyncadd.s32 $0xFFFFF000  }
0x51d: {  	_ =	swait.ge [sflag:s30], $0x1000  }
0x51e: {  	[sflag:s30] =	ssyncset.done $0x0  }
0x51f: {  	[sflag:s30] =	ssyncadd.s32 $0xFFFFF000  }
0x520: {  	s30 =	stileid.u32;
	[bflag:$0x0] =	sbarrier.arrive $0xFFFF  }
0x521: {  	s28 =	simm.s32 $0x20;
	s22 =	sshll.u32 s30, $0x6;
	s25 =	sld [smem:$0x7E7]  }
0x522: {  	s30 =	simm.s32 $0x10;
	s8 =	sor.u32 $0x1C07, s22;
	s24 =	rddreg [dreg:$0x11]  }
0x523: {  	s22 =	simm.s32 $0x7;
	s18 =	sshrl.u32 s24, $0x3;
	[smem:$0x7E1] =	sst s8  }
0x524: {  	[hbm:s25@s28], [sflag:s8] =	dma.strided [spmem:s18@s30], $0x2000, s6, $0x10   }
0x525: {  	_ =	swait.ge [sflag:s22], $0x2000  }
0x526: {  	[sflag:s22] =	ssyncset.done $0x0  }
0x527: {  	s18 =	simm.s32 $0x1C000;
	[sflag:s22] =	ssyncadd.s32 $0xFFFFE000  }
0x528: {  	[spmem:s24] =	stream.linear.scatter [tilespmem:s18], [sflag:$0x7], $0x1000, $0x38;
	[tilespmem:$0x1D000] =	vst v63  }
0x529: {  	_ =	swait.ge [sflag:s22], $0x1000  }
0x52a: {  	s25 =	sld [smem:$0x7EB]  }
0x52b: {  	[sflag:s22] =	ssyncset.done $0x0  }
0x52c: {  	[sflag:s22] =	ssyncadd.s32 $0xFFFFF000  }
0x52d: {  	[spmem:s25] =	stream.linear.scatter [tilespmem:s18], [sflag:$0x7], $0x1000, $0x38;
	[tilespmem:$0x1D000] =	vst v63  }
0x52e: {  	_ =	swait.ge [sflag:s22], $0x1000  }
0x52f: {  	s26 =	sld [smem:$0x7EC]  }
0x530: {  	[sflag:s22] =	ssyncset.done $0x0  }
0x531: {  	[sflag:s22] =	ssyncadd.s32 $0xFFFFF000  }
0x532: {  	[spmem:s26] =	stream.linear.scatter [tilespmem:s18], [sflag:$0x7], $0x1000, $0x38;
	[tilespmem:$0x1D000] =	vst v63  }
0x533: {  	_ =	swait.ge [sflag:s22], $0x1000  }
0x534: {  	s28 =	sld [smem:$0x7ED]  }
0x535: {  	[sflag:s22] =	ssyncset.done $0x0  }
0x536: {  	[sflag:s22] =	ssyncadd.s32 $0xFFFFF000  }
0x537: {  	[spmem:s28] =	stream.linear.scatter [tilespmem:s18], [sflag:$0x7], $0x1000, $0x38;
	[tilespmem:$0x1D000] =	vst v63  }
0x538: {  	_ =	swait.ge [sflag:s22], $0x1000  }
0x539: {  	s30 =	sld [smem:$0x7EE]  }
0x53a: {  	[sflag:s22] =	ssyncset.done $0x0  }
0x53b: {  	[sflag:s22] =	ssyncadd.s32 $0xFFFFF000  }
0x53c: {  	[spmem:s30] =	stream.linear.scatter [tilespmem:s18], [sflag:$0x7], $0x1000, $0x38;
	[tilespmem:$0x1D000] =	vst v63  }
0x53d: {  	_ =	swait.ge [sflag:s22], $0x1000  }
0x53e: {  	s24 =	sld [smem:$0x7EF]  }
0x53f: {  	[sflag:s22] =	ssyncset.done $0x0  }
0x540: {  	[sflag:s22] =	ssyncadd.s32 $0xFFFFF000  }
0x541: {  	[spmem:s24] =	stream.linear.scatter [tilespmem:s18], [sflag:$0x7], $0x1000, $0x38;
	[tilespmem:$0x1D000] =	vst v63  }
0x542: {  	_ =	swait.ge [sflag:s22], $0x1000  }
0x543: {  	s25 =	sld [smem:$0x7F0]  }
0x544: {  	[sflag:s22] =	ssyncset.done $0x0  }
0x545: {  	[sflag:s22] =	ssyncadd.s32 $0xFFFFF000  }
0x546: {  	[spmem:s25] =	stream.linear.scatter [tilespmem:s18], [sflag:$0x7], $0x1000, $0x38;
	[tilespmem:$0x1D000] =	vst v63  }
0x547: {  	_ =	swait.ge [sflag:s22], $0x1000  }
0x548: {  	s26 =	sld [smem:$0x7F1]  }
0x549: {  	[sflag:s22] =	ssyncset.done $0x0  }
0x54a: {  	[sflag:s22] =	ssyncadd.s32 $0xFFFFF000  }
0x54b: {  	[spmem:s26] =	stream.linear.scatter [tilespmem:s18], [sflag:$0x7], $0x1000, $0x38;
	[tilespmem:$0x1D000] =	vst v63  }
0x54c: {  	_ =	swait.ge [sflag:s22], $0x1000  }
0x54d: {  	s28 =	sld [smem:$0x7F2]  }
0x54e: {  	[sflag:s22] =	ssyncset.done $0x0  }
0x54f: {  	[sflag:s22] =	ssyncadd.s32 $0xFFFFF000  }
0x550: {  	[spmem:s28] =	stream.linear.scatter [tilespmem:s18], [sflag:$0x7], $0x1000, $0x38;
	[tilespmem:$0x1D000] =	vst v63  }
0x551: {  	_ =	swait.ge [sflag:s22], $0x1000  }
0x552: {  	s30 =	sld [smem:$0x7F3]  }
0x553: {  	[sflag:s22] =	ssyncset.done $0x0  }
0x554: {  	[sflag:s22] =	ssyncadd.s32 $0xFFFFF000  }
0x555: {  	[spmem:s30] =	stream.linear.scatter [tilespmem:s18], [sflag:$0x7], $0x1000, $0x38;
	[tilespmem:$0x1D000] =	vst v63  }
0x556: {  	_ =	swait.ge [sflag:s22], $0x1000  }
0x557: {  	s24 =	sld [smem:$0x7F4]  }
0x558: {  	[sflag:s22] =	ssyncset.done $0x0  }
0x559: {  	[sflag:s22] =	ssyncadd.s32 $0xFFFFF000  }
0x55a: {  	[spmem:s24] =	stream.linear.scatter [tilespmem:s18], [sflag:$0x7], $0x1000, $0x38;
	[tilespmem:$0x1D000] =	vst v63  }
0x55b: {  	_ =	swait.ge [sflag:s22], $0x1000  }
0x55c: {  	s25 =	sld [smem:$0x7F5]  }
0x55d: {  	[sflag:s22] =	ssyncset.done $0x0  }
0x55e: {  	[sflag:s22] =	ssyncadd.s32 $0xFFFFF000  }
0x55f: {  	[spmem:s25] =	stream.linear.scatter [tilespmem:s18], [sflag:$0x7], $0x1000, $0x38;
	[tilespmem:$0x1D000] =	vst v63  }
0x560: {  	_ =	swait.ge [sflag:s22], $0x1000  }
0x561: {  	s26 =	sld [smem:$0x7F6]  }
0x562: {  	[sflag:s22] =	ssyncset.done $0x0  }
0x563: {  	[sflag:s22] =	ssyncadd.s32 $0xFFFFF000  }
0x564: {  	[spmem:s26] =	stream.linear.scatter [tilespmem:s18], [sflag:$0x7], $0x1000, $0x38;
	[tilespmem:$0x1D000] =	vst v63  }
0x565: {  	_ =	swait.ge [sflag:s22], $0x1000  }
0x566: {  	s28 =	sld [smem:$0x7F7]  }
0x567: {  	[sflag:s22] =	ssyncset.done $0x0  }
0x568: {  	[sflag:s22] =	ssyncadd.s32 $0xFFFFF000  }
0x569: {  	[spmem:s28] =	stream.linear.scatter [tilespmem:s18], [sflag:$0x7], $0x1000, $0x38;
	[tilespmem:$0x1D000] =	vst v63  }
0x56a: {  	_ =	swait.ge [sflag:s22], $0x1000  }
0x56b: {  	s30 =	sld [smem:$0x7F8]  }
0x56c: {  	[sflag:s22] =	ssyncset.done $0x0  }
0x56d: {  	[sflag:s22] =	ssyncadd.s32 $0xFFFFF000  }
0x56e: {  	[spmem:s30] =	stream.linear.scatter [tilespmem:s18], [sflag:$0x7], $0x1000, $0x38;
	[tilespmem:$0x1D000] =	vst v63  }
0x56f: {  	_ =	swait.ge [sflag:s22], $0x1000  }
0x570: {  	s24 =	sld [smem:$0x7F9]  }
0x571: {  	[sflag:s22] =	ssyncset.done $0x0  }
0x572: {  	[sflag:s22] =	ssyncadd.s32 $0xFFFFF000  }
0x573: {  	[spmem:s24] =	stream.linear.scatter [tilespmem:s18], [sflag:$0x7], $0x1000, $0x38;
	[tilespmem:$0x1D000] =	vst v63  }
0x574: {  	_ =	swait.ge [sflag:s22], $0x1000  }
0x575: {  	[sflag:s22] =	ssyncset.done $0x0  }
0x576: {  	[sflag:s22] =	ssyncadd.s32 $0xFFFFF000  }
0x577: {  	[bflag:$0x0] =	sbarrier.arrive $0xFFFF  }
0x578: {  	s8 =	sld [smem:$0x7E5];
	_ =	sdelay $0x1  }
0x579: {  	s18 =	sld [smem:$0x7E6]  }
0x57a: {  	[tilespmem:s10], [sflag:$0x1] =	stream.linear.gather [hbm4b:s8+s23], $0x1000, $0x38;
	[tilespmem:$0x1D000] =	vst v63  }
0x57b: {  	s29 =	rddreg [dreg:$0x6]  }
0x57c: {  	[tilespmem:s11], [sflag:$0x1] =	stream.linear.gather [hbm4b:s18+s23], $0x1000, $0x38;
	[tilespmem:$0x1D000] =	vst v63  }
0x57d: {  	p1 =	por $0x1, $0x1;
	s31 =	sld [smem:$0x7FC]  }
0x57e: {  	[tilespmem:s0], [sflag:$0x1] =	stream.linear.gather [hbm4b:s29+s23], $0x1000, $0x38;
	[tilespmem:$0x1D000] =	vst v63  }
0x57f: {  	s22 =	simm.s32 @!p1 $0x5  }
0x580: {  	[tilespmem:s20], [sflag:$0x1] =	stream.linear.gather [hbm4b:s31+s23], $0x1000, $0x38;
	[tilespmem:$0x1D000] =	vst v63  }
0x581: {  	_ =	swait.ge @!p1 [sflag:s22], $0x1000  }
0x582: {  	[sflag:s22] =	ssyncset.done @!p1 $0x0  }
0x583: {  	[sflag:s22] =	ssyncadd.s32 @!p1 $0xFFFFF000  }
0x584: {  	_ =	swait.ge @!p1 [sflag:s22], $0x1000  }
0x585: {  	s23 =	sadd.s32 $0x0, s8;
	[sflag:s22] =	ssyncset.done @!p1 $0x0  }
0x586: {  	s24 =	sadd.s32 $0x0, s18;
	s25 =	sadd.s32 $0x200, s23;
	[sflag:s22] =	ssyncadd.s32 @!p1 $0xFFFFF000  }
0x587: {  	[tilespmem:s12], [sflag:$0x2] =	stream.linear.gather [hbm4b:s25+s2], $0x1000, $0x38;
	[tilespmem:$0x1D000] =	vst v63  }
0x588: {  	s26 =	sadd.s32 $0x200, s24;
	s25 =	sadd.s32 $0x0, s29  }
0x589: {  	[tilespmem:s3], [sflag:$0x2] =	stream.linear.gather [hbm4b:s26+s2], $0x1000, $0x38;
	[tilespmem:$0x1D000] =	vst v63  }
0x58a: {  	s28 =	sadd.s32 $0x200, s25;
	s26 =	sadd.s32 $0x0, s31  }
0x58b: {  	[tilespmem:s4], [sflag:$0x2] =	stream.linear.gather [hbm4b:s28+s2], $0x1000, $0x38;
	[tilespmem:$0x1D000] =	vst v63  }
0x58c: {  	s30 =	sadd.s32 $0x200, s26  }
0x58d: {  	[tilespmem:s5], [sflag:$0x2] =	stream.linear.gather [hbm4b:s30+s2], $0x1000, $0x38;
	[tilespmem:$0x1D000] =	vst v63  }
0x58e: {  	_ =	swait.ge [sflag:s6], $0x1000  }
0x58f: {  	[sflag:s6] =	ssyncset.done $0x0  }
0x590: {  	[sflag:s6] =	ssyncadd.s32 $0xFFFFF000  }
0x591: {  	_ =	swait.ge [sflag:s6], $0x1000  }
0x592: {  	[sflag:s6] =	ssyncset.done $0x0  }
0x593: {  	[sflag:s6] =	ssyncadd.s32 $0xFFFFF000  }
0x594: {  	_ =	swait.ge [sflag:s6], $0x1000  }
0x595: {  	[sflag:s6] =	ssyncset.done $0x0  }
0x596: {  	[sflag:s6] =	ssyncadd.s32 $0xFFFFF000  }
0x597: {  	_ =	swait.ge [sflag:s6], $0x1000  }
0x598: {  	[sflag:s6] =	ssyncset.done $0x0  }
0x599: {  	[sflag:s6] =	ssyncadd.s32 $0xFFFFF000  }
0x59a: {  	[spmem:s1] =	stream.indirect.scatter.add.f32 [tilespmem:s0], [sflag:$0x4], $0x1, s10, s14, $0xb8;
	[tilespmem:$0x1D000] =	vst v63  }
0x59b: {  	s22 =	simm.s32 @!p1 $0x6  }
0x59c: {  	[spmem:s1] =	stream.indirect.scatter.add.f32 [tilespmem:s20], [sflag:$0x4], $0x1, s11, s14, $0xb8;
	[tilespmem:$0x1D000] =	vst v63  }
0x59d: {  	_ =	swait.ge @!p1 [sflag:s22], $0x1000  }
0x59e: {  	[sflag:s22] =	ssyncset.done @!p1 $0x0  }
0x59f: {  	[sflag:s22] =	ssyncadd.s32 @!p1 $0xFFFFF000  }
0x5a0: {  	_ =	swait.ge @!p1 [sflag:s22], $0x1000  }
0x5a1: {  	[sflag:s22] =	ssyncset.done @!p1 $0x0  }
0x5a2: {  	s28 =	sadd.s32 $0x400, s23;
	[sflag:s22] =	ssyncadd.s32 @!p1 $0xFFFFF000  }
0x5a3: {  	[tilespmem:s13], [sflag:$0x3] =	stream.linear.gather [hbm4b:s28+s2], $0x1000, $0x38;
	[tilespmem:$0x1D000] =	vst v63  }
0x5a4: {  	s30 =	sadd.s32 $0x400, s24  }
0x5a5: {  	[tilespmem:s7], [sflag:$0x3] =	stream.linear.gather [hbm4b:s30+s2], $0x1000, $0x38;
	[tilespmem:$0x1D000] =	vst v63  }
0x5a6: {  	s28 =	sadd.s32 $0x400, s25  }
0x5a7: {  	[tilespmem:s9], [sflag:$0x3] =	stream.linear.gather [hbm4b:s28+s2], $0x1000, $0x38;
	[tilespmem:$0x1D000] =	vst v63  }
0x5a8: {  	s30 =	sadd.s32 $0x400, s26  }
0x5a9: {  	[tilespmem:s15], [sflag:$0x3] =	stream.linear.gather [hbm4b:s30+s2], $0x1000, $0x38;
	[tilespmem:$0x1D000] =	vst v63  }
0x5aa: {  	_ =	swait.ge [sflag:s17], $0x1000  }
0x5ab: {  	[sflag:s17] =	ssyncset.done $0x0  }
0x5ac: {  	[sflag:s17] =	ssyncadd.s32 $0xFFFFF000  }
0x5ad: {  	_ =	swait.ge [sflag:s17], $0x1000  }
0x5ae: {  	[sflag:s17] =	ssyncset.done $0x0  }
0x5af: {  	[sflag:s17] =	ssyncadd.s32 $0xFFFFF000  }
0x5b0: {  	_ =	swait.ge [sflag:s17], $0x1000  }
0x5b1: {  	[sflag:s17] =	ssyncset.done $0x0  }
0x5b2: {  	[sflag:s17] =	ssyncadd.s32 $0xFFFFF000  }
0x5b3: {  	_ =	swait.ge [sflag:s17], $0x1000  }
0x5b4: {  	[sflag:s17] =	ssyncset.done $0x0  }
0x5b5: {  	[sflag:s17] =	ssyncadd.s32 $0xFFFFF000  }
0x5b6: {  	[spmem:s1] =	stream.indirect.scatter.add.f32 [tilespmem:s4], [sflag:$0x5], $0x1, s12, s14, $0xb8;
	[tilespmem:$0x1D000] =	vst v63  }
0x5b7: {  	_ = 	snop  }
0x5b8: {  	[spmem:s1] =	stream.indirect.scatter.add.f32 [tilespmem:s5], [sflag:$0x5], $0x1, s3, s14, $0xb8;
	[tilespmem:$0x1D000] =	vst v63  }
0x5b9: {  	_ =	swait.ge [sflag:s19], $0x1000  }
0x5ba: {  	[sflag:s19] =	ssyncset.done $0x0  }
0x5bb: {  	[sflag:s19] =	ssyncadd.s32 $0xFFFFF000  }
0x5bc: {  	_ =	swait.ge [sflag:s19], $0x1000  }
0x5bd: {  	[sflag:s19] =	ssyncset.done $0x0  }
0x5be: {  	s23 =	sadd.s32 $0x600, s23;
	[sflag:s19] =	ssyncadd.s32 $0xFFFFF000  }
0x5bf: {  	[tilespmem:s10], [sflag:$0x1] =	stream.linear.gather [hbm4b:s23+s2], $0x1000, $0x38;
	[tilespmem:$0x1D000] =	vst v63  }
0x5c0: {  	s24 =	sadd.s32 $0x600, s24  }
0x5c1: {  	[tilespmem:s11], [sflag:$0x1] =	stream.linear.gather [hbm4b:s24+s2], $0x1000, $0x38;
	[tilespmem:$0x1D000] =	vst v63  }
0x5c2: {  	s28 =	sadd.s32 $0x600, s25  }
0x5c3: {  	[tilespmem:s0], [sflag:$0x1] =	stream.linear.gather [hbm4b:s28+s2], $0x1000, $0x38;
	[tilespmem:$0x1D000] =	vst v63  }
0x5c4: {  	s30 =	sadd.s32 $0x600, s26  }
0x5c5: {  	[tilespmem:s20], [sflag:$0x1] =	stream.linear.gather [hbm4b:s30+s2], $0x1000, $0x38;
	[tilespmem:$0x1D000] =	vst v63  }
0x5c6: {  	_ =	swait.ge [sflag:s21], $0x1000  }
0x5c7: {  	[sflag:s21] =	ssyncset.done $0x0  }
0x5c8: {  	[sflag:s21] =	ssyncadd.s32 $0xFFFFF000  }
0x5c9: {  	_ =	swait.ge [sflag:s21], $0x1000  }
0x5ca: {  	[sflag:s21] =	ssyncset.done $0x0  }
0x5cb: {  	[sflag:s21] =	ssyncadd.s32 $0xFFFFF000  }
0x5cc: {  	_ =	swait.ge [sflag:s21], $0x1000  }
0x5cd: {  	[sflag:s21] =	ssyncset.done $0x0  }
0x5ce: {  	[sflag:s21] =	ssyncadd.s32 $0xFFFFF000  }
0x5cf: {  	_ =	swait.ge [sflag:s21], $0x1000  }
0x5d0: {  	p2 =	por $0x0, $0x0;
	[sflag:s21] =	ssyncset.done $0x0  }
0x5d1: {  	s25 =	simm.s32 $0xC00;
	s23 =	simm.s32 $0x600;
	[sflag:s21] =	ssyncadd.s32 $0xFFFFF000  }
0x5d2: {  	[spmem:s1] =	stream.indirect.scatter.add.f32 [tilespmem:s9], [sflag:$0x6], $0x1, s13, s14, $0xb8;
	[tilespmem:$0x1D000] =	vst v63  }
.LBB2_7:
0x5d3: {  	s22 =	simm.s32 @!p2 $0x5  }
0x5d4: {  	[spmem:s1] =	stream.indirect.scatter.add.f32 [tilespmem:s15], [sflag:$0x6], $0x1, s7, s14, $0xb8;
	[tilespmem:$0x1D000] =	vst v63  }
0x5d5: {  	_ =	swait.ge @!p2 [sflag:s22], $0x1000  }
0x5d6: {  	[sflag:s22] =	ssyncset.done @!p2 $0x0  }
0x5d7: {  	[sflag:s22] =	ssyncadd.s32 @!p2 $0xFFFFF000  }
0x5d8: {  	_ =	swait.ge @!p2 [sflag:s22], $0x1000  }
0x5d9: {  	s28 =	sadd.s32 s23, s8;
	[sflag:s22] =	ssyncset.done @!p2 $0x0  }
0x5da: {  	s30 =	sadd.s32 s23, s18;
	s24 =	sadd.s32 $0x200, s28;
	[sflag:s22] =	ssyncadd.s32 @!p2 $0xFFFFF000  }
0x5db: {  	[tilespmem:s12], [sflag:$0x2] =	stream.linear.gather [hbm4b:s24+s2], $0x1000, $0x38;
	[tilespmem:$0x1D000] =	vst v63  }
0x5dc: {  	s22 =	sadd.s32 s23, s29;
	s24 =	sadd.s32 $0x200, s30  }
0x5dd: {  	[tilespmem:s3], [sflag:$0x2] =	stream.linear.gather [hbm4b:s24+s2], $0x1000, $0x38;
	[tilespmem:$0x1D000] =	vst v63  }
0x5de: {  	s26 =	smov.u32 s25;
	s29 =	sadd.s32 $0x200, s22;
	s24 =	sadd.s32 s23, s31  }
0x5df: {  	[tilespmem:s4], [sflag:$0x2] =	stream.linear.gather [hbm4b:s29+s2], $0x1000, $0x38;
	[tilespmem:$0x1D000] =	vst v63  }
0x5e0: {  	s23 =	smov.u32 s26;
	s26 =	sadd.s32 $0x200, s24  }
0x5e1: {  	[tilespmem:s5], [sflag:$0x2] =	stream.linear.gather [hbm4b:s26+s2], $0x1000, $0x38;
	[tilespmem:$0x1D000] =	vst v63  }
0x5e2: {  	s29 =	rddreg [dreg:$0x6];
	_ =	swait.ge [sflag:s6], $0x1000  }
0x5e3: {  	[sflag:s6] =	ssyncset.done $0x0  }
0x5e4: {  	[sflag:s6] =	ssyncadd.s32 $0xFFFFF000  }
0x5e5: {  	_ =	swait.ge [sflag:s6], $0x1000  }
0x5e6: {  	[sflag:s6] =	ssyncset.done $0x0  }
0x5e7: {  	[sflag:s6] =	ssyncadd.s32 $0xFFFFF000  }
0x5e8: {  	_ =	swait.ge [sflag:s6], $0x1000  }
0x5e9: {  	[sflag:s6] =	ssyncset.done $0x0  }
0x5ea: {  	[sflag:s6] =	ssyncadd.s32 $0xFFFFF000  }
0x5eb: {  	_ =	swait.ge [sflag:s6], $0x1000  }
0x5ec: {  	[sflag:s6] =	ssyncset.done $0x0  }
0x5ed: {  	[sflag:s6] =	ssyncadd.s32 $0xFFFFF000  }
0x5ee: {  	[spmem:s1] =	stream.indirect.scatter.add.f32 [tilespmem:s0], [sflag:$0x4], $0x1, s10, s14, $0xb8;
	[tilespmem:$0x1D000] =	vst v63  }
0x5ef: {  	s26 =	simm.s32 @!p2 $0x6  }
0x5f0: {  	[spmem:s1] =	stream.indirect.scatter.add.f32 [tilespmem:s20], [sflag:$0x4], $0x1, s11, s14, $0xb8;
	[tilespmem:$0x1D000] =	vst v63  }
0x5f1: {  	_ =	swait.ge @!p2 [sflag:s26], $0x1000  }
0x5f2: {  	[sflag:s26] =	ssyncset.done @!p2 $0x0  }
0x5f3: {  	[sflag:s26] =	ssyncadd.s32 @!p2 $0xFFFFF000  }
0x5f4: {  	_ =	swait.ge @!p2 [sflag:s26], $0x1000  }
0x5f5: {  	[sflag:s26] =	ssyncset.done @!p2 $0x0  }
0x5f6: {  	[sflag:s26] =	ssyncadd.s32 @!p2 $0xFFFFF000;
	s26 =	sadd.s32 $0x400, s28  }
0x5f7: {  	[tilespmem:s13], [sflag:$0x3] =	stream.linear.gather [hbm4b:s26+s2], $0x1000, $0x38;
	[tilespmem:$0x1D000] =	vst v63  }
0x5f8: {  	s26 =	sadd.s32 $0x400, s30  }
0x5f9: {  	[tilespmem:s7], [sflag:$0x3] =	stream.linear.gather [hbm4b:s26+s2], $0x1000, $0x38;
	[tilespmem:$0x1D000] =	vst v63  }
0x5fa: {  	s26 =	sadd.s32 $0x400, s22  }
0x5fb: {  	[tilespmem:s9], [sflag:$0x3] =	stream.linear.gather [hbm4b:s26+s2], $0x1000, $0x38;
	[tilespmem:$0x1D000] =	vst v63  }
0x5fc: {  	s26 =	sadd.s32 $0x400, s24  }
0x5fd: {  	[tilespmem:s15], [sflag:$0x3] =	stream.linear.gather [hbm4b:s26+s2], $0x1000, $0x38;
	[tilespmem:$0x1D000] =	vst v63  }
0x5fe: {  	_ =	swait.ge [sflag:s17], $0x1000  }
0x5ff: {  	[sflag:s17] =	ssyncset.done $0x0  }
0x600: {  	[sflag:s17] =	ssyncadd.s32 $0xFFFFF000  }
0x601: {  	_ =	swait.ge [sflag:s17], $0x1000  }
0x602: {  	[sflag:s17] =	ssyncset.done $0x0  }
0x603: {  	[sflag:s17] =	ssyncadd.s32 $0xFFFFF000  }
0x604: {  	_ =	swait.ge [sflag:s17], $0x1000  }
0x605: {  	[sflag:s17] =	ssyncset.done $0x0  }
0x606: {  	[sflag:s17] =	ssyncadd.s32 $0xFFFFF000  }
0x607: {  	_ =	swait.ge [sflag:s17], $0x1000  }
0x608: {  	[sflag:s17] =	ssyncset.done $0x0  }
0x609: {  	[sflag:s17] =	ssyncadd.s32 $0xFFFFF000  }
0x60a: {  	[spmem:s1] =	stream.indirect.scatter.add.f32 [tilespmem:s4], [sflag:$0x5], $0x1, s12, s14, $0xb8;
	[tilespmem:$0x1D000] =	vst v63  }
0x60b: {  	_ = 	snop  }
0x60c: {  	[spmem:s1] =	stream.indirect.scatter.add.f32 [tilespmem:s5], [sflag:$0x5], $0x1, s3, s14, $0xb8;
	[tilespmem:$0x1D000] =	vst v63  }
0x60d: {  	_ =	swait.ge [sflag:s19], $0x1000  }
0x60e: {  	[sflag:s19] =	ssyncset.done $0x0  }
0x60f: {  	[sflag:s19] =	ssyncadd.s32 $0xFFFFF000  }
0x610: {  	_ =	swait.ge [sflag:s19], $0x1000  }
0x611: {  	[sflag:s19] =	ssyncset.done $0x0  }
0x612: {  	s28 =	sadd.s32 $0x600, s28;
	[sflag:s19] =	ssyncadd.s32 $0xFFFFF000  }
0x613: {  	[tilespmem:s10], [sflag:$0x1] =	stream.linear.gather [hbm4b:s28+s2], $0x1000, $0x38;
	[tilespmem:$0x1D000] =	vst v63  }
0x614: {  	s28 =	sadd.s32 $0x600, s30  }
0x615: {  	[tilespmem:s11], [sflag:$0x1] =	stream.linear.gather [hbm4b:s28+s2], $0x1000, $0x38;
	[tilespmem:$0x1D000] =	vst v63  }
0x616: {  	s22 =	sadd.s32 $0x600, s22  }
0x617: {  	[tilespmem:s0], [sflag:$0x1] =	stream.linear.gather [hbm4b:s22+s2], $0x1000, $0x38;
	[tilespmem:$0x1D000] =	vst v63  }
0x618: {  	s30 =	sadd.s32 $0x600, s24  }
0x619: {  	[tilespmem:s20], [sflag:$0x1] =	stream.linear.gather [hbm4b:s30+s2], $0x1000, $0x38;
	[tilespmem:$0x1D000] =	vst v63  }
0x61a: {  	_ =	swait.ge [sflag:s21], $0x1000  }
0x61b: {  	[sflag:s21] =	ssyncset.done $0x0  }
0x61c: {  	[sflag:s21] =	ssyncadd.s32 $0xFFFFF000  }
0x61d: {  	_ =	swait.ge [sflag:s21], $0x1000  }
0x61e: {  	[sflag:s21] =	ssyncset.done $0x0  }
0x61f: {  	[sflag:s21] =	ssyncadd.s32 $0xFFFFF000  }
0x620: {  	s25 =	sadd.s32 $0x600, s25;
	_ =	swait.ge [sflag:s21], $0x1000  }
0x621: {  	p1 =	seq.s32 s25, $0x3C00;
	[sflag:s21] =	ssyncset.done $0x0  }
.Ltmp8:
0x622: {  	[sflag:s21] =	ssyncadd.s32 $0xFFFFF000;
	(pc) =	sbr.rel @!p1 .LBB2_7-.Ltmp8, $4  }
0x623: {  	_ =	swait.ge [sflag:s21], $0x1000  }
0x624: {  	[sflag:s21] =	ssyncset.done $0x0  }
0x625: {  	p2 =	seq.s32 s23, $0x0;
	[sflag:s21] =	ssyncadd.s32 $0xFFFFF000  }
0x626: {  	[spmem:s1] =	stream.indirect.scatter.add.f32 [tilespmem:s9], [sflag:$0x6], $0x1, s13, s14, $0xb8;
	[tilespmem:$0x1D000] =	vst v63  }
.Ltmp9:
0x627: {  	_ = 	snop;
	(pc) =	sbr.rel .LBB2_8-.Ltmp9, $1  }
0x628: {  	_ =	sdelay $0x3  }
.LBB2_15:
0x629: {  	_ =	sfence.sel $0x180000  }
0x62a: {  	[bflag:$0x0] =	sbarrier.arrive $0xFFFF  }
0x62b: {  	_ =	strace $0x90000047  }
0x62c: {  	s0 =	stileid.u32;
	[bflag:$0x2] =	sbarrier.arrive $0xFFFF  }
0x62d: {  	p0 =	sne.s32 s0, $0x0;
	s0 =	rddreg [dreg:$0x3]  }
0x62e: {  	s0 =	sadd.s32 @!p0 $0x100000, s0  }
0x62f: {  	[sflag:s0] =	ssyncadd.tile.s32 @!p0 $0x1;
	_ =	shalt  }
.Lfunc_end2:
_tile_overlayer_lowered:
.L_overlay_start_2:
0x630: {  	(tag) =	ssettag $0x2  }
0x631: {  	s0 =	rddreg [dreg:$0x0];
	s2 =	stileid.u32  }
0x632: {  	s1 =	rddreg [dreg:$0x1];
	p0 =	sne.s32 s2, $0x0  }
0x633: {  	s3 =	rddreg [dreg:$0x2];
	[bflag:$0x3] =	sbarrier.arrive $0xFFFF;
	s2 =	simm.s32 @!p0 $0x1C07  }
0x634: {  	[timem:s3], [sflag:s2] =	dma.local @!p0 [hbm:s0], s1  }
0x635: {  	s0 =	simm.s32 @!p0 $0x7  }
0x636: {  	_ =	swait.ge @!p0 [sflag:s0], s1  }
0x637: {  	s1 =	ssub.s32 @!p0 $0x0, s1;
	[sflag:s0] =	ssyncset.done @!p0 $0x0  }
0x638: {  	[sflag:s0] =	ssyncadd.s32 @!p0 s1  }
0x639: {  	[bflag:$0x3] =	sbarrier.arrive $0xFFFF  }
0x63a: {  	_ =	shalt  }

</sc_bundles>
